<compile_context>
chip_gen: v7x
topology: tpu7x:2x2x1
jax: 0.10.2.dev20260603
libtpu: 0.0.44.dev20260713+nightly
codegen_flags: <defaults>
</compile_context>

<pallas_src>
import jax
import jax.numpy as jnp
from jax import lax
from jax.experimental import pallas as pl
from jax.experimental.pallas import tpu as pltpu
from jax.experimental.pallas import tpu_sc as plsc

_N0, _N1, _N2 = 10000, 5000, 2000
_D = 128
_E0, _E1, _E2 = 640000, 200000, 100000
_LAYERS = 2

_NC, _NS = 2, 16
_NW = _NC * _NS
_CHUNK = 128

_CPW = 160
_EW = _CPW * _CHUNK
_EP = _NW * _EW
_NPAD = 10240
_ZROWS = _NPAD // _NS

_CW1 = 49
_EW1 = _CW1 * _CHUNK
_E1P = _NW * _EW1
_CW2 = 25
_EW2 = _CW2 * _CHUNK
_E2P = _NW * _EW2
_NB1 = 5008
_NB2 = 2016
_NBT = 8192
_SLICE = _NBT // _NS

_mesh = plsc.VectorSubcoreMesh(core_axis_name="c", subcore_axis_name="s",
                               num_cores=_NC, num_subcores=_NS)


def _sc_segsum_body(x_hbm, gidx_hbm, sidx_hbm, out_hbm, gi_v, si_v, data, acc, gsem):
    cid = lax.axis_index("c")
    sid = lax.axis_index("s")
    w = cid * _NS + sid

    def zrow(i, carry):
        for j in range(_D // 16):
            data[0, i, pl.ds(j * 16, 16)] = jnp.zeros((16,), jnp.float32)
        return carry

    lax.fori_loop(0, _CHUNK, zrow, 0)
    for k in range(_ZROWS // _CHUNK):
        pltpu.sync_copy(data.at[0], acc.at[pl.ds(sid * _ZROWS + k * _CHUNK, _CHUNK)])
    plsc.subcore_barrier()

    def chunk(c, carry):
        base = w * _EW + c * _CHUNK
        pltpu.sync_copy(gidx_hbm.at[pl.ds(base, _CHUNK)], gi_v)
        pltpu.sync_copy(sidx_hbm.at[pl.ds(base, _CHUNK)], si_v)
        pltpu.async_copy(x_hbm.at[gi_v], data.at[0], gsem).wait()
        pltpu.sync_copy(data.at[0], acc.at[si_v], add=True)
        return carry

    lax.fori_loop(0, _CPW, chunk, 0)
    plsc.subcore_barrier()
    pltpu.sync_copy(acc.at[pl.ds(sid * _ZROWS, _ZROWS)],
                    out_hbm.at[cid, pl.ds(sid * _ZROWS, _ZROWS)])


_sc_segsum = pl.kernel(
    _sc_segsum_body,
    out_type=jax.ShapeDtypeStruct((_NC, _NPAD, _D), jnp.float32),
    mesh=_mesh,
    scratch_types=[
        pltpu.VMEM((_CHUNK,), jnp.int32),
        pltpu.VMEM((_CHUNK,), jnp.int32),
        pltpu.VMEM((1, _CHUNK, _D), jnp.float32),
        pltpu.VMEM_SHARED((_NPAD, _D), jnp.float32),
        pltpu.SemaphoreType.DMA,
    ],
)


def _sc_deg_body(r1_hbm, r2_hbm, out_hbm, idx_v, buf2d, red, tmp, obuf, slots):
    cid = lax.axis_index("c")
    sid = lax.axis_index("s")
    w = cid * _NS + sid
    lanes = lax.iota(jnp.int32, 16)
    ones = jnp.ones((16,), jnp.float32)

    def zcols(c, carry):
        for l in range(16):
            buf2d[pl.ds(l * _NB1 + c * 16, 16)] = jnp.zeros((16,), jnp.float32)
        return carry

    def scatter_chunk(hbm, base):
        pltpu.sync_copy(hbm.at[pl.ds(base, _CHUNK)], idx_v)
        for k in range(_CHUNK // 16):
            gi = idx_v[pl.ds(k * 16, 16)]
            plsc.addupdate_scatter(buf2d, [lanes * _NB1 + gi], ones)

    def reduce_cols(c, out_base):
        s = buf2d[pl.ds(c * 16, 16)]
        for l in range(1, 16):
            s = s + buf2d[pl.ds(l * _NB1 + c * 16, 16)]
        red[pl.ds(out_base + c * 16, 16)] = s

    lax.fori_loop(0, _NB1 // 16, zcols, 0)
    lax.fori_loop(0, _CW1, lambda c, k: (scatter_chunk(r1_hbm, w * _EW1 + c * _CHUNK), k)[1], 0)
    lax.fori_loop(0, _NB1 // 16, lambda c, k: (reduce_cols(c, 0), k)[1], 0)

    lax.fori_loop(0, _NB2 // 16, zcols, 0)
    lax.fori_loop(0, _CW2, lambda c, k: (scatter_chunk(r2_hbm, w * _EW2 + c * _CHUNK), k)[1], 0)
    lax.fori_loop(0, _NB2 // 16, lambda c, k: (reduce_cols(c, _NB1), k)[1], 0)

    def ztail(c, carry):
        red[pl.ds(_NB1 + _NB2 + c * 16, 16)] = jnp.zeros((16,), jnp.float32)
        return carry

    lax.fori_loop(0, (_NBT - _NB1 - _NB2) // 16, ztail, 0)

    pltpu.sync_copy(red, slots.at[sid])
    plsc.subcore_barrier()
    for l in range(16):
        pltpu.sync_copy(slots.at[l, pl.ds(sid * _SLICE, _SLICE)],
                        tmp.at[pl.ds(l * _SLICE, _SLICE)])

    def reduce_slice(c, carry):
        s = tmp[pl.ds(c * 16, 16)]
        for l in range(1, 16):
            s = s + tmp[pl.ds(l * _SLICE + c * 16, 16)]
        obuf[pl.ds(c * 16, 16)] = s
        return carry

    lax.fori_loop(0, _SLICE // 16, reduce_slice, 0)
    pltpu.sync_copy(obuf, out_hbm.at[cid, 0, pl.ds(sid * _SLICE, _SLICE)])


_sc_deg = pl.kernel(
    _sc_deg_body,
    out_type=jax.ShapeDtypeStruct((_NC, 1, _NBT), jnp.float32),
    mesh=_mesh,
    scratch_types=[
        pltpu.VMEM((_CHUNK,), jnp.int32),
        pltpu.VMEM((16 * _NB1,), jnp.float32),
        pltpu.VMEM((_NBT,), jnp.float32),
        pltpu.VMEM((16 * _SLICE,), jnp.float32),
        pltpu.VMEM((_SLICE,), jnp.float32),
        pltpu.VMEM_SHARED((16, _NBT), jnp.float32),
    ],
    compiler_params=pltpu.CompilerParams(needs_layout_passes=False),
)


_BLK = 2000


def _tc_mm_body(p_ref, w1_ref, b1_ref, w2_ref, o_ref):
    h = p_ref[0] + p_ref[1]
    x1 = jnp.maximum(
        jnp.dot(h, w1_ref[...], preferred_element_type=jnp.float32) + b1_ref[...], 0.0)
    o_ref[...] = jnp.dot(x1, w2_ref[...], preferred_element_type=jnp.float32)


_tc_mm = pl.pallas_call(
    _tc_mm_body,
    grid=(_N0 // _BLK,),
    in_specs=[
        pl.BlockSpec((_NC, _BLK, _D), lambda i: (0, i, 0)),
        pl.BlockSpec((_D, _D), lambda i: (0, 0)),
        pl.BlockSpec((1, _D), lambda i: (0, 0)),
        pl.BlockSpec((_D, _D), lambda i: (0, 0)),
    ],
    out_specs=pl.BlockSpec((_BLK, _D), lambda i: (i, 0)),
    out_shape=jax.ShapeDtypeStruct((_N0, _D), jnp.float32),
)


def _tc_bias_relu_body(p_ref, b2_ref, o_ref):
    o_ref[...] = jnp.maximum(p_ref[0] + p_ref[1] + b2_ref[...], 0.0)


_tc_bias_relu = pl.pallas_call(
    _tc_bias_relu_body,
    grid=(_N0 // _BLK,),
    in_specs=[
        pl.BlockSpec((_NC, _BLK, _D), lambda i: (0, i, 0)),
        pl.BlockSpec((1, _D), lambda i: (0, 0)),
    ],
    out_specs=pl.BlockSpec((_BLK, _D), lambda i: (i, 0)),
    out_shape=jax.ShapeDtypeStruct((_N0, _D), jnp.float32),
)


def _tc_routes_body(d1_ref, d2_ref, b1a_ref, w2a_ref, b2a_ref,
                    b1b_ref, w2b_ref, b2b_ref, o1_ref, o2_ref):
    va = jnp.dot(jnp.maximum(b1a_ref[...], 0.0), w2a_ref[...],
                 preferred_element_type=jnp.float32)
    d1 = d1_ref[:, 0:1] + d1_ref[:, 1:2]
    o1_ref[...] = jnp.maximum(d1 * va + b2a_ref[...], 0.0)
    vb = jnp.dot(jnp.maximum(b1b_ref[...], 0.0), w2b_ref[...],
                 preferred_element_type=jnp.float32)
    d2 = d2_ref[:, 0:1] + d2_ref[:, 1:2]
    o2_ref[...] = jnp.maximum(d2 * vb + b2b_ref[...], 0.0)


_tc_routes = pl.pallas_call(
    _tc_routes_body,
    out_shape=(
        jax.ShapeDtypeStruct((_N1, _D), jnp.float32),
        jax.ShapeDtypeStruct((_N2, _D), jnp.float32),
    ),
)


def kernel(x_0, x_1, x_2, adj0_index, inc1_index, inc2_index, cell_statistics,
           W1, b1, W2, b2):
    del x_1, x_2, cell_statistics
    rows0 = adj0_index[0]
    cols0 = adj0_index[1]
    padg = jnp.zeros((_EP - _E0,), jnp.int32)
    pads = jnp.full((_EP - _E0,), _N0, jnp.int32)
    g1 = jnp.concatenate([rows0, padg])
    s1 = jnp.concatenate([cols0, pads])
    g2 = jnp.concatenate([cols0, padg])
    s2 = jnp.concatenate([rows0, pads])
    r1 = jnp.concatenate([inc1_index[0], jnp.full((_E1P - _E1,), _N1, jnp.int32)])
    r2 = jnp.concatenate([inc2_index[0], jnp.full((_E2P - _E2,), _N2, jnp.int32)])

    x = x_0
    for l in range(_LAYERS):
        p_he = _sc_segsum(x, g1, s1)
        y1 = _tc_mm(p_he, W1[l, 0], b1[l, 0].reshape(1, _D), W2[l, 0])
        p_agg = _sc_segsum(y1, g2, s2)
        x = _tc_bias_relu(p_agg, b2[l, 0].reshape(1, _D))
    out_0 = x

    dp = _sc_deg(r1, r2)
    d1t = dp[:, 0, :_N1].T
    d2t = dp[:, 0, _NB1:_NB1 + _N2].T
    lw = _LAYERS - 1
    out_1, out_2 = _tc_routes(
        d1t, d2t,
        b1[lw, 1].reshape(1, _D), W2[lw, 1], b2[lw, 1].reshape(1, _D),
        b1[lw, 2].reshape(1, _D), W2[lw, 2], b2[lw, 2].reshape(1, _D))
    return out_0, out_1, out_2

# --- scband reference (transcript-rebuilt; emitter-appended) ---
"""Pipeline reference for scband-topo-tune-hyp-28570122453893 (READ-ONLY COPY).

The authoritative reference and input builder live on the scoring server;
editing this copy changes nothing except your own understanding.
"""

import jax, jax.numpy as jnp
import numpy as np

N0, N1, N2 = 10000, 5000, 2000
D = 128
E0, E1, E2 = 640000, 200000, 100000
LAYERS = 2
ROUTES = [(0, 0), (0, 1), (1, 2)]  # derived from neighborhoods [up_adjacency-0, incidence-1, incidence-2]


def setup_inputs(seed: int = 0):
    key = jax.random.key(seed)
    ks = jax.random.split(key, 11)
    x_0 = jax.random.normal(ks[0], (N0, D), jnp.float32)
    x_1 = jax.random.normal(ks[1], (N1, D), jnp.float32)
    x_2 = jax.random.normal(ks[2], (N2, D), jnp.float32)
    adj0_index = jax.random.randint(ks[3], (2, E0), 0, N0, dtype=jnp.int32)
    inc1_index = jax.random.randint(ks[4], (2, E1), 0, N1, dtype=jnp.int32)
    inc2_index = jax.random.randint(ks[5], (2, E2), 0, N2, dtype=jnp.int32)
    cell_statistics = jnp.ones((8, 3), dtype=jnp.int32)
    nr = len(ROUTES)
    W1 = jax.random.normal(ks[6], (LAYERS, nr, D, D), jnp.float32) / np.sqrt(D)
    b1 = jax.random.normal(ks[7], (LAYERS, nr, D), jnp.float32) * 0.1
    W2 = jax.random.normal(ks[8], (LAYERS, nr, D, D), jnp.float32) / np.sqrt(D)
    b2 = jax.random.normal(ks[9], (LAYERS, nr, D), jnp.float32) * 0.1
    return {"x_0": x_0, "x_1": x_1, "x_2": x_2,
            "adj0_index": adj0_index, "inc1_index": inc1_index, "inc2_index": inc2_index,
            "cell_statistics": cell_statistics,
            "W1": W1, "b1": b1, "W2": W2, "b2": b2}


def _hgnn(x, idx, n_nodes, n_he, W1, b1, W2, b2):
    # one hypergraph-conv layer (UniGCN-style stand-in for the deep-copied HGNN):
    # node -> hyperedge scatter-add, MLP, hyperedge -> node scatter-add, linear.
    rows, cols = idx[0], idx[1]
    he = jax.ops.segment_sum(jnp.take(x, rows, axis=0), cols, num_segments=n_he)
    x1 = jax.nn.relu(he @ W1 + b1)
    agg = jax.ops.segment_sum(jnp.take(x1, cols, axis=0), rows, num_segments=n_nodes)
    x0 = agg @ W2 + b2
    return x0, x1


def _membership(cell_statistics):
    # generate_membership_vectors: repeat graph id per cell count, per rank
    B = cell_statistics.shape[0]
    return {j: jnp.repeat(jnp.arange(B), cell_statistics[:, j], total_repeat_length=B)
            for j in range(cell_statistics.shape[1])}


def _forward(x_0, x_1, x_2, adj0_index, inc1_index, inc2_index, cell_statistics, W1, b1, W2, b2):
    membership = _membership(cell_statistics)  # attached to Data in torch; not consumed by HGNN math
    del membership
    xs = {0: x_0, 1: x_1, 2: x_2}
    incs = [adj0_index, inc1_index, inc2_index]
    for layer in range(LAYERS):
        x_out_per_route = {}
        for ri, (src, dst) in enumerate(ROUTES):
            if src == dst:
                x_in = xs[src]  # intrarank_expand: x = x_{src_rank}
            else:
                x_in = jnp.zeros_like(xs[dst])  # interrank_expand: feat_on_dst = zeros_like(x_{dst_rank})
            x0, _ = _hgnn(x_in, incs[ri], xs[dst].shape[0], xs[src].shape[0],
                          W1[layer, ri], b1[layer, ri], W2[layer, ri], b2[layer, ri])
            x_out_per_route[ri] = x0
        # aggregate_inter_nbhd: sum over routes sharing a dst rank
        x_out_per_rank = {}
        for ri, (src, dst) in enumerate(ROUTES):
            if dst not in x_out_per_rank:
                x_out_per_rank[dst] = x_out_per_route[ri]
            else:
                x_out_per_rank[dst] = x_out_per_rank[dst] + x_out_per_route[ri]
        for r in x_out_per_rank:
            xs[r] = jax.nn.relu(x_out_per_rank[r])  # activation = 'relu'
    return xs[0], xs[1], xs[2]


def reference(x_0, x_1, x_2, adj0_index, inc1_index, inc2_index, cell_statistics, W1, b1, W2, b2):
    return _forward(x_0, x_1, x_2, adj0_index, inc1_index, inc2_index, cell_statistics, W1, b1, W2, b2)

if __name__ == "__main__":
    import jax
    _d = setup_inputs()
    print(jax.jit(kernel)(*tuple(_d.values())))

</pallas_src>

<mosaic_0001>
#map = affine_map<(d0, d1) -> (0, 0)>
#map1 = affine_map<(d0, d1) -> (0)>
#map2 = affine_map<(d0, d1) -> (0, 0, 0)>
module attributes {stable_mosaic.version = 14 : i64} {
  func.func @_sc_segsum_body(%arg0: i32, %arg1: i32, %arg2: memref<10000x128xf32, #tpu.memory_space<hbm>>, %arg3: memref<655360xi32, #tpu.memory_space<hbm>>, %arg4: memref<655360xi32, #tpu.memory_space<hbm>>, %arg5: memref<2x10240x128xf32, #tpu.memory_space<hbm>>, %arg6: memref<128xi32, #tpu.memory_space<vmem>>, %arg7: memref<128xi32, #tpu.memory_space<vmem>>, %arg8: memref<1x128x128xf32, #tpu.memory_space<vmem>>, %arg9: memref<10240x128xf32, #tpu.memory_space<vmem_shared>>, %arg10: memref<!tpu.dma_semaphore, #tpu.memory_space<semaphore_mem>>) attributes {dimension_semantics = [#tpu.dimension_semantics<core_parallel>, #tpu.dimension_semantics<subcore_parallel>], iteration_bounds = array<i64: 2, 16>, scalar_prefetch = 0 : i64, scratch_operands = 5 : i64, tpu.core_type = #tpu.core_type<sc_vector_subcore>, window_params = [{transform_indices = #map}, {transform_indices = #map1}, {transform_indices = #map1}, {transform_indices = #map2}]} {
    %mul3A = arith.constant 16 : i32
    %mul3A_0 = arith.muli %arg0, %mul3A : i32
    %add3A = arith.addi %mul3A_0, %arg1 : i32
    %scan3A = arith.constant 0 : i32
    %scan3A_1 = arith.constant 0 : i32
    %scan3A_2 = arith.constant 128 : i32
    %scan3A_3 = arith.addi %scan3A_1, %scan3A_2 : i32
    %scan3A_4 = arith.constant 1 : i32
    scf.for %scan3A_41 = %scan3A_1 to %scan3A_3 step %scan3A_4  : i32 {
      %broadcast_in_dim3A = arith.constant 0.000000e+00 : f32
      %broadcast_in_dim3A_42 = vector.broadcast %broadcast_in_dim3A : f32 to vector<16xf32>
      %swap3A = arith.constant 0 : i32
      %swap3A_43 = arith.index_cast %swap3A : i32 to index
      %swap3A_44 = arith.index_cast %scan3A_41 : i32 to index
      %swap3A_45 = arith.constant 0 : index
      %swap3A_46 = tpu.vector_load %arg8[%swap3A_43, %swap3A_44, %swap3A_45] {strides = array<i32>} : memref<1x128x128xf32, #tpu.memory_space<vmem>>, vector<1x1x16xf32>,
      %swap3A_47 = vector.shape_cast %swap3A_46 : vector<1x1x16xf32> to vector<16xf32>
      %swap3A_48 = vector.shape_cast %broadcast_in_dim3A_42 : vector<16xf32> to vector<1x1x16xf32>
      tpu.vector_store %arg8[%swap3A_43, %swap3A_44, %swap3A_45], %swap3A_48 {strides = array<i32>} : memref<1x128x128xf32, #tpu.memory_space<vmem>>, vector<1x1x16xf32>,
      %broadcast_in_dim3A_49 = arith.constant 0.000000e+00 : f32
      %broadcast_in_dim3A_50 = vector.broadcast %broadcast_in_dim3A_49 : f32 to vector<16xf32>
      %swap3A_51 = arith.constant 0 : i32
      %swap3A_52 = arith.index_cast %swap3A_51 : i32 to index
      %swap3A_53 = arith.index_cast %scan3A_41 : i32 to index
      %swap3A_54 = arith.constant 16 : index
      %swap3A_55 = tpu.vector_load %arg8[%swap3A_52, %swap3A_53, %swap3A_54] {strides = array<i32>} : memref<1x128x128xf32, #tpu.memory_space<vmem>>, vector<1x1x16xf32>,
      %swap3A_56 = vector.shape_cast %swap3A_55 : vector<1x1x16xf32> to vector<16xf32>
      %swap3A_57 = vector.shape_cast %broadcast_in_dim3A_50 : vector<16xf32> to vector<1x1x16xf32>
      tpu.vector_store %arg8[%swap3A_52, %swap3A_53, %swap3A_54], %swap3A_57 {strides = array<i32>} : memref<1x128x128xf32, #tpu.memory_space<vmem>>, vector<1x1x16xf32>,
      %broadcast_in_dim3A_58 = arith.constant 0.000000e+00 : f32
      %broadcast_in_dim3A_59 = vector.broadcast %broadcast_in_dim3A_58 : f32 to vector<16xf32>
      %swap3A_60 = arith.constant 0 : i32
      %swap3A_61 = arith.index_cast %swap3A_60 : i32 to index
      %swap3A_62 = arith.index_cast %scan3A_41 : i32 to index
      %swap3A_63 = arith.constant 32 : index
      %swap3A_64 = tpu.vector_load %arg8[%swap3A_61, %swap3A_62, %swap3A_63] {strides = array<i32>} : memref<1x128x128xf32, #tpu.memory_space<vmem>>, vector<1x1x16xf32>,
      %swap3A_65 = vector.shape_cast %swap3A_64 : vector<1x1x16xf32> to vector<16xf32>
      %swap3A_66 = vector.shape_cast %broadcast_in_dim3A_59 : vector<16xf32> to vector<1x1x16xf32>
      tpu.vector_store %arg8[%swap3A_61, %swap3A_62, %swap3A_63], %swap3A_66 {strides = array<i32>} : memref<1x128x128xf32, #tpu.memory_space<vmem>>, vector<1x1x16xf32>,
      %broadcast_in_dim3A_67 = arith.constant 0.000000e+00 : f32
      %broadcast_in_dim3A_68 = vector.broadcast %broadcast_in_dim3A_67 : f32 to vector<16xf32>
      %swap3A_69 = arith.constant 0 : i32
      %swap3A_70 = arith.index_cast %swap3A_69 : i32 to index
      %swap3A_71 = arith.index_cast %scan3A_41 : i32 to index
      %swap3A_72 = arith.constant 48 : index
      %swap3A_73 = tpu.vector_load %arg8[%swap3A_70, %swap3A_71, %swap3A_72] {strides = array<i32>} : memref<1x128x128xf32, #tpu.memory_space<vmem>>, vector<1x1x16xf32>,
      %swap3A_74 = vector.shape_cast %swap3A_73 : vector<1x1x16xf32> to vector<16xf32>
      %swap3A_75 = vector.shape_cast %broadcast_in_dim3A_68 : vector<16xf32> to vector<1x1x16xf32>
      tpu.vector_store %arg8[%swap3A_70, %swap3A_71, %swap3A_72], %swap3A_75 {strides = array<i32>} : memref<1x128x128xf32, #tpu.memory_space<vmem>>, vector<1x1x16xf32>,
      %broadcast_in_dim3A_76 = arith.constant 0.000000e+00 : f32
      %broadcast_in_dim3A_77 = vector.broadcast %broadcast_in_dim3A_76 : f32 to vector<16xf32>
      %swap3A_78 = arith.constant 0 : i32
      %swap3A_79 = arith.index_cast %swap3A_78 : i32 to index
      %swap3A_80 = arith.index_cast %scan3A_41 : i32 to index
      %swap3A_81 = arith.constant 64 : index
      %swap3A_82 = tpu.vector_load %arg8[%swap3A_79, %swap3A_80, %swap3A_81] {strides = array<i32>} : memref<1x128x128xf32, #tpu.memory_space<vmem>>, vector<1x1x16xf32>,
      %swap3A_83 = vector.shape_cast %swap3A_82 : vector<1x1x16xf32> to vector<16xf32>
      %swap3A_84 = vector.shape_cast %broadcast_in_dim3A_77 : vector<16xf32> to vector<1x1x16xf32>
      tpu.vector_store %arg8[%swap3A_79, %swap3A_80, %swap3A_81], %swap3A_84 {strides = array<i32>} : memref<1x128x128xf32, #tpu.memory_space<vmem>>, vector<1x1x16xf32>,
      %broadcast_in_dim3A_85 = arith.constant 0.000000e+00 : f32
      %broadcast_in_dim3A_86 = vector.broadcast %broadcast_in_dim3A_85 : f32 to vector<16xf32>
      %swap3A_87 = arith.constant 0 : i32
      %swap3A_88 = arith.index_cast %swap3A_87 : i32 to index
      %swap3A_89 = arith.index_cast %scan3A_41 : i32 to index
      %swap3A_90 = arith.constant 80 : index
      %swap3A_91 = tpu.vector_load %arg8[%swap3A_88, %swap3A_89, %swap3A_90] {strides = array<i32>} : memref<1x128x128xf32, #tpu.memory_space<vmem>>, vector<1x1x16xf32>,
      %swap3A_92 = vector.shape_cast %swap3A_91 : vector<1x1x16xf32> to vector<16xf32>
      %swap3A_93 = vector.shape_cast %broadcast_in_dim3A_86 : vector<16xf32> to vector<1x1x16xf32>
      tpu.vector_store %arg8[%swap3A_88, %swap3A_89, %swap3A_90], %swap3A_93 {strides = array<i32>} : memref<1x128x128xf32, #tpu.memory_space<vmem>>, vector<1x1x16xf32>,
      %broadcast_in_dim3A_94 = arith.constant 0.000000e+00 : f32
      %broadcast_in_dim3A_95 = vector.broadcast %broadcast_in_dim3A_94 : f32 to vector<16xf32>
      %swap3A_96 = arith.constant 0 : i32
      %swap3A_97 = arith.index_cast %swap3A_96 : i32 to index
      %swap3A_98 = arith.index_cast %scan3A_41 : i32 to index
      %swap3A_99 = arith.constant 96 : index
      %swap3A_100 = tpu.vector_load %arg8[%swap3A_97, %swap3A_98, %swap3A_99] {strides = array<i32>} : memref<1x128x128xf32, #tpu.memory_space<vmem>>, vector<1x1x16xf32>,
      %swap3A_101 = vector.shape_cast %swap3A_100 : vector<1x1x16xf32> to vector<16xf32>
      %swap3A_102 = vector.shape_cast %broadcast_in_dim3A_95 : vector<16xf32> to vector<1x1x16xf32>
      tpu.vector_store %arg8[%swap3A_97, %swap3A_98, %swap3A_99], %swap3A_102 {strides = array<i32>} : memref<1x128x128xf32, #tpu.memory_space<vmem>>, vector<1x1x16xf32>,
      %broadcast_in_dim3A_103 = arith.constant 0.000000e+00 : f32
      %broadcast_in_dim3A_104 = vector.broadcast %broadcast_in_dim3A_103 : f32 to vector<16xf32>
      %swap3A_105 = arith.constant 0 : i32
      %swap3A_106 = arith.index_cast %swap3A_105 : i32 to index
      %swap3A_107 = arith.index_cast %scan3A_41 : i32 to index
      %swap3A_108 = arith.constant 112 : index
      %swap3A_109 = tpu.vector_load %arg8[%swap3A_106, %swap3A_107, %swap3A_108] {strides = array<i32>} : memref<1x128x128xf32, #tpu.memory_space<vmem>>, vector<1x1x16xf32>,
      %swap3A_110 = vector.shape_cast %swap3A_109 : vector<1x1x16xf32> to vector<16xf32>
      %swap3A_111 = vector.shape_cast %broadcast_in_dim3A_104 : vector<16xf32> to vector<1x1x16xf32>
      tpu.vector_store %arg8[%swap3A_106, %swap3A_107, %swap3A_108], %swap3A_111 {strides = array<i32>} : memref<1x128x128xf32, #tpu.memory_space<vmem>>, vector<1x1x16xf32>,
    }
    %scan3A_5 = arith.constant 128 : i32
    %mul3A_6 = arith.constant 640 : i32
    %mul3A_7 = arith.muli %arg1, %mul3A_6 : i32
    %add3A_8 = arith.constant 0 : i32
    %add3A_9 = arith.addi %mul3A_7, %add3A_8 : i32
    %run_scoped3A = arith.constant 0 : i32
    "tpu.region"() ({
      %run_scoped3A_41 = tpu.sem_alloc : memref<!tpu.dma_semaphore, #tpu.memory_space<semaphore_mem>>
      %dma_start3A = arith.constant 0 : i32
      %dma_start3A_42 = arith.constant 0 : i32
      %dma_start3A_43 = tpu.memref_slice %arg8[%run_scoped3A, %dma_start3A, %dma_start3A_42] : memref<1x128x128xf32, #tpu.memory_space<vmem>> -> memref<1x128x128xf32, #tpu.memory_space<vmem>>
      %dma_start3A_44 = tpu.memref_squeeze %dma_start3A_43 : memref<1x128x128xf32, #tpu.memory_space<vmem>> -> memref<128x128xf32, #tpu.memory_space<vmem>>
      %dma_start3A_45 = arith.constant 0 : i32
      %dma_start3A_46 = tpu.memref_slice %arg9[%add3A_9, %dma_start3A_45] : memref<10240x128xf32, #tpu.memory_space<vmem_shared>> -> memref<128x128xf32, #tpu.memory_space<vmem_shared>>
      %dma_start3A_47 = arith.constant 0 : i32
      %dma_start3A_48 = tpu.memref_slice %arg9[%add3A_9, %dma_start3A_47] : memref<10240x128xf32, #tpu.memory_space<vmem_shared>> -> memref<128x128xf32, #tpu.memory_space<vmem_shared>>
      %dma_start3A_49 = arith.constant 0 : i32
      %dma_start3A_50 = arith.constant 0 : i32
      %dma_start3A_51 = tpu.memref_slice %arg8[%run_scoped3A, %dma_start3A_49, %dma_start3A_50] : memref<1x128x128xf32, #tpu.memory_space<vmem>> -> memref<1x128x128xf32, #tpu.memory_space<vmem>>
      %dma_start3A_52 = tpu.memref_squeeze %dma_start3A_51 : memref<1x128x128xf32, #tpu.memory_space<vmem>> -> memref<128x128xf32, #tpu.memory_space<vmem>>
      tpu.enqueue_dma source(%dma_start3A_52 : memref<128x128xf32, #tpu.memory_space<vmem>>) target(%dma_start3A_48 : memref<128x128xf32, #tpu.memory_space<vmem_shared>>) target_semaphore(%run_scoped3A_41 : memref<!tpu.dma_semaphore, #tpu.memory_space<semaphore_mem>>)
      %dma_wait3A = arith.constant 0 : i32
      %dma_wait3A_53 = arith.constant 0 : i32
      %dma_wait3A_54 = tpu.memref_slice %arg8[%run_scoped3A, %dma_wait3A, %dma_wait3A_53] : memref<1x128x128xf32, #tpu.memory_space<vmem>> -> memref<1x128x128xf32, #tpu.memory_space<vmem>>
      %dma_wait3A_55 = tpu.memref_squeeze %dma_wait3A_54 : memref<1x128x128xf32, #tpu.memory_space<vmem>> -> memref<128x128xf32, #tpu.memory_space<vmem>>
      %dma_wait3A_56 = arith.constant 0 : i32
      %dma_wait3A_57 = tpu.memref_slice %arg9[%add3A_9, %dma_wait3A_56] : memref<10240x128xf32, #tpu.memory_space<vmem_shared>> -> memref<128x128xf32, #tpu.memory_space<vmem_shared>>
      %dma_wait3A_58 = arith.constant 0 : i32
      %dma_wait3A_59 = tpu.memref_slice %arg9[%add3A_9, %dma_wait3A_58] : memref<10240x128xf32, #tpu.memory_space<vmem_shared>> -> memref<128x128xf32, #tpu.memory_space<vmem_shared>>
      %dma_wait3A_60 = arith.constant 0 : i32
      %dma_wait3A_61 = arith.constant 0 : i32
      %dma_wait3A_62 = tpu.memref_slice %arg8[%run_scoped3A, %dma_wait3A_60, %dma_wait3A_61] : memref<1x128x128xf32, #tpu.memory_space<vmem>> -> memref<1x128x128xf32, #tpu.memory_space<vmem>>
      %dma_wait3A_63 = tpu.memref_squeeze %dma_wait3A_62 : memref<1x128x128xf32, #tpu.memory_space<vmem>> -> memref<128x128xf32, #tpu.memory_space<vmem>>
      tpu.wait_dma2 semaphore(%run_scoped3A_41 : memref<!tpu.dma_semaphore, #tpu.memory_space<semaphore_mem>>) src(%dma_wait3A_63 : memref<128x128xf32, #tpu.memory_space<vmem>>) dst(%dma_wait3A_59 : memref<128x128xf32, #tpu.memory_space<vmem_shared>>)
      tpu.yield
    }) : () -> ()
    %mul3A_10 = arith.constant 640 : i32
    %mul3A_11 = arith.muli %arg1, %mul3A_10 : i32
    %add3A_12 = arith.constant 128 : i32
    %add3A_13 = arith.addi %mul3A_11, %add3A_12 : i32
    %run_scoped3A_14 = arith.constant 0 : i32
    "tpu.region"() ({
      %run_scoped3A_41 = tpu.sem_alloc : memref<!tpu.dma_semaphore, #tpu.memory_space<semaphore_mem>>
      %dma_start3A = arith.constant 0 : i32
      %dma_start3A_42 = arith.constant 0 : i32
      %dma_start3A_43 = tpu.memref_slice %arg8[%run_scoped3A_14, %dma_start3A, %dma_start3A_42] : memref<1x128x128xf32, #tpu.memory_space<vmem>> -> memref<1x128x128xf32, #tpu.memory_space<vmem>>
      %dma_start3A_44 = tpu.memref_squeeze %dma_start3A_43 : memref<1x128x128xf32, #tpu.memory_space<vmem>> -> memref<128x128xf32, #tpu.memory_space<vmem>>
      %dma_start3A_45 = arith.constant 0 : i32
      %dma_start3A_46 = tpu.memref_slice %arg9[%add3A_13, %dma_start3A_45] : memref<10240x128xf32, #tpu.memory_space<vmem_shared>> -> memref<128x128xf32, #tpu.memory_space<vmem_shared>>
      %dma_start3A_47 = arith.constant 0 : i32
      %dma_start3A_48 = tpu.memref_slice %arg9[%add3A_13, %dma_start3A_47] : memref<10240x128xf32, #tpu.memory_space<vmem_shared>> -> memref<128x128xf32, #tpu.memory_space<vmem_shared>>
      %dma_start3A_49 = arith.constant 0 : i32
      %dma_start3A_50 = arith.constant 0 : i32
      %dma_start3A_51 = tpu.memref_slice %arg8[%run_scoped3A_14, %dma_start3A_49, %dma_start3A_50] : memref<1x128x128xf32, #tpu.memory_space<vmem>> -> memref<1x128x128xf32, #tpu.memory_space<vmem>>
      %dma_start3A_52 = tpu.memref_squeeze %dma_start3A_51 : memref<1x128x128xf32, #tpu.memory_space<vmem>> -> memref<128x128xf32, #tpu.memory_space<vmem>>
      tpu.enqueue_dma source(%dma_start3A_52 : memref<128x128xf32, #tpu.memory_space<vmem>>) target(%dma_start3A_48 : memref<128x128xf32, #tpu.memory_space<vmem_shared>>) target_semaphore(%run_scoped3A_41 : memref<!tpu.dma_semaphore, #tpu.memory_space<semaphore_mem>>)
      %dma_wait3A = arith.constant 0 : i32
      %dma_wait3A_53 = arith.constant 0 : i32
      %dma_wait3A_54 = tpu.memref_slice %arg8[%run_scoped3A_14, %dma_wait3A, %dma_wait3A_53] : memref<1x128x128xf32, #tpu.memory_space<vmem>> -> memref<1x128x128xf32, #tpu.memory_space<vmem>>
      %dma_wait3A_55 = tpu.memref_squeeze %dma_wait3A_54 : memref<1x128x128xf32, #tpu.memory_space<vmem>> -> memref<128x128xf32, #tpu.memory_space<vmem>>
      %dma_wait3A_56 = arith.constant 0 : i32
      %dma_wait3A_57 = tpu.memref_slice %arg9[%add3A_13, %dma_wait3A_56] : memref<10240x128xf32, #tpu.memory_space<vmem_shared>> -> memref<128x128xf32, #tpu.memory_space<vmem_shared>>
      %dma_wait3A_58 = arith.constant 0 : i32
      %dma_wait3A_59 = tpu.memref_slice %arg9[%add3A_13, %dma_wait3A_58] : memref<10240x128xf32, #tpu.memory_space<vmem_shared>> -> memref<128x128xf32, #tpu.memory_space<vmem_shared>>
      %dma_wait3A_60 = arith.constant 0 : i32
      %dma_wait3A_61 = arith.constant 0 : i32
      %dma_wait3A_62 = tpu.memref_slice %arg8[%run_scoped3A_14, %dma_wait3A_60, %dma_wait3A_61] : memref<1x128x128xf32, #tpu.memory_space<vmem>> -> memref<1x128x128xf32, #tpu.memory_space<vmem>>
      %dma_wait3A_63 = tpu.memref_squeeze %dma_wait3A_62 : memref<1x128x128xf32, #tpu.memory_space<vmem>> -> memref<128x128xf32, #tpu.memory_space<vmem>>
      tpu.wait_dma2 semaphore(%run_scoped3A_41 : memref<!tpu.dma_semaphore, #tpu.memory_space<semaphore_mem>>) src(%dma_wait3A_63 : memref<128x128xf32, #tpu.memory_space<vmem>>) dst(%dma_wait3A_59 : memref<128x128xf32, #tpu.memory_space<vmem_shared>>)
      tpu.yield
    }) : () -> ()
    %mul3A_15 = arith.constant 640 : i32
    %mul3A_16 = arith.muli %arg1, %mul3A_15 : i32
    %add3A_17 = arith.constant 256 : i32
    %add3A_18 = arith.addi %mul3A_16, %add3A_17 : i32
    %run_scoped3A_19 = arith.constant 0 : i32
    "tpu.region"() ({
      %run_scoped3A_41 = tpu.sem_alloc : memref<!tpu.dma_semaphore, #tpu.memory_space<semaphore_mem>>
      %dma_start3A = arith.constant 0 : i32
      %dma_start3A_42 = arith.constant 0 : i32
      %dma_start3A_43 = tpu.memref_slice %arg8[%run_scoped3A_19, %dma_start3A, %dma_start3A_42] : memref<1x128x128xf32, #tpu.memory_space<vmem>> -> memref<1x128x128xf32, #tpu.memory_space<vmem>>
      %dma_start3A_44 = tpu.memref_squeeze %dma_start3A_43 : memref<1x128x128xf32, #tpu.memory_space<vmem>> -> memref<128x128xf32, #tpu.memory_space<vmem>>
      %dma_start3A_45 = arith.constant 0 : i32
      %dma_start3A_46 = tpu.memref_slice %arg9[%add3A_18, %dma_start3A_45] : memref<10240x128xf32, #tpu.memory_space<vmem_shared>> -> memref<128x128xf32, #tpu.memory_space<vmem_shared>>
      %dma_start3A_47 = arith.constant 0 : i32
      %dma_start3A_48 = tpu.memref_slice %arg9[%add3A_18, %dma_start3A_47] : memref<10240x128xf32, #tpu.memory_space<vmem_shared>> -> memref<128x128xf32, #tpu.memory_space<vmem_shared>>
      %dma_start3A_49 = arith.constant 0 : i32
      %dma_start3A_50 = arith.constant 0 : i32
      %dma_start3A_51 = tpu.memref_slice %arg8[%run_scoped3A_19, %dma_start3A_49, %dma_start3A_50] : memref<1x128x128xf32, #tpu.memory_space<vmem>> -> memref<1x128x128xf32, #tpu.memory_space<vmem>>
      %dma_start3A_52 = tpu.memref_squeeze %dma_start3A_51 : memref<1x128x128xf32, #tpu.memory_space<vmem>> -> memref<128x128xf32, #tpu.memory_space<vmem>>
      tpu.enqueue_dma source(%dma_start3A_52 : memref<128x128xf32, #tpu.memory_space<vmem>>) target(%dma_start3A_48 : memref<128x128xf32, #tpu.memory_space<vmem_shared>>) target_semaphore(%run_scoped3A_41 : memref<!tpu.dma_semaphore, #tpu.memory_space<semaphore_mem>>)
      %dma_wait3A = arith.constant 0 : i32
      %dma_wait3A_53 = arith.constant 0 : i32
      %dma_wait3A_54 = tpu.memref_slice %arg8[%run_scoped3A_19, %dma_wait3A, %dma_wait3A_53] : memref<1x128x128xf32, #tpu.memory_space<vmem>> -> memref<1x128x128xf32, #tpu.memory_space<vmem>>
      %dma_wait3A_55 = tpu.memref_squeeze %dma_wait3A_54 : memref<1x128x128xf32, #tpu.memory_space<vmem>> -> memref<128x128xf32, #tpu.memory_space<vmem>>
      %dma_wait3A_56 = arith.constant 0 : i32
      %dma_wait3A_57 = tpu.memref_slice %arg9[%add3A_18, %dma_wait3A_56] : memref<10240x128xf32, #tpu.memory_space<vmem_shared>> -> memref<128x128xf32, #tpu.memory_space<vmem_shared>>
      %dma_wait3A_58 = arith.constant 0 : i32
      %dma_wait3A_59 = tpu.memref_slice %arg9[%add3A_18, %dma_wait3A_58] : memref<10240x128xf32, #tpu.memory_space<vmem_shared>> -> memref<128x128xf32, #tpu.memory_space<vmem_shared>>
      %dma_wait3A_60 = arith.constant 0 : i32
      %dma_wait3A_61 = arith.constant 0 : i32
      %dma_wait3A_62 = tpu.memref_slice %arg8[%run_scoped3A_19, %dma_wait3A_60, %dma_wait3A_61] : memref<1x128x128xf32, #tpu.memory_space<vmem>> -> memref<1x128x128xf32, #tpu.memory_space<vmem>>
      %dma_wait3A_63 = tpu.memref_squeeze %dma_wait3A_62 : memref<1x128x128xf32, #tpu.memory_space<vmem>> -> memref<128x128xf32, #tpu.memory_space<vmem>>
      tpu.wait_dma2 semaphore(%run_scoped3A_41 : memref<!tpu.dma_semaphore, #tpu.memory_space<semaphore_mem>>) src(%dma_wait3A_63 : memref<128x128xf32, #tpu.memory_space<vmem>>) dst(%dma_wait3A_59 : memref<128x128xf32, #tpu.memory_space<vmem_shared>>)
      tpu.yield
    }) : () -> ()
    %mul3A_20 = arith.constant 640 : i32
    %mul3A_21 = arith.muli %arg1, %mul3A_20 : i32
    %add3A_22 = arith.constant 384 : i32
    %add3A_23 = arith.addi %mul3A_21, %add3A_22 : i32
    %run_scoped3A_24 = arith.constant 0 : i32
    "tpu.region"() ({
      %run_scoped3A_41 = tpu.sem_alloc : memref<!tpu.dma_semaphore, #tpu.memory_space<semaphore_mem>>
      %dma_start3A = arith.constant 0 : i32
      %dma_start3A_42 = arith.constant 0 : i32
      %dma_start3A_43 = tpu.memref_slice %arg8[%run_scoped3A_24, %dma_start3A, %dma_start3A_42] : memref<1x128x128xf32, #tpu.memory_space<vmem>> -> memref<1x128x128xf32, #tpu.memory_space<vmem>>
      %dma_start3A_44 = tpu.memref_squeeze %dma_start3A_43 : memref<1x128x128xf32, #tpu.memory_space<vmem>> -> memref<128x128xf32, #tpu.memory_space<vmem>>
      %dma_start3A_45 = arith.constant 0 : i32
      %dma_start3A_46 = tpu.memref_slice %arg9[%add3A_23, %dma_start3A_45] : memref<10240x128xf32, #tpu.memory_space<vmem_shared>> -> memref<128x128xf32, #tpu.memory_space<vmem_shared>>
      %dma_start3A_47 = arith.constant 0 : i32
      %dma_start3A_48 = tpu.memref_slice %arg9[%add3A_23, %dma_start3A_47] : memref<10240x128xf32, #tpu.memory_space<vmem_shared>> -> memref<128x128xf32, #tpu.memory_space<vmem_shared>>
      %dma_start3A_49 = arith.constant 0 : i32
      %dma_start3A_50 = arith.constant 0 : i32
      %dma_start3A_51 = tpu.memref_slice %arg8[%run_scoped3A_24, %dma_start3A_49, %dma_start3A_50] : memref<1x128x128xf32, #tpu.memory_space<vmem>> -> memref<1x128x128xf32, #tpu.memory_space<vmem>>
      %dma_start3A_52 = tpu.memref_squeeze %dma_start3A_51 : memref<1x128x128xf32, #tpu.memory_space<vmem>> -> memref<128x128xf32, #tpu.memory_space<vmem>>
      tpu.enqueue_dma source(%dma_start3A_52 : memref<128x128xf32, #tpu.memory_space<vmem>>) target(%dma_start3A_48 : memref<128x128xf32, #tpu.memory_space<vmem_shared>>) target_semaphore(%run_scoped3A_41 : memref<!tpu.dma_semaphore, #tpu.memory_space<semaphore_mem>>)
      %dma_wait3A = arith.constant 0 : i32
      %dma_wait3A_53 = arith.constant 0 : i32
      %dma_wait3A_54 = tpu.memref_slice %arg8[%run_scoped3A_24, %dma_wait3A, %dma_wait3A_53] : memref<1x128x128xf32, #tpu.memory_space<vmem>> -> memref<1x128x128xf32, #tpu.memory_space<vmem>>
      %dma_wait3A_55 = tpu.memref_squeeze %dma_wait3A_54 : memref<1x128x128xf32, #tpu.memory_space<vmem>> -> memref<128x128xf32, #tpu.memory_space<vmem>>
      %dma_wait3A_56 = arith.constant 0 : i32
      %dma_wait3A_57 = tpu.memref_slice %arg9[%add3A_23, %dma_wait3A_56] : memref<10240x128xf32, #tpu.memory_space<vmem_shared>> -> memref<128x128xf32, #tpu.memory_space<vmem_shared>>
      %dma_wait3A_58 = arith.constant 0 : i32
      %dma_wait3A_59 = tpu.memref_slice %arg9[%add3A_23, %dma_wait3A_58] : memref<10240x128xf32, #tpu.memory_space<vmem_shared>> -> memref<128x128xf32, #tpu.memory_space<vmem_shared>>
      %dma_wait3A_60 = arith.constant 0 : i32
      %dma_wait3A_61 = arith.constant 0 : i32
      %dma_wait3A_62 = tpu.memref_slice %arg8[%run_scoped3A_24, %dma_wait3A_60, %dma_wait3A_61] : memref<1x128x128xf32, #tpu.memory_space<vmem>> -> memref<1x128x128xf32, #tpu.memory_space<vmem>>
      %dma_wait3A_63 = tpu.memref_squeeze %dma_wait3A_62 : memref<1x128x128xf32, #tpu.memory_space<vmem>> -> memref<128x128xf32, #tpu.memory_space<vmem>>
      tpu.wait_dma2 semaphore(%run_scoped3A_41 : memref<!tpu.dma_semaphore, #tpu.memory_space<semaphore_mem>>) src(%dma_wait3A_63 : memref<128x128xf32, #tpu.memory_space<vmem>>) dst(%dma_wait3A_59 : memref<128x128xf32, #tpu.memory_space<vmem_shared>>)
      tpu.yield
    }) : () -> ()
    %mul3A_25 = arith.constant 640 : i32
    %mul3A_26 = arith.muli %arg1, %mul3A_25 : i32
    %add3A_27 = arith.constant 512 : i32
    %add3A_28 = arith.addi %mul3A_26, %add3A_27 : i32
    %run_scoped3A_29 = arith.constant 0 : i32
    "tpu.region"() ({
      %run_scoped3A_41 = tpu.sem_alloc : memref<!tpu.dma_semaphore, #tpu.memory_space<semaphore_mem>>
      %dma_start3A = arith.constant 0 : i32
      %dma_start3A_42 = arith.constant 0 : i32
      %dma_start3A_43 = tpu.memref_slice %arg8[%run_scoped3A_29, %dma_start3A, %dma_start3A_42] : memref<1x128x128xf32, #tpu.memory_space<vmem>> -> memref<1x128x128xf32, #tpu.memory_space<vmem>>
      %dma_start3A_44 = tpu.memref_squeeze %dma_start3A_43 : memref<1x128x128xf32, #tpu.memory_space<vmem>> -> memref<128x128xf32, #tpu.memory_space<vmem>>
      %dma_start3A_45 = arith.constant 0 : i32
      %dma_start3A_46 = tpu.memref_slice %arg9[%add3A_28, %dma_start3A_45] : memref<10240x128xf32, #tpu.memory_space<vmem_shared>> -> memref<128x128xf32, #tpu.memory_space<vmem_shared>>
      %dma_start3A_47 = arith.constant 0 : i32
      %dma_start3A_48 = tpu.memref_slice %arg9[%add3A_28, %dma_start3A_47] : memref<10240x128xf32, #tpu.memory_space<vmem_shared>> -> memref<128x128xf32, #tpu.memory_space<vmem_shared>>
      %dma_start3A_49 = arith.constant 0 : i32
      %dma_start3A_50 = arith.constant 0 : i32
      %dma_start3A_51 = tpu.memref_slice %arg8[%run_scoped3A_29, %dma_start3A_49, %dma_start3A_50] : memref<1x128x128xf32, #tpu.memory_space<vmem>> -> memref<1x128x128xf32, #tpu.memory_space<vmem>>
      %dma_start3A_52 = tpu.memref_squeeze %dma_start3A_51 : memref<1x128x128xf32, #tpu.memory_space<vmem>> -> memref<128x128xf32, #tpu.memory_space<vmem>>
      tpu.enqueue_dma source(%dma_start3A_52 : memref<128x128xf32, #tpu.memory_space<vmem>>) target(%dma_start3A_48 : memref<128x128xf32, #tpu.memory_space<vmem_shared>>) target_semaphore(%run_scoped3A_41 : memref<!tpu.dma_semaphore, #tpu.memory_space<semaphore_mem>>)
      %dma_wait3A = arith.constant 0 : i32
      %dma_wait3A_53 = arith.constant 0 : i32
      %dma_wait3A_54 = tpu.memref_slice %arg8[%run_scoped3A_29, %dma_wait3A, %dma_wait3A_53] : memref<1x128x128xf32, #tpu.memory_space<vmem>> -> memref<1x128x128xf32, #tpu.memory_space<vmem>>
      %dma_wait3A_55 = tpu.memref_squeeze %dma_wait3A_54 : memref<1x128x128xf32, #tpu.memory_space<vmem>> -> memref<128x128xf32, #tpu.memory_space<vmem>>
      %dma_wait3A_56 = arith.constant 0 : i32
      %dma_wait3A_57 = tpu.memref_slice %arg9[%add3A_28, %dma_wait3A_56] : memref<10240x128xf32, #tpu.memory_space<vmem_shared>> -> memref<128x128xf32, #tpu.memory_space<vmem_shared>>
      %dma_wait3A_58 = arith.constant 0 : i32
      %dma_wait3A_59 = tpu.memref_slice %arg9[%add3A_28, %dma_wait3A_58] : memref<10240x128xf32, #tpu.memory_space<vmem_shared>> -> memref<128x128xf32, #tpu.memory_space<vmem_shared>>
      %dma_wait3A_60 = arith.constant 0 : i32
      %dma_wait3A_61 = arith.constant 0 : i32
      %dma_wait3A_62 = tpu.memref_slice %arg8[%run_scoped3A_29, %dma_wait3A_60, %dma_wait3A_61] : memref<1x128x128xf32, #tpu.memory_space<vmem>> -> memref<1x128x128xf32, #tpu.memory_space<vmem>>
      %dma_wait3A_63 = tpu.memref_squeeze %dma_wait3A_62 : memref<1x128x128xf32, #tpu.memory_space<vmem>> -> memref<128x128xf32, #tpu.memory_space<vmem>>
      tpu.wait_dma2 semaphore(%run_scoped3A_41 : memref<!tpu.dma_semaphore, #tpu.memory_space<semaphore_mem>>) src(%dma_wait3A_63 : memref<128x128xf32, #tpu.memory_space<vmem>>) dst(%dma_wait3A_59 : memref<128x128xf32, #tpu.memory_space<vmem_shared>>)
      tpu.yield
    }) : () -> ()
    %barrier3A = arith.constant 0 : index
    tpu.barrier barrier_id(%barrier3A)
    %scan3A_30 = arith.constant 0 : i32
    %scan3A_31 = arith.constant 0 : i32
    %scan3A_32 = arith.constant 160 : i32
    %scan3A_33 = arith.addi %scan3A_31, %scan3A_32 : i32
    %scan3A_34 = arith.constant 1 : i32
    scf.for %scan3A_41 = %scan3A_31 to %scan3A_33 step %scan3A_34  : i32 {
      %mul3A_42 = arith.constant 20480 : i32
      %mul3A_43 = arith.muli %add3A, %mul3A_42 : i32
      %mul3A_44 = arith.constant 128 : i32
      %mul3A_45 = arith.muli %scan3A_41, %mul3A_44 : i32
      %add3A_46 = arith.addi %mul3A_43, %mul3A_45 : i32
      "tpu.region"() ({
        %run_scoped3A_62 = tpu.sem_alloc : memref<!tpu.dma_semaphore, #tpu.memory_space<semaphore_mem>>
        %dma_start3A_63 = tpu.memref_slice %arg3[%add3A_46] : memref<655360xi32, #tpu.memory_space<hbm>> -> memref<128xi32, #tpu.memory_space<hbm>>
        %dma_start3A_64 = tpu.memref_slice %arg3[%add3A_46] : memref<655360xi32, #tpu.memory_space<hbm>> -> memref<128xi32, #tpu.memory_space<hbm>>
        tpu.enqueue_dma source(%dma_start3A_64 : memref<128xi32, #tpu.memory_space<hbm>>) target(%arg6 : memref<128xi32, #tpu.memory_space<vmem>>) target_semaphore(%run_scoped3A_62 : memref<!tpu.dma_semaphore, #tpu.memory_space<semaphore_mem>>)
        %dma_wait3A_65 = tpu.memref_slice %arg3[%add3A_46] : memref<655360xi32, #tpu.memory_space<hbm>> -> memref<128xi32, #tpu.memory_space<hbm>>
        %dma_wait3A_66 = tpu.memref_slice %arg3[%add3A_46] : memref<655360xi32, #tpu.memory_space<hbm>> -> memref<128xi32, #tpu.memory_space<hbm>>
        tpu.wait_dma2 semaphore(%run_scoped3A_62 : memref<!tpu.dma_semaphore, #tpu.memory_space<semaphore_mem>>) src(%dma_wait3A_66 : memref<128xi32, #tpu.memory_space<hbm>>) dst(%arg6 : memref<128xi32, #tpu.memory_space<vmem>>)
        tpu.yield
      }) : () -> ()
      "tpu.region"() ({
        %run_scoped3A_62 = tpu.sem_alloc : memref<!tpu.dma_semaphore, #tpu.memory_space<semaphore_mem>>
        %dma_start3A_63 = tpu.memref_slice %arg4[%add3A_46] : memref<655360xi32, #tpu.memory_space<hbm>> -> memref<128xi32, #tpu.memory_space<hbm>>
        %dma_start3A_64 = tpu.memref_slice %arg4[%add3A_46] : memref<655360xi32, #tpu.memory_space<hbm>> -> memref<128xi32, #tpu.memory_space<hbm>>
        tpu.enqueue_dma source(%dma_start3A_64 : memref<128xi32, #tpu.memory_space<hbm>>) target(%arg7 : memref<128xi32, #tpu.memory_space<vmem>>) target_semaphore(%run_scoped3A_62 : memref<!tpu.dma_semaphore, #tpu.memory_space<semaphore_mem>>)
        %dma_wait3A_65 = tpu.memref_slice %arg4[%add3A_46] : memref<655360xi32, #tpu.memory_space<hbm>> -> memref<128xi32, #tpu.memory_space<hbm>>
        %dma_wait3A_66 = tpu.memref_slice %arg4[%add3A_46] : memref<655360xi32, #tpu.memory_space<hbm>> -> memref<128xi32, #tpu.memory_space<hbm>>
        tpu.wait_dma2 semaphore(%run_scoped3A_62 : memref<!tpu.dma_semaphore, #tpu.memory_space<semaphore_mem>>) src(%dma_wait3A_66 : memref<128xi32, #tpu.memory_space<hbm>>) dst(%arg7 : memref<128xi32, #tpu.memory_space<vmem>>)
        tpu.yield
      }) : () -> ()
      %dma_start3A = arith.constant 0 : i32
      %dma_start3A_47 = arith.constant 0 : i32
      %dma_start3A_48 = arith.constant 0 : i32
      %dma_start3A_49 = tpu.memref_slice %arg8[%dma_start3A, %dma_start3A_47, %dma_start3A_48] : memref<1x128x128xf32, #tpu.memory_space<vmem>> -> memref<1x128x128xf32, #tpu.memory_space<vmem>>
      %dma_start3A_50 = tpu.memref_squeeze %dma_start3A_49 : memref<1x128x128xf32, #tpu.memory_space<vmem>> -> memref<128x128xf32, #tpu.memory_space<vmem>>
      %dma_start3A_51 = arith.constant 0 : i32
      %dma_start3A_52 = arith.constant 0 : i32
      %dma_start3A_53 = tpu.memref_slice %arg2[%dma_start3A_51, %dma_start3A_52] : memref<10000x128xf32, #tpu.memory_space<hbm>> -> memref<10000x128xf32, #tpu.memory_space<hbm>>
      tpu.enqueue_indirect_dma source(%dma_start3A_53 : memref<10000x128xf32, #tpu.memory_space<hbm>>) target(%dma_start3A_50 : memref<128x128xf32, #tpu.memory_space<vmem>>) offsets(%arg6 : memref<128xi32, #tpu.memory_space<vmem>>) semaphore(%arg10 : memref<!tpu.dma_semaphore, #tpu.memory_space<semaphore_mem>>)
      %dma_wait3A = arith.constant 0 : i32
      %dma_wait3A_54 = arith.constant 0 : i32
      %dma_wait3A_55 = arith.constant 0 : i32
      %dma_wait3A_56 = tpu.memref_slice %arg8[%dma_wait3A, %dma_wait3A_54, %dma_wait3A_55] : memref<1x128x128xf32, #tpu.memory_space<vmem>> -> memref<1x128x128xf32, #tpu.memory_space<vmem>>
      %dma_wait3A_57 = tpu.memref_squeeze %dma_wait3A_56 : memref<1x128x128xf32, #tpu.memory_space<vmem>> -> memref<128x128xf32, #tpu.memory_space<vmem>>
      %dma_wait3A_58 = arith.constant 0 : i32
      %dma_wait3A_59 = arith.constant 0 : i32
      %dma_wait3A_60 = tpu.memref_slice %arg2[%dma_wait3A_58, %dma_wait3A_59] : memref<10000x128xf32, #tpu.memory_space<hbm>> -> memref<10000x128xf32, #tpu.memory_space<hbm>>
      tpu.wait_indirect_dma semaphore(%arg10 : memref<!tpu.dma_semaphore, #tpu.memory_space<semaphore_mem>>) src(%dma_wait3A_60 : memref<10000x128xf32, #tpu.memory_space<hbm>>) dst(%dma_wait3A_57 : memref<128x128xf32, #tpu.memory_space<vmem>>)
      %run_scoped3A_61 = arith.constant 0 : i32
      "tpu.region"() ({
        %run_scoped3A_62 = tpu.sem_alloc : memref<!tpu.dma_semaphore, #tpu.memory_space<semaphore_mem>>
        %dma_start3A_63 = arith.constant 0 : i32
        %dma_start3A_64 = arith.constant 0 : i32
        %dma_start3A_65 = tpu.memref_slice %arg8[%run_scoped3A_61, %dma_start3A_63, %dma_start3A_64] : memref<1x128x128xf32, #tpu.memory_space<vmem>> -> memref<1x128x128xf32, #tpu.memory_space<vmem>>
        %dma_start3A_66 = tpu.memref_squeeze %dma_start3A_65 : memref<1x128x128xf32, #tpu.memory_space<vmem>> -> memref<128x128xf32, #tpu.memory_space<vmem>>
        %dma_start3A_67 = arith.constant 0 : i32
        %dma_start3A_68 = arith.constant 0 : i32
        %dma_start3A_69 = tpu.memref_slice %arg9[%dma_start3A_67, %dma_start3A_68] : memref<10240x128xf32, #tpu.memory_space<vmem_shared>> -> memref<10240x128xf32, #tpu.memory_space<vmem_shared>>
        tpu.enqueue_indirect_dma source(%dma_start3A_66 : memref<128x128xf32, #tpu.memory_space<vmem>>) target(%dma_start3A_69 : memref<10240x128xf32, #tpu.memory_space<vmem_shared>>) offsets(%arg7 : memref<128xi32, #tpu.memory_space<vmem>>) semaphore(%run_scoped3A_62 : memref<!tpu.dma_semaphore, #tpu.memory_space<semaphore_mem>>) {add = true}
        %dma_wait3A_70 = arith.constant 0 : i32
        %dma_wait3A_71 = arith.constant 0 : i32
        %dma_wait3A_72 = tpu.memref_slice %arg8[%run_scoped3A_61, %dma_wait3A_70, %dma_wait3A_71] : memref<1x128x128xf32, #tpu.memory_space<vmem>> -> memref<1x128x128xf32, #tpu.memory_space<vmem>>
        %dma_wait3A_73 = tpu.memref_squeeze %dma_wait3A_72 : memref<1x128x128xf32, #tpu.memory_space<vmem>> -> memref<128x128xf32, #tpu.memory_space<vmem>>
        %dma_wait3A_74 = arith.constant 0 : i32
        %dma_wait3A_75 = arith.constant 0 : i32
        %dma_wait3A_76 = tpu.memref_slice %arg9[%dma_wait3A_74, %dma_wait3A_75] : memref<10240x128xf32, #tpu.memory_space<vmem_shared>> -> memref<10240x128xf32, #tpu.memory_space<vmem_shared>>
        tpu.wait_indirect_dma semaphore(%run_scoped3A_62 : memref<!tpu.dma_semaphore, #tpu.memory_space<semaphore_mem>>) src(%dma_wait3A_73 : memref<128x128xf32, #tpu.memory_space<vmem>>) dst(%dma_wait3A_76 : memref<10240x128xf32, #tpu.memory_space<vmem_shared>>)
        tpu.yield
      }) : () -> ()
    }
    %scan3A_35 = arith.constant 160 : i32
    %barrier3A_36 = arith.constant 0 : index
    tpu.barrier barrier_id(%barrier3A_36)
    %mul3A_37 = arith.constant 640 : i32
    %mul3A_38 = arith.muli %arg1, %mul3A_37 : i32
    %mul3A_39 = arith.constant 640 : i32
    %mul3A_40 = arith.muli %arg1, %mul3A_39 : i32
    "tpu.region"() ({
      %run_scoped3A_41 = tpu.sem_alloc : memref<!tpu.dma_semaphore, #tpu.memory_space<semaphore_mem>>
      %dma_start3A = arith.constant 0 : i32
      %dma_start3A_42 = tpu.memref_slice %arg5[%arg0, %mul3A_40, %dma_start3A] : memref<2x10240x128xf32, #tpu.memory_space<hbm>> -> memref<1x640x128xf32, #tpu.memory_space<hbm>>
      %dma_start3A_43 = tpu.memref_squeeze %dma_start3A_42 : memref<1x640x128xf32, #tpu.memory_space<hbm>> -> memref<640x128xf32, #tpu.memory_space<hbm>>
      %dma_start3A_44 = arith.constant 0 : i32
      %dma_start3A_45 = tpu.memref_slice %arg9[%mul3A_38, %dma_start3A_44] : memref<10240x128xf32, #tpu.memory_space<vmem_shared>> -> memref<640x128xf32, #tpu.memory_space<vmem_shared>>
      tpu.enqueue_dma source(%dma_start3A_45 : memref<640x128xf32, #tpu.memory_space<vmem_shared>>) target(%dma_start3A_43 : memref<640x128xf32, #tpu.memory_space<hbm>>) target_semaphore(%run_scoped3A_41 : memref<!tpu.dma_semaphore, #tpu.memory_space<semaphore_mem>>)
      %dma_wait3A = arith.constant 0 : i32
      %dma_wait3A_46 = tpu.memref_slice %arg5[%arg0, %mul3A_40, %dma_wait3A] : memref<2x10240x128xf32, #tpu.memory_space<hbm>> -> memref<1x640x128xf32, #tpu.memory_space<hbm>>
      %dma_wait3A_47 = tpu.memref_squeeze %dma_wait3A_46 : memref<1x640x128xf32, #tpu.memory_space<hbm>> -> memref<640x128xf32, #tpu.memory_space<hbm>>
      %dma_wait3A_48 = arith.constant 0 : i32
      %dma_wait3A_49 = tpu.memref_slice %arg9[%mul3A_38, %dma_wait3A_48] : memref<10240x128xf32, #tpu.memory_space<vmem_shared>> -> memref<640x128xf32, #tpu.memory_space<vmem_shared>>
      tpu.wait_dma2 semaphore(%run_scoped3A_41 : memref<!tpu.dma_semaphore, #tpu.memory_space<semaphore_mem>>) src(%dma_wait3A_49 : memref<640x128xf32, #tpu.memory_space<vmem_shared>>) dst(%dma_wait3A_47 : memref<640x128xf32, #tpu.memory_space<hbm>>)
      tpu.yield
    }) : () -> ()
    return
  }
}

#map = affine_map<(d0, d1) -> (0, 0)>
#map1 = affine_map<(d0, d1) -> (0)>
#map2 = affine_map<(d0, d1) -> (0, 0, 0)>
module attributes {stable_mosaic.version = 14 : i64} {
  func.func @_sc_segsum_body(%arg0: i32, %arg1: i32, %arg2: memref<10000x128xf32, #tpu.memory_space<hbm>>, %arg3: memref<655360xi32, #tpu.memory_space<hbm>>, %arg4: memref<655360xi32, #tpu.memory_space<hbm>>, %arg5: memref<2x10240x128xf32, #tpu.memory_space<hbm>>, %arg6: memref<128xi32, #tpu.memory_space<vmem>>, %arg7: memref<128xi32, #tpu.memory_space<vmem>>, %arg8: memref<1x128x128xf32, #tpu.memory_space<vmem>>, %arg9: memref<10240x128xf32, #tpu.memory_space<vmem_shared>>, %arg10: memref<!tpu.dma_semaphore, #tpu.memory_space<semaphore_mem>>) attributes {dimension_semantics = [#tpu.dimension_semantics<core_parallel>, #tpu.dimension_semantics<subcore_parallel>], iteration_bounds = array<i64: 2, 16>, scalar_prefetch = 0 : i64, scratch_operands = 5 : i64, tpu.core_type = #tpu.core_type<sc_vector_subcore>, window_params = [{transform_indices = #map}, {transform_indices = #map1}, {transform_indices = #map1}, {transform_indices = #map2}]} {
    %mul3A = arith.constant 16 : i32
    %mul3A_0 = arith.muli %arg0, %mul3A : i32
    %add3A = arith.addi %mul3A_0, %arg1 : i32
    %scan3A = arith.constant 0 : i32
    %scan3A_1 = arith.constant 0 : i32
    %scan3A_2 = arith.constant 128 : i32
    %scan3A_3 = arith.addi %scan3A_1, %scan3A_2 : i32
    %scan3A_4 = arith.constant 1 : i32
    scf.for %scan3A_41 = %scan3A_1 to %scan3A_3 step %scan3A_4  : i32 {
      %broadcast_in_dim3A = arith.constant 0.000000e+00 : f32
      %broadcast_in_dim3A_42 = vector.broadcast %broadcast_in_dim3A : f32 to vector<16xf32>
      %swap3A = arith.constant 0 : i32
      %swap3A_43 = arith.index_cast %swap3A : i32 to index
      %swap3A_44 = arith.index_cast %scan3A_41 : i32 to index
      %swap3A_45 = arith.constant 0 : index
      %swap3A_46 = tpu.vector_load %arg8[%swap3A_43, %swap3A_44, %swap3A_45] {strides = array<i32>} : memref<1x128x128xf32, #tpu.memory_space<vmem>>, vector<1x1x16xf32>,
      %swap3A_47 = vector.shape_cast %swap3A_46 : vector<1x1x16xf32> to vector<16xf32>
      %swap3A_48 = vector.shape_cast %broadcast_in_dim3A_42 : vector<16xf32> to vector<1x1x16xf32>
      tpu.vector_store %arg8[%swap3A_43, %swap3A_44, %swap3A_45], %swap3A_48 {strides = array<i32>} : memref<1x128x128xf32, #tpu.memory_space<vmem>>, vector<1x1x16xf32>,
      %broadcast_in_dim3A_49 = arith.constant 0.000000e+00 : f32
      %broadcast_in_dim3A_50 = vector.broadcast %broadcast_in_dim3A_49 : f32 to vector<16xf32>
      %swap3A_51 = arith.constant 0 : i32
      %swap3A_52 = arith.index_cast %swap3A_51 : i32 to index
      %swap3A_53 = arith.index_cast %scan3A_41 : i32 to index
      %swap3A_54 = arith.constant 16 : index
      %swap3A_55 = tpu.vector_load %arg8[%swap3A_52, %swap3A_53, %swap3A_54] {strides = array<i32>} : memref<1x128x128xf32, #tpu.memory_space<vmem>>, vector<1x1x16xf32>,
      %swap3A_56 = vector.shape_cast %swap3A_55 : vector<1x1x16xf32> to vector<16xf32>
      %swap3A_57 = vector.shape_cast %broadcast_in_dim3A_50 : vector<16xf32> to vector<1x1x16xf32>
      tpu.vector_store %arg8[%swap3A_52, %swap3A_53, %swap3A_54], %swap3A_57 {strides = array<i32>} : memref<1x128x128xf32, #tpu.memory_space<vmem>>, vector<1x1x16xf32>,
      %broadcast_in_dim3A_58 = arith.constant 0.000000e+00 : f32
      %broadcast_in_dim3A_59 = vector.broadcast %broadcast_in_dim3A_58 : f32 to vector<16xf32>
      %swap3A_60 = arith.constant 0 : i32
      %swap3A_61 = arith.index_cast %swap3A_60 : i32 to index
      %swap3A_62 = arith.index_cast %scan3A_41 : i32 to index
      %swap3A_63 = arith.constant 32 : index
      %swap3A_64 = tpu.vector_load %arg8[%swap3A_61, %swap3A_62, %swap3A_63] {strides = array<i32>} : memref<1x128x128xf32, #tpu.memory_space<vmem>>, vector<1x1x16xf32>,
      %swap3A_65 = vector.shape_cast %swap3A_64 : vector<1x1x16xf32> to vector<16xf32>
      %swap3A_66 = vector.shape_cast %broadcast_in_dim3A_59 : vector<16xf32> to vector<1x1x16xf32>
      tpu.vector_store %arg8[%swap3A_61, %swap3A_62, %swap3A_63], %swap3A_66 {strides = array<i32>} : memref<1x128x128xf32, #tpu.memory_space<vmem>>, vector<1x1x16xf32>,
      %broadcast_in_dim3A_67 = arith.constant 0.000000e+00 : f32
      %broadcast_in_dim3A_68 = vector.broadcast %broadcast_in_dim3A_67 : f32 to vector<16xf32>
      %swap3A_69 = arith.constant 0 : i32
      %swap3A_70 = arith.index_cast %swap3A_69 : i32 to index
      %swap3A_71 = arith.index_cast %scan3A_41 : i32 to index
      %swap3A_72 = arith.constant 48 : index
      %swap3A_73 = tpu.vector_load %arg8[%swap3A_70, %swap3A_71, %swap3A_72] {strides = array<i32>} : memref<1x128x128xf32, #tpu.memory_space<vmem>>, vector<1x1x16xf32>,
      %swap3A_74 = vector.shape_cast %swap3A_73 : vector<1x1x16xf32> to vector<16xf32>
      %swap3A_75 = vector.shape_cast %broadcast_in_dim3A_68 : vector<16xf32> to vector<1x1x16xf32>
      tpu.vector_store %arg8[%swap3A_70, %swap3A_71, %swap3A_72], %swap3A_75 {strides = array<i32>} : memref<1x128x128xf32, #tpu.memory_space<vmem>>, vector<1x1x16xf32>,
      %broadcast_in_dim3A_76 = arith.constant 0.000000e+00 : f32
      %broadcast_in_dim3A_77 = vector.broadcast %broadcast_in_dim3A_76 : f32 to vector<16xf32>
      %swap3A_78 = arith.constant 0 : i32
      %swap3A_79 = arith.index_cast %swap3A_78 : i32 to index
      %swap3A_80 = arith.index_cast %scan3A_41 : i32 to index
      %swap3A_81 = arith.constant 64 : index
      %swap3A_82 = tpu.vector_load %arg8[%swap3A_79, %swap3A_80, %swap3A_81] {strides = array<i32>} : memref<1x128x128xf32, #tpu.memory_space<vmem>>, vector<1x1x16xf32>,
      %swap3A_83 = vector.shape_cast %swap3A_82 : vector<1x1x16xf32> to vector<16xf32>
      %swap3A_84 = vector.shape_cast %broadcast_in_dim3A_77 : vector<16xf32> to vector<1x1x16xf32>
      tpu.vector_store %arg8[%swap3A_79, %swap3A_80, %swap3A_81], %swap3A_84 {strides = array<i32>} : memref<1x128x128xf32, #tpu.memory_space<vmem>>, vector<1x1x16xf32>,
      %broadcast_in_dim3A_85 = arith.constant 0.000000e+00 : f32
      %broadcast_in_dim3A_86 = vector.broadcast %broadcast_in_dim3A_85 : f32 to vector<16xf32>
      %swap3A_87 = arith.constant 0 : i32
      %swap3A_88 = arith.index_cast %swap3A_87 : i32 to index
      %swap3A_89 = arith.index_cast %scan3A_41 : i32 to index
      %swap3A_90 = arith.constant 80 : index
      %swap3A_91 = tpu.vector_load %arg8[%swap3A_88, %swap3A_89, %swap3A_90] {strides = array<i32>} : memref<1x128x128xf32, #tpu.memory_space<vmem>>, vector<1x1x16xf32>,
      %swap3A_92 = vector.shape_cast %swap3A_91 : vector<1x1x16xf32> to vector<16xf32>
      %swap3A_93 = vector.shape_cast %broadcast_in_dim3A_86 : vector<16xf32> to vector<1x1x16xf32>
      tpu.vector_store %arg8[%swap3A_88, %swap3A_89, %swap3A_90], %swap3A_93 {strides = array<i32>} : memref<1x128x128xf32, #tpu.memory_space<vmem>>, vector<1x1x16xf32>,
      %broadcast_in_dim3A_94 = arith.constant 0.000000e+00 : f32
      %broadcast_in_dim3A_95 = vector.broadcast %broadcast_in_dim3A_94 : f32 to vector<16xf32>
      %swap3A_96 = arith.constant 0 : i32
      %swap3A_97 = arith.index_cast %swap3A_96 : i32 to index
      %swap3A_98 = arith.index_cast %scan3A_41 : i32 to index
      %swap3A_99 = arith.constant 96 : index
      %swap3A_100 = tpu.vector_load %arg8[%swap3A_97, %swap3A_98, %swap3A_99] {strides = array<i32>} : memref<1x128x128xf32, #tpu.memory_space<vmem>>, vector<1x1x16xf32>,
      %swap3A_101 = vector.shape_cast %swap3A_100 : vector<1x1x16xf32> to vector<16xf32>
      %swap3A_102 = vector.shape_cast %broadcast_in_dim3A_95 : vector<16xf32> to vector<1x1x16xf32>
      tpu.vector_store %arg8[%swap3A_97, %swap3A_98, %swap3A_99], %swap3A_102 {strides = array<i32>} : memref<1x128x128xf32, #tpu.memory_space<vmem>>, vector<1x1x16xf32>,
      %broadcast_in_dim3A_103 = arith.constant 0.000000e+00 : f32
      %broadcast_in_dim3A_104 = vector.broadcast %broadcast_in_dim3A_103 : f32 to vector<16xf32>
      %swap3A_105 = arith.constant 0 : i32
      %swap3A_106 = arith.index_cast %swap3A_105 : i32 to index
      %swap3A_107 = arith.index_cast %scan3A_41 : i32 to index
      %swap3A_108 = arith.constant 112 : index
      %swap3A_109 = tpu.vector_load %arg8[%swap3A_106, %swap3A_107, %swap3A_108] {strides = array<i32>} : memref<1x128x128xf32, #tpu.memory_space<vmem>>, vector<1x1x16xf32>,
      %swap3A_110 = vector.shape_cast %swap3A_109 : vector<1x1x16xf32> to vector<16xf32>
      %swap3A_111 = vector.shape_cast %broadcast_in_dim3A_104 : vector<16xf32> to vector<1x1x16xf32>
      tpu.vector_store %arg8[%swap3A_106, %swap3A_107, %swap3A_108], %swap3A_111 {strides = array<i32>} : memref<1x128x128xf32, #tpu.memory_space<vmem>>, vector<1x1x16xf32>,
    }
    %scan3A_5 = arith.constant 128 : i32
    %mul3A_6 = arith.constant 640 : i32
    %mul3A_7 = arith.muli %arg1, %mul3A_6 : i32
    %add3A_8 = arith.constant 0 : i32
    %add3A_9 = arith.addi %mul3A_7, %add3A_8 : i32
    %run_scoped3A = arith.constant 0 : i32
    "tpu.region"() ({
      %run_scoped3A_41 = tpu.sem_alloc : memref<!tpu.dma_semaphore, #tpu.memory_space<semaphore_mem>>
      %dma_start3A = arith.constant 0 : i32
      %dma_start3A_42 = arith.constant 0 : i32
      %dma_start3A_43 = tpu.memref_slice %arg8[%run_scoped3A, %dma_start3A, %dma_start3A_42] : memref<1x128x128xf32, #tpu.memory_space<vmem>> -> memref<1x128x128xf32, #tpu.memory_space<vmem>>
      %dma_start3A_44 = tpu.memref_squeeze %dma_start3A_43 : memref<1x128x128xf32, #tpu.memory_space<vmem>> -> memref<128x128xf32, #tpu.memory_space<vmem>>
      %dma_start3A_45 = arith.constant 0 : i32
      %dma_start3A_46 = tpu.memref_slice %arg9[%add3A_9, %dma_start3A_45] : memref<10240x128xf32, #tpu.memory_space<vmem_shared>> -> memref<128x128xf32, #tpu.memory_space<vmem_shared>>
      %dma_start3A_47 = arith.constant 0 : i32
      %dma_start3A_48 = tpu.memref_slice %arg9[%add3A_9, %dma_start3A_47] : memref<10240x128xf32, #tpu.memory_space<vmem_shared>> -> memref<128x128xf32, #tpu.memory_space<vmem_shared>>
      %dma_start3A_49 = arith.constant 0 : i32
      %dma_start3A_50 = arith.constant 0 : i32
      %dma_start3A_51 = tpu.memref_slice %arg8[%run_scoped3A, %dma_start3A_49, %dma_start3A_50] : memref<1x128x128xf32, #tpu.memory_space<vmem>> -> memref<1x128x128xf32, #tpu.memory_space<vmem>>
      %dma_start3A_52 = tpu.memref_squeeze %dma_start3A_51 : memref<1x128x128xf32, #tpu.memory_space<vmem>> -> memref<128x128xf32, #tpu.memory_space<vmem>>
      tpu.enqueue_dma source(%dma_start3A_52 : memref<128x128xf32, #tpu.memory_space<vmem>>) target(%dma_start3A_48 : memref<128x128xf32, #tpu.memory_space<vmem_shared>>) target_semaphore(%run_scoped3A_41 : memref<!tpu.dma_semaphore, #tpu.memory_space<semaphore_mem>>)
      %dma_wait3A = arith.constant 0 : i32
      %dma_wait3A_53 = arith.constant 0 : i32
      %dma_wait3A_54 = tpu.memref_slice %arg8[%run_scoped3A, %dma_wait3A, %dma_wait3A_53] : memref<1x128x128xf32, #tpu.memory_space<vmem>> -> memref<1x128x128xf32, #tpu.memory_space<vmem>>
      %dma_wait3A_55 = tpu.memref_squeeze %dma_wait3A_54 : memref<1x128x128xf32, #tpu.memory_space<vmem>> -> memref<128x128xf32, #tpu.memory_space<vmem>>
      %dma_wait3A_56 = arith.constant 0 : i32
      %dma_wait3A_57 = tpu.memref_slice %arg9[%add3A_9, %dma_wait3A_56] : memref<10240x128xf32, #tpu.memory_space<vmem_shared>> -> memref<128x128xf32, #tpu.memory_space<vmem_shared>>
      %dma_wait3A_58 = arith.constant 0 : i32
      %dma_wait3A_59 = tpu.memref_slice %arg9[%add3A_9, %dma_wait3A_58] : memref<10240x128xf32, #tpu.memory_space<vmem_shared>> -> memref<128x128xf32, #tpu.memory_space<vmem_shared>>
      %dma_wait3A_60 = arith.constant 0 : i32
      %dma_wait3A_61 = arith.constant 0 : i32
      %dma_wait3A_62 = tpu.memref_slice %arg8[%run_scoped3A, %dma_wait3A_60, %dma_wait3A_61] : memref<1x128x128xf32, #tpu.memory_space<vmem>> -> memref<1x128x128xf32, #tpu.memory_space<vmem>>
      %dma_wait3A_63 = tpu.memref_squeeze %dma_wait3A_62 : memref<1x128x128xf32, #tpu.memory_space<vmem>> -> memref<128x128xf32, #tpu.memory_space<vmem>>
      tpu.wait_dma2 semaphore(%run_scoped3A_41 : memref<!tpu.dma_semaphore, #tpu.memory_space<semaphore_mem>>) src(%dma_wait3A_63 : memref<128x128xf32, #tpu.memory_space<vmem>>) dst(%dma_wait3A_59 : memref<128x128xf32, #tpu.memory_space<vmem_shared>>)
      tpu.yield
    }) : () -> ()
    %mul3A_10 = arith.constant 640 : i32
    %mul3A_11 = arith.muli %arg1, %mul3A_10 : i32
    %add3A_12 = arith.constant 128 : i32
    %add3A_13 = arith.addi %mul3A_11, %add3A_12 : i32
    %run_scoped3A_14 = arith.constant 0 : i32
    "tpu.region"() ({
      %run_scoped3A_41 = tpu.sem_alloc : memref<!tpu.dma_semaphore, #tpu.memory_space<semaphore_mem>>
      %dma_start3A = arith.constant 0 : i32
      %dma_start3A_42 = arith.constant 0 : i32
      %dma_start3A_43 = tpu.memref_slice %arg8[%run_scoped3A_14, %dma_start3A, %dma_start3A_42] : memref<1x128x128xf32, #tpu.memory_space<vmem>> -> memref<1x128x128xf32, #tpu.memory_space<vmem>>
      %dma_start3A_44 = tpu.memref_squeeze %dma_start3A_43 : memref<1x128x128xf32, #tpu.memory_space<vmem>> -> memref<128x128xf32, #tpu.memory_space<vmem>>
      %dma_start3A_45 = arith.constant 0 : i32
      %dma_start3A_46 = tpu.memref_slice %arg9[%add3A_13, %dma_start3A_45] : memref<10240x128xf32, #tpu.memory_space<vmem_shared>> -> memref<128x128xf32, #tpu.memory_space<vmem_shared>>
      %dma_start3A_47 = arith.constant 0 : i32
      %dma_start3A_48 = tpu.memref_slice %arg9[%add3A_13, %dma_start3A_47] : memref<10240x128xf32, #tpu.memory_space<vmem_shared>> -> memref<128x128xf32, #tpu.memory_space<vmem_shared>>
      %dma_start3A_49 = arith.constant 0 : i32
      %dma_start3A_50 = arith.constant 0 : i32
      %dma_start3A_51 = tpu.memref_slice %arg8[%run_scoped3A_14, %dma_start3A_49, %dma_start3A_50] : memref<1x128x128xf32, #tpu.memory_space<vmem>> -> memref<1x128x128xf32, #tpu.memory_space<vmem>>
      %dma_start3A_52 = tpu.memref_squeeze %dma_start3A_51 : memref<1x128x128xf32, #tpu.memory_space<vmem>> -> memref<128x128xf32, #tpu.memory_space<vmem>>
      tpu.enqueue_dma source(%dma_start3A_52 : memref<128x128xf32, #tpu.memory_space<vmem>>) target(%dma_start3A_48 : memref<128x128xf32, #tpu.memory_space<vmem_shared>>) target_semaphore(%run_scoped3A_41 : memref<!tpu.dma_semaphore, #tpu.memory_space<semaphore_mem>>)
      %dma_wait3A = arith.constant 0 : i32
      %dma_wait3A_53 = arith.constant 0 : i32
      %dma_wait3A_54 = tpu.memref_slice %arg8[%run_scoped3A_14, %dma_wait3A, %dma_wait3A_53] : memref<1x128x128xf32, #tpu.memory_space<vmem>> -> memref<1x128x128xf32, #tpu.memory_space<vmem>>
      %dma_wait3A_55 = tpu.memref_squeeze %dma_wait3A_54 : memref<1x128x128xf32, #tpu.memory_space<vmem>> -> memref<128x128xf32, #tpu.memory_space<vmem>>
      %dma_wait3A_56 = arith.constant 0 : i32
      %dma_wait3A_57 = tpu.memref_slice %arg9[%add3A_13, %dma_wait3A_56] : memref<10240x128xf32, #tpu.memory_space<vmem_shared>> -> memref<128x128xf32, #tpu.memory_space<vmem_shared>>
      %dma_wait3A_58 = arith.constant 0 : i32
      %dma_wait3A_59 = tpu.memref_slice %arg9[%add3A_13, %dma_wait3A_58] : memref<10240x128xf32, #tpu.memory_space<vmem_shared>> -> memref<128x128xf32, #tpu.memory_space<vmem_shared>>
      %dma_wait3A_60 = arith.constant 0 : i32
      %dma_wait3A_61 = arith.constant 0 : i32
      %dma_wait3A_62 = tpu.memref_slice %arg8[%run_scoped3A_14, %dma_wait3A_60, %dma_wait3A_61] : memref<1x128x128xf32, #tpu.memory_space<vmem>> -> memref<1x128x128xf32, #tpu.memory_space<vmem>>
      %dma_wait3A_63 = tpu.memref_squeeze %dma_wait3A_62 : memref<1x128x128xf32, #tpu.memory_space<vmem>> -> memref<128x128xf32, #tpu.memory_space<vmem>>
      tpu.wait_dma2 semaphore(%run_scoped3A_41 : memref<!tpu.dma_semaphore, #tpu.memory_space<semaphore_mem>>) src(%dma_wait3A_63 : memref<128x128xf32, #tpu.memory_space<vmem>>) dst(%dma_wait3A_59 : memref<128x128xf32, #tpu.memory_space<vmem_shared>>)
      tpu.yield
    }) : () -> ()
    %mul3A_15 = arith.constant 640 : i32
    %mul3A_16 = arith.muli %arg1, %mul3A_15 : i32
    %add3A_17 = arith.constant 256 : i32
    %add3A_18 = arith.addi %mul3A_16, %add3A_17 : i32
    %run_scoped3A_19 = arith.constant 0 : i32
    "tpu.region"() ({
      %run_scoped3A_41 = tpu.sem_alloc : memref<!tpu.dma_semaphore, #tpu.memory_space<semaphore_mem>>
      %dma_start3A = arith.constant 0 : i32
      %dma_start3A_42 = arith.constant 0 : i32
      %dma_start3A_43 = tpu.memref_slice %arg8[%run_scoped3A_19, %dma_start3A, %dma_start3A_42] : memref<1x128x128xf32, #tpu.memory_space<vmem>> -> memref<1x128x128xf32, #tpu.memory_space<vmem>>
      %dma_start3A_44 = tpu.memref_squeeze %dma_start3A_43 : memref<1x128x128xf32, #tpu.memory_space<vmem>> -> memref<128x128xf32, #tpu.memory_space<vmem>>
      %dma_start3A_45 = arith.constant 0 : i32
      %dma_start3A_46 = tpu.memref_slice %arg9[%add3A_18, %dma_start3A_45] : memref<10240x128xf32, #tpu.memory_space<vmem_shared>> -> memref<128x128xf32, #tpu.memory_space<vmem_shared>>
      %dma_start3A_47 = arith.constant 0 : i32
      %dma_start3A_48 = tpu.memref_slice %arg9[%add3A_18, %dma_start3A_47] : memref<10240x128xf32, #tpu.memory_space<vmem_shared>> -> memref<128x128xf32, #tpu.memory_space<vmem_shared>>
      %dma_start3A_49 = arith.constant 0 : i32
      %dma_start3A_50 = arith.constant 0 : i32
      %dma_start3A_51 = tpu.memref_slice %arg8[%run_scoped3A_19, %dma_start3A_49, %dma_start3A_50] : memref<1x128x128xf32, #tpu.memory_space<vmem>> -> memref<1x128x128xf32, #tpu.memory_space<vmem>>
      %dma_start3A_52 = tpu.memref_squeeze %dma_start3A_51 : memref<1x128x128xf32, #tpu.memory_space<vmem>> -> memref<128x128xf32, #tpu.memory_space<vmem>>
      tpu.enqueue_dma source(%dma_start3A_52 : memref<128x128xf32, #tpu.memory_space<vmem>>) target(%dma_start3A_48 : memref<128x128xf32, #tpu.memory_space<vmem_shared>>) target_semaphore(%run_scoped3A_41 : memref<!tpu.dma_semaphore, #tpu.memory_space<semaphore_mem>>)
      %dma_wait3A = arith.constant 0 : i32
      %dma_wait3A_53 = arith.constant 0 : i32
      %dma_wait3A_54 = tpu.memref_slice %arg8[%run_scoped3A_19, %dma_wait3A, %dma_wait3A_53] : memref<1x128x128xf32, #tpu.memory_space<vmem>> -> memref<1x128x128xf32, #tpu.memory_space<vmem>>
      %dma_wait3A_55 = tpu.memref_squeeze %dma_wait3A_54 : memref<1x128x128xf32, #tpu.memory_space<vmem>> -> memref<128x128xf32, #tpu.memory_space<vmem>>
      %dma_wait3A_56 = arith.constant 0 : i32
      %dma_wait3A_57 = tpu.memref_slice %arg9[%add3A_18, %dma_wait3A_56] : memref<10240x128xf32, #tpu.memory_space<vmem_shared>> -> memref<128x128xf32, #tpu.memory_space<vmem_shared>>
      %dma_wait3A_58 = arith.constant 0 : i32
      %dma_wait3A_59 = tpu.memref_slice %arg9[%add3A_18, %dma_wait3A_58] : memref<10240x128xf32, #tpu.memory_space<vmem_shared>> -> memref<128x128xf32, #tpu.memory_space<vmem_shared>>
      %dma_wait3A_60 = arith.constant 0 : i32
      %dma_wait3A_61 = arith.constant 0 : i32
      %dma_wait3A_62 = tpu.memref_slice %arg8[%run_scoped3A_19, %dma_wait3A_60, %dma_wait3A_61] : memref<1x128x128xf32, #tpu.memory_space<vmem>> -> memref<1x128x128xf32, #tpu.memory_space<vmem>>
      %dma_wait3A_63 = tpu.memref_squeeze %dma_wait3A_62 : memref<1x128x128xf32, #tpu.memory_space<vmem>> -> memref<128x128xf32, #tpu.memory_space<vmem>>
      tpu.wait_dma2 semaphore(%run_scoped3A_41 : memref<!tpu.dma_semaphore, #tpu.memory_space<semaphore_mem>>) src(%dma_wait3A_63 : memref<128x128xf32, #tpu.memory_space<vmem>>) dst(%dma_wait3A_59 : memref<128x128xf32, #tpu.memory_space<vmem_shared>>)
      tpu.yield
    }) : () -> ()
    %mul3A_20 = arith.constant 640 : i32
    %mul3A_21 = arith.muli %arg1, %mul3A_20 : i32
    %add3A_22 = arith.constant 384 : i32
    %add3A_23 = arith.addi %mul3A_21, %add3A_22 : i32
    %run_scoped3A_24 = arith.constant 0 : i32
    "tpu.region"() ({
      %run_scoped3A_41 = tpu.sem_alloc : memref<!tpu.dma_semaphore, #tpu.memory_space<semaphore_mem>>
      %dma_start3A = arith.constant 0 : i32
      %dma_start3A_42 = arith.constant 0 : i32
      %dma_start3A_43 = tpu.memref_slice %arg8[%run_scoped3A_24, %dma_start3A, %dma_start3A_42] : memref<1x128x128xf32, #tpu.memory_space<vmem>> -> memref<1x128x128xf32, #tpu.memory_space<vmem>>
      %dma_start3A_44 = tpu.memref_squeeze %dma_start3A_43 : memref<1x128x128xf32, #tpu.memory_space<vmem>> -> memref<128x128xf32, #tpu.memory_space<vmem>>
      %dma_start3A_45 = arith.constant 0 : i32
      %dma_start3A_46 = tpu.memref_slice %arg9[%add3A_23, %dma_start3A_45] : memref<10240x128xf32, #tpu.memory_space<vmem_shared>> -> memref<128x128xf32, #tpu.memory_space<vmem_shared>>
      %dma_start3A_47 = arith.constant 0 : i32
      %dma_start3A_48 = tpu.memref_slice %arg9[%add3A_23, %dma_start3A_47] : memref<10240x128xf32, #tpu.memory_space<vmem_shared>> -> memref<128x128xf32, #tpu.memory_space<vmem_shared>>
      %dma_start3A_49 = arith.constant 0 : i32
      %dma_start3A_50 = arith.constant 0 : i32
      %dma_start3A_51 = tpu.memref_slice %arg8[%run_scoped3A_24, %dma_start3A_49, %dma_start3A_50] : memref<1x128x128xf32, #tpu.memory_space<vmem>> -> memref<1x128x128xf32, #tpu.memory_space<vmem>>
      %dma_start3A_52 = tpu.memref_squeeze %dma_start3A_51 : memref<1x128x128xf32, #tpu.memory_space<vmem>> -> memref<128x128xf32, #tpu.memory_space<vmem>>
      tpu.enqueue_dma source(%dma_start3A_52 : memref<128x128xf32, #tpu.memory_space<vmem>>) target(%dma_start3A_48 : memref<128x128xf32, #tpu.memory_space<vmem_shared>>) target_semaphore(%run_scoped3A_41 : memref<!tpu.dma_semaphore, #tpu.memory_space<semaphore_mem>>)
      %dma_wait3A = arith.constant 0 : i32
      %dma_wait3A_53 = arith.constant 0 : i32
      %dma_wait3A_54 = tpu.memref_slice %arg8[%run_scoped3A_24, %dma_wait3A, %dma_wait3A_53] : memref<1x128x128xf32, #tpu.memory_space<vmem>> -> memref<1x128x128xf32, #tpu.memory_space<vmem>>
      %dma_wait3A_55 = tpu.memref_squeeze %dma_wait3A_54 : memref<1x128x128xf32, #tpu.memory_space<vmem>> -> memref<128x128xf32, #tpu.memory_space<vmem>>
      %dma_wait3A_56 = arith.constant 0 : i32
      %dma_wait3A_57 = tpu.memref_slice %arg9[%add3A_23, %dma_wait3A_56] : memref<10240x128xf32, #tpu.memory_space<vmem_shared>> -> memref<128x128xf32, #tpu.memory_space<vmem_shared>>
      %dma_wait3A_58 = arith.constant 0 : i32
      %dma_wait3A_59 = tpu.memref_slice %arg9[%add3A_23, %dma_wait3A_58] : memref<10240x128xf32, #tpu.memory_space<vmem_shared>> -> memref<128x128xf32, #tpu.memory_space<vmem_shared>>
      %dma_wait3A_60 = arith.constant 0 : i32
      %dma_wait3A_61 = arith.constant 0 : i32
      %dma_wait3A_62 = tpu.memref_slice %arg8[%run_scoped3A_24, %dma_wait3A_60, %dma_wait3A_61] : memref<1x128x128xf32, #tpu.memory_space<vmem>> -> memref<1x128x128xf32, #tpu.memory_space<vmem>>
      %dma_wait3A_63 = tpu.memref_squeeze %dma_wait3A_62 : memref<1x128x128xf32, #tpu.memory_space<vmem>> -> memref<128x128xf32, #tpu.memory_space<vmem>>
      tpu.wait_dma2 semaphore(%run_scoped3A_41 : memref<!tpu.dma_semaphore, #tpu.memory_space<semaphore_mem>>) src(%dma_wait3A_63 : memref<128x128xf32, #tpu.memory_space<vmem>>) dst(%dma_wait3A_59 : memref<128x128xf32, #tpu.memory_space<vmem_shared>>)
      tpu.yield
    }) : () -> ()
    %mul3A_25 = arith.constant 640 : i32
    %mul3A_26 = arith.muli %arg1, %mul3A_25 : i32
    %add3A_27 = arith.constant 512 : i32
    %add3A_28 = arith.addi %mul3A_26, %add3A_27 : i32
    %run_scoped3A_29 = arith.constant 0 : i32
    "tpu.region"() ({
      %run_scoped3A_41 = tpu.sem_alloc : memref<!tpu.dma_semaphore, #tpu.memory_space<semaphore_mem>>
      %dma_start3A = arith.constant 0 : i32
      %dma_start3A_42 = arith.constant 0 : i32
      %dma_start3A_43 = tpu.memref_slice %arg8[%run_scoped3A_29, %dma_start3A, %dma_start3A_42] : memref<1x128x128xf32, #tpu.memory_space<vmem>> -> memref<1x128x128xf32, #tpu.memory_space<vmem>>
      %dma_start3A_44 = tpu.memref_squeeze %dma_start3A_43 : memref<1x128x128xf32, #tpu.memory_space<vmem>> -> memref<128x128xf32, #tpu.memory_space<vmem>>
      %dma_start3A_45 = arith.constant 0 : i32
      %dma_start3A_46 = tpu.memref_slice %arg9[%add3A_28, %dma_start3A_45] : memref<10240x128xf32, #tpu.memory_space<vmem_shared>> -> memref<128x128xf32, #tpu.memory_space<vmem_shared>>
      %dma_start3A_47 = arith.constant 0 : i32
      %dma_start3A_48 = tpu.memref_slice %arg9[%add3A_28, %dma_start3A_47] : memref<10240x128xf32, #tpu.memory_space<vmem_shared>> -> memref<128x128xf32, #tpu.memory_space<vmem_shared>>
      %dma_start3A_49 = arith.constant 0 : i32
      %dma_start3A_50 = arith.constant 0 : i32
      %dma_start3A_51 = tpu.memref_slice %arg8[%run_scoped3A_29, %dma_start3A_49, %dma_start3A_50] : memref<1x128x128xf32, #tpu.memory_space<vmem>> -> memref<1x128x128xf32, #tpu.memory_space<vmem>>
      %dma_start3A_52 = tpu.memref_squeeze %dma_start3A_51 : memref<1x128x128xf32, #tpu.memory_space<vmem>> -> memref<128x128xf32, #tpu.memory_space<vmem>>
      tpu.enqueue_dma source(%dma_start3A_52 : memref<128x128xf32, #tpu.memory_space<vmem>>) target(%dma_start3A_48 : memref<128x128xf32, #tpu.memory_space<vmem_shared>>) target_semaphore(%run_scoped3A_41 : memref<!tpu.dma_semaphore, #tpu.memory_space<semaphore_mem>>)
      %dma_wait3A = arith.constant 0 : i32
      %dma_wait3A_53 = arith.constant 0 : i32
      %dma_wait3A_54 = tpu.memref_slice %arg8[%run_scoped3A_29, %dma_wait3A, %dma_wait3A_53] : memref<1x128x128xf32, #tpu.memory_space<vmem>> -> memref<1x128x128xf32, #tpu.memory_space<vmem>>
      %dma_wait3A_55 = tpu.memref_squeeze %dma_wait3A_54 : memref<1x128x128xf32, #tpu.memory_space<vmem>> -> memref<128x128xf32, #tpu.memory_space<vmem>>
      %dma_wait3A_56 = arith.constant 0 : i32
      %dma_wait3A_57 = tpu.memref_slice %arg9[%add3A_28, %dma_wait3A_56] : memref<10240x128xf32, #tpu.memory_space<vmem_shared>> -> memref<128x128xf32, #tpu.memory_space<vmem_shared>>
      %dma_wait3A_58 = arith.constant 0 : i32
      %dma_wait3A_59 = tpu.memref_slice %arg9[%add3A_28, %dma_wait3A_58] : memref<10240x128xf32, #tpu.memory_space<vmem_shared>> -> memref<128x128xf32, #tpu.memory_space<vmem_shared>>
      %dma_wait3A_60 = arith.constant 0 : i32
      %dma_wait3A_61 = arith.constant 0 : i32
      %dma_wait3A_62 = tpu.memref_slice %arg8[%run_scoped3A_29, %dma_wait3A_60, %dma_wait3A_61] : memref<1x128x128xf32, #tpu.memory_space<vmem>> -> memref<1x128x128xf32, #tpu.memory_space<vmem>>
      %dma_wait3A_63 = tpu.memref_squeeze %dma_wait3A_62 : memref<1x128x128xf32, #tpu.memory_space<vmem>> -> memref<128x128xf32, #tpu.memory_space<vmem>>
      tpu.wait_dma2 semaphore(%run_scoped3A_41 : memref<!tpu.dma_semaphore, #tpu.memory_space<semaphore_mem>>) src(%dma_wait3A_63 : memref<128x128xf32, #tpu.memory_space<vmem>>) dst(%dma_wait3A_59 : memref<128x128xf32, #tpu.memory_space<vmem_shared>>)
      tpu.yield
    }) : () -> ()
    %barrier3A = arith.constant 0 : index
    tpu.barrier barrier_id(%barrier3A)
    %scan3A_30 = arith.constant 0 : i32
    %scan3A_31 = arith.constant 0 : i32
    %scan3A_32 = arith.constant 160 : i32
    %scan3A_33 = arith.addi %scan3A_31, %scan3A_32 : i32
    %scan3A_34 = arith.constant 1 : i32
    scf.for %scan3A_41 = %scan3A_31 to %scan3A_33 step %scan3A_34  : i32 {
      %mul3A_42 = arith.constant 20480 : i32
      %mul3A_43 = arith.muli %add3A, %mul3A_42 : i32
      %mul3A_44 = arith.constant 128 : i32
      %mul3A_45 = arith.muli %scan3A_41, %mul3A_44 : i32
      %add3A_46 = arith.addi %mul3A_43, %mul3A_45 : i32
      "tpu.region"() ({
        %run_scoped3A_62 = tpu.sem_alloc : memref<!tpu.dma_semaphore, #tpu.memory_space<semaphore_mem>>
        %dma_start3A_63 = tpu.memref_slice %arg3[%add3A_46] : memref<655360xi32, #tpu.memory_space<hbm>> -> memref<128xi32, #tpu.memory_space<hbm>>
        %dma_start3A_64 = tpu.memref_slice %arg3[%add3A_46] : memref<655360xi32, #tpu.memory_space<hbm>> -> memref<128xi32, #tpu.memory_space<hbm>>
        tpu.enqueue_dma source(%dma_start3A_64 : memref<128xi32, #tpu.memory_space<hbm>>) target(%arg6 : memref<128xi32, #tpu.memory_space<vmem>>) target_semaphore(%run_scoped3A_62 : memref<!tpu.dma_semaphore, #tpu.memory_space<semaphore_mem>>)
        %dma_wait3A_65 = tpu.memref_slice %arg3[%add3A_46] : memref<655360xi32, #tpu.memory_space<hbm>> -> memref<128xi32, #tpu.memory_space<hbm>>
        %dma_wait3A_66 = tpu.memref_slice %arg3[%add3A_46] : memref<655360xi32, #tpu.memory_space<hbm>> -> memref<128xi32, #tpu.memory_space<hbm>>
        tpu.wait_dma2 semaphore(%run_scoped3A_62 : memref<!tpu.dma_semaphore, #tpu.memory_space<semaphore_mem>>) src(%dma_wait3A_66 : memref<128xi32, #tpu.memory_space<hbm>>) dst(%arg6 : memref<128xi32, #tpu.memory_space<vmem>>)
        tpu.yield
      }) : () -> ()
      "tpu.region"() ({
        %run_scoped3A_62 = tpu.sem_alloc : memref<!tpu.dma_semaphore, #tpu.memory_space<semaphore_mem>>
        %dma_start3A_63 = tpu.memref_slice %arg4[%add3A_46] : memref<655360xi32, #tpu.memory_space<hbm>> -> memref<128xi32, #tpu.memory_space<hbm>>
        %dma_start3A_64 = tpu.memref_slice %arg4[%add3A_46] : memref<655360xi32, #tpu.memory_space<hbm>> -> memref<128xi32, #tpu.memory_space<hbm>>
        tpu.enqueue_dma source(%dma_start3A_64 : memref<128xi32, #tpu.memory_space<hbm>>) target(%arg7 : memref<128xi32, #tpu.memory_space<vmem>>) target_semaphore(%run_scoped3A_62 : memref<!tpu.dma_semaphore, #tpu.memory_space<semaphore_mem>>)
        %dma_wait3A_65 = tpu.memref_slice %arg4[%add3A_46] : memref<655360xi32, #tpu.memory_space<hbm>> -> memref<128xi32, #tpu.memory_space<hbm>>
        %dma_wait3A_66 = tpu.memref_slice %arg4[%add3A_46] : memref<655360xi32, #tpu.memory_space<hbm>> -> memref<128xi32, #tpu.memory_space<hbm>>
        tpu.wait_dma2 semaphore(%run_scoped3A_62 : memref<!tpu.dma_semaphore, #tpu.memory_space<semaphore_mem>>) src(%dma_wait3A_66 : memref<128xi32, #tpu.memory_space<hbm>>) dst(%arg7 : memref<128xi32, #tpu.memory_space<vmem>>)
        tpu.yield
      }) : () -> ()
      %dma_start3A = arith.constant 0 : i32
      %dma_start3A_47 = arith.constant 0 : i32
      %dma_start3A_48 = arith.constant 0 : i32
      %dma_start3A_49 = tpu.memref_slice %arg8[%dma_start3A, %dma_start3A_47, %dma_start3A_48] : memref<1x128x128xf32, #tpu.memory_space<vmem>> -> memref<1x128x128xf32, #tpu.memory_space<vmem>>
      %dma_start3A_50 = tpu.memref_squeeze %dma_start3A_49 : memref<1x128x128xf32, #tpu.memory_space<vmem>> -> memref<128x128xf32, #tpu.memory_space<vmem>>
      %dma_start3A_51 = arith.constant 0 : i32
      %dma_start3A_52 = arith.constant 0 : i32
      %dma_start3A_53 = tpu.memref_slice %arg2[%dma_start3A_51, %dma_start3A_52] : memref<10000x128xf32, #tpu.memory_space<hbm>> -> memref<10000x128xf32, #tpu.memory_space<hbm>>
      tpu.enqueue_indirect_dma source(%dma_start3A_53 : memref<10000x128xf32, #tpu.memory_space<hbm>>) target(%dma_start3A_50 : memref<128x128xf32, #tpu.memory_space<vmem>>) offsets(%arg6 : memref<128xi32, #tpu.memory_space<vmem>>) semaphore(%arg10 : memref<!tpu.dma_semaphore, #tpu.memory_space<semaphore_mem>>)
      %dma_wait3A = arith.constant 0 : i32
      %dma_wait3A_54 = arith.constant 0 : i32
      %dma_wait3A_55 = arith.constant 0 : i32
      %dma_wait3A_56 = tpu.memref_slice %arg8[%dma_wait3A, %dma_wait3A_54, %dma_wait3A_55] : memref<1x128x128xf32, #tpu.memory_space<vmem>> -> memref<1x128x128xf32, #tpu.memory_space<vmem>>
      %dma_wait3A_57 = tpu.memref_squeeze %dma_wait3A_56 : memref<1x128x128xf32, #tpu.memory_space<vmem>> -> memref<128x128xf32, #tpu.memory_space<vmem>>
      %dma_wait3A_58 = arith.constant 0 : i32
      %dma_wait3A_59 = arith.constant 0 : i32
      %dma_wait3A_60 = tpu.memref_slice %arg2[%dma_wait3A_58, %dma_wait3A_59] : memref<10000x128xf32, #tpu.memory_space<hbm>> -> memref<10000x128xf32, #tpu.memory_space<hbm>>
      tpu.wait_indirect_dma semaphore(%arg10 : memref<!tpu.dma_semaphore, #tpu.memory_space<semaphore_mem>>) src(%dma_wait3A_60 : memref<10000x128xf32, #tpu.memory_space<hbm>>) dst(%dma_wait3A_57 : memref<128x128xf32, #tpu.memory_space<vmem>>)
      %run_scoped3A_61 = arith.constant 0 : i32
      "tpu.region"() ({
        %run_scoped3A_62 = tpu.sem_alloc : memref<!tpu.dma_semaphore, #tpu.memory_space<semaphore_mem>>
        %dma_start3A_63 = arith.constant 0 : i32
        %dma_start3A_64 = arith.constant 0 : i32
        %dma_start3A_65 = tpu.memref_slice %arg8[%run_scoped3A_61, %dma_start3A_63, %dma_start3A_64] : memref<1x128x128xf32, #tpu.memory_space<vmem>> -> memref<1x128x128xf32, #tpu.memory_space<vmem>>
        %dma_start3A_66 = tpu.memref_squeeze %dma_start3A_65 : memref<1x128x128xf32, #tpu.memory_space<vmem>> -> memref<128x128xf32, #tpu.memory_space<vmem>>
        %dma_start3A_67 = arith.constant 0 : i32
        %dma_start3A_68 = arith.constant 0 : i32
        %dma_start3A_69 = tpu.memref_slice %arg9[%dma_start3A_67, %dma_start3A_68] : memref<10240x128xf32, #tpu.memory_space<vmem_shared>> -> memref<10240x128xf32, #tpu.memory_space<vmem_shared>>
        tpu.enqueue_indirect_dma source(%dma_start3A_66 : memref<128x128xf32, #tpu.memory_space<vmem>>) target(%dma_start3A_69 : memref<10240x128xf32, #tpu.memory_space<vmem_shared>>) offsets(%arg7 : memref<128xi32, #tpu.memory_space<vmem>>) semaphore(%run_scoped3A_62 : memref<!tpu.dma_semaphore, #tpu.memory_space<semaphore_mem>>) {add = true}
        %dma_wait3A_70 = arith.constant 0 : i32
        %dma_wait3A_71 = arith.constant 0 : i32
        %dma_wait3A_72 = tpu.memref_slice %arg8[%run_scoped3A_61, %dma_wait3A_70, %dma_wait3A_71] : memref<1x128x128xf32, #tpu.memory_space<vmem>> -> memref<1x128x128xf32, #tpu.memory_space<vmem>>
        %dma_wait3A_73 = tpu.memref_squeeze %dma_wait3A_72 : memref<1x128x128xf32, #tpu.memory_space<vmem>> -> memref<128x128xf32, #tpu.memory_space<vmem>>
        %dma_wait3A_74 = arith.constant 0 : i32
        %dma_wait3A_75 = arith.constant 0 : i32
        %dma_wait3A_76 = tpu.memref_slice %arg9[%dma_wait3A_74, %dma_wait3A_75] : memref<10240x128xf32, #tpu.memory_space<vmem_shared>> -> memref<10240x128xf32, #tpu.memory_space<vmem_shared>>
        tpu.wait_indirect_dma semaphore(%run_scoped3A_62 : memref<!tpu.dma_semaphore, #tpu.memory_space<semaphore_mem>>) src(%dma_wait3A_73 : memref<128x128xf32, #tpu.memory_space<vmem>>) dst(%dma_wait3A_76 : memref<10240x128xf32, #tpu.memory_space<vmem_shared>>)
        tpu.yield
      }) : () -> ()
    }
    %scan3A_35 = arith.constant 160 : i32
    %barrier3A_36 = arith.constant 0 : index
    tpu.barrier barrier_id(%barrier3A_36)
    %mul3A_37 = arith.constant 640 : i32
    %mul3A_38 = arith.muli %arg1, %mul3A_37 : i32
    %mul3A_39 = arith.constant 640 : i32
    %mul3A_40 = arith.muli %arg1, %mul3A_39 : i32
    "tpu.region"() ({
      %run_scoped3A_41 = tpu.sem_alloc : memref<!tpu.dma_semaphore, #tpu.memory_space<semaphore_mem>>
      %dma_start3A = arith.constant 0 : i32
      %dma_start3A_42 = tpu.memref_slice %arg5[%arg0, %mul3A_40, %dma_start3A] : memref<2x10240x128xf32, #tpu.memory_space<hbm>> -> memref<1x640x128xf32, #tpu.memory_space<hbm>>
      %dma_start3A_43 = tpu.memref_squeeze %dma_start3A_42 : memref<1x640x128xf32, #tpu.memory_space<hbm>> -> memref<640x128xf32, #tpu.memory_space<hbm>>
      %dma_start3A_44 = arith.constant 0 : i32
      %dma_start3A_45 = tpu.memref_slice %arg9[%mul3A_38, %dma_start3A_44] : memref<10240x128xf32, #tpu.memory_space<vmem_shared>> -> memref<640x128xf32, #tpu.memory_space<vmem_shared>>
      tpu.enqueue_dma source(%dma_start3A_45 : memref<640x128xf32, #tpu.memory_space<vmem_shared>>) target(%dma_start3A_43 : memref<640x128xf32, #tpu.memory_space<hbm>>) target_semaphore(%run_scoped3A_41 : memref<!tpu.dma_semaphore, #tpu.memory_space<semaphore_mem>>)
      %dma_wait3A = arith.constant 0 : i32
      %dma_wait3A_46 = tpu.memref_slice %arg5[%arg0, %mul3A_40, %dma_wait3A] : memref<2x10240x128xf32, #tpu.memory_space<hbm>> -> memref<1x640x128xf32, #tpu.memory_space<hbm>>
      %dma_wait3A_47 = tpu.memref_squeeze %dma_wait3A_46 : memref<1x640x128xf32, #tpu.memory_space<hbm>> -> memref<640x128xf32, #tpu.memory_space<hbm>>
      %dma_wait3A_48 = arith.constant 0 : i32
      %dma_wait3A_49 = tpu.memref_slice %arg9[%mul3A_38, %dma_wait3A_48] : memref<10240x128xf32, #tpu.memory_space<vmem_shared>> -> memref<640x128xf32, #tpu.memory_space<vmem_shared>>
      tpu.wait_dma2 semaphore(%run_scoped3A_41 : memref<!tpu.dma_semaphore, #tpu.memory_space<semaphore_mem>>) src(%dma_wait3A_49 : memref<640x128xf32, #tpu.memory_space<vmem_shared>>) dst(%dma_wait3A_47 : memref<640x128xf32, #tpu.memory_space<hbm>>)
      tpu.yield
    }) : () -> ()
    return
  }
}

#map = affine_map<(d0, d1) -> (0)>
#map1 = affine_map<(d0, d1) -> (0, 0, 0)>
module attributes {stable_mosaic.version = 14 : i64} {
  func.func @_sc_deg_body(%arg0: i32, %arg1: i32, %arg2: memref<200704xi32, #tpu.memory_space<hbm>>, %arg3: memref<102400xi32, #tpu.memory_space<hbm>>, %arg4: memref<2x1x8192xf32, #tpu.memory_space<hbm>>, %arg5: memref<128xi32, #tpu.memory_space<vmem>>, %arg6: memref<80128xf32, #tpu.memory_space<vmem>>, %arg7: memref<8192xf32, #tpu.memory_space<vmem>>, %arg8: memref<8192xf32, #tpu.memory_space<vmem>>, %arg9: memref<512xf32, #tpu.memory_space<vmem>>, %arg10: memref<16x8192xf32, #tpu.memory_space<vmem_shared>>) attributes {dimension_semantics = [#tpu.dimension_semantics<core_parallel>, #tpu.dimension_semantics<subcore_parallel>], iteration_bounds = array<i64: 2, 16>, scalar_prefetch = 0 : i64, scratch_operands = 6 : i64, tpu.core_type = #tpu.core_type<sc_vector_subcore>, window_params = [{transform_indices = #map}, {transform_indices = #map}, {transform_indices = #map1}]} {
    %mul3A = arith.constant 16 : i32
    %mul3A_0 = arith.muli %arg0, %mul3A : i32
    %add3A = arith.addi %mul3A_0, %arg1 : i32
    %iota3A = tpu.iota {dimensions = array<i32: 0>} : vector<16xi32>
    %broadcast_in_dim3A = arith.constant 1.000000e+00 : f32
    %broadcast_in_dim3A_1 = vector.broadcast %broadcast_in_dim3A : f32 to vector<16xf32>
    %scan3A = arith.constant 0 : i32
    %scan3A_2 = arith.constant 0 : i32
    %scan3A_3 = arith.constant 313 : i32
    %scan3A_4 = arith.addi %scan3A_2, %scan3A_3 : i32
    %scan3A_5 = arith.constant 1 : i32
    scf.for %scan3A_99 = %scan3A_2 to %scan3A_4 step %scan3A_5  : i32 {
      %broadcast_in_dim3A_100 = arith.constant 0.000000e+00 : f32
      %broadcast_in_dim3A_101 = vector.broadcast %broadcast_in_dim3A_100 : f32 to vector<16xf32>
      %mul3A_102 = arith.constant 16 : i32
      %mul3A_103 = arith.muli %scan3A_99, %mul3A_102 : i32
      %add3A_104 = arith.constant 0 : i32
      %add3A_105 = arith.addi %add3A_104, %mul3A_103 : i32
      %swap3A = arith.index_cast %add3A_105 : i32 to index
      %swap3A_106 = tpu.vector_load %arg6[%swap3A] {strides = array<i32>} : memref<80128xf32, #tpu.memory_space<vmem>>, vector<16xf32>,
      tpu.vector_store %arg6[%swap3A], %broadcast_in_dim3A_101 {strides = array<i32>} : memref<80128xf32, #tpu.memory_space<vmem>>, vector<16xf32>,
      %broadcast_in_dim3A_107 = arith.constant 0.000000e+00 : f32
      %broadcast_in_dim3A_108 = vector.broadcast %broadcast_in_dim3A_107 : f32 to vector<16xf32>
      %mul3A_109 = arith.constant 16 : i32
      %mul3A_110 = arith.muli %scan3A_99, %mul3A_109 : i32
      %add3A_111 = arith.constant 5008 : i32
      %add3A_112 = arith.addi %add3A_111, %mul3A_110 : i32
      %swap3A_113 = arith.index_cast %add3A_112 : i32 to index
      %swap3A_114 = tpu.vector_load %arg6[%swap3A_113] {strides = array<i32>} : memref<80128xf32, #tpu.memory_space<vmem>>, vector<16xf32>,
      tpu.vector_store %arg6[%swap3A_113], %broadcast_in_dim3A_108 {strides = array<i32>} : memref<80128xf32, #tpu.memory_space<vmem>>, vector<16xf32>,
      %broadcast_in_dim3A_115 = arith.constant 0.000000e+00 : f32
      %broadcast_in_dim3A_116 = vector.broadcast %broadcast_in_dim3A_115 : f32 to vector<16xf32>
      %mul3A_117 = arith.constant 16 : i32
      %mul3A_118 = arith.muli %scan3A_99, %mul3A_117 : i32
      %add3A_119 = arith.constant 10016 : i32
      %add3A_120 = arith.addi %add3A_119, %mul3A_118 : i32
      %swap3A_121 = arith.index_cast %add3A_120 : i32 to index
      %swap3A_122 = tpu.vector_load %arg6[%swap3A_121] {strides = array<i32>} : memref<80128xf32, #tpu.memory_space<vmem>>, vector<16xf32>,
      tpu.vector_store %arg6[%swap3A_121], %broadcast_in_dim3A_116 {strides = array<i32>} : memref<80128xf32, #tpu.memory_space<vmem>>, vector<16xf32>,
      %broadcast_in_dim3A_123 = arith.constant 0.000000e+00 : f32
      %broadcast_in_dim3A_124 = vector.broadcast %broadcast_in_dim3A_123 : f32 to vector<16xf32>
      %mul3A_125 = arith.constant 16 : i32
      %mul3A_126 = arith.muli %scan3A_99, %mul3A_125 : i32
      %add3A_127 = arith.constant 15024 : i32
      %add3A_128 = arith.addi %add3A_127, %mul3A_126 : i32
      %swap3A_129 = arith.index_cast %add3A_128 : i32 to index
      %swap3A_130 = tpu.vector_load %arg6[%swap3A_129] {strides = array<i32>} : memref<80128xf32, #tpu.memory_space<vmem>>, vector<16xf32>,
      tpu.vector_store %arg6[%swap3A_129], %broadcast_in_dim3A_124 {strides = array<i32>} : memref<80128xf32, #tpu.memory_space<vmem>>, vector<16xf32>,
      %broadcast_in_dim3A_131 = arith.constant 0.000000e+00 : f32
      %broadcast_in_dim3A_132 = vector.broadcast %broadcast_in_dim3A_131 : f32 to vector<16xf32>
      %mul3A_133 = arith.constant 16 : i32
      %mul3A_134 = arith.muli %scan3A_99, %mul3A_133 : i32
      %add3A_135 = arith.constant 20032 : i32
      %add3A_136 = arith.addi %add3A_135, %mul3A_134 : i32
      %swap3A_137 = arith.index_cast %add3A_136 : i32 to index
      %swap3A_138 = tpu.vector_load %arg6[%swap3A_137] {strides = array<i32>} : memref<80128xf32, #tpu.memory_space<vmem>>, vector<16xf32>,
      tpu.vector_store %arg6[%swap3A_137], %broadcast_in_dim3A_132 {strides = array<i32>} : memref<80128xf32, #tpu.memory_space<vmem>>, vector<16xf32>,
      %broadcast_in_dim3A_139 = arith.constant 0.000000e+00 : f32
      %broadcast_in_dim3A_140 = vector.broadcast %broadcast_in_dim3A_139 : f32 to vector<16xf32>
      %mul3A_141 = arith.constant 16 : i32
      %mul3A_142 = arith.muli %scan3A_99, %mul3A_141 : i32
      %add3A_143 = arith.constant 25040 : i32
      %add3A_144 = arith.addi %add3A_143, %mul3A_142 : i32
      %swap3A_145 = arith.index_cast %add3A_144 : i32 to index
      %swap3A_146 = tpu.vector_load %arg6[%swap3A_145] {strides = array<i32>} : memref<80128xf32, #tpu.memory_space<vmem>>, vector<16xf32>,
      tpu.vector_store %arg6[%swap3A_145], %broadcast_in_dim3A_140 {strides = array<i32>} : memref<80128xf32, #tpu.memory_space<vmem>>, vector<16xf32>,
      %broadcast_in_dim3A_147 = arith.constant 0.000000e+00 : f32
      %broadcast_in_dim3A_148 = vector.broadcast %broadcast_in_dim3A_147 : f32 to vector<16xf32>
      %mul3A_149 = arith.constant 16 : i32
      %mul3A_150 = arith.muli %scan3A_99, %mul3A_149 : i32
      %add3A_151 = arith.constant 30048 : i32
      %add3A_152 = arith.addi %add3A_151, %mul3A_150 : i32
      %swap3A_153 = arith.index_cast %add3A_152 : i32 to index
      %swap3A_154 = tpu.vector_load %arg6[%swap3A_153] {strides = array<i32>} : memref<80128xf32, #tpu.memory_space<vmem>>, vector<16xf32>,
      tpu.vector_store %arg6[%swap3A_153], %broadcast_in_dim3A_148 {strides = array<i32>} : memref<80128xf32, #tpu.memory_space<vmem>>, vector<16xf32>,
      %broadcast_in_dim3A_155 = arith.constant 0.000000e+00 : f32
      %broadcast_in_dim3A_156 = vector.broadcast %broadcast_in_dim3A_155 : f32 to vector<16xf32>
      %mul3A_157 = arith.constant 16 : i32
      %mul3A_158 = arith.muli %scan3A_99, %mul3A_157 : i32
      %add3A_159 = arith.constant 35056 : i32
      %add3A_160 = arith.addi %add3A_159, %mul3A_158 : i32
      %swap3A_161 = arith.index_cast %add3A_160 : i32 to index
      %swap3A_162 = tpu.vector_load %arg6[%swap3A_161] {strides = array<i32>} : memref<80128xf32, #tpu.memory_space<vmem>>, vector<16xf32>,
      tpu.vector_store %arg6[%swap3A_161], %broadcast_in_dim3A_156 {strides = array<i32>} : memref<80128xf32, #tpu.memory_space<vmem>>, vector<16xf32>,
      %broadcast_in_dim3A_163 = arith.constant 0.000000e+00 : f32
      %broadcast_in_dim3A_164 = vector.broadcast %broadcast_in_dim3A_163 : f32 to vector<16xf32>
      %mul3A_165 = arith.constant 16 : i32
      %mul3A_166 = arith.muli %scan3A_99, %mul3A_165 : i32
      %add3A_167 = arith.constant 40064 : i32
      %add3A_168 = arith.addi %add3A_167, %mul3A_166 : i32
      %swap3A_169 = arith.index_cast %add3A_168 : i32 to index
      %swap3A_170 = tpu.vector_load %arg6[%swap3A_169] {strides = array<i32>} : memref<80128xf32, #tpu.memory_space<vmem>>, vector<16xf32>,
      tpu.vector_store %arg6[%swap3A_169], %broadcast_in_dim3A_164 {strides = array<i32>} : memref<80128xf32, #tpu.memory_space<vmem>>, vector<16xf32>,
      %broadcast_in_dim3A_171 = arith.constant 0.000000e+00 : f32
      %broadcast_in_dim3A_172 = vector.broadcast %broadcast_in_dim3A_171 : f32 to vector<16xf32>
      %mul3A_173 = arith.constant 16 : i32
      %mul3A_174 = arith.muli %scan3A_99, %mul3A_173 : i32
      %add3A_175 = arith.constant 45072 : i32
      %add3A_176 = arith.addi %add3A_175, %mul3A_174 : i32
      %swap3A_177 = arith.index_cast %add3A_176 : i32 to index
      %swap3A_178 = tpu.vector_load %arg6[%swap3A_177] {strides = array<i32>} : memref<80128xf32, #tpu.memory_space<vmem>>, vector<16xf32>,
      tpu.vector_store %arg6[%swap3A_177], %broadcast_in_dim3A_172 {strides = array<i32>} : memref<80128xf32, #tpu.memory_space<vmem>>, vector<16xf32>,
      %broadcast_in_dim3A_179 = arith.constant 0.000000e+00 : f32
      %broadcast_in_dim3A_180 = vector.broadcast %broadcast_in_dim3A_179 : f32 to vector<16xf32>
      %mul3A_181 = arith.constant 16 : i32
      %mul3A_182 = arith.muli %scan3A_99, %mul3A_181 : i32
      %add3A_183 = arith.constant 50080 : i32
      %add3A_184 = arith.addi %add3A_183, %mul3A_182 : i32
      %swap3A_185 = arith.index_cast %add3A_184 : i32 to index
      %swap3A_186 = tpu.vector_load %arg6[%swap3A_185] {strides = array<i32>} : memref<80128xf32, #tpu.memory_space<vmem>>, vector<16xf32>,
      tpu.vector_store %arg6[%swap3A_185], %broadcast_in_dim3A_180 {strides = array<i32>} : memref<80128xf32, #tpu.memory_space<vmem>>, vector<16xf32>,
      %broadcast_in_dim3A_187 = arith.constant 0.000000e+00 : f32
      %broadcast_in_dim3A_188 = vector.broadcast %broadcast_in_dim3A_187 : f32 to vector<16xf32>
      %mul3A_189 = arith.constant 16 : i32
      %mul3A_190 = arith.muli %scan3A_99, %mul3A_189 : i32
      %add3A_191 = arith.constant 55088 : i32
      %add3A_192 = arith.addi %add3A_191, %mul3A_190 : i32
      %swap3A_193 = arith.index_cast %add3A_192 : i32 to index
      %swap3A_194 = tpu.vector_load %arg6[%swap3A_193] {strides = array<i32>} : memref<80128xf32, #tpu.memory_space<vmem>>, vector<16xf32>,
      tpu.vector_store %arg6[%swap3A_193], %broadcast_in_dim3A_188 {strides = array<i32>} : memref<80128xf32, #tpu.memory_space<vmem>>, vector<16xf32>,
      %broadcast_in_dim3A_195 = arith.constant 0.000000e+00 : f32
      %broadcast_in_dim3A_196 = vector.broadcast %broadcast_in_dim3A_195 : f32 to vector<16xf32>
      %mul3A_197 = arith.constant 16 : i32
      %mul3A_198 = arith.muli %scan3A_99, %mul3A_197 : i32
      %add3A_199 = arith.constant 60096 : i32
      %add3A_200 = arith.addi %add3A_199, %mul3A_198 : i32
      %swap3A_201 = arith.index_cast %add3A_200 : i32 to index
      %swap3A_202 = tpu.vector_load %arg6[%swap3A_201] {strides = array<i32>} : memref<80128xf32, #tpu.memory_space<vmem>>, vector<16xf32>,
      tpu.vector_store %arg6[%swap3A_201], %broadcast_in_dim3A_196 {strides = array<i32>} : memref<80128xf32, #tpu.memory_space<vmem>>, vector<16xf32>,
      %broadcast_in_dim3A_203 = arith.constant 0.000000e+00 : f32
      %broadcast_in_dim3A_204 = vector.broadcast %broadcast_in_dim3A_203 : f32 to vector<16xf32>
      %mul3A_205 = arith.constant 16 : i32
      %mul3A_206 = arith.muli %scan3A_99, %mul3A_205 : i32
      %add3A_207 = arith.constant 65104 : i32
      %add3A_208 = arith.addi %add3A_207, %mul3A_206 : i32
      %swap3A_209 = arith.index_cast %add3A_208 : i32 to index
      %swap3A_210 = tpu.vector_load %arg6[%swap3A_209] {strides = array<i32>} : memref<80128xf32, #tpu.memory_space<vmem>>, vector<16xf32>,
      tpu.vector_store %arg6[%swap3A_209], %broadcast_in_dim3A_204 {strides = array<i32>} : memref<80128xf32, #tpu.memory_space<vmem>>, vector<16xf32>,
      %broadcast_in_dim3A_211 = arith.constant 0.000000e+00 : f32
      %broadcast_in_dim3A_212 = vector.broadcast %broadcast_in_dim3A_211 : f32 to vector<16xf32>
      %mul3A_213 = arith.constant 16 : i32
      %mul3A_214 = arith.muli %scan3A_99, %mul3A_213 : i32
      %add3A_215 = arith.constant 70112 : i32
      %add3A_216 = arith.addi %add3A_215, %mul3A_214 : i32
      %swap3A_217 = arith.index_cast %add3A_216 : i32 to index
      %swap3A_218 = tpu.vector_load %arg6[%swap3A_217] {strides = array<i32>} : memref<80128xf32, #tpu.memory_space<vmem>>, vector<16xf32>,
      tpu.vector_store %arg6[%swap3A_217], %broadcast_in_dim3A_212 {strides = array<i32>} : memref<80128xf32, #tpu.memory_space<vmem>>, vector<16xf32>,
      %broadcast_in_dim3A_219 = arith.constant 0.000000e+00 : f32
      %broadcast_in_dim3A_220 = vector.broadcast %broadcast_in_dim3A_219 : f32 to vector<16xf32>
      %mul3A_221 = arith.constant 16 : i32
      %mul3A_222 = arith.muli %scan3A_99, %mul3A_221 : i32
      %add3A_223 = arith.constant 75120 : i32
      %add3A_224 = arith.addi %add3A_223, %mul3A_222 : i32
      %swap3A_225 = arith.index_cast %add3A_224 : i32 to index
      %swap3A_226 = tpu.vector_load %arg6[%swap3A_225] {strides = array<i32>} : memref<80128xf32, #tpu.memory_space<vmem>>, vector<16xf32>,
      tpu.vector_store %arg6[%swap3A_225], %broadcast_in_dim3A_220 {strides = array<i32>} : memref<80128xf32, #tpu.memory_space<vmem>>, vector<16xf32>,
    }
    %scan3A_6 = arith.constant 313 : i32
    %scan3A_7 = arith.constant 0 : i32
    %scan3A_8 = arith.constant 0 : i32
    %scan3A_9 = arith.constant 49 : i32
    %scan3A_10 = arith.addi %scan3A_8, %scan3A_9 : i32
    %scan3A_11 = arith.constant 1 : i32
    scf.for %scan3A_99 = %scan3A_8 to %scan3A_10 step %scan3A_11  : i32 {
      %mul3A_100 = arith.constant 6272 : i32
      %mul3A_101 = arith.muli %add3A, %mul3A_100 : i32
      %mul3A_102 = arith.constant 128 : i32
      %mul3A_103 = arith.muli %scan3A_99, %mul3A_102 : i32
      %add3A_104 = arith.addi %mul3A_101, %mul3A_103 : i32
      "tpu.region"() ({
        %run_scoped3A_152 = tpu.sem_alloc : memref<!tpu.dma_semaphore, #tpu.memory_space<semaphore_mem>>
        %dma_start3A = tpu.memref_slice %arg2[%add3A_104] : memref<200704xi32, #tpu.memory_space<hbm>> -> memref<128xi32, #tpu.memory_space<hbm>>
        %dma_start3A_153 = tpu.memref_slice %arg2[%add3A_104] : memref<200704xi32, #tpu.memory_space<hbm>> -> memref<128xi32, #tpu.memory_space<hbm>>
        tpu.enqueue_dma source(%dma_start3A_153 : memref<128xi32, #tpu.memory_space<hbm>>) target(%arg5 : memref<128xi32, #tpu.memory_space<vmem>>) target_semaphore(%run_scoped3A_152 : memref<!tpu.dma_semaphore, #tpu.memory_space<semaphore_mem>>)
        %dma_wait3A = tpu.memref_slice %arg2[%add3A_104] : memref<200704xi32, #tpu.memory_space<hbm>> -> memref<128xi32, #tpu.memory_space<hbm>>
        %dma_wait3A_154 = tpu.memref_slice %arg2[%add3A_104] : memref<200704xi32, #tpu.memory_space<hbm>> -> memref<128xi32, #tpu.memory_space<hbm>>
        tpu.wait_dma2 semaphore(%run_scoped3A_152 : memref<!tpu.dma_semaphore, #tpu.memory_space<semaphore_mem>>) src(%dma_wait3A_154 : memref<128xi32, #tpu.memory_space<hbm>>) dst(%arg5 : memref<128xi32, #tpu.memory_space<vmem>>)
        tpu.yield
      }) : () -> ()
      %get3A = arith.constant 0 : index
      %get3A_105 = tpu.vector_load %arg5[%get3A] {strides = array<i32>} : memref<128xi32, #tpu.memory_space<vmem>>, vector<16xi32>,
      %mul3A_106 = arith.constant 5008 : i32
      %mul3A_107 = vector.broadcast %mul3A_106 : i32 to vector<16xi32>
      %mul3A_108 = arith.muli %iota3A, %mul3A_107 : vector<16xi32>
      %add3A_109 = arith.addi %mul3A_108, %get3A_105 : vector<16xi32>
      tpu.vector_store_idx %arg6[%add3A_109], %broadcast_in_dim3A_1 {add = true} : memref<80128xf32, #tpu.memory_space<vmem>>[vector<16xi32>], vector<16xf32>,
      %get3A_110 = arith.constant 16 : index
      %get3A_111 = tpu.vector_load %arg5[%get3A_110] {strides = array<i32>} : memref<128xi32, #tpu.memory_space<vmem>>, vector<16xi32>,
      %mul3A_112 = arith.constant 5008 : i32
      %mul3A_113 = vector.broadcast %mul3A_112 : i32 to vector<16xi32>
      %mul3A_114 = arith.muli %iota3A, %mul3A_113 : vector<16xi32>
      %add3A_115 = arith.addi %mul3A_114, %get3A_111 : vector<16xi32>
      tpu.vector_store_idx %arg6[%add3A_115], %broadcast_in_dim3A_1 {add = true} : memref<80128xf32, #tpu.memory_space<vmem>>[vector<16xi32>], vector<16xf32>,
      %get3A_116 = arith.constant 32 : index
      %get3A_117 = tpu.vector_load %arg5[%get3A_116] {strides = array<i32>} : memref<128xi32, #tpu.memory_space<vmem>>, vector<16xi32>,
      %mul3A_118 = arith.constant 5008 : i32
      %mul3A_119 = vector.broadcast %mul3A_118 : i32 to vector<16xi32>
      %mul3A_120 = arith.muli %iota3A, %mul3A_119 : vector<16xi32>
      %add3A_121 = arith.addi %mul3A_120, %get3A_117 : vector<16xi32>
      tpu.vector_store_idx %arg6[%add3A_121], %broadcast_in_dim3A_1 {add = true} : memref<80128xf32, #tpu.memory_space<vmem>>[vector<16xi32>], vector<16xf32>,
      %get3A_122 = arith.constant 48 : index
      %get3A_123 = tpu.vector_load %arg5[%get3A_122] {strides = array<i32>} : memref<128xi32, #tpu.memory_space<vmem>>, vector<16xi32>,
      %mul3A_124 = arith.constant 5008 : i32
      %mul3A_125 = vector.broadcast %mul3A_124 : i32 to vector<16xi32>
      %mul3A_126 = arith.muli %iota3A, %mul3A_125 : vector<16xi32>
      %add3A_127 = arith.addi %mul3A_126, %get3A_123 : vector<16xi32>
      tpu.vector_store_idx %arg6[%add3A_127], %broadcast_in_dim3A_1 {add = true} : memref<80128xf32, #tpu.memory_space<vmem>>[vector<16xi32>], vector<16xf32>,
      %get3A_128 = arith.constant 64 : index
      %get3A_129 = tpu.vector_load %arg5[%get3A_128] {strides = array<i32>} : memref<128xi32, #tpu.memory_space<vmem>>, vector<16xi32>,
      %mul3A_130 = arith.constant 5008 : i32
      %mul3A_131 = vector.broadcast %mul3A_130 : i32 to vector<16xi32>
      %mul3A_132 = arith.muli %iota3A, %mul3A_131 : vector<16xi32>
      %add3A_133 = arith.addi %mul3A_132, %get3A_129 : vector<16xi32>
      tpu.vector_store_idx %arg6[%add3A_133], %broadcast_in_dim3A_1 {add = true} : memref<80128xf32, #tpu.memory_space<vmem>>[vector<16xi32>], vector<16xf32>,
      %get3A_134 = arith.constant 80 : index
      %get3A_135 = tpu.vector_load %arg5[%get3A_134] {strides = array<i32>} : memref<128xi32, #tpu.memory_space<vmem>>, vector<16xi32>,
      %mul3A_136 = arith.constant 5008 : i32
      %mul3A_137 = vector.broadcast %mul3A_136 : i32 to vector<16xi32>
      %mul3A_138 = arith.muli %iota3A, %mul3A_137 : vector<16xi32>
      %add3A_139 = arith.addi %mul3A_138, %get3A_135 : vector<16xi32>
      tpu.vector_store_idx %arg6[%add3A_139], %broadcast_in_dim3A_1 {add = true} : memref<80128xf32, #tpu.memory_space<vmem>>[vector<16xi32>], vector<16xf32>,
      %get3A_140 = arith.constant 96 : index
      %get3A_141 = tpu.vector_load %arg5[%get3A_140] {strides = array<i32>} : memref<128xi32, #tpu.memory_space<vmem>>, vector<16xi32>,
      %mul3A_142 = arith.constant 5008 : i32
      %mul3A_143 = vector.broadcast %mul3A_142 : i32 to vector<16xi32>
      %mul3A_144 = arith.muli %iota3A, %mul3A_143 : vector<16xi32>
      %add3A_145 = arith.addi %mul3A_144, %get3A_141 : vector<16xi32>
      tpu.vector_store_idx %arg6[%add3A_145], %broadcast_in_dim3A_1 {add = true} : memref<80128xf32, #tpu.memory_space<vmem>>[vector<16xi32>], vector<16xf32>,
      %get3A_146 = arith.constant 112 : index
      %get3A_147 = tpu.vector_load %arg5[%get3A_146] {strides = array<i32>} : memref<128xi32, #tpu.memory_space<vmem>>, vector<16xi32>,
      %mul3A_148 = arith.constant 5008 : i32
      %mul3A_149 = vector.broadcast %mul3A_148 : i32 to vector<16xi32>
      %mul3A_150 = arith.muli %iota3A, %mul3A_149 : vector<16xi32>
      %add3A_151 = arith.addi %mul3A_150, %get3A_147 : vector<16xi32>
      tpu.vector_store_idx %arg6[%add3A_151], %broadcast_in_dim3A_1 {add = true} : memref<80128xf32, #tpu.memory_space<vmem>>[vector<16xi32>], vector<16xf32>,
    }
    %scan3A_12 = arith.constant 49 : i32
    %scan3A_13 = arith.constant 0 : i32
    %scan3A_14 = arith.constant 0 : i32
    %scan3A_15 = arith.constant 313 : i32
    %scan3A_16 = arith.addi %scan3A_14, %scan3A_15 : i32
    %scan3A_17 = arith.constant 1 : i32
    scf.for %scan3A_99 = %scan3A_14 to %scan3A_16 step %scan3A_17  : i32 {
      %mul3A_100 = arith.constant 16 : i32
      %mul3A_101 = arith.muli %scan3A_99, %mul3A_100 : i32
      %get3A = arith.index_cast %mul3A_101 : i32 to index
      %get3A_102 = tpu.vector_load %arg6[%get3A] {strides = array<i32>} : memref<80128xf32, #tpu.memory_space<vmem>>, vector<16xf32>,
      %mul3A_103 = arith.constant 16 : i32
      %mul3A_104 = arith.muli %scan3A_99, %mul3A_103 : i32
      %add3A_105 = arith.constant 5008 : i32
      %add3A_106 = arith.addi %add3A_105, %mul3A_104 : i32
      %get3A_107 = arith.index_cast %add3A_106 : i32 to index
      %get3A_108 = tpu.vector_load %arg6[%get3A_107] {strides = array<i32>} : memref<80128xf32, #tpu.memory_space<vmem>>, vector<16xf32>,
      %add3A_109 = arith.addf %get3A_102, %get3A_108 : vector<16xf32>
      %mul3A_110 = arith.constant 16 : i32
      %mul3A_111 = arith.muli %scan3A_99, %mul3A_110 : i32
      %add3A_112 = arith.constant 10016 : i32
      %add3A_113 = arith.addi %add3A_112, %mul3A_111 : i32
      %get3A_114 = arith.index_cast %add3A_113 : i32 to index
      %get3A_115 = tpu.vector_load %arg6[%get3A_114] {strides = array<i32>} : memref<80128xf32, #tpu.memory_space<vmem>>, vector<16xf32>,
      %add3A_116 = arith.addf %add3A_109, %get3A_115 : vector<16xf32>
      %mul3A_117 = arith.constant 16 : i32
      %mul3A_118 = arith.muli %scan3A_99, %mul3A_117 : i32
      %add3A_119 = arith.constant 15024 : i32
      %add3A_120 = arith.addi %add3A_119, %mul3A_118 : i32
      %get3A_121 = arith.index_cast %add3A_120 : i32 to index
      %get3A_122 = tpu.vector_load %arg6[%get3A_121] {strides = array<i32>} : memref<80128xf32, #tpu.memory_space<vmem>>, vector<16xf32>,
      %add3A_123 = arith.addf %add3A_116, %get3A_122 : vector<16xf32>
      %mul3A_124 = arith.constant 16 : i32
      %mul3A_125 = arith.muli %scan3A_99, %mul3A_124 : i32
      %add3A_126 = arith.constant 20032 : i32
      %add3A_127 = arith.addi %add3A_126, %mul3A_125 : i32
      %get3A_128 = arith.index_cast %add3A_127 : i32 to index
      %get3A_129 = tpu.vector_load %arg6[%get3A_128] {strides = array<i32>} : memref<80128xf32, #tpu.memory_space<vmem>>, vector<16xf32>,
      %add3A_130 = arith.addf %add3A_123, %get3A_129 : vector<16xf32>
      %mul3A_131 = arith.constant 16 : i32
      %mul3A_132 = arith.muli %scan3A_99, %mul3A_131 : i32
      %add3A_133 = arith.constant 25040 : i32
      %add3A_134 = arith.addi %add3A_133, %mul3A_132 : i32
      %get3A_135 = arith.index_cast %add3A_134 : i32 to index
      %get3A_136 = tpu.vector_load %arg6[%get3A_135] {strides = array<i32>} : memref<80128xf32, #tpu.memory_space<vmem>>, vector<16xf32>,
      %add3A_137 = arith.addf %add3A_130, %get3A_136 : vector<16xf32>
      %mul3A_138 = arith.constant 16 : i32
      %mul3A_139 = arith.muli %scan3A_99, %mul3A_138 : i32
      %add3A_140 = arith.constant 30048 : i32
      %add3A_141 = arith.addi %add3A_140, %mul3A_139 : i32
      %get3A_142 = arith.index_cast %add3A_141 : i32 to index
      %get3A_143 = tpu.vector_load %arg6[%get3A_142] {strides = array<i32>} : memref<80128xf32, #tpu.memory_space<vmem>>, vector<16xf32>,
      %add3A_144 = arith.addf %add3A_137, %get3A_143 : vector<16xf32>
      %mul3A_145 = arith.constant 16 : i32
      %mul3A_146 = arith.muli %scan3A_99, %mul3A_145 : i32
      %add3A_147 = arith.constant 35056 : i32
      %add3A_148 = arith.addi %add3A_147, %mul3A_146 : i32
      %get3A_149 = arith.index_cast %add3A_148 : i32 to index
      %get3A_150 = tpu.vector_load %arg6[%get3A_149] {strides = array<i32>} : memref<80128xf32, #tpu.memory_space<vmem>>, vector<16xf32>,
      %add3A_151 = arith.addf %add3A_144, %get3A_150 : vector<16xf32>
      %mul3A_152 = arith.constant 16 : i32
      %mul3A_153 = arith.muli %scan3A_99, %mul3A_152 : i32
      %add3A_154 = arith.constant 40064 : i32
      %add3A_155 = arith.addi %add3A_154, %mul3A_153 : i32
      %get3A_156 = arith.index_cast %add3A_155 : i32 to index
      %get3A_157 = tpu.vector_load %arg6[%get3A_156] {strides = array<i32>} : memref<80128xf32, #tpu.memory_space<vmem>>, vector<16xf32>,
      %add3A_158 = arith.addf %add3A_151, %get3A_157 : vector<16xf32>
      %mul3A_159 = arith.constant 16 : i32
      %mul3A_160 = arith.muli %scan3A_99, %mul3A_159 : i32
      %add3A_161 = arith.constant 45072 : i32
      %add3A_162 = arith.addi %add3A_161, %mul3A_160 : i32
      %get3A_163 = arith.index_cast %add3A_162 : i32 to index
      %get3A_164 = tpu.vector_load %arg6[%get3A_163] {strides = array<i32>} : memref<80128xf32, #tpu.memory_space<vmem>>, vector<16xf32>,
      %add3A_165 = arith.addf %add3A_158, %get3A_164 : vector<16xf32>
      %mul3A_166 = arith.constant 16 : i32
      %mul3A_167 = arith.muli %scan3A_99, %mul3A_166 : i32
      %add3A_168 = arith.constant 50080 : i32
      %add3A_169 = arith.addi %add3A_168, %mul3A_167 : i32
      %get3A_170 = arith.index_cast %add3A_169 : i32 to index
      %get3A_171 = tpu.vector_load %arg6[%get3A_170] {strides = array<i32>} : memref<80128xf32, #tpu.memory_space<vmem>>, vector<16xf32>,
      %add3A_172 = arith.addf %add3A_165, %get3A_171 : vector<16xf32>
      %mul3A_173 = arith.constant 16 : i32
      %mul3A_174 = arith.muli %scan3A_99, %mul3A_173 : i32
      %add3A_175 = arith.constant 55088 : i32
      %add3A_176 = arith.addi %add3A_175, %mul3A_174 : i32
      %get3A_177 = arith.index_cast %add3A_176 : i32 to index
      %get3A_178 = tpu.vector_load %arg6[%get3A_177] {strides = array<i32>} : memref<80128xf32, #tpu.memory_space<vmem>>, vector<16xf32>,
      %add3A_179 = arith.addf %add3A_172, %get3A_178 : vector<16xf32>
      %mul3A_180 = arith.constant 16 : i32
      %mul3A_181 = arith.muli %scan3A_99, %mul3A_180 : i32
      %add3A_182 = arith.constant 60096 : i32
      %add3A_183 = arith.addi %add3A_182, %mul3A_181 : i32
      %get3A_184 = arith.index_cast %add3A_183 : i32 to index
      %get3A_185 = tpu.vector_load %arg6[%get3A_184] {strides = array<i32>} : memref<80128xf32, #tpu.memory_space<vmem>>, vector<16xf32>,
      %add3A_186 = arith.addf %add3A_179, %get3A_185 : vector<16xf32>
      %mul3A_187 = arith.constant 16 : i32
      %mul3A_188 = arith.muli %scan3A_99, %mul3A_187 : i32
      %add3A_189 = arith.constant 65104 : i32
      %add3A_190 = arith.addi %add3A_189, %mul3A_188 : i32
      %get3A_191 = arith.index_cast %add3A_190 : i32 to index
      %get3A_192 = tpu.vector_load %arg6[%get3A_191] {strides = array<i32>} : memref<80128xf32, #tpu.memory_space<vmem>>, vector<16xf32>,
      %add3A_193 = arith.addf %add3A_186, %get3A_192 : vector<16xf32>
      %mul3A_194 = arith.constant 16 : i32
      %mul3A_195 = arith.muli %scan3A_99, %mul3A_194 : i32
      %add3A_196 = arith.constant 70112 : i32
      %add3A_197 = arith.addi %add3A_196, %mul3A_195 : i32
      %get3A_198 = arith.index_cast %add3A_197 : i32 to index
      %get3A_199 = tpu.vector_load %arg6[%get3A_198] {strides = array<i32>} : memref<80128xf32, #tpu.memory_space<vmem>>, vector<16xf32>,
      %add3A_200 = arith.addf %add3A_193, %get3A_199 : vector<16xf32>
      %mul3A_201 = arith.constant 16 : i32
      %mul3A_202 = arith.muli %scan3A_99, %mul3A_201 : i32
      %add3A_203 = arith.constant 75120 : i32
      %add3A_204 = arith.addi %add3A_203, %mul3A_202 : i32
      %get3A_205 = arith.index_cast %add3A_204 : i32 to index
      %get3A_206 = tpu.vector_load %arg6[%get3A_205] {strides = array<i32>} : memref<80128xf32, #tpu.memory_space<vmem>>, vector<16xf32>,
      %add3A_207 = arith.addf %add3A_200, %get3A_206 : vector<16xf32>
      %mul3A_208 = arith.constant 16 : i32
      %mul3A_209 = arith.muli %scan3A_99, %mul3A_208 : i32
      %add3A_210 = arith.constant 0 : i32
      %add3A_211 = arith.addi %add3A_210, %mul3A_209 : i32
      %swap3A = arith.index_cast %add3A_211 : i32 to index
      %swap3A_212 = tpu.vector_load %arg7[%swap3A] {strides = array<i32>} : memref<8192xf32, #tpu.memory_space<vmem>>, vector<16xf32>,
      tpu.vector_store %arg7[%swap3A], %add3A_207 {strides = array<i32>} : memref<8192xf32, #tpu.memory_space<vmem>>, vector<16xf32>,
    }
    %scan3A_18 = arith.constant 313 : i32
    %scan3A_19 = arith.constant 0 : i32
    %scan3A_20 = arith.constant 0 : i32
    %scan3A_21 = arith.constant 126 : i32
    %scan3A_22 = arith.addi %scan3A_20, %scan3A_21 : i32
    %scan3A_23 = arith.constant 1 : i32
    scf.for %scan3A_99 = %scan3A_20 to %scan3A_22 step %scan3A_23  : i32 {
      %broadcast_in_dim3A_100 = arith.constant 0.000000e+00 : f32
      %broadcast_in_dim3A_101 = vector.broadcast %broadcast_in_dim3A_100 : f32 to vector<16xf32>
      %mul3A_102 = arith.constant 16 : i32
      %mul3A_103 = arith.muli %scan3A_99, %mul3A_102 : i32
      %add3A_104 = arith.constant 0 : i32
      %add3A_105 = arith.addi %add3A_104, %mul3A_103 : i32
      %swap3A = arith.index_cast %add3A_105 : i32 to index
      %swap3A_106 = tpu.vector_load %arg6[%swap3A] {strides = array<i32>} : memref<80128xf32, #tpu.memory_space<vmem>>, vector<16xf32>,
      tpu.vector_store %arg6[%swap3A], %broadcast_in_dim3A_101 {strides = array<i32>} : memref<80128xf32, #tpu.memory_space<vmem>>, vector<16xf32>,
      %broadcast_in_dim3A_107 = arith.constant 0.000000e+00 : f32
      %broadcast_in_dim3A_108 = vector.broadcast %broadcast_in_dim3A_107 : f32 to vector<16xf32>
      %mul3A_109 = arith.constant 16 : i32
      %mul3A_110 = arith.muli %scan3A_99, %mul3A_109 : i32
      %add3A_111 = arith.constant 5008 : i32
      %add3A_112 = arith.addi %add3A_111, %mul3A_110 : i32
      %swap3A_113 = arith.index_cast %add3A_112 : i32 to index
      %swap3A_114 = tpu.vector_load %arg6[%swap3A_113] {strides = array<i32>} : memref<80128xf32, #tpu.memory_space<vmem>>, vector<16xf32>,
      tpu.vector_store %arg6[%swap3A_113], %broadcast_in_dim3A_108 {strides = array<i32>} : memref<80128xf32, #tpu.memory_space<vmem>>, vector<16xf32>,
      %broadcast_in_dim3A_115 = arith.constant 0.000000e+00 : f32
      %broadcast_in_dim3A_116 = vector.broadcast %broadcast_in_dim3A_115 : f32 to vector<16xf32>
      %mul3A_117 = arith.constant 16 : i32
      %mul3A_118 = arith.muli %scan3A_99, %mul3A_117 : i32
      %add3A_119 = arith.constant 10016 : i32
      %add3A_120 = arith.addi %add3A_119, %mul3A_118 : i32
      %swap3A_121 = arith.index_cast %add3A_120 : i32 to index
      %swap3A_122 = tpu.vector_load %arg6[%swap3A_121] {strides = array<i32>} : memref<80128xf32, #tpu.memory_space<vmem>>, vector<16xf32>,
      tpu.vector_store %arg6[%swap3A_121], %broadcast_in_dim3A_116 {strides = array<i32>} : memref<80128xf32, #tpu.memory_space<vmem>>, vector<16xf32>,
      %broadcast_in_dim3A_123 = arith.constant 0.000000e+00 : f32
      %broadcast_in_dim3A_124 = vector.broadcast %broadcast_in_dim3A_123 : f32 to vector<16xf32>
      %mul3A_125 = arith.constant 16 : i32
      %mul3A_126 = arith.muli %scan3A_99, %mul3A_125 : i32
      %add3A_127 = arith.constant 15024 : i32
      %add3A_128 = arith.addi %add3A_127, %mul3A_126 : i32
      %swap3A_129 = arith.index_cast %add3A_128 : i32 to index
      %swap3A_130 = tpu.vector_load %arg6[%swap3A_129] {strides = array<i32>} : memref<80128xf32, #tpu.memory_space<vmem>>, vector<16xf32>,
      tpu.vector_store %arg6[%swap3A_129], %broadcast_in_dim3A_124 {strides = array<i32>} : memref<80128xf32, #tpu.memory_space<vmem>>, vector<16xf32>,
      %broadcast_in_dim3A_131 = arith.constant 0.000000e+00 : f32
      %broadcast_in_dim3A_132 = vector.broadcast %broadcast_in_dim3A_131 : f32 to vector<16xf32>
      %mul3A_133 = arith.constant 16 : i32
      %mul3A_134 = arith.muli %scan3A_99, %mul3A_133 : i32
      %add3A_135 = arith.constant 20032 : i32
      %add3A_136 = arith.addi %add3A_135, %mul3A_134 : i32
      %swap3A_137 = arith.index_cast %add3A_136 : i32 to index
      %swap3A_138 = tpu.vector_load %arg6[%swap3A_137] {strides = array<i32>} : memref<80128xf32, #tpu.memory_space<vmem>>, vector<16xf32>,
      tpu.vector_store %arg6[%swap3A_137], %broadcast_in_dim3A_132 {strides = array<i32>} : memref<80128xf32, #tpu.memory_space<vmem>>, vector<16xf32>,
      %broadcast_in_dim3A_139 = arith.constant 0.000000e+00 : f32
      %broadcast_in_dim3A_140 = vector.broadcast %broadcast_in_dim3A_139 : f32 to vector<16xf32>
      %mul3A_141 = arith.constant 16 : i32
      %mul3A_142 = arith.muli %scan3A_99, %mul3A_141 : i32
      %add3A_143 = arith.constant 25040 : i32
      %add3A_144 = arith.addi %add3A_143, %mul3A_142 : i32
      %swap3A_145 = arith.index_cast %add3A_144 : i32 to index
      %swap3A_146 = tpu.vector_load %arg6[%swap3A_145] {strides = array<i32>} : memref<80128xf32, #tpu.memory_space<vmem>>, vector<16xf32>,
      tpu.vector_store %arg6[%swap3A_145], %broadcast_in_dim3A_140 {strides = array<i32>} : memref<80128xf32, #tpu.memory_space<vmem>>, vector<16xf32>,
      %broadcast_in_dim3A_147 = arith.constant 0.000000e+00 : f32
      %broadcast_in_dim3A_148 = vector.broadcast %broadcast_in_dim3A_147 : f32 to vector<16xf32>
      %mul3A_149 = arith.constant 16 : i32
      %mul3A_150 = arith.muli %scan3A_99, %mul3A_149 : i32
      %add3A_151 = arith.constant 30048 : i32
      %add3A_152 = arith.addi %add3A_151, %mul3A_150 : i32
      %swap3A_153 = arith.index_cast %add3A_152 : i32 to index
      %swap3A_154 = tpu.vector_load %arg6[%swap3A_153] {strides = array<i32>} : memref<80128xf32, #tpu.memory_space<vmem>>, vector<16xf32>,
      tpu.vector_store %arg6[%swap3A_153], %broadcast_in_dim3A_148 {strides = array<i32>} : memref<80128xf32, #tpu.memory_space<vmem>>, vector<16xf32>,
      %broadcast_in_dim3A_155 = arith.constant 0.000000e+00 : f32
      %broadcast_in_dim3A_156 = vector.broadcast %broadcast_in_dim3A_155 : f32 to vector<16xf32>
      %mul3A_157 = arith.constant 16 : i32
      %mul3A_158 = arith.muli %scan3A_99, %mul3A_157 : i32
      %add3A_159 = arith.constant 35056 : i32
      %add3A_160 = arith.addi %add3A_159, %mul3A_158 : i32
      %swap3A_161 = arith.index_cast %add3A_160 : i32 to index
      %swap3A_162 = tpu.vector_load %arg6[%swap3A_161] {strides = array<i32>} : memref<80128xf32, #tpu.memory_space<vmem>>, vector<16xf32>,
      tpu.vector_store %arg6[%swap3A_161], %broadcast_in_dim3A_156 {strides = array<i32>} : memref<80128xf32, #tpu.memory_space<vmem>>, vector<16xf32>,
      %broadcast_in_dim3A_163 = arith.constant 0.000000e+00 : f32
      %broadcast_in_dim3A_164 = vector.broadcast %broadcast_in_dim3A_163 : f32 to vector<16xf32>
      %mul3A_165 = arith.constant 16 : i32
      %mul3A_166 = arith.muli %scan3A_99, %mul3A_165 : i32
      %add3A_167 = arith.constant 40064 : i32
      %add3A_168 = arith.addi %add3A_167, %mul3A_166 : i32
      %swap3A_169 = arith.index_cast %add3A_168 : i32 to index
      %swap3A_170 = tpu.vector_load %arg6[%swap3A_169] {strides = array<i32>} : memref<80128xf32, #tpu.memory_space<vmem>>, vector<16xf32>,
      tpu.vector_store %arg6[%swap3A_169], %broadcast_in_dim3A_164 {strides = array<i32>} : memref<80128xf32, #tpu.memory_space<vmem>>, vector<16xf32>,
      %broadcast_in_dim3A_171 = arith.constant 0.000000e+00 : f32
      %broadcast_in_dim3A_172 = vector.broadcast %broadcast_in_dim3A_171 : f32 to vector<16xf32>
      %mul3A_173 = arith.constant 16 : i32
      %mul3A_174 = arith.muli %scan3A_99, %mul3A_173 : i32
      %add3A_175 = arith.constant 45072 : i32
      %add3A_176 = arith.addi %add3A_175, %mul3A_174 : i32
      %swap3A_177 = arith.index_cast %add3A_176 : i32 to index
      %swap3A_178 = tpu.vector_load %arg6[%swap3A_177] {strides = array<i32>} : memref<80128xf32, #tpu.memory_space<vmem>>, vector<16xf32>,
      tpu.vector_store %arg6[%swap3A_177], %broadcast_in_dim3A_172 {strides = array<i32>} : memref<80128xf32, #tpu.memory_space<vmem>>, vector<16xf32>,
      %broadcast_in_dim3A_179 = arith.constant 0.000000e+00 : f32
      %broadcast_in_dim3A_180 = vector.broadcast %broadcast_in_dim3A_179 : f32 to vector<16xf32>
      %mul3A_181 = arith.constant 16 : i32
      %mul3A_182 = arith.muli %scan3A_99, %mul3A_181 : i32
      %add3A_183 = arith.constant 50080 : i32
      %add3A_184 = arith.addi %add3A_183, %mul3A_182 : i32
      %swap3A_185 = arith.index_cast %add3A_184 : i32 to index
      %swap3A_186 = tpu.vector_load %arg6[%swap3A_185] {strides = array<i32>} : memref<80128xf32, #tpu.memory_space<vmem>>, vector<16xf32>,
      tpu.vector_store %arg6[%swap3A_185], %broadcast_in_dim3A_180 {strides = array<i32>} : memref<80128xf32, #tpu.memory_space<vmem>>, vector<16xf32>,
      %broadcast_in_dim3A_187 = arith.constant 0.000000e+00 : f32
      %broadcast_in_dim3A_188 = vector.broadcast %broadcast_in_dim3A_187 : f32 to vector<16xf32>
      %mul3A_189 = arith.constant 16 : i32
      %mul3A_190 = arith.muli %scan3A_99, %mul3A_189 : i32
      %add3A_191 = arith.constant 55088 : i32
      %add3A_192 = arith.addi %add3A_191, %mul3A_190 : i32
      %swap3A_193 = arith.index_cast %add3A_192 : i32 to index
      %swap3A_194 = tpu.vector_load %arg6[%swap3A_193] {strides = array<i32>} : memref<80128xf32, #tpu.memory_space<vmem>>, vector<16xf32>,
      tpu.vector_store %arg6[%swap3A_193], %broadcast_in_dim3A_188 {strides = array<i32>} : memref<80128xf32, #tpu.memory_space<vmem>>, vector<16xf32>,
      %broadcast_in_dim3A_195 = arith.constant 0.000000e+00 : f32
      %broadcast_in_dim3A_196 = vector.broadcast %broadcast_in_dim3A_195 : f32 to vector<16xf32>
      %mul3A_197 = arith.constant 16 : i32
      %mul3A_198 = arith.muli %scan3A_99, %mul3A_197 : i32
      %add3A_199 = arith.constant 60096 : i32
      %add3A_200 = arith.addi %add3A_199, %mul3A_198 : i32
      %swap3A_201 = arith.index_cast %add3A_200 : i32 to index
      %swap3A_202 = tpu.vector_load %arg6[%swap3A_201] {strides = array<i32>} : memref<80128xf32, #tpu.memory_space<vmem>>, vector<16xf32>,
      tpu.vector_store %arg6[%swap3A_201], %broadcast_in_dim3A_196 {strides = array<i32>} : memref<80128xf32, #tpu.memory_space<vmem>>, vector<16xf32>,
      %broadcast_in_dim3A_203 = arith.constant 0.000000e+00 : f32
      %broadcast_in_dim3A_204 = vector.broadcast %broadcast_in_dim3A_203 : f32 to vector<16xf32>
      %mul3A_205 = arith.constant 16 : i32
      %mul3A_206 = arith.muli %scan3A_99, %mul3A_205 : i32
      %add3A_207 = arith.constant 65104 : i32
      %add3A_208 = arith.addi %add3A_207, %mul3A_206 : i32
      %swap3A_209 = arith.index_cast %add3A_208 : i32 to index
      %swap3A_210 = tpu.vector_load %arg6[%swap3A_209] {strides = array<i32>} : memref<80128xf32, #tpu.memory_space<vmem>>, vector<16xf32>,
      tpu.vector_store %arg6[%swap3A_209], %broadcast_in_dim3A_204 {strides = array<i32>} : memref<80128xf32, #tpu.memory_space<vmem>>, vector<16xf32>,
      %broadcast_in_dim3A_211 = arith.constant 0.000000e+00 : f32
      %broadcast_in_dim3A_212 = vector.broadcast %broadcast_in_dim3A_211 : f32 to vector<16xf32>
      %mul3A_213 = arith.constant 16 : i32
      %mul3A_214 = arith.muli %scan3A_99, %mul3A_213 : i32
      %add3A_215 = arith.constant 70112 : i32
      %add3A_216 = arith.addi %add3A_215, %mul3A_214 : i32
      %swap3A_217 = arith.index_cast %add3A_216 : i32 to index
      %swap3A_218 = tpu.vector_load %arg6[%swap3A_217] {strides = array<i32>} : memref<80128xf32, #tpu.memory_space<vmem>>, vector<16xf32>,
      tpu.vector_store %arg6[%swap3A_217], %broadcast_in_dim3A_212 {strides = array<i32>} : memref<80128xf32, #tpu.memory_space<vmem>>, vector<16xf32>,
      %broadcast_in_dim3A_219 = arith.constant 0.000000e+00 : f32
      %broadcast_in_dim3A_220 = vector.broadcast %broadcast_in_dim3A_219 : f32 to vector<16xf32>
      %mul3A_221 = arith.constant 16 : i32
      %mul3A_222 = arith.muli %scan3A_99, %mul3A_221 : i32
      %add3A_223 = arith.constant 75120 : i32
      %add3A_224 = arith.addi %add3A_223, %mul3A_222 : i32
      %swap3A_225 = arith.index_cast %add3A_224 : i32 to index
      %swap3A_226 = tpu.vector_load %arg6[%swap3A_225] {strides = array<i32>} : memref<80128xf32, #tpu.memory_space<vmem>>, vector<16xf32>,
      tpu.vector_store %arg6[%swap3A_225], %broadcast_in_dim3A_220 {strides = array<i32>} : memref<80128xf32, #tpu.memory_space<vmem>>, vector<16xf32>,
    }
    %scan3A_24 = arith.constant 126 : i32
    %scan3A_25 = arith.constant 0 : i32
    %scan3A_26 = arith.constant 0 : i32
    %scan3A_27 = arith.constant 25 : i32
    %scan3A_28 = arith.addi %scan3A_26, %scan3A_27 : i32
    %scan3A_29 = arith.constant 1 : i32
    scf.for %scan3A_99 = %scan3A_26 to %scan3A_28 step %scan3A_29  : i32 {
      %mul3A_100 = arith.constant 3200 : i32
      %mul3A_101 = arith.muli %add3A, %mul3A_100 : i32
      %mul3A_102 = arith.constant 128 : i32
      %mul3A_103 = arith.muli %scan3A_99, %mul3A_102 : i32
      %add3A_104 = arith.addi %mul3A_101, %mul3A_103 : i32
      "tpu.region"() ({
        %run_scoped3A_152 = tpu.sem_alloc : memref<!tpu.dma_semaphore, #tpu.memory_space<semaphore_mem>>
        %dma_start3A = tpu.memref_slice %arg3[%add3A_104] : memref<102400xi32, #tpu.memory_space<hbm>> -> memref<128xi32, #tpu.memory_space<hbm>>
        %dma_start3A_153 = tpu.memref_slice %arg3[%add3A_104] : memref<102400xi32, #tpu.memory_space<hbm>> -> memref<128xi32, #tpu.memory_space<hbm>>
        tpu.enqueue_dma source(%dma_start3A_153 : memref<128xi32, #tpu.memory_space<hbm>>) target(%arg5 : memref<128xi32, #tpu.memory_space<vmem>>) target_semaphore(%run_scoped3A_152 : memref<!tpu.dma_semaphore, #tpu.memory_space<semaphore_mem>>)
        %dma_wait3A = tpu.memref_slice %arg3[%add3A_104] : memref<102400xi32, #tpu.memory_space<hbm>> -> memref<128xi32, #tpu.memory_space<hbm>>
        %dma_wait3A_154 = tpu.memref_slice %arg3[%add3A_104] : memref<102400xi32, #tpu.memory_space<hbm>> -> memref<128xi32, #tpu.memory_space<hbm>>
        tpu.wait_dma2 semaphore(%run_scoped3A_152 : memref<!tpu.dma_semaphore, #tpu.memory_space<semaphore_mem>>) src(%dma_wait3A_154 : memref<128xi32, #tpu.memory_space<hbm>>) dst(%arg5 : memref<128xi32, #tpu.memory_space<vmem>>)
        tpu.yield
      }) : () -> ()
      %get3A = arith.constant 0 : index
      %get3A_105 = tpu.vector_load %arg5[%get3A] {strides = array<i32>} : memref<128xi32, #tpu.memory_space<vmem>>, vector<16xi32>,
      %mul3A_106 = arith.constant 5008 : i32
      %mul3A_107 = vector.broadcast %mul3A_106 : i32 to vector<16xi32>
      %mul3A_108 = arith.muli %iota3A, %mul3A_107 : vector<16xi32>
      %add3A_109 = arith.addi %mul3A_108, %get3A_105 : vector<16xi32>
      tpu.vector_store_idx %arg6[%add3A_109], %broadcast_in_dim3A_1 {add = true} : memref<80128xf32, #tpu.memory_space<vmem>>[vector<16xi32>], vector<16xf32>,
      %get3A_110 = arith.constant 16 : index
      %get3A_111 = tpu.vector_load %arg5[%get3A_110] {strides = array<i32>} : memref<128xi32, #tpu.memory_space<vmem>>, vector<16xi32>,
      %mul3A_112 = arith.constant 5008 : i32
      %mul3A_113 = vector.broadcast %mul3A_112 : i32 to vector<16xi32>
      %mul3A_114 = arith.muli %iota3A, %mul3A_113 : vector<16xi32>
      %add3A_115 = arith.addi %mul3A_114, %get3A_111 : vector<16xi32>
      tpu.vector_store_idx %arg6[%add3A_115], %broadcast_in_dim3A_1 {add = true} : memref<80128xf32, #tpu.memory_space<vmem>>[vector<16xi32>], vector<16xf32>,
      %get3A_116 = arith.constant 32 : index
      %get3A_117 = tpu.vector_load %arg5[%get3A_116] {strides = array<i32>} : memref<128xi32, #tpu.memory_space<vmem>>, vector<16xi32>,
      %mul3A_118 = arith.constant 5008 : i32
      %mul3A_119 = vector.broadcast %mul3A_118 : i32 to vector<16xi32>
      %mul3A_120 = arith.muli %iota3A, %mul3A_119 : vector<16xi32>
      %add3A_121 = arith.addi %mul3A_120, %get3A_117 : vector<16xi32>
      tpu.vector_store_idx %arg6[%add3A_121], %broadcast_in_dim3A_1 {add = true} : memref<80128xf32, #tpu.memory_space<vmem>>[vector<16xi32>], vector<16xf32>,
      %get3A_122 = arith.constant 48 : index
      %get3A_123 = tpu.vector_load %arg5[%get3A_122] {strides = array<i32>} : memref<128xi32, #tpu.memory_space<vmem>>, vector<16xi32>,
      %mul3A_124 = arith.constant 5008 : i32
      %mul3A_125 = vector.broadcast %mul3A_124 : i32 to vector<16xi32>
      %mul3A_126 = arith.muli %iota3A, %mul3A_125 : vector<16xi32>
      %add3A_127 = arith.addi %mul3A_126, %get3A_123 : vector<16xi32>
      tpu.vector_store_idx %arg6[%add3A_127], %broadcast_in_dim3A_1 {add = true} : memref<80128xf32, #tpu.memory_space<vmem>>[vector<16xi32>], vector<16xf32>,
      %get3A_128 = arith.constant 64 : index
      %get3A_129 = tpu.vector_load %arg5[%get3A_128] {strides = array<i32>} : memref<128xi32, #tpu.memory_space<vmem>>, vector<16xi32>,
      %mul3A_130 = arith.constant 5008 : i32
      %mul3A_131 = vector.broadcast %mul3A_130 : i32 to vector<16xi32>
      %mul3A_132 = arith.muli %iota3A, %mul3A_131 : vector<16xi32>
      %add3A_133 = arith.addi %mul3A_132, %get3A_129 : vector<16xi32>
      tpu.vector_store_idx %arg6[%add3A_133], %broadcast_in_dim3A_1 {add = true} : memref<80128xf32, #tpu.memory_space<vmem>>[vector<16xi32>], vector<16xf32>,
      %get3A_134 = arith.constant 80 : index
      %get3A_135 = tpu.vector_load %arg5[%get3A_134] {strides = array<i32>} : memref<128xi32, #tpu.memory_space<vmem>>, vector<16xi32>,
      %mul3A_136 = arith.constant 5008 : i32
      %mul3A_137 = vector.broadcast %mul3A_136 : i32 to vector<16xi32>
      %mul3A_138 = arith.muli %iota3A, %mul3A_137 : vector<16xi32>
      %add3A_139 = arith.addi %mul3A_138, %get3A_135 : vector<16xi32>
      tpu.vector_store_idx %arg6[%add3A_139], %broadcast_in_dim3A_1 {add = true} : memref<80128xf32, #tpu.memory_space<vmem>>[vector<16xi32>], vector<16xf32>,
      %get3A_140 = arith.constant 96 : index
      %get3A_141 = tpu.vector_load %arg5[%get3A_140] {strides = array<i32>} : memref<128xi32, #tpu.memory_space<vmem>>, vector<16xi32>,
      %mul3A_142 = arith.constant 5008 : i32
      %mul3A_143 = vector.broadcast %mul3A_142 : i32 to vector<16xi32>
      %mul3A_144 = arith.muli %iota3A, %mul3A_143 : vector<16xi32>
      %add3A_145 = arith.addi %mul3A_144, %get3A_141 : vector<16xi32>
      tpu.vector_store_idx %arg6[%add3A_145], %broadcast_in_dim3A_1 {add = true} : memref<80128xf32, #tpu.memory_space<vmem>>[vector<16xi32>], vector<16xf32>,
      %get3A_146 = arith.constant 112 : index
      %get3A_147 = tpu.vector_load %arg5[%get3A_146] {strides = array<i32>} : memref<128xi32, #tpu.memory_space<vmem>>, vector<16xi32>,
      %mul3A_148 = arith.constant 5008 : i32
      %mul3A_149 = vector.broadcast %mul3A_148 : i32 to vector<16xi32>
      %mul3A_150 = arith.muli %iota3A, %mul3A_149 : vector<16xi32>
      %add3A_151 = arith.addi %mul3A_150, %get3A_147 : vector<16xi32>
      tpu.vector_store_idx %arg6[%add3A_151], %broadcast_in_dim3A_1 {add = true} : memref<80128xf32, #tpu.memory_space<vmem>>[vector<16xi32>], vector<16xf32>,
    }
    %scan3A_30 = arith.constant 25 : i32
    %scan3A_31 = arith.constant 0 : i32
    %scan3A_32 = arith.constant 0 : i32
    %scan3A_33 = arith.constant 126 : i32
    %scan3A_34 = arith.addi %scan3A_32, %scan3A_33 : i32
    %scan3A_35 = arith.constant 1 : i32
    scf.for %scan3A_99 = %scan3A_32 to %scan3A_34 step %scan3A_35  : i32 {
      %mul3A_100 = arith.constant 16 : i32
      %mul3A_101 = arith.muli %scan3A_99, %mul3A_100 : i32
      %get3A = arith.index_cast %mul3A_101 : i32 to index
      %get3A_102 = tpu.vector_load %arg6[%get3A] {strides = array<i32>} : memref<80128xf32, #tpu.memory_space<vmem>>, vector<16xf32>,
      %mul3A_103 = arith.constant 16 : i32
      %mul3A_104 = arith.muli %scan3A_99, %mul3A_103 : i32
      %add3A_105 = arith.constant 5008 : i32
      %add3A_106 = arith.addi %add3A_105, %mul3A_104 : i32
      %get3A_107 = arith.index_cast %add3A_106 : i32 to index
      %get3A_108 = tpu.vector_load %arg6[%get3A_107] {strides = array<i32>} : memref<80128xf32, #tpu.memory_space<vmem>>, vector<16xf32>,
      %add3A_109 = arith.addf %get3A_102, %get3A_108 : vector<16xf32>
      %mul3A_110 = arith.constant 16 : i32
      %mul3A_111 = arith.muli %scan3A_99, %mul3A_110 : i32
      %add3A_112 = arith.constant 10016 : i32
      %add3A_113 = arith.addi %add3A_112, %mul3A_111 : i32
      %get3A_114 = arith.index_cast %add3A_113 : i32 to index
      %get3A_115 = tpu.vector_load %arg6[%get3A_114] {strides = array<i32>} : memref<80128xf32, #tpu.memory_space<vmem>>, vector<16xf32>,
      %add3A_116 = arith.addf %add3A_109, %get3A_115 : vector<16xf32>
      %mul3A_117 = arith.constant 16 : i32
      %mul3A_118 = arith.muli %scan3A_99, %mul3A_117 : i32
      %add3A_119 = arith.constant 15024 : i32
      %add3A_120 = arith.addi %add3A_119, %mul3A_118 : i32
      %get3A_121 = arith.index_cast %add3A_120 : i32 to index
      %get3A_122 = tpu.vector_load %arg6[%get3A_121] {strides = array<i32>} : memref<80128xf32, #tpu.memory_space<vmem>>, vector<16xf32>,
      %add3A_123 = arith.addf %add3A_116, %get3A_122 : vector<16xf32>
      %mul3A_124 = arith.constant 16 : i32
      %mul3A_125 = arith.muli %scan3A_99, %mul3A_124 : i32
      %add3A_126 = arith.constant 20032 : i32
      %add3A_127 = arith.addi %add3A_126, %mul3A_125 : i32
      %get3A_128 = arith.index_cast %add3A_127 : i32 to index
      %get3A_129 = tpu.vector_load %arg6[%get3A_128] {strides = array<i32>} : memref<80128xf32, #tpu.memory_space<vmem>>, vector<16xf32>,
      %add3A_130 = arith.addf %add3A_123, %get3A_129 : vector<16xf32>
      %mul3A_131 = arith.constant 16 : i32
      %mul3A_132 = arith.muli %scan3A_99, %mul3A_131 : i32
      %add3A_133 = arith.constant 25040 : i32
      %add3A_134 = arith.addi %add3A_133, %mul3A_132 : i32
      %get3A_135 = arith.index_cast %add3A_134 : i32 to index
      %get3A_136 = tpu.vector_load %arg6[%get3A_135] {strides = array<i32>} : memref<80128xf32, #tpu.memory_space<vmem>>, vector<16xf32>,
      %add3A_137 = arith.addf %add3A_130, %get3A_136 : vector<16xf32>
      %mul3A_138 = arith.constant 16 : i32
      %mul3A_139 = arith.muli %scan3A_99, %mul3A_138 : i32
      %add3A_140 = arith.constant 30048 : i32
      %add3A_141 = arith.addi %add3A_140, %mul3A_139 : i32
      %get3A_142 = arith.index_cast %add3A_141 : i32 to index
      %get3A_143 = tpu.vector_load %arg6[%get3A_142] {strides = array<i32>} : memref<80128xf32, #tpu.memory_space<vmem>>, vector<16xf32>,
      %add3A_144 = arith.addf %add3A_137, %get3A_143 : vector<16xf32>
      %mul3A_145 = arith.constant 16 : i32
      %mul3A_146 = arith.muli %scan3A_99, %mul3A_145 : i32
      %add3A_147 = arith.constant 35056 : i32
      %add3A_148 = arith.addi %add3A_147, %mul3A_146 : i32
      %get3A_149 = arith.index_cast %add3A_148 : i32 to index
      %get3A_150 = tpu.vector_load %arg6[%get3A_149] {strides = array<i32>} : memref<80128xf32, #tpu.memory_space<vmem>>, vector<16xf32>,
      %add3A_151 = arith.addf %add3A_144, %get3A_150 : vector<16xf32>
      %mul3A_152 = arith.constant 16 : i32
      %mul3A_153 = arith.muli %scan3A_99, %mul3A_152 : i32
      %add3A_154 = arith.constant 40064 : i32
      %add3A_155 = arith.addi %add3A_154, %mul3A_153 : i32
      %get3A_156 = arith.index_cast %add3A_155 : i32 to index
      %get3A_157 = tpu.vector_load %arg6[%get3A_156] {strides = array<i32>} : memref<80128xf32, #tpu.memory_space<vmem>>, vector<16xf32>,
      %add3A_158 = arith.addf %add3A_151, %get3A_157 : vector<16xf32>
      %mul3A_159 = arith.constant 16 : i32
      %mul3A_160 = arith.muli %scan3A_99, %mul3A_159 : i32
      %add3A_161 = arith.constant 45072 : i32
      %add3A_162 = arith.addi %add3A_161, %mul3A_160 : i32
      %get3A_163 = arith.index_cast %add3A_162 : i32 to index
      %get3A_164 = tpu.vector_load %arg6[%get3A_163] {strides = array<i32>} : memref<80128xf32, #tpu.memory_space<vmem>>, vector<16xf32>,
      %add3A_165 = arith.addf %add3A_158, %get3A_164 : vector<16xf32>
      %mul3A_166 = arith.constant 16 : i32
      %mul3A_167 = arith.muli %scan3A_99, %mul3A_166 : i32
      %add3A_168 = arith.constant 50080 : i32
      %add3A_169 = arith.addi %add3A_168, %mul3A_167 : i32
      %get3A_170 = arith.index_cast %add3A_169 : i32 to index
      %get3A_171 = tpu.vector_load %arg6[%get3A_170] {strides = array<i32>} : memref<80128xf32, #tpu.memory_space<vmem>>, vector<16xf32>,
      %add3A_172 = arith.addf %add3A_165, %get3A_171 : vector<16xf32>
      %mul3A_173 = arith.constant 16 : i32
      %mul3A_174 = arith.muli %scan3A_99, %mul3A_173 : i32
      %add3A_175 = arith.constant 55088 : i32
      %add3A_176 = arith.addi %add3A_175, %mul3A_174 : i32
      %get3A_177 = arith.index_cast %add3A_176 : i32 to index
      %get3A_178 = tpu.vector_load %arg6[%get3A_177] {strides = array<i32>} : memref<80128xf32, #tpu.memory_space<vmem>>, vector<16xf32>,
      %add3A_179 = arith.addf %add3A_172, %get3A_178 : vector<16xf32>
      %mul3A_180 = arith.constant 16 : i32
      %mul3A_181 = arith.muli %scan3A_99, %mul3A_180 : i32
      %add3A_182 = arith.constant 60096 : i32
      %add3A_183 = arith.addi %add3A_182, %mul3A_181 : i32
      %get3A_184 = arith.index_cast %add3A_183 : i32 to index
      %get3A_185 = tpu.vector_load %arg6[%get3A_184] {strides = array<i32>} : memref<80128xf32, #tpu.memory_space<vmem>>, vector<16xf32>,
      %add3A_186 = arith.addf %add3A_179, %get3A_185 : vector<16xf32>
      %mul3A_187 = arith.constant 16 : i32
      %mul3A_188 = arith.muli %scan3A_99, %mul3A_187 : i32
      %add3A_189 = arith.constant 65104 : i32
      %add3A_190 = arith.addi %add3A_189, %mul3A_188 : i32
      %get3A_191 = arith.index_cast %add3A_190 : i32 to index
      %get3A_192 = tpu.vector_load %arg6[%get3A_191] {strides = array<i32>} : memref<80128xf32, #tpu.memory_space<vmem>>, vector<16xf32>,
      %add3A_193 = arith.addf %add3A_186, %get3A_192 : vector<16xf32>
      %mul3A_194 = arith.constant 16 : i32
      %mul3A_195 = arith.muli %scan3A_99, %mul3A_194 : i32
      %add3A_196 = arith.constant 70112 : i32
      %add3A_197 = arith.addi %add3A_196, %mul3A_195 : i32
      %get3A_198 = arith.index_cast %add3A_197 : i32 to index
      %get3A_199 = tpu.vector_load %arg6[%get3A_198] {strides = array<i32>} : memref<80128xf32, #tpu.memory_space<vmem>>, vector<16xf32>,
      %add3A_200 = arith.addf %add3A_193, %get3A_199 : vector<16xf32>
      %mul3A_201 = arith.constant 16 : i32
      %mul3A_202 = arith.muli %scan3A_99, %mul3A_201 : i32
      %add3A_203 = arith.constant 75120 : i32
      %add3A_204 = arith.addi %add3A_203, %mul3A_202 : i32
      %get3A_205 = arith.index_cast %add3A_204 : i32 to index
      %get3A_206 = tpu.vector_load %arg6[%get3A_205] {strides = array<i32>} : memref<80128xf32, #tpu.memory_space<vmem>>, vector<16xf32>,
      %add3A_207 = arith.addf %add3A_200, %get3A_206 : vector<16xf32>
      %mul3A_208 = arith.constant 16 : i32
      %mul3A_209 = arith.muli %scan3A_99, %mul3A_208 : i32
      %add3A_210 = arith.constant 5008 : i32
      %add3A_211 = arith.addi %add3A_210, %mul3A_209 : i32
      %swap3A = arith.index_cast %add3A_211 : i32 to index
      %swap3A_212 = tpu.vector_load %arg7[%swap3A] {strides = array<i32>} : memref<8192xf32, #tpu.memory_space<vmem>>, vector<16xf32>,
      tpu.vector_store %arg7[%swap3A], %add3A_207 {strides = array<i32>} : memref<8192xf32, #tpu.memory_space<vmem>>, vector<16xf32>,
    }
    %scan3A_36 = arith.constant 126 : i32
    %scan3A_37 = arith.constant 0 : i32
    %scan3A_38 = arith.constant 0 : i32
    %scan3A_39 = arith.constant 73 : i32
    %scan3A_40 = arith.addi %scan3A_38, %scan3A_39 : i32
    %scan3A_41 = arith.constant 1 : i32
    scf.for %scan3A_99 = %scan3A_38 to %scan3A_40 step %scan3A_41  : i32 {
      %broadcast_in_dim3A_100 = arith.constant 0.000000e+00 : f32
      %broadcast_in_dim3A_101 = vector.broadcast %broadcast_in_dim3A_100 : f32 to vector<16xf32>
      %mul3A_102 = arith.constant 16 : i32
      %mul3A_103 = arith.muli %scan3A_99, %mul3A_102 : i32
      %add3A_104 = arith.constant 7024 : i32
      %add3A_105 = arith.addi %add3A_104, %mul3A_103 : i32
      %swap3A = arith.index_cast %add3A_105 : i32 to index
      %swap3A_106 = tpu.vector_load %arg7[%swap3A] {strides = array<i32>} : memref<8192xf32, #tpu.memory_space<vmem>>, vector<16xf32>,
      tpu.vector_store %arg7[%swap3A], %broadcast_in_dim3A_101 {strides = array<i32>} : memref<8192xf32, #tpu.memory_space<vmem>>, vector<16xf32>,
    }
    %scan3A_42 = arith.constant 73 : i32
    "tpu.region"() ({
      %run_scoped3A_99 = tpu.sem_alloc : memref<!tpu.dma_semaphore, #tpu.memory_space<semaphore_mem>>
      %dma_start3A = arith.constant 0 : i32
      %dma_start3A_100 = tpu.memref_slice %arg10[%arg1, %dma_start3A] : memref<16x8192xf32, #tpu.memory_space<vmem_shared>> -> memref<1x8192xf32, #tpu.memory_space<vmem_shared>>
      %dma_start3A_101 = tpu.memref_squeeze %dma_start3A_100 : memref<1x8192xf32, #tpu.memory_space<vmem_shared>> -> memref<8192xf32, #tpu.memory_space<vmem_shared>>
      %dma_start3A_102 = arith.constant 0 : i32
      %dma_start3A_103 = tpu.memref_slice %arg10[%arg1, %dma_start3A_102] : memref<16x8192xf32, #tpu.memory_space<vmem_shared>> -> memref<1x8192xf32, #tpu.memory_space<vmem_shared>>
      %dma_start3A_104 = tpu.memref_squeeze %dma_start3A_103 : memref<1x8192xf32, #tpu.memory_space<vmem_shared>> -> memref<8192xf32, #tpu.memory_space<vmem_shared>>
      tpu.enqueue_dma source(%arg7 : memref<8192xf32, #tpu.memory_space<vmem>>) target(%dma_start3A_104 : memref<8192xf32, #tpu.memory_space<vmem_shared>>) target_semaphore(%run_scoped3A_99 : memref<!tpu.dma_semaphore, #tpu.memory_space<semaphore_mem>>)
      %dma_wait3A = arith.constant 0 : i32
      %dma_wait3A_105 = tpu.memref_slice %arg10[%arg1, %dma_wait3A] : memref<16x8192xf32, #tpu.memory_space<vmem_shared>> -> memref<1x8192xf32, #tpu.memory_space<vmem_shared>>
      %dma_wait3A_106 = tpu.memref_squeeze %dma_wait3A_105 : memref<1x8192xf32, #tpu.memory_space<vmem_shared>> -> memref<8192xf32, #tpu.memory_space<vmem_shared>>
      %dma_wait3A_107 = arith.constant 0 : i32
      %dma_wait3A_108 = tpu.memref_slice %arg10[%arg1, %dma_wait3A_107] : memref<16x8192xf32, #tpu.memory_space<vmem_shared>> -> memref<1x8192xf32, #tpu.memory_space<vmem_shared>>
      %dma_wait3A_109 = tpu.memref_squeeze %dma_wait3A_108 : memref<1x8192xf32, #tpu.memory_space<vmem_shared>> -> memref<8192xf32, #tpu.memory_space<vmem_shared>>
      tpu.wait_dma2 semaphore(%run_scoped3A_99 : memref<!tpu.dma_semaphore, #tpu.memory_space<semaphore_mem>>) src(%arg7 : memref<8192xf32, #tpu.memory_space<vmem>>) dst(%dma_wait3A_109 : memref<8192xf32, #tpu.memory_space<vmem_shared>>)
      tpu.yield
    }) : () -> ()
    %barrier3A = arith.constant 0 : index
    tpu.barrier barrier_id(%barrier3A)
    %mul3A_43 = arith.constant 512 : i32
    %mul3A_44 = arith.muli %arg1, %mul3A_43 : i32
    %run_scoped3A = arith.constant 0 : i32
    "tpu.region"() ({
      %run_scoped3A_99 = tpu.sem_alloc : memref<!tpu.dma_semaphore, #tpu.memory_space<semaphore_mem>>
      %dma_start3A = arith.constant 0 : i32
      %dma_start3A_100 = tpu.memref_slice %arg8[%dma_start3A] : memref<8192xf32, #tpu.memory_space<vmem>> -> memref<512xf32, #tpu.memory_space<vmem>>
      %dma_start3A_101 = tpu.memref_slice %arg10[%run_scoped3A, %mul3A_44] : memref<16x8192xf32, #tpu.memory_space<vmem_shared>> -> memref<1x512xf32, #tpu.memory_space<vmem_shared>>
      %dma_start3A_102 = tpu.memref_squeeze %dma_start3A_101 : memref<1x512xf32, #tpu.memory_space<vmem_shared>> -> memref<512xf32, #tpu.memory_space<vmem_shared>>
      %dma_start3A_103 = arith.constant 0 : i32
      %dma_start3A_104 = tpu.memref_slice %arg8[%dma_start3A_103] : memref<8192xf32, #tpu.memory_space<vmem>> -> memref<512xf32, #tpu.memory_space<vmem>>
      %dma_start3A_105 = tpu.memref_slice %arg10[%run_scoped3A, %mul3A_44] : memref<16x8192xf32, #tpu.memory_space<vmem_shared>> -> memref<1x512xf32, #tpu.memory_space<vmem_shared>>
      %dma_start3A_106 = tpu.memref_squeeze %dma_start3A_105 : memref<1x512xf32, #tpu.memory_space<vmem_shared>> -> memref<512xf32, #tpu.memory_space<vmem_shared>>
      tpu.enqueue_dma source(%dma_start3A_106 : memref<512xf32, #tpu.memory_space<vmem_shared>>) target(%dma_start3A_104 : memref<512xf32, #tpu.memory_space<vmem>>) target_semaphore(%run_scoped3A_99 : memref<!tpu.dma_semaphore, #tpu.memory_space<semaphore_mem>>)
      %dma_wait3A = arith.constant 0 : i32
      %dma_wait3A_107 = tpu.memref_slice %arg8[%dma_wait3A] : memref<8192xf32, #tpu.memory_space<vmem>> -> memref<512xf32, #tpu.memory_space<vmem>>
      %dma_wait3A_108 = tpu.memref_slice %arg10[%run_scoped3A, %mul3A_44] : memref<16x8192xf32, #tpu.memory_space<vmem_shared>> -> memref<1x512xf32, #tpu.memory_space<vmem_shared>>
      %dma_wait3A_109 = tpu.memref_squeeze %dma_wait3A_108 : memref<1x512xf32, #tpu.memory_space<vmem_shared>> -> memref<512xf32, #tpu.memory_space<vmem_shared>>
      %dma_wait3A_110 = arith.constant 0 : i32
      %dma_wait3A_111 = tpu.memref_slice %arg8[%dma_wait3A_110] : memref<8192xf32, #tpu.memory_space<vmem>> -> memref<512xf32, #tpu.memory_space<vmem>>
      %dma_wait3A_112 = tpu.memref_slice %arg10[%run_scoped3A, %mul3A_44] : memref<16x8192xf32, #tpu.memory_space<vmem_shared>> -> memref<1x512xf32, #tpu.memory_space<vmem_shared>>
      %dma_wait3A_113 = tpu.memref_squeeze %dma_wait3A_112 : memref<1x512xf32, #tpu.memory_space<vmem_shared>> -> memref<512xf32, #tpu.memory_space<vmem_shared>>
      tpu.wait_dma2 semaphore(%run_scoped3A_99 : memref<!tpu.dma_semaphore, #tpu.memory_space<semaphore_mem>>) src(%dma_wait3A_113 : memref<512xf32, #tpu.memory_space<vmem_shared>>) dst(%dma_wait3A_111 : memref<512xf32, #tpu.memory_space<vmem>>)
      tpu.yield
    }) : () -> ()
    %mul3A_45 = arith.constant 512 : i32
    %mul3A_46 = arith.muli %arg1, %mul3A_45 : i32
    %run_scoped3A_47 = arith.constant 1 : i32
    "tpu.region"() ({
      %run_scoped3A_99 = tpu.sem_alloc : memref<!tpu.dma_semaphore, #tpu.memory_space<semaphore_mem>>
      %dma_start3A = arith.constant 512 : i32
      %dma_start3A_100 = tpu.memref_slice %arg8[%dma_start3A] : memref<8192xf32, #tpu.memory_space<vmem>> -> memref<512xf32, #tpu.memory_space<vmem>>
      %dma_start3A_101 = tpu.memref_slice %arg10[%run_scoped3A_47, %mul3A_46] : memref<16x8192xf32, #tpu.memory_space<vmem_shared>> -> memref<1x512xf32, #tpu.memory_space<vmem_shared>>
      %dma_start3A_102 = tpu.memref_squeeze %dma_start3A_101 : memref<1x512xf32, #tpu.memory_space<vmem_shared>> -> memref<512xf32, #tpu.memory_space<vmem_shared>>
      %dma_start3A_103 = arith.constant 512 : i32
      %dma_start3A_104 = tpu.memref_slice %arg8[%dma_start3A_103] : memref<8192xf32, #tpu.memory_space<vmem>> -> memref<512xf32, #tpu.memory_space<vmem>>
      %dma_start3A_105 = tpu.memref_slice %arg10[%run_scoped3A_47, %mul3A_46] : memref<16x8192xf32, #tpu.memory_space<vmem_shared>> -> memref<1x512xf32, #tpu.memory_space<vmem_shared>>
      %dma_start3A_106 = tpu.memref_squeeze %dma_start3A_105 : memref<1x512xf32, #tpu.memory_space<vmem_shared>> -> memref<512xf32, #tpu.memory_space<vmem_shared>>
      tpu.enqueue_dma source(%dma_start3A_106 : memref<512xf32, #tpu.memory_space<vmem_shared>>) target(%dma_start3A_104 : memref<512xf32, #tpu.memory_space<vmem>>) target_semaphore(%run_scoped3A_99 : memref<!tpu.dma_semaphore, #tpu.memory_space<semaphore_mem>>)
      %dma_wait3A = arith.constant 512 : i32
      %dma_wait3A_107 = tpu.memref_slice %arg8[%dma_wait3A] : memref<8192xf32, #tpu.memory_space<vmem>> -> memref<512xf32, #tpu.memory_space<vmem>>
      %dma_wait3A_108 = tpu.memref_slice %arg10[%run_scoped3A_47, %mul3A_46] : memref<16x8192xf32, #tpu.memory_space<vmem_shared>> -> memref<1x512xf32, #tpu.memory_space<vmem_shared>>
      %dma_wait3A_109 = tpu.memref_squeeze %dma_wait3A_108 : memref<1x512xf32, #tpu.memory_space<vmem_shared>> -> memref<512xf32, #tpu.memory_space<vmem_shared>>
      %dma_wait3A_110 = arith.constant 512 : i32
      %dma_wait3A_111 = tpu.memref_slice %arg8[%dma_wait3A_110] : memref<8192xf32, #tpu.memory_space<vmem>> -> memref<512xf32, #tpu.memory_space<vmem>>
      %dma_wait3A_112 = tpu.memref_slice %arg10[%run_scoped3A_47, %mul3A_46] : memref<16x8192xf32, #tpu.memory_space<vmem_shared>> -> memref<1x512xf32, #tpu.memory_space<vmem_shared>>
      %dma_wait3A_113 = tpu.memref_squeeze %dma_wait3A_112 : memref<1x512xf32, #tpu.memory_space<vmem_shared>> -> memref<512xf32, #tpu.memory_space<vmem_shared>>
      tpu.wait_dma2 semaphore(%run_scoped3A_99 : memref<!tpu.dma_semaphore, #tpu.memory_space<semaphore_mem>>) src(%dma_wait3A_113 : memref<512xf32, #tpu.memory_space<vmem_shared>>) dst(%dma_wait3A_111 : memref<512xf32, #tpu.memory_space<vmem>>)
      tpu.yield
    }) : () -> ()
    %mul3A_48 = arith.constant 512 : i32
    %mul3A_49 = arith.muli %arg1, %mul3A_48 : i32
    %run_scoped3A_50 = arith.constant 2 : i32
    "tpu.region"() ({
      %run_scoped3A_99 = tpu.sem_alloc : memref<!tpu.dma_semaphore, #tpu.memory_space<semaphore_mem>>
      %dma_start3A = arith.constant 1024 : i32
      %dma_start3A_100 = tpu.memref_slice %arg8[%dma_start3A] : memref<8192xf32, #tpu.memory_space<vmem>> -> memref<512xf32, #tpu.memory_space<vmem>>
      %dma_start3A_101 = tpu.memref_slice %arg10[%run_scoped3A_50, %mul3A_49] : memref<16x8192xf32, #tpu.memory_space<vmem_shared>> -> memref<1x512xf32, #tpu.memory_space<vmem_shared>>
      %dma_start3A_102 = tpu.memref_squeeze %dma_start3A_101 : memref<1x512xf32, #tpu.memory_space<vmem_shared>> -> memref<512xf32, #tpu.memory_space<vmem_shared>>
      %dma_start3A_103 = arith.constant 1024 : i32
      %dma_start3A_104 = tpu.memref_slice %arg8[%dma_start3A_103] : memref<8192xf32, #tpu.memory_space<vmem>> -> memref<512xf32, #tpu.memory_space<vmem>>
      %dma_start3A_105 = tpu.memref_slice %arg10[%run_scoped3A_50, %mul3A_49] : memref<16x8192xf32, #tpu.memory_space<vmem_shared>> -> memref<1x512xf32, #tpu.memory_space<vmem_shared>>
      %dma_start3A_106 = tpu.memref_squeeze %dma_start3A_105 : memref<1x512xf32, #tpu.memory_space<vmem_shared>> -> memref<512xf32, #tpu.memory_space<vmem_shared>>
      tpu.enqueue_dma source(%dma_start3A_106 : memref<512xf32, #tpu.memory_space<vmem_shared>>) target(%dma_start3A_104 : memref<512xf32, #tpu.memory_space<vmem>>) target_semaphore(%run_scoped3A_99 : memref<!tpu.dma_semaphore, #tpu.memory_space<semaphore_mem>>)
      %dma_wait3A = arith.constant 1024 : i32
      %dma_wait3A_107 = tpu.memref_slice %arg8[%dma_wait3A] : memref<8192xf32, #tpu.memory_space<vmem>> -> memref<512xf32, #tpu.memory_space<vmem>>
      %dma_wait3A_108 = tpu.memref_slice %arg10[%run_scoped3A_50, %mul3A_49] : memref<16x8192xf32, #tpu.memory_space<vmem_shared>> -> memref<1x512xf32, #tpu.memory_space<vmem_shared>>
      %dma_wait3A_109 = tpu.memref_squeeze %dma_wait3A_108 : memref<1x512xf32, #tpu.memory_space<vmem_shared>> -> memref<512xf32, #tpu.memory_space<vmem_shared>>
      %dma_wait3A_110 = arith.constant 1024 : i32
      %dma_wait3A_111 = tpu.memref_slice %arg8[%dma_wait3A_110] : memref<8192xf32, #tpu.memory_space<vmem>> -> memref<512xf32, #tpu.memory_space<vmem>>
      %dma_wait3A_112 = tpu.memref_slice %arg10[%run_scoped3A_50, %mul3A_49] : memref<16x8192xf32, #tpu.memory_space<vmem_shared>> -> memref<1x512xf32, #tpu.memory_space<vmem_shared>>
      %dma_wait3A_113 = tpu.memref_squeeze %dma_wait3A_112 : memref<1x512xf32, #tpu.memory_space<vmem_shared>> -> memref<512xf32, #tpu.memory_space<vmem_shared>>
      tpu.wait_dma2 semaphore(%run_scoped3A_99 : memref<!tpu.dma_semaphore, #tpu.memory_space<semaphore_mem>>) src(%dma_wait3A_113 : memref<512xf32, #tpu.memory_space<vmem_shared>>) dst(%dma_wait3A_111 : memref<512xf32, #tpu.memory_space<vmem>>)
      tpu.yield
    }) : () -> ()
    %mul3A_51 = arith.constant 512 : i32
    %mul3A_52 = arith.muli %arg1, %mul3A_51 : i32
    %run_scoped3A_53 = arith.constant 3 : i32
    "tpu.region"() ({
      %run_scoped3A_99 = tpu.sem_alloc : memref<!tpu.dma_semaphore, #tpu.memory_space<semaphore_mem>>
      %dma_start3A = arith.constant 1536 : i32
      %dma_start3A_100 = tpu.memref_slice %arg8[%dma_start3A] : memref<8192xf32, #tpu.memory_space<vmem>> -> memref<512xf32, #tpu.memory_space<vmem>>
      %dma_start3A_101 = tpu.memref_slice %arg10[%run_scoped3A_53, %mul3A_52] : memref<16x8192xf32, #tpu.memory_space<vmem_shared>> -> memref<1x512xf32, #tpu.memory_space<vmem_shared>>
      %dma_start3A_102 = tpu.memref_squeeze %dma_start3A_101 : memref<1x512xf32, #tpu.memory_space<vmem_shared>> -> memref<512xf32, #tpu.memory_space<vmem_shared>>
      %dma_start3A_103 = arith.constant 1536 : i32
      %dma_start3A_104 = tpu.memref_slice %arg8[%dma_start3A_103] : memref<8192xf32, #tpu.memory_space<vmem>> -> memref<512xf32, #tpu.memory_space<vmem>>
      %dma_start3A_105 = tpu.memref_slice %arg10[%run_scoped3A_53, %mul3A_52] : memref<16x8192xf32, #tpu.memory_space<vmem_shared>> -> memref<1x512xf32, #tpu.memory_space<vmem_shared>>
      %dma_start3A_106 = tpu.memref_squeeze %dma_start3A_105 : memref<1x512xf32, #tpu.memory_space<vmem_shared>> -> memref<512xf32, #tpu.memory_space<vmem_shared>>
      tpu.enqueue_dma source(%dma_start3A_106 : memref<512xf32, #tpu.memory_space<vmem_shared>>) target(%dma_start3A_104 : memref<512xf32, #tpu.memory_space<vmem>>) target_semaphore(%run_scoped3A_99 : memref<!tpu.dma_semaphore, #tpu.memory_space<semaphore_mem>>)
      %dma_wait3A = arith.constant 1536 : i32
      %dma_wait3A_107 = tpu.memref_slice %arg8[%dma_wait3A] : memref<8192xf32, #tpu.memory_space<vmem>> -> memref<512xf32, #tpu.memory_space<vmem>>
      %dma_wait3A_108 = tpu.memref_slice %arg10[%run_scoped3A_53, %mul3A_52] : memref<16x8192xf32, #tpu.memory_space<vmem_shared>> -> memref<1x512xf32, #tpu.memory_space<vmem_shared>>
      %dma_wait3A_109 = tpu.memref_squeeze %dma_wait3A_108 : memref<1x512xf32, #tpu.memory_space<vmem_shared>> -> memref<512xf32, #tpu.memory_space<vmem_shared>>
      %dma_wait3A_110 = arith.constant 1536 : i32
      %dma_wait3A_111 = tpu.memref_slice %arg8[%dma_wait3A_110] : memref<8192xf32, #tpu.memory_space<vmem>> -> memref<512xf32, #tpu.memory_space<vmem>>
      %dma_wait3A_112 = tpu.memref_slice %arg10[%run_scoped3A_53, %mul3A_52] : memref<16x8192xf32, #tpu.memory_space<vmem_shared>> -> memref<1x512xf32, #tpu.memory_space<vmem_shared>>
      %dma_wait3A_113 = tpu.memref_squeeze %dma_wait3A_112 : memref<1x512xf32, #tpu.memory_space<vmem_shared>> -> memref<512xf32, #tpu.memory_space<vmem_shared>>
      tpu.wait_dma2 semaphore(%run_scoped3A_99 : memref<!tpu.dma_semaphore, #tpu.memory_space<semaphore_mem>>) src(%dma_wait3A_113 : memref<512xf32, #tpu.memory_space<vmem_shared>>) dst(%dma_wait3A_111 : memref<512xf32, #tpu.memory_space<vmem>>)
      tpu.yield
    }) : () -> ()
    %mul3A_54 = arith.constant 512 : i32
    %mul3A_55 = arith.muli %arg1, %mul3A_54 : i32
    %run_scoped3A_56 = arith.constant 4 : i32
    "tpu.region"() ({
      %run_scoped3A_99 = tpu.sem_alloc : memref<!tpu.dma_semaphore, #tpu.memory_space<semaphore_mem>>
      %dma_start3A = arith.constant 2048 : i32
      %dma_start3A_100 = tpu.memref_slice %arg8[%dma_start3A] : memref<8192xf32, #tpu.memory_space<vmem>> -> memref<512xf32, #tpu.memory_space<vmem>>
      %dma_start3A_101 = tpu.memref_slice %arg10[%run_scoped3A_56, %mul3A_55] : memref<16x8192xf32, #tpu.memory_space<vmem_shared>> -> memref<1x512xf32, #tpu.memory_space<vmem_shared>>
      %dma_start3A_102 = tpu.memref_squeeze %dma_start3A_101 : memref<1x512xf32, #tpu.memory_space<vmem_shared>> -> memref<512xf32, #tpu.memory_space<vmem_shared>>
      %dma_start3A_103 = arith.constant 2048 : i32
      %dma_start3A_104 = tpu.memref_slice %arg8[%dma_start3A_103] : memref<8192xf32, #tpu.memory_space<vmem>> -> memref<512xf32, #tpu.memory_space<vmem>>
      %dma_start3A_105 = tpu.memref_slice %arg10[%run_scoped3A_56, %mul3A_55] : memref<16x8192xf32, #tpu.memory_space<vmem_shared>> -> memref<1x512xf32, #tpu.memory_space<vmem_shared>>
      %dma_start3A_106 = tpu.memref_squeeze %dma_start3A_105 : memref<1x512xf32, #tpu.memory_space<vmem_shared>> -> memref<512xf32, #tpu.memory_space<vmem_shared>>
      tpu.enqueue_dma source(%dma_start3A_106 : memref<512xf32, #tpu.memory_space<vmem_shared>>) target(%dma_start3A_104 : memref<512xf32, #tpu.memory_space<vmem>>) target_semaphore(%run_scoped3A_99 : memref<!tpu.dma_semaphore, #tpu.memory_space<semaphore_mem>>)
      %dma_wait3A = arith.constant 2048 : i32
      %dma_wait3A_107 = tpu.memref_slice %arg8[%dma_wait3A] : memref<8192xf32, #tpu.memory_space<vmem>> -> memref<512xf32, #tpu.memory_space<vmem>>
      %dma_wait3A_108 = tpu.memref_slice %arg10[%run_scoped3A_56, %mul3A_55] : memref<16x8192xf32, #tpu.memory_space<vmem_shared>> -> memref<1x512xf32, #tpu.memory_space<vmem_shared>>
      %dma_wait3A_109 = tpu.memref_squeeze %dma_wait3A_108 : memref<1x512xf32, #tpu.memory_space<vmem_shared>> -> memref<512xf32, #tpu.memory_space<vmem_shared>>
      %dma_wait3A_110 = arith.constant 2048 : i32
      %dma_wait3A_111 = tpu.memref_slice %arg8[%dma_wait3A_110] : memref<8192xf32, #tpu.memory_space<vmem>> -> memref<512xf32, #tpu.memory_space<vmem>>
      %dma_wait3A_112 = tpu.memref_slice %arg10[%run_scoped3A_56, %mul3A_55] : memref<16x8192xf32, #tpu.memory_space<vmem_shared>> -> memref<1x512xf32, #tpu.memory_space<vmem_shared>>
      %dma_wait3A_113 = tpu.memref_squeeze %dma_wait3A_112 : memref<1x512xf32, #tpu.memory_space<vmem_shared>> -> memref<512xf32, #tpu.memory_space<vmem_shared>>
      tpu.wait_dma2 semaphore(%run_scoped3A_99 : memref<!tpu.dma_semaphore, #tpu.memory_space<semaphore_mem>>) src(%dma_wait3A_113 : memref<512xf32, #tpu.memory_space<vmem_shared>>) dst(%dma_wait3A_111 : memref<512xf32, #tpu.memory_space<vmem>>)
      tpu.yield
    }) : () -> ()
    %mul3A_57 = arith.constant 512 : i32
    %mul3A_58 = arith.muli %arg1, %mul3A_57 : i32
    %run_scoped3A_59 = arith.constant 5 : i32
    "tpu.region"() ({
      %run_scoped3A_99 = tpu.sem_alloc : memref<!tpu.dma_semaphore, #tpu.memory_space<semaphore_mem>>
      %dma_start3A = arith.constant 2560 : i32
      %dma_start3A_100 = tpu.memref_slice %arg8[%dma_start3A] : memref<8192xf32, #tpu.memory_space<vmem>> -> memref<512xf32, #tpu.memory_space<vmem>>
      %dma_start3A_101 = tpu.memref_slice %arg10[%run_scoped3A_59, %mul3A_58] : memref<16x8192xf32, #tpu.memory_space<vmem_shared>> -> memref<1x512xf32, #tpu.memory_space<vmem_shared>>
      %dma_start3A_102 = tpu.memref_squeeze %dma_start3A_101 : memref<1x512xf32, #tpu.memory_space<vmem_shared>> -> memref<512xf32, #tpu.memory_space<vmem_shared>>
      %dma_start3A_103 = arith.constant 2560 : i32
      %dma_start3A_104 = tpu.memref_slice %arg8[%dma_start3A_103] : memref<8192xf32, #tpu.memory_space<vmem>> -> memref<512xf32, #tpu.memory_space<vmem>>
      %dma_start3A_105 = tpu.memref_slice %arg10[%run_scoped3A_59, %mul3A_58] : memref<16x8192xf32, #tpu.memory_space<vmem_shared>> -> memref<1x512xf32, #tpu.memory_space<vmem_shared>>
      %dma_start3A_106 = tpu.memref_squeeze %dma_start3A_105 : memref<1x512xf32, #tpu.memory_space<vmem_shared>> -> memref<512xf32, #tpu.memory_space<vmem_shared>>
      tpu.enqueue_dma source(%dma_start3A_106 : memref<512xf32, #tpu.memory_space<vmem_shared>>) target(%dma_start3A_104 : memref<512xf32, #tpu.memory_space<vmem>>) target_semaphore(%run_scoped3A_99 : memref<!tpu.dma_semaphore, #tpu.memory_space<semaphore_mem>>)
      %dma_wait3A = arith.constant 2560 : i32
      %dma_wait3A_107 = tpu.memref_slice %arg8[%dma_wait3A] : memref<8192xf32, #tpu.memory_space<vmem>> -> memref<512xf32, #tpu.memory_space<vmem>>
      %dma_wait3A_108 = tpu.memref_slice %arg10[%run_scoped3A_59, %mul3A_58] : memref<16x8192xf32, #tpu.memory_space<vmem_shared>> -> memref<1x512xf32, #tpu.memory_space<vmem_shared>>
      %dma_wait3A_109 = tpu.memref_squeeze %dma_wait3A_108 : memref<1x512xf32, #tpu.memory_space<vmem_shared>> -> memref<512xf32, #tpu.memory_space<vmem_shared>>
      %dma_wait3A_110 = arith.constant 2560 : i32
      %dma_wait3A_111 = tpu.memref_slice %arg8[%dma_wait3A_110] : memref<8192xf32, #tpu.memory_space<vmem>> -> memref<512xf32, #tpu.memory_space<vmem>>
      %dma_wait3A_112 = tpu.memref_slice %arg10[%run_scoped3A_59, %mul3A_58] : memref<16x8192xf32, #tpu.memory_space<vmem_shared>> -> memref<1x512xf32, #tpu.memory_space<vmem_shared>>
      %dma_wait3A_113 = tpu.memref_squeeze %dma_wait3A_112 : memref<1x512xf32, #tpu.memory_space<vmem_shared>> -> memref<512xf32, #tpu.memory_space<vmem_shared>>
      tpu.wait_dma2 semaphore(%run_scoped3A_99 : memref<!tpu.dma_semaphore, #tpu.memory_space<semaphore_mem>>) src(%dma_wait3A_113 : memref<512xf32, #tpu.memory_space<vmem_shared>>) dst(%dma_wait3A_111 : memref<512xf32, #tpu.memory_space<vmem>>)
      tpu.yield
    }) : () -> ()
    %mul3A_60 = arith.constant 512 : i32
    %mul3A_61 = arith.muli %arg1, %mul3A_60 : i32
    %run_scoped3A_62 = arith.constant 6 : i32
    "tpu.region"() ({
      %run_scoped3A_99 = tpu.sem_alloc : memref<!tpu.dma_semaphore, #tpu.memory_space<semaphore_mem>>
      %dma_start3A = arith.constant 3072 : i32
      %dma_start3A_100 = tpu.memref_slice %arg8[%dma_start3A] : memref<8192xf32, #tpu.memory_space<vmem>> -> memref<512xf32, #tpu.memory_space<vmem>>
      %dma_start3A_101 = tpu.memref_slice %arg10[%run_scoped3A_62, %mul3A_61] : memref<16x8192xf32, #tpu.memory_space<vmem_shared>> -> memref<1x512xf32, #tpu.memory_space<vmem_shared>>
      %dma_start3A_102 = tpu.memref_squeeze %dma_start3A_101 : memref<1x512xf32, #tpu.memory_space<vmem_shared>> -> memref<512xf32, #tpu.memory_space<vmem_shared>>
      %dma_start3A_103 = arith.constant 3072 : i32
      %dma_start3A_104 = tpu.memref_slice %arg8[%dma_start3A_103] : memref<8192xf32, #tpu.memory_space<vmem>> -> memref<512xf32, #tpu.memory_space<vmem>>
      %dma_start3A_105 = tpu.memref_slice %arg10[%run_scoped3A_62, %mul3A_61] : memref<16x8192xf32, #tpu.memory_space<vmem_shared>> -> memref<1x512xf32, #tpu.memory_space<vmem_shared>>
      %dma_start3A_106 = tpu.memref_squeeze %dma_start3A_105 : memref<1x512xf32, #tpu.memory_space<vmem_shared>> -> memref<512xf32, #tpu.memory_space<vmem_shared>>
      tpu.enqueue_dma source(%dma_start3A_106 : memref<512xf32, #tpu.memory_space<vmem_shared>>) target(%dma_start3A_104 : memref<512xf32, #tpu.memory_space<vmem>>) target_semaphore(%run_scoped3A_99 : memref<!tpu.dma_semaphore, #tpu.memory_space<semaphore_mem>>)
      %dma_wait3A = arith.constant 3072 : i32
      %dma_wait3A_107 = tpu.memref_slice %arg8[%dma_wait3A] : memref<8192xf32, #tpu.memory_space<vmem>> -> memref<512xf32, #tpu.memory_space<vmem>>
      %dma_wait3A_108 = tpu.memref_slice %arg10[%run_scoped3A_62, %mul3A_61] : memref<16x8192xf32, #tpu.memory_space<vmem_shared>> -> memref<1x512xf32, #tpu.memory_space<vmem_shared>>
      %dma_wait3A_109 = tpu.memref_squeeze %dma_wait3A_108 : memref<1x512xf32, #tpu.memory_space<vmem_shared>> -> memref<512xf32, #tpu.memory_space<vmem_shared>>
      %dma_wait3A_110 = arith.constant 3072 : i32
      %dma_wait3A_111 = tpu.memref_slice %arg8[%dma_wait3A_110] : memref<8192xf32, #tpu.memory_space<vmem>> -> memref<512xf32, #tpu.memory_space<vmem>>
      %dma_wait3A_112 = tpu.memref_slice %arg10[%run_scoped3A_62, %mul3A_61] : memref<16x8192xf32, #tpu.memory_space<vmem_shared>> -> memref<1x512xf32, #tpu.memory_space<vmem_shared>>
      %dma_wait3A_113 = tpu.memref_squeeze %dma_wait3A_112 : memref<1x512xf32, #tpu.memory_space<vmem_shared>> -> memref<512xf32, #tpu.memory_space<vmem_shared>>
      tpu.wait_dma2 semaphore(%run_scoped3A_99 : memref<!tpu.dma_semaphore, #tpu.memory_space<semaphore_mem>>) src(%dma_wait3A_113 : memref<512xf32, #tpu.memory_space<vmem_shared>>) dst(%dma_wait3A_111 : memref<512xf32, #tpu.memory_space<vmem>>)
      tpu.yield
    }) : () -> ()
    %mul3A_63 = arith.constant 512 : i32
    %mul3A_64 = arith.muli %arg1, %mul3A_63 : i32
    %run_scoped3A_65 = arith.constant 7 : i32
    "tpu.region"() ({
      %run_scoped3A_99 = tpu.sem_alloc : memref<!tpu.dma_semaphore, #tpu.memory_space<semaphore_mem>>
      %dma_start3A = arith.constant 3584 : i32
      %dma_start3A_100 = tpu.memref_slice %arg8[%dma_start3A] : memref<8192xf32, #tpu.memory_space<vmem>> -> memref<512xf32, #tpu.memory_space<vmem>>
      %dma_start3A_101 = tpu.memref_slice %arg10[%run_scoped3A_65, %mul3A_64] : memref<16x8192xf32, #tpu.memory_space<vmem_shared>> -> memref<1x512xf32, #tpu.memory_space<vmem_shared>>
      %dma_start3A_102 = tpu.memref_squeeze %dma_start3A_101 : memref<1x512xf32, #tpu.memory_space<vmem_shared>> -> memref<512xf32, #tpu.memory_space<vmem_shared>>
      %dma_start3A_103 = arith.constant 3584 : i32
      %dma_start3A_104 = tpu.memref_slice %arg8[%dma_start3A_103] : memref<8192xf32, #tpu.memory_space<vmem>> -> memref<512xf32, #tpu.memory_space<vmem>>
      %dma_start3A_105 = tpu.memref_slice %arg10[%run_scoped3A_65, %mul3A_64] : memref<16x8192xf32, #tpu.memory_space<vmem_shared>> -> memref<1x512xf32, #tpu.memory_space<vmem_shared>>
      %dma_start3A_106 = tpu.memref_squeeze %dma_start3A_105 : memref<1x512xf32, #tpu.memory_space<vmem_shared>> -> memref<512xf32, #tpu.memory_space<vmem_shared>>
      tpu.enqueue_dma source(%dma_start3A_106 : memref<512xf32, #tpu.memory_space<vmem_shared>>) target(%dma_start3A_104 : memref<512xf32, #tpu.memory_space<vmem>>) target_semaphore(%run_scoped3A_99 : memref<!tpu.dma_semaphore, #tpu.memory_space<semaphore_mem>>)
      %dma_wait3A = arith.constant 3584 : i32
      %dma_wait3A_107 = tpu.memref_slice %arg8[%dma_wait3A] : memref<8192xf32, #tpu.memory_space<vmem>> -> memref<512xf32, #tpu.memory_space<vmem>>
      %dma_wait3A_108 = tpu.memref_slice %arg10[%run_scoped3A_65, %mul3A_64] : memref<16x8192xf32, #tpu.memory_space<vmem_shared>> -> memref<1x512xf32, #tpu.memory_space<vmem_shared>>
      %dma_wait3A_109 = tpu.memref_squeeze %dma_wait3A_108 : memref<1x512xf32, #tpu.memory_space<vmem_shared>> -> memref<512xf32, #tpu.memory_space<vmem_shared>>
      %dma_wait3A_110 = arith.constant 3584 : i32
      %dma_wait3A_111 = tpu.memref_slice %arg8[%dma_wait3A_110] : memref<8192xf32, #tpu.memory_space<vmem>> -> memref<512xf32, #tpu.memory_space<vmem>>
      %dma_wait3A_112 = tpu.memref_slice %arg10[%run_scoped3A_65, %mul3A_64] : memref<16x8192xf32, #tpu.memory_space<vmem_shared>> -> memref<1x512xf32, #tpu.memory_space<vmem_shared>>
      %dma_wait3A_113 = tpu.memref_squeeze %dma_wait3A_112 : memref<1x512xf32, #tpu.memory_space<vmem_shared>> -> memref<512xf32, #tpu.memory_space<vmem_shared>>
      tpu.wait_dma2 semaphore(%run_scoped3A_99 : memref<!tpu.dma_semaphore, #tpu.memory_space<semaphore_mem>>) src(%dma_wait3A_113 : memref<512xf32, #tpu.memory_space<vmem_shared>>) dst(%dma_wait3A_111 : memref<512xf32, #tpu.memory_space<vmem>>)
      tpu.yield
    }) : () -> ()
    %mul3A_66 = arith.constant 512 : i32
    %mul3A_67 = arith.muli %arg1, %mul3A_66 : i32
    %run_scoped3A_68 = arith.constant 8 : i32
    "tpu.region"() ({
      %run_scoped3A_99 = tpu.sem_alloc : memref<!tpu.dma_semaphore, #tpu.memory_space<semaphore_mem>>
      %dma_start3A = arith.constant 4096 : i32
      %dma_start3A_100 = tpu.memref_slice %arg8[%dma_start3A] : memref<8192xf32, #tpu.memory_space<vmem>> -> memref<512xf32, #tpu.memory_space<vmem>>
      %dma_start3A_101 = tpu.memref_slice %arg10[%run_scoped3A_68, %mul3A_67] : memref<16x8192xf32, #tpu.memory_space<vmem_shared>> -> memref<1x512xf32, #tpu.memory_space<vmem_shared>>
      %dma_start3A_102 = tpu.memref_squeeze %dma_start3A_101 : memref<1x512xf32, #tpu.memory_space<vmem_shared>> -> memref<512xf32, #tpu.memory_space<vmem_shared>>
      %dma_start3A_103 = arith.constant 4096 : i32
      %dma_start3A_104 = tpu.memref_slice %arg8[%dma_start3A_103] : memref<8192xf32, #tpu.memory_space<vmem>> -> memref<512xf32, #tpu.memory_space<vmem>>
      %dma_start3A_105 = tpu.memref_slice %arg10[%run_scoped3A_68, %mul3A_67] : memref<16x8192xf32, #tpu.memory_space<vmem_shared>> -> memref<1x512xf32, #tpu.memory_space<vmem_shared>>
      %dma_start3A_106 = tpu.memref_squeeze %dma_start3A_105 : memref<1x512xf32, #tpu.memory_space<vmem_shared>> -> memref<512xf32, #tpu.memory_space<vmem_shared>>
      tpu.enqueue_dma source(%dma_start3A_106 : memref<512xf32, #tpu.memory_space<vmem_shared>>) target(%dma_start3A_104 : memref<512xf32, #tpu.memory_space<vmem>>) target_semaphore(%run_scoped3A_99 : memref<!tpu.dma_semaphore, #tpu.memory_space<semaphore_mem>>)
      %dma_wait3A = arith.constant 4096 : i32
      %dma_wait3A_107 = tpu.memref_slice %arg8[%dma_wait3A] : memref<8192xf32, #tpu.memory_space<vmem>> -> memref<512xf32, #tpu.memory_space<vmem>>
      %dma_wait3A_108 = tpu.memref_slice %arg10[%run_scoped3A_68, %mul3A_67] : memref<16x8192xf32, #tpu.memory_space<vmem_shared>> -> memref<1x512xf32, #tpu.memory_space<vmem_shared>>
      %dma_wait3A_109 = tpu.memref_squeeze %dma_wait3A_108 : memref<1x512xf32, #tpu.memory_space<vmem_shared>> -> memref<512xf32, #tpu.memory_space<vmem_shared>>
      %dma_wait3A_110 = arith.constant 4096 : i32
      %dma_wait3A_111 = tpu.memref_slice %arg8[%dma_wait3A_110] : memref<8192xf32, #tpu.memory_space<vmem>> -> memref<512xf32, #tpu.memory_space<vmem>>
      %dma_wait3A_112 = tpu.memref_slice %arg10[%run_scoped3A_68, %mul3A_67] : memref<16x8192xf32, #tpu.memory_space<vmem_shared>> -> memref<1x512xf32, #tpu.memory_space<vmem_shared>>
      %dma_wait3A_113 = tpu.memref_squeeze %dma_wait3A_112 : memref<1x512xf32, #tpu.memory_space<vmem_shared>> -> memref<512xf32, #tpu.memory_space<vmem_shared>>
      tpu.wait_dma2 semaphore(%run_scoped3A_99 : memref<!tpu.dma_semaphore, #tpu.memory_space<semaphore_mem>>) src(%dma_wait3A_113 : memref<512xf32, #tpu.memory_space<vmem_shared>>) dst(%dma_wait3A_111 : memref<512xf32, #tpu.memory_space<vmem>>)
      tpu.yield
    }) : () -> ()
    %mul3A_69 = arith.constant 512 : i32
    %mul3A_70 = arith.muli %arg1, %mul3A_69 : i32
    %run_scoped3A_71 = arith.constant 9 : i32
    "tpu.region"() ({
      %run_scoped3A_99 = tpu.sem_alloc : memref<!tpu.dma_semaphore, #tpu.memory_space<semaphore_mem>>
      %dma_start3A = arith.constant 4608 : i32
      %dma_start3A_100 = tpu.memref_slice %arg8[%dma_start3A] : memref<8192xf32, #tpu.memory_space<vmem>> -> memref<512xf32, #tpu.memory_space<vmem>>
      %dma_start3A_101 = tpu.memref_slice %arg10[%run_scoped3A_71, %mul3A_70] : memref<16x8192xf32, #tpu.memory_space<vmem_shared>> -> memref<1x512xf32, #tpu.memory_space<vmem_shared>>
      %dma_start3A_102 = tpu.memref_squeeze %dma_start3A_101 : memref<1x512xf32, #tpu.memory_space<vmem_shared>> -> memref<512xf32, #tpu.memory_space<vmem_shared>>
      %dma_start3A_103 = arith.constant 4608 : i32
      %dma_start3A_104 = tpu.memref_slice %arg8[%dma_start3A_103] : memref<8192xf32, #tpu.memory_space<vmem>> -> memref<512xf32, #tpu.memory_space<vmem>>
      %dma_start3A_105 = tpu.memref_slice %arg10[%run_scoped3A_71, %mul3A_70] : memref<16x8192xf32, #tpu.memory_space<vmem_shared>> -> memref<1x512xf32, #tpu.memory_space<vmem_shared>>
      %dma_start3A_106 = tpu.memref_squeeze %dma_start3A_105 : memref<1x512xf32, #tpu.memory_space<vmem_shared>> -> memref<512xf32, #tpu.memory_space<vmem_shared>>
      tpu.enqueue_dma source(%dma_start3A_106 : memref<512xf32, #tpu.memory_space<vmem_shared>>) target(%dma_start3A_104 : memref<512xf32, #tpu.memory_space<vmem>>) target_semaphore(%run_scoped3A_99 : memref<!tpu.dma_semaphore, #tpu.memory_space<semaphore_mem>>)
      %dma_wait3A = arith.constant 4608 : i32
      %dma_wait3A_107 = tpu.memref_slice %arg8[%dma_wait3A] : memref<8192xf32, #tpu.memory_space<vmem>> -> memref<512xf32, #tpu.memory_space<vmem>>
      %dma_wait3A_108 = tpu.memref_slice %arg10[%run_scoped3A_71, %mul3A_70] : memref<16x8192xf32, #tpu.memory_space<vmem_shared>> -> memref<1x512xf32, #tpu.memory_space<vmem_shared>>
      %dma_wait3A_109 = tpu.memref_squeeze %dma_wait3A_108 : memref<1x512xf32, #tpu.memory_space<vmem_shared>> -> memref<512xf32, #tpu.memory_space<vmem_shared>>
      %dma_wait3A_110 = arith.constant 4608 : i32
      %dma_wait3A_111 = tpu.memref_slice %arg8[%dma_wait3A_110] : memref<8192xf32, #tpu.memory_space<vmem>> -> memref<512xf32, #tpu.memory_space<vmem>>
      %dma_wait3A_112 = tpu.memref_slice %arg10[%run_scoped3A_71, %mul3A_70] : memref<16x8192xf32, #tpu.memory_space<vmem_shared>> -> memref<1x512xf32, #tpu.memory_space<vmem_shared>>
      %dma_wait3A_113 = tpu.memref_squeeze %dma_wait3A_112 : memref<1x512xf32, #tpu.memory_space<vmem_shared>> -> memref<512xf32, #tpu.memory_space<vmem_shared>>
      tpu.wait_dma2 semaphore(%run_scoped3A_99 : memref<!tpu.dma_semaphore, #tpu.memory_space<semaphore_mem>>) src(%dma_wait3A_113 : memref<512xf32, #tpu.memory_space<vmem_shared>>) dst(%dma_wait3A_111 : memref<512xf32, #tpu.memory_space<vmem>>)
      tpu.yield
    }) : () -> ()
    %mul3A_72 = arith.constant 512 : i32
    %mul3A_73 = arith.muli %arg1, %mul3A_72 : i32
    %run_scoped3A_74 = arith.constant 10 : i32
    "tpu.region"() ({
      %run_scoped3A_99 = tpu.sem_alloc : memref<!tpu.dma_semaphore, #tpu.memory_space<semaphore_mem>>
      %dma_start3A = arith.constant 5120 : i32
      %dma_start3A_100 = tpu.memref_slice %arg8[%dma_start3A] : memref<8192xf32, #tpu.memory_space<vmem>> -> memref<512xf32, #tpu.memory_space<vmem>>
      %dma_start3A_101 = tpu.memref_slice %arg10[%run_scoped3A_74, %mul3A_73] : memref<16x8192xf32, #tpu.memory_space<vmem_shared>> -> memref<1x512xf32, #tpu.memory_space<vmem_shared>>
      %dma_start3A_102 = tpu.memref_squeeze %dma_start3A_101 : memref<1x512xf32, #tpu.memory_space<vmem_shared>> -> memref<512xf32, #tpu.memory_space<vmem_shared>>
      %dma_start3A_103 = arith.constant 5120 : i32
      %dma_start3A_104 = tpu.memref_slice %arg8[%dma_start3A_103] : memref<8192xf32, #tpu.memory_space<vmem>> -> memref<512xf32, #tpu.memory_space<vmem>>
      %dma_start3A_105 = tpu.memref_slice %arg10[%run_scoped3A_74, %mul3A_73] : memref<16x8192xf32, #tpu.memory_space<vmem_shared>> -> memref<1x512xf32, #tpu.memory_space<vmem_shared>>
      %dma_start3A_106 = tpu.memref_squeeze %dma_start3A_105 : memref<1x512xf32, #tpu.memory_space<vmem_shared>> -> memref<512xf32, #tpu.memory_space<vmem_shared>>
      tpu.enqueue_dma source(%dma_start3A_106 : memref<512xf32, #tpu.memory_space<vmem_shared>>) target(%dma_start3A_104 : memref<512xf32, #tpu.memory_space<vmem>>) target_semaphore(%run_scoped3A_99 : memref<!tpu.dma_semaphore, #tpu.memory_space<semaphore_mem>>)
      %dma_wait3A = arith.constant 5120 : i32
      %dma_wait3A_107 = tpu.memref_slice %arg8[%dma_wait3A] : memref<8192xf32, #tpu.memory_space<vmem>> -> memref<512xf32, #tpu.memory_space<vmem>>
      %dma_wait3A_108 = tpu.memref_slice %arg10[%run_scoped3A_74, %mul3A_73] : memref<16x8192xf32, #tpu.memory_space<vmem_shared>> -> memref<1x512xf32, #tpu.memory_space<vmem_shared>>
      %dma_wait3A_109 = tpu.memref_squeeze %dma_wait3A_108 : memref<1x512xf32, #tpu.memory_space<vmem_shared>> -> memref<512xf32, #tpu.memory_space<vmem_shared>>
      %dma_wait3A_110 = arith.constant 5120 : i32
      %dma_wait3A_111 = tpu.memref_slice %arg8[%dma_wait3A_110] : memref<8192xf32, #tpu.memory_space<vmem>> -> memref<512xf32, #tpu.memory_space<vmem>>
      %dma_wait3A_112 = tpu.memref_slice %arg10[%run_scoped3A_74, %mul3A_73] : memref<16x8192xf32, #tpu.memory_space<vmem_shared>> -> memref<1x512xf32, #tpu.memory_space<vmem_shared>>
      %dma_wait3A_113 = tpu.memref_squeeze %dma_wait3A_112 : memref<1x512xf32, #tpu.memory_space<vmem_shared>> -> memref<512xf32, #tpu.memory_space<vmem_shared>>
      tpu.wait_dma2 semaphore(%run_scoped3A_99 : memref<!tpu.dma_semaphore, #tpu.memory_space<semaphore_mem>>) src(%dma_wait3A_113 : memref<512xf32, #tpu.memory_space<vmem_shared>>) dst(%dma_wait3A_111 : memref<512xf32, #tpu.memory_space<vmem>>)
      tpu.yield
    }) : () -> ()
    %mul3A_75 = arith.constant 512 : i32
    %mul3A_76 = arith.muli %arg1, %mul3A_75 : i32
    %run_scoped3A_77 = arith.constant 11 : i32
    "tpu.region"() ({
      %run_scoped3A_99 = tpu.sem_alloc : memref<!tpu.dma_semaphore, #tpu.memory_space<semaphore_mem>>
      %dma_start3A = arith.constant 5632 : i32
      %dma_start3A_100 = tpu.memref_slice %arg8[%dma_start3A] : memref<8192xf32, #tpu.memory_space<vmem>> -> memref<512xf32, #tpu.memory_space<vmem>>
      %dma_start3A_101 = tpu.memref_slice %arg10[%run_scoped3A_77, %mul3A_76] : memref<16x8192xf32, #tpu.memory_space<vmem_shared>> -> memref<1x512xf32, #tpu.memory_space<vmem_shared>>
      %dma_start3A_102 = tpu.memref_squeeze %dma_start3A_101 : memref<1x512xf32, #tpu.memory_space<vmem_shared>> -> memref<512xf32, #tpu.memory_space<vmem_shared>>
      %dma_start3A_103 = arith.constant 5632 : i32
      %dma_start3A_104 = tpu.memref_slice %arg8[%dma_start3A_103] : memref<8192xf32, #tpu.memory_space<vmem>> -> memref<512xf32, #tpu.memory_space<vmem>>
      %dma_start3A_105 = tpu.memref_slice %arg10[%run_scoped3A_77, %mul3A_76] : memref<16x8192xf32, #tpu.memory_space<vmem_shared>> -> memref<1x512xf32, #tpu.memory_space<vmem_shared>>
      %dma_start3A_106 = tpu.memref_squeeze %dma_start3A_105 : memref<1x512xf32, #tpu.memory_space<vmem_shared>> -> memref<512xf32, #tpu.memory_space<vmem_shared>>
      tpu.enqueue_dma source(%dma_start3A_106 : memref<512xf32, #tpu.memory_space<vmem_shared>>) target(%dma_start3A_104 : memref<512xf32, #tpu.memory_space<vmem>>) target_semaphore(%run_scoped3A_99 : memref<!tpu.dma_semaphore, #tpu.memory_space<semaphore_mem>>)
      %dma_wait3A = arith.constant 5632 : i32
      %dma_wait3A_107 = tpu.memref_slice %arg8[%dma_wait3A] : memref<8192xf32, #tpu.memory_space<vmem>> -> memref<512xf32, #tpu.memory_space<vmem>>
      %dma_wait3A_108 = tpu.memref_slice %arg10[%run_scoped3A_77, %mul3A_76] : memref<16x8192xf32, #tpu.memory_space<vmem_shared>> -> memref<1x512xf32, #tpu.memory_space<vmem_shared>>
      %dma_wait3A_109 = tpu.memref_squeeze %dma_wait3A_108 : memref<1x512xf32, #tpu.memory_space<vmem_shared>> -> memref<512xf32, #tpu.memory_space<vmem_shared>>
      %dma_wait3A_110 = arith.constant 5632 : i32
      %dma_wait3A_111 = tpu.memref_slice %arg8[%dma_wait3A_110] : memref<8192xf32, #tpu.memory_space<vmem>> -> memref<512xf32, #tpu.memory_space<vmem>>
      %dma_wait3A_112 = tpu.memref_slice %arg10[%run_scoped3A_77, %mul3A_76] : memref<16x8192xf32, #tpu.memory_space<vmem_shared>> -> memref<1x512xf32, #tpu.memory_space<vmem_shared>>
      %dma_wait3A_113 = tpu.memref_squeeze %dma_wait3A_112 : memref<1x512xf32, #tpu.memory_space<vmem_shared>> -> memref<512xf32, #tpu.memory_space<vmem_shared>>
      tpu.wait_dma2 semaphore(%run_scoped3A_99 : memref<!tpu.dma_semaphore, #tpu.memory_space<semaphore_mem>>) src(%dma_wait3A_113 : memref<512xf32, #tpu.memory_space<vmem_shared>>) dst(%dma_wait3A_111 : memref<512xf32, #tpu.memory_space<vmem>>)
      tpu.yield
    }) : () -> ()
    %mul3A_78 = arith.constant 512 : i32
    %mul3A_79 = arith.muli %arg1, %mul3A_78 : i32
    %run_scoped3A_80 = arith.constant 12 : i32
    "tpu.region"() ({
      %run_scoped3A_99 = tpu.sem_alloc : memref<!tpu.dma_semaphore, #tpu.memory_space<semaphore_mem>>
      %dma_start3A = arith.constant 6144 : i32
      %dma_start3A_100 = tpu.memref_slice %arg8[%dma_start3A] : memref<8192xf32, #tpu.memory_space<vmem>> -> memref<512xf32, #tpu.memory_space<vmem>>
      %dma_start3A_101 = tpu.memref_slice %arg10[%run_scoped3A_80, %mul3A_79] : memref<16x8192xf32, #tpu.memory_space<vmem_shared>> -> memref<1x512xf32, #tpu.memory_space<vmem_shared>>
      %dma_start3A_102 = tpu.memref_squeeze %dma_start3A_101 : memref<1x512xf32, #tpu.memory_space<vmem_shared>> -> memref<512xf32, #tpu.memory_space<vmem_shared>>
      %dma_start3A_103 = arith.constant 6144 : i32
      %dma_start3A_104 = tpu.memref_slice %arg8[%dma_start3A_103] : memref<8192xf32, #tpu.memory_space<vmem>> -> memref<512xf32, #tpu.memory_space<vmem>>
      %dma_start3A_105 = tpu.memref_slice %arg10[%run_scoped3A_80, %mul3A_79] : memref<16x8192xf32, #tpu.memory_space<vmem_shared>> -> memref<1x512xf32, #tpu.memory_space<vmem_shared>>
      %dma_start3A_106 = tpu.memref_squeeze %dma_start3A_105 : memref<1x512xf32, #tpu.memory_space<vmem_shared>> -> memref<512xf32, #tpu.memory_space<vmem_shared>>
      tpu.enqueue_dma source(%dma_start3A_106 : memref<512xf32, #tpu.memory_space<vmem_shared>>) target(%dma_start3A_104 : memref<512xf32, #tpu.memory_space<vmem>>) target_semaphore(%run_scoped3A_99 : memref<!tpu.dma_semaphore, #tpu.memory_space<semaphore_mem>>)
      %dma_wait3A = arith.constant 6144 : i32
      %dma_wait3A_107 = tpu.memref_slice %arg8[%dma_wait3A] : memref<8192xf32, #tpu.memory_space<vmem>> -> memref<512xf32, #tpu.memory_space<vmem>>
      %dma_wait3A_108 = tpu.memref_slice %arg10[%run_scoped3A_80, %mul3A_79] : memref<16x8192xf32, #tpu.memory_space<vmem_shared>> -> memref<1x512xf32, #tpu.memory_space<vmem_shared>>
      %dma_wait3A_109 = tpu.memref_squeeze %dma_wait3A_108 : memref<1x512xf32, #tpu.memory_space<vmem_shared>> -> memref<512xf32, #tpu.memory_space<vmem_shared>>
      %dma_wait3A_110 = arith.constant 6144 : i32
      %dma_wait3A_111 = tpu.memref_slice %arg8[%dma_wait3A_110] : memref<8192xf32, #tpu.memory_space<vmem>> -> memref<512xf32, #tpu.memory_space<vmem>>
      %dma_wait3A_112 = tpu.memref_slice %arg10[%run_scoped3A_80, %mul3A_79] : memref<16x8192xf32, #tpu.memory_space<vmem_shared>> -> memref<1x512xf32, #tpu.memory_space<vmem_shared>>
      %dma_wait3A_113 = tpu.memref_squeeze %dma_wait3A_112 : memref<1x512xf32, #tpu.memory_space<vmem_shared>> -> memref<512xf32, #tpu.memory_space<vmem_shared>>
      tpu.wait_dma2 semaphore(%run_scoped3A_99 : memref<!tpu.dma_semaphore, #tpu.memory_space<semaphore_mem>>) src(%dma_wait3A_113 : memref<512xf32, #tpu.memory_space<vmem_shared>>) dst(%dma_wait3A_111 : memref<512xf32, #tpu.memory_space<vmem>>)
      tpu.yield
    }) : () -> ()
    %mul3A_81 = arith.constant 512 : i32
    %mul3A_82 = arith.muli %arg1, %mul3A_81 : i32
    %run_scoped3A_83 = arith.constant 13 : i32
    "tpu.region"() ({
      %run_scoped3A_99 = tpu.sem_alloc : memref<!tpu.dma_semaphore, #tpu.memory_space<semaphore_mem>>
      %dma_start3A = arith.constant 6656 : i32
      %dma_start3A_100 = tpu.memref_slice %arg8[%dma_start3A] : memref<8192xf32, #tpu.memory_space<vmem>> -> memref<512xf32, #tpu.memory_space<vmem>>
      %dma_start3A_101 = tpu.memref_slice %arg10[%run_scoped3A_83, %mul3A_82] : memref<16x8192xf32, #tpu.memory_space<vmem_shared>> -> memref<1x512xf32, #tpu.memory_space<vmem_shared>>
      %dma_start3A_102 = tpu.memref_squeeze %dma_start3A_101 : memref<1x512xf32, #tpu.memory_space<vmem_shared>> -> memref<512xf32, #tpu.memory_space<vmem_shared>>
      %dma_start3A_103 = arith.constant 6656 : i32
      %dma_start3A_104 = tpu.memref_slice %arg8[%dma_start3A_103] : memref<8192xf32, #tpu.memory_space<vmem>> -> memref<512xf32, #tpu.memory_space<vmem>>
      %dma_start3A_105 = tpu.memref_slice %arg10[%run_scoped3A_83, %mul3A_82] : memref<16x8192xf32, #tpu.memory_space<vmem_shared>> -> memref<1x512xf32, #tpu.memory_space<vmem_shared>>
      %dma_start3A_106 = tpu.memref_squeeze %dma_start3A_105 : memref<1x512xf32, #tpu.memory_space<vmem_shared>> -> memref<512xf32, #tpu.memory_space<vmem_shared>>
      tpu.enqueue_dma source(%dma_start3A_106 : memref<512xf32, #tpu.memory_space<vmem_shared>>) target(%dma_start3A_104 : memref<512xf32, #tpu.memory_space<vmem>>) target_semaphore(%run_scoped3A_99 : memref<!tpu.dma_semaphore, #tpu.memory_space<semaphore_mem>>)
      %dma_wait3A = arith.constant 6656 : i32
      %dma_wait3A_107 = tpu.memref_slice %arg8[%dma_wait3A] : memref<8192xf32, #tpu.memory_space<vmem>> -> memref<512xf32, #tpu.memory_space<vmem>>
      %dma_wait3A_108 = tpu.memref_slice %arg10[%run_scoped3A_83, %mul3A_82] : memref<16x8192xf32, #tpu.memory_space<vmem_shared>> -> memref<1x512xf32, #tpu.memory_space<vmem_shared>>
      %dma_wait3A_109 = tpu.memref_squeeze %dma_wait3A_108 : memref<1x512xf32, #tpu.memory_space<vmem_shared>> -> memref<512xf32, #tpu.memory_space<vmem_shared>>
      %dma_wait3A_110 = arith.constant 6656 : i32
      %dma_wait3A_111 = tpu.memref_slice %arg8[%dma_wait3A_110] : memref<8192xf32, #tpu.memory_space<vmem>> -> memref<512xf32, #tpu.memory_space<vmem>>
      %dma_wait3A_112 = tpu.memref_slice %arg10[%run_scoped3A_83, %mul3A_82] : memref<16x8192xf32, #tpu.memory_space<vmem_shared>> -> memref<1x512xf32, #tpu.memory_space<vmem_shared>>
      %dma_wait3A_113 = tpu.memref_squeeze %dma_wait3A_112 : memref<1x512xf32, #tpu.memory_space<vmem_shared>> -> memref<512xf32, #tpu.memory_space<vmem_shared>>
      tpu.wait_dma2 semaphore(%run_scoped3A_99 : memref<!tpu.dma_semaphore, #tpu.memory_space<semaphore_mem>>) src(%dma_wait3A_113 : memref<512xf32, #tpu.memory_space<vmem_shared>>) dst(%dma_wait3A_111 : memref<512xf32, #tpu.memory_space<vmem>>)
      tpu.yield
    }) : () -> ()
    %mul3A_84 = arith.constant 512 : i32
    %mul3A_85 = arith.muli %arg1, %mul3A_84 : i32
    %run_scoped3A_86 = arith.constant 14 : i32
    "tpu.region"() ({
      %run_scoped3A_99 = tpu.sem_alloc : memref<!tpu.dma_semaphore, #tpu.memory_space<semaphore_mem>>
      %dma_start3A = arith.constant 7168 : i32
      %dma_start3A_100 = tpu.memref_slice %arg8[%dma_start3A] : memref<8192xf32, #tpu.memory_space<vmem>> -> memref<512xf32, #tpu.memory_space<vmem>>
      %dma_start3A_101 = tpu.memref_slice %arg10[%run_scoped3A_86, %mul3A_85] : memref<16x8192xf32, #tpu.memory_space<vmem_shared>> -> memref<1x512xf32, #tpu.memory_space<vmem_shared>>
      %dma_start3A_102 = tpu.memref_squeeze %dma_start3A_101 : memref<1x512xf32, #tpu.memory_space<vmem_shared>> -> memref<512xf32, #tpu.memory_space<vmem_shared>>
      %dma_start3A_103 = arith.constant 7168 : i32
      %dma_start3A_104 = tpu.memref_slice %arg8[%dma_start3A_103] : memref<8192xf32, #tpu.memory_space<vmem>> -> memref<512xf32, #tpu.memory_space<vmem>>
      %dma_start3A_105 = tpu.memref_slice %arg10[%run_scoped3A_86, %mul3A_85] : memref<16x8192xf32, #tpu.memory_space<vmem_shared>> -> memref<1x512xf32, #tpu.memory_space<vmem_shared>>
      %dma_start3A_106 = tpu.memref_squeeze %dma_start3A_105 : memref<1x512xf32, #tpu.memory_space<vmem_shared>> -> memref<512xf32, #tpu.memory_space<vmem_shared>>
      tpu.enqueue_dma source(%dma_start3A_106 : memref<512xf32, #tpu.memory_space<vmem_shared>>) target(%dma_start3A_104 : memref<512xf32, #tpu.memory_space<vmem>>) target_semaphore(%run_scoped3A_99 : memref<!tpu.dma_semaphore, #tpu.memory_space<semaphore_mem>>)
      %dma_wait3A = arith.constant 7168 : i32
      %dma_wait3A_107 = tpu.memref_slice %arg8[%dma_wait3A] : memref<8192xf32, #tpu.memory_space<vmem>> -> memref<512xf32, #tpu.memory_space<vmem>>
      %dma_wait3A_108 = tpu.memref_slice %arg10[%run_scoped3A_86, %mul3A_85] : memref<16x8192xf32, #tpu.memory_space<vmem_shared>> -> memref<1x512xf32, #tpu.memory_space<vmem_shared>>
      %dma_wait3A_109 = tpu.memref_squeeze %dma_wait3A_108 : memref<1x512xf32, #tpu.memory_space<vmem_shared>> -> memref<512xf32, #tpu.memory_space<vmem_shared>>
      %dma_wait3A_110 = arith.constant 7168 : i32
      %dma_wait3A_111 = tpu.memref_slice %arg8[%dma_wait3A_110] : memref<8192xf32, #tpu.memory_space<vmem>> -> memref<512xf32, #tpu.memory_space<vmem>>
      %dma_wait3A_112 = tpu.memref_slice %arg10[%run_scoped3A_86, %mul3A_85] : memref<16x8192xf32, #tpu.memory_space<vmem_shared>> -> memref<1x512xf32, #tpu.memory_space<vmem_shared>>
      %dma_wait3A_113 = tpu.memref_squeeze %dma_wait3A_112 : memref<1x512xf32, #tpu.memory_space<vmem_shared>> -> memref<512xf32, #tpu.memory_space<vmem_shared>>
      tpu.wait_dma2 semaphore(%run_scoped3A_99 : memref<!tpu.dma_semaphore, #tpu.memory_space<semaphore_mem>>) src(%dma_wait3A_113 : memref<512xf32, #tpu.memory_space<vmem_shared>>) dst(%dma_wait3A_111 : memref<512xf32, #tpu.memory_space<vmem>>)
      tpu.yield
    }) : () -> ()
    %mul3A_87 = arith.constant 512 : i32
    %mul3A_88 = arith.muli %arg1, %mul3A_87 : i32
    %run_scoped3A_89 = arith.constant 15 : i32
    "tpu.region"() ({
      %run_scoped3A_99 = tpu.sem_alloc : memref<!tpu.dma_semaphore, #tpu.memory_space<semaphore_mem>>
      %dma_start3A = arith.constant 7680 : i32
      %dma_start3A_100 = tpu.memref_slice %arg8[%dma_start3A] : memref<8192xf32, #tpu.memory_space<vmem>> -> memref<512xf32, #tpu.memory_space<vmem>>
      %dma_start3A_101 = tpu.memref_slice %arg10[%run_scoped3A_89, %mul3A_88] : memref<16x8192xf32, #tpu.memory_space<vmem_shared>> -> memref<1x512xf32, #tpu.memory_space<vmem_shared>>
      %dma_start3A_102 = tpu.memref_squeeze %dma_start3A_101 : memref<1x512xf32, #tpu.memory_space<vmem_shared>> -> memref<512xf32, #tpu.memory_space<vmem_shared>>
      %dma_start3A_103 = arith.constant 7680 : i32
      %dma_start3A_104 = tpu.memref_slice %arg8[%dma_start3A_103] : memref<8192xf32, #tpu.memory_space<vmem>> -> memref<512xf32, #tpu.memory_space<vmem>>
      %dma_start3A_105 = tpu.memref_slice %arg10[%run_scoped3A_89, %mul3A_88] : memref<16x8192xf32, #tpu.memory_space<vmem_shared>> -> memref<1x512xf32, #tpu.memory_space<vmem_shared>>
      %dma_start3A_106 = tpu.memref_squeeze %dma_start3A_105 : memref<1x512xf32, #tpu.memory_space<vmem_shared>> -> memref<512xf32, #tpu.memory_space<vmem_shared>>
      tpu.enqueue_dma source(%dma_start3A_106 : memref<512xf32, #tpu.memory_space<vmem_shared>>) target(%dma_start3A_104 : memref<512xf32, #tpu.memory_space<vmem>>) target_semaphore(%run_scoped3A_99 : memref<!tpu.dma_semaphore, #tpu.memory_space<semaphore_mem>>)
      %dma_wait3A = arith.constant 7680 : i32
      %dma_wait3A_107 = tpu.memref_slice %arg8[%dma_wait3A] : memref<8192xf32, #tpu.memory_space<vmem>> -> memref<512xf32, #tpu.memory_space<vmem>>
      %dma_wait3A_108 = tpu.memref_slice %arg10[%run_scoped3A_89, %mul3A_88] : memref<16x8192xf32, #tpu.memory_space<vmem_shared>> -> memref<1x512xf32, #tpu.memory_space<vmem_shared>>
      %dma_wait3A_109 = tpu.memref_squeeze %dma_wait3A_108 : memref<1x512xf32, #tpu.memory_space<vmem_shared>> -> memref<512xf32, #tpu.memory_space<vmem_shared>>
      %dma_wait3A_110 = arith.constant 7680 : i32
      %dma_wait3A_111 = tpu.memref_slice %arg8[%dma_wait3A_110] : memref<8192xf32, #tpu.memory_space<vmem>> -> memref<512xf32, #tpu.memory_space<vmem>>
      %dma_wait3A_112 = tpu.memref_slice %arg10[%run_scoped3A_89, %mul3A_88] : memref<16x8192xf32, #tpu.memory_space<vmem_shared>> -> memref<1x512xf32, #tpu.memory_space<vmem_shared>>
      %dma_wait3A_113 = tpu.memref_squeeze %dma_wait3A_112 : memref<1x512xf32, #tpu.memory_space<vmem_shared>> -> memref<512xf32, #tpu.memory_space<vmem_shared>>
      tpu.wait_dma2 semaphore(%run_scoped3A_99 : memref<!tpu.dma_semaphore, #tpu.memory_space<semaphore_mem>>) src(%dma_wait3A_113 : memref<512xf32, #tpu.memory_space<vmem_shared>>) dst(%dma_wait3A_111 : memref<512xf32, #tpu.memory_space<vmem>>)
      tpu.yield
    }) : () -> ()
    %scan3A_90 = arith.constant 0 : i32
    %scan3A_91 = arith.constant 0 : i32
    %scan3A_92 = arith.constant 32 : i32
    %scan3A_93 = arith.addi %scan3A_91, %scan3A_92 : i32
    %scan3A_94 = arith.constant 1 : i32
    scf.for %scan3A_99 = %scan3A_91 to %scan3A_93 step %scan3A_94  : i32 {
      %mul3A_100 = arith.constant 16 : i32
      %mul3A_101 = arith.muli %scan3A_99, %mul3A_100 : i32
      %get3A = arith.index_cast %mul3A_101 : i32 to index
      %get3A_102 = tpu.vector_load %arg8[%get3A] {strides = array<i32>} : memref<8192xf32, #tpu.memory_space<vmem>>, vector<16xf32>,
      %mul3A_103 = arith.constant 16 : i32
      %mul3A_104 = arith.muli %scan3A_99, %mul3A_103 : i32
      %add3A_105 = arith.constant 512 : i32
      %add3A_106 = arith.addi %add3A_105, %mul3A_104 : i32
      %get3A_107 = arith.index_cast %add3A_106 : i32 to index
      %get3A_108 = tpu.vector_load %arg8[%get3A_107] {strides = array<i32>} : memref<8192xf32, #tpu.memory_space<vmem>>, vector<16xf32>,
      %add3A_109 = arith.addf %get3A_102, %get3A_108 : vector<16xf32>
      %mul3A_110 = arith.constant 16 : i32
      %mul3A_111 = arith.muli %scan3A_99, %mul3A_110 : i32
      %add3A_112 = arith.constant 1024 : i32
      %add3A_113 = arith.addi %add3A_112, %mul3A_111 : i32
      %get3A_114 = arith.index_cast %add3A_113 : i32 to index
      %get3A_115 = tpu.vector_load %arg8[%get3A_114] {strides = array<i32>} : memref<8192xf32, #tpu.memory_space<vmem>>, vector<16xf32>,
      %add3A_116 = arith.addf %add3A_109, %get3A_115 : vector<16xf32>
      %mul3A_117 = arith.constant 16 : i32
      %mul3A_118 = arith.muli %scan3A_99, %mul3A_117 : i32
      %add3A_119 = arith.constant 1536 : i32
      %add3A_120 = arith.addi %add3A_119, %mul3A_118 : i32
      %get3A_121 = arith.index_cast %add3A_120 : i32 to index
      %get3A_122 = tpu.vector_load %arg8[%get3A_121] {strides = array<i32>} : memref<8192xf32, #tpu.memory_space<vmem>>, vector<16xf32>,
      %add3A_123 = arith.addf %add3A_116, %get3A_122 : vector<16xf32>
      %mul3A_124 = arith.constant 16 : i32
      %mul3A_125 = arith.muli %scan3A_99, %mul3A_124 : i32
      %add3A_126 = arith.constant 2048 : i32
      %add3A_127 = arith.addi %add3A_126, %mul3A_125 : i32
      %get3A_128 = arith.index_cast %add3A_127 : i32 to index
      %get3A_129 = tpu.vector_load %arg8[%get3A_128] {strides = array<i32>} : memref<8192xf32, #tpu.memory_space<vmem>>, vector<16xf32>,
      %add3A_130 = arith.addf %add3A_123, %get3A_129 : vector<16xf32>
      %mul3A_131 = arith.constant 16 : i32
      %mul3A_132 = arith.muli %scan3A_99, %mul3A_131 : i32
      %add3A_133 = arith.constant 2560 : i32
      %add3A_134 = arith.addi %add3A_133, %mul3A_132 : i32
      %get3A_135 = arith.index_cast %add3A_134 : i32 to index
      %get3A_136 = tpu.vector_load %arg8[%get3A_135] {strides = array<i32>} : memref<8192xf32, #tpu.memory_space<vmem>>, vector<16xf32>,
      %add3A_137 = arith.addf %add3A_130, %get3A_136 : vector<16xf32>
      %mul3A_138 = arith.constant 16 : i32
      %mul3A_139 = arith.muli %scan3A_99, %mul3A_138 : i32
      %add3A_140 = arith.constant 3072 : i32
      %add3A_141 = arith.addi %add3A_140, %mul3A_139 : i32
      %get3A_142 = arith.index_cast %add3A_141 : i32 to index
      %get3A_143 = tpu.vector_load %arg8[%get3A_142] {strides = array<i32>} : memref<8192xf32, #tpu.memory_space<vmem>>, vector<16xf32>,
      %add3A_144 = arith.addf %add3A_137, %get3A_143 : vector<16xf32>
      %mul3A_145 = arith.constant 16 : i32
      %mul3A_146 = arith.muli %scan3A_99, %mul3A_145 : i32
      %add3A_147 = arith.constant 3584 : i32
      %add3A_148 = arith.addi %add3A_147, %mul3A_146 : i32
      %get3A_149 = arith.index_cast %add3A_148 : i32 to index
      %get3A_150 = tpu.vector_load %arg8[%get3A_149] {strides = array<i32>} : memref<8192xf32, #tpu.memory_space<vmem>>, vector<16xf32>,
      %add3A_151 = arith.addf %add3A_144, %get3A_150 : vector<16xf32>
      %mul3A_152 = arith.constant 16 : i32
      %mul3A_153 = arith.muli %scan3A_99, %mul3A_152 : i32
      %add3A_154 = arith.constant 4096 : i32
      %add3A_155 = arith.addi %add3A_154, %mul3A_153 : i32
      %get3A_156 = arith.index_cast %add3A_155 : i32 to index
      %get3A_157 = tpu.vector_load %arg8[%get3A_156] {strides = array<i32>} : memref<8192xf32, #tpu.memory_space<vmem>>, vector<16xf32>,
      %add3A_158 = arith.addf %add3A_151, %get3A_157 : vector<16xf32>
      %mul3A_159 = arith.constant 16 : i32
      %mul3A_160 = arith.muli %scan3A_99, %mul3A_159 : i32
      %add3A_161 = arith.constant 4608 : i32
      %add3A_162 = arith.addi %add3A_161, %mul3A_160 : i32
      %get3A_163 = arith.index_cast %add3A_162 : i32 to index
      %get3A_164 = tpu.vector_load %arg8[%get3A_163] {strides = array<i32>} : memref<8192xf32, #tpu.memory_space<vmem>>, vector<16xf32>,
      %add3A_165 = arith.addf %add3A_158, %get3A_164 : vector<16xf32>
      %mul3A_166 = arith.constant 16 : i32
      %mul3A_167 = arith.muli %scan3A_99, %mul3A_166 : i32
      %add3A_168 = arith.constant 5120 : i32
      %add3A_169 = arith.addi %add3A_168, %mul3A_167 : i32
      %get3A_170 = arith.index_cast %add3A_169 : i32 to index
      %get3A_171 = tpu.vector_load %arg8[%get3A_170] {strides = array<i32>} : memref<8192xf32, #tpu.memory_space<vmem>>, vector<16xf32>,
      %add3A_172 = arith.addf %add3A_165, %get3A_171 : vector<16xf32>
      %mul3A_173 = arith.constant 16 : i32
      %mul3A_174 = arith.muli %scan3A_99, %mul3A_173 : i32
      %add3A_175 = arith.constant 5632 : i32
      %add3A_176 = arith.addi %add3A_175, %mul3A_174 : i32
      %get3A_177 = arith.index_cast %add3A_176 : i32 to index
      %get3A_178 = tpu.vector_load %arg8[%get3A_177] {strides = array<i32>} : memref<8192xf32, #tpu.memory_space<vmem>>, vector<16xf32>,
      %add3A_179 = arith.addf %add3A_172, %get3A_178 : vector<16xf32>
      %mul3A_180 = arith.constant 16 : i32
      %mul3A_181 = arith.muli %scan3A_99, %mul3A_180 : i32
      %add3A_182 = arith.constant 6144 : i32
      %add3A_183 = arith.addi %add3A_182, %mul3A_181 : i32
      %get3A_184 = arith.index_cast %add3A_183 : i32 to index
      %get3A_185 = tpu.vector_load %arg8[%get3A_184] {strides = array<i32>} : memref<8192xf32, #tpu.memory_space<vmem>>, vector<16xf32>,
      %add3A_186 = arith.addf %add3A_179, %get3A_185 : vector<16xf32>
      %mul3A_187 = arith.constant 16 : i32
      %mul3A_188 = arith.muli %scan3A_99, %mul3A_187 : i32
      %add3A_189 = arith.constant 6656 : i32
      %add3A_190 = arith.addi %add3A_189, %mul3A_188 : i32
      %get3A_191 = arith.index_cast %add3A_190 : i32 to index
      %get3A_192 = tpu.vector_load %arg8[%get3A_191] {strides = array<i32>} : memref<8192xf32, #tpu.memory_space<vmem>>, vector<16xf32>,
      %add3A_193 = arith.addf %add3A_186, %get3A_192 : vector<16xf32>
      %mul3A_194 = arith.constant 16 : i32
      %mul3A_195 = arith.muli %scan3A_99, %mul3A_194 : i32
      %add3A_196 = arith.constant 7168 : i32
      %add3A_197 = arith.addi %add3A_196, %mul3A_195 : i32
      %get3A_198 = arith.index_cast %add3A_197 : i32 to index
      %get3A_199 = tpu.vector_load %arg8[%get3A_198] {strides = array<i32>} : memref<8192xf32, #tpu.memory_space<vmem>>, vector<16xf32>,
      %add3A_200 = arith.addf %add3A_193, %get3A_199 : vector<16xf32>
      %mul3A_201 = arith.constant 16 : i32
      %mul3A_202 = arith.muli %scan3A_99, %mul3A_201 : i32
      %add3A_203 = arith.constant 7680 : i32
      %add3A_204 = arith.addi %add3A_203, %mul3A_202 : i32
      %get3A_205 = arith.index_cast %add3A_204 : i32 to index
      %get3A_206 = tpu.vector_load %arg8[%get3A_205] {strides = array<i32>} : memref<8192xf32, #tpu.memory_space<vmem>>, vector<16xf32>,
      %add3A_207 = arith.addf %add3A_200, %get3A_206 : vector<16xf32>
      %mul3A_208 = arith.constant 16 : i32
      %mul3A_209 = arith.muli %scan3A_99, %mul3A_208 : i32
      %swap3A = arith.index_cast %mul3A_209 : i32 to index
      %swap3A_210 = tpu.vector_load %arg9[%swap3A] {strides = array<i32>} : memref<512xf32, #tpu.memory_space<vmem>>, vector<16xf32>,
      tpu.vector_store %arg9[%swap3A], %add3A_207 {strides = array<i32>} : memref<512xf32, #tpu.memory_space<vmem>>, vector<16xf32>,
    }
    %scan3A_95 = arith.constant 32 : i32
    %mul3A_96 = arith.constant 512 : i32
    %mul3A_97 = arith.muli %arg1, %mul3A_96 : i32
    %run_scoped3A_98 = arith.constant 0 : i32
    "tpu.region"() ({
      %run_scoped3A_99 = tpu.sem_alloc : memref<!tpu.dma_semaphore, #tpu.memory_space<semaphore_mem>>
      %dma_start3A = tpu.memref_slice %arg4[%arg0, %run_scoped3A_98, %mul3A_97] : memref<2x1x8192xf32, #tpu.memory_space<hbm>> -> memref<1x1x512xf32, #tpu.memory_space<hbm>>
      %dma_start3A_100 = tpu.memref_squeeze %dma_start3A : memref<1x1x512xf32, #tpu.memory_space<hbm>> -> memref<512xf32, #tpu.memory_space<hbm>>
      %dma_start3A_101 = tpu.memref_slice %arg4[%arg0, %run_scoped3A_98, %mul3A_97] : memref<2x1x8192xf32, #tpu.memory_space<hbm>> -> memref<1x1x512xf32, #tpu.memory_space<hbm>>
      %dma_start3A_102 = tpu.memref_squeeze %dma_start3A_101 : memref<1x1x512xf32, #tpu.memory_space<hbm>> -> memref<512xf32, #tpu.memory_space<hbm>>
      tpu.enqueue_dma source(%arg9 : memref<512xf32, #tpu.memory_space<vmem>>) target(%dma_start3A_102 : memref<512xf32, #tpu.memory_space<hbm>>) target_semaphore(%run_scoped3A_99 : memref<!tpu.dma_semaphore, #tpu.memory_space<semaphore_mem>>)
      %dma_wait3A = tpu.memref_slice %arg4[%arg0, %run_scoped3A_98, %mul3A_97] : memref<2x1x8192xf32, #tpu.memory_space<hbm>> -> memref<1x1x512xf32, #tpu.memory_space<hbm>>
      %dma_wait3A_103 = tpu.memref_squeeze %dma_wait3A : memref<1x1x512xf32, #tpu.memory_space<hbm>> -> memref<512xf32, #tpu.memory_space<hbm>>
      %dma_wait3A_104 = tpu.memref_slice %arg4[%arg0, %run_scoped3A_98, %mul3A_97] : memref<2x1x8192xf32, #tpu.memory_space<hbm>> -> memref<1x1x512xf32, #tpu.memory_space<hbm>>
      %dma_wait3A_105 = tpu.memref_squeeze %dma_wait3A_104 : memref<1x1x512xf32, #tpu.memory_space<hbm>> -> memref<512xf32, #tpu.memory_space<hbm>>
      tpu.wait_dma2 semaphore(%run_scoped3A_99 : memref<!tpu.dma_semaphore, #tpu.memory_space<semaphore_mem>>) src(%arg9 : memref<512xf32, #tpu.memory_space<vmem>>) dst(%dma_wait3A_105 : memref<512xf32, #tpu.memory_space<hbm>>)
      tpu.yield
    }) : () -> ()
    return
  }
}

#map = affine_map<(d0, d1) -> (0, 0)>
#map1 = affine_map<(d0, d1) -> (0)>
#map2 = affine_map<(d0, d1) -> (0, 0, 0)>
module attributes {stable_mosaic.version = 14 : i64} {
  func.func @_sc_segsum_body(%arg0: i32, %arg1: i32, %arg2: memref<10000x128xf32, #tpu.memory_space<hbm>>, %arg3: memref<655360xi32, #tpu.memory_space<hbm>>, %arg4: memref<655360xi32, #tpu.memory_space<hbm>>, %arg5: memref<2x10240x128xf32, #tpu.memory_space<hbm>>, %arg6: memref<128xi32, #tpu.memory_space<vmem>>, %arg7: memref<128xi32, #tpu.memory_space<vmem>>, %arg8: memref<1x128x128xf32, #tpu.memory_space<vmem>>, %arg9: memref<10240x128xf32, #tpu.memory_space<vmem_shared>>, %arg10: memref<!tpu.dma_semaphore, #tpu.memory_space<semaphore_mem>>) attributes {dimension_semantics = [#tpu.dimension_semantics<core_parallel>, #tpu.dimension_semantics<subcore_parallel>], iteration_bounds = array<i64: 2, 16>, scalar_prefetch = 0 : i64, scratch_operands = 5 : i64, tpu.core_type = #tpu.core_type<sc_vector_subcore>, window_params = [{transform_indices = #map}, {transform_indices = #map1}, {transform_indices = #map1}, {transform_indices = #map2}]} {
    %mul3A = arith.constant 16 : i32
    %mul3A_0 = arith.muli %arg0, %mul3A : i32
    %add3A = arith.addi %mul3A_0, %arg1 : i32
    %scan3A = arith.constant 0 : i32
    %scan3A_1 = arith.constant 0 : i32
    %scan3A_2 = arith.constant 128 : i32
    %scan3A_3 = arith.addi %scan3A_1, %scan3A_2 : i32
    %scan3A_4 = arith.constant 1 : i32
    scf.for %scan3A_41 = %scan3A_1 to %scan3A_3 step %scan3A_4  : i32 {
      %broadcast_in_dim3A = arith.constant 0.000000e+00 : f32
      %broadcast_in_dim3A_42 = vector.broadcast %broadcast_in_dim3A : f32 to vector<16xf32>
      %swap3A = arith.constant 0 : i32
      %swap3A_43 = arith.index_cast %swap3A : i32 to index
      %swap3A_44 = arith.index_cast %scan3A_41 : i32 to index
      %swap3A_45 = arith.constant 0 : index
      %swap3A_46 = tpu.vector_load %arg8[%swap3A_43, %swap3A_44, %swap3A_45] {strides = array<i32>} : memref<1x128x128xf32, #tpu.memory_space<vmem>>, vector<1x1x16xf32>,
      %swap3A_47 = vector.shape_cast %swap3A_46 : vector<1x1x16xf32> to vector<16xf32>
      %swap3A_48 = vector.shape_cast %broadcast_in_dim3A_42 : vector<16xf32> to vector<1x1x16xf32>
      tpu.vector_store %arg8[%swap3A_43, %swap3A_44, %swap3A_45], %swap3A_48 {strides = array<i32>} : memref<1x128x128xf32, #tpu.memory_space<vmem>>, vector<1x1x16xf32>,
      %broadcast_in_dim3A_49 = arith.constant 0.000000e+00 : f32
      %broadcast_in_dim3A_50 = vector.broadcast %broadcast_in_dim3A_49 : f32 to vector<16xf32>
      %swap3A_51 = arith.constant 0 : i32
      %swap3A_52 = arith.index_cast %swap3A_51 : i32 to index
      %swap3A_53 = arith.index_cast %scan3A_41 : i32 to index
      %swap3A_54 = arith.constant 16 : index
      %swap3A_55 = tpu.vector_load %arg8[%swap3A_52, %swap3A_53, %swap3A_54] {strides = array<i32>} : memref<1x128x128xf32, #tpu.memory_space<vmem>>, vector<1x1x16xf32>,
      %swap3A_56 = vector.shape_cast %swap3A_55 : vector<1x1x16xf32> to vector<16xf32>
      %swap3A_57 = vector.shape_cast %broadcast_in_dim3A_50 : vector<16xf32> to vector<1x1x16xf32>
      tpu.vector_store %arg8[%swap3A_52, %swap3A_53, %swap3A_54], %swap3A_57 {strides = array<i32>} : memref<1x128x128xf32, #tpu.memory_space<vmem>>, vector<1x1x16xf32>,
      %broadcast_in_dim3A_58 = arith.constant 0.000000e+00 : f32
      %broadcast_in_dim3A_59 = vector.broadcast %broadcast_in_dim3A_58 : f32 to vector<16xf32>
      %swap3A_60 = arith.constant 0 : i32
      %swap3A_61 = arith.index_cast %swap3A_60 : i32 to index
      %swap3A_62 = arith.index_cast %scan3A_41 : i32 to index
      %swap3A_63 = arith.constant 32 : index
      %swap3A_64 = tpu.vector_load %arg8[%swap3A_61, %swap3A_62, %swap3A_63] {strides = array<i32>} : memref<1x128x128xf32, #tpu.memory_space<vmem>>, vector<1x1x16xf32>,
      %swap3A_65 = vector.shape_cast %swap3A_64 : vector<1x1x16xf32> to vector<16xf32>
      %swap3A_66 = vector.shape_cast %broadcast_in_dim3A_59 : vector<16xf32> to vector<1x1x16xf32>
      tpu.vector_store %arg8[%swap3A_61, %swap3A_62, %swap3A_63], %swap3A_66 {strides = array<i32>} : memref<1x128x128xf32, #tpu.memory_space<vmem>>, vector<1x1x16xf32>,
      %broadcast_in_dim3A_67 = arith.constant 0.000000e+00 : f32
      %broadcast_in_dim3A_68 = vector.broadcast %broadcast_in_dim3A_67 : f32 to vector<16xf32>
      %swap3A_69 = arith.constant 0 : i32
      %swap3A_70 = arith.index_cast %swap3A_69 : i32 to index
      %swap3A_71 = arith.index_cast %scan3A_41 : i32 to index
      %swap3A_72 = arith.constant 48 : index
      %swap3A_73 = tpu.vector_load %arg8[%swap3A_70, %swap3A_71, %swap3A_72] {strides = array<i32>} : memref<1x128x128xf32, #tpu.memory_space<vmem>>, vector<1x1x16xf32>,
      %swap3A_74 = vector.shape_cast %swap3A_73 : vector<1x1x16xf32> to vector<16xf32>
      %swap3A_75 = vector.shape_cast %broadcast_in_dim3A_68 : vector<16xf32> to vector<1x1x16xf32>
      tpu.vector_store %arg8[%swap3A_70, %swap3A_71, %swap3A_72], %swap3A_75 {strides = array<i32>} : memref<1x128x128xf32, #tpu.memory_space<vmem>>, vector<1x1x16xf32>,
      %broadcast_in_dim3A_76 = arith.constant 0.000000e+00 : f32
      %broadcast_in_dim3A_77 = vector.broadcast %broadcast_in_dim3A_76 : f32 to vector<16xf32>
      %swap3A_78 = arith.constant 0 : i32
      %swap3A_79 = arith.index_cast %swap3A_78 : i32 to index
      %swap3A_80 = arith.index_cast %scan3A_41 : i32 to index
      %swap3A_81 = arith.constant 64 : index
      %swap3A_82 = tpu.vector_load %arg8[%swap3A_79, %swap3A_80, %swap3A_81] {strides = array<i32>} : memref<1x128x128xf32, #tpu.memory_space<vmem>>, vector<1x1x16xf32>,
      %swap3A_83 = vector.shape_cast %swap3A_82 : vector<1x1x16xf32> to vector<16xf32>
      %swap3A_84 = vector.shape_cast %broadcast_in_dim3A_77 : vector<16xf32> to vector<1x1x16xf32>
      tpu.vector_store %arg8[%swap3A_79, %swap3A_80, %swap3A_81], %swap3A_84 {strides = array<i32>} : memref<1x128x128xf32, #tpu.memory_space<vmem>>, vector<1x1x16xf32>,
      %broadcast_in_dim3A_85 = arith.constant 0.000000e+00 : f32
      %broadcast_in_dim3A_86 = vector.broadcast %broadcast_in_dim3A_85 : f32 to vector<16xf32>
      %swap3A_87 = arith.constant 0 : i32
      %swap3A_88 = arith.index_cast %swap3A_87 : i32 to index
      %swap3A_89 = arith.index_cast %scan3A_41 : i32 to index
      %swap3A_90 = arith.constant 80 : index
      %swap3A_91 = tpu.vector_load %arg8[%swap3A_88, %swap3A_89, %swap3A_90] {strides = array<i32>} : memref<1x128x128xf32, #tpu.memory_space<vmem>>, vector<1x1x16xf32>,
      %swap3A_92 = vector.shape_cast %swap3A_91 : vector<1x1x16xf32> to vector<16xf32>
      %swap3A_93 = vector.shape_cast %broadcast_in_dim3A_86 : vector<16xf32> to vector<1x1x16xf32>
      tpu.vector_store %arg8[%swap3A_88, %swap3A_89, %swap3A_90], %swap3A_93 {strides = array<i32>} : memref<1x128x128xf32, #tpu.memory_space<vmem>>, vector<1x1x16xf32>,
      %broadcast_in_dim3A_94 = arith.constant 0.000000e+00 : f32
      %broadcast_in_dim3A_95 = vector.broadcast %broadcast_in_dim3A_94 : f32 to vector<16xf32>
      %swap3A_96 = arith.constant 0 : i32
      %swap3A_97 = arith.index_cast %swap3A_96 : i32 to index
      %swap3A_98 = arith.index_cast %scan3A_41 : i32 to index
      %swap3A_99 = arith.constant 96 : index
      %swap3A_100 = tpu.vector_load %arg8[%swap3A_97, %swap3A_98, %swap3A_99] {strides = array<i32>} : memref<1x128x128xf32, #tpu.memory_space<vmem>>, vector<1x1x16xf32>,
      %swap3A_101 = vector.shape_cast %swap3A_100 : vector<1x1x16xf32> to vector<16xf32>
      %swap3A_102 = vector.shape_cast %broadcast_in_dim3A_95 : vector<16xf32> to vector<1x1x16xf32>
      tpu.vector_store %arg8[%swap3A_97, %swap3A_98, %swap3A_99], %swap3A_102 {strides = array<i32>} : memref<1x128x128xf32, #tpu.memory_space<vmem>>, vector<1x1x16xf32>,
      %broadcast_in_dim3A_103 = arith.constant 0.000000e+00 : f32
      %broadcast_in_dim3A_104 = vector.broadcast %broadcast_in_dim3A_103 : f32 to vector<16xf32>
      %swap3A_105 = arith.constant 0 : i32
      %swap3A_106 = arith.index_cast %swap3A_105 : i32 to index
      %swap3A_107 = arith.index_cast %scan3A_41 : i32 to index
      %swap3A_108 = arith.constant 112 : index
      %swap3A_109 = tpu.vector_load %arg8[%swap3A_106, %swap3A_107, %swap3A_108] {strides = array<i32>} : memref<1x128x128xf32, #tpu.memory_space<vmem>>, vector<1x1x16xf32>,
      %swap3A_110 = vector.shape_cast %swap3A_109 : vector<1x1x16xf32> to vector<16xf32>
      %swap3A_111 = vector.shape_cast %broadcast_in_dim3A_104 : vector<16xf32> to vector<1x1x16xf32>
      tpu.vector_store %arg8[%swap3A_106, %swap3A_107, %swap3A_108], %swap3A_111 {strides = array<i32>} : memref<1x128x128xf32, #tpu.memory_space<vmem>>, vector<1x1x16xf32>,
    }
    %scan3A_5 = arith.constant 128 : i32
    %mul3A_6 = arith.constant 640 : i32
    %mul3A_7 = arith.muli %arg1, %mul3A_6 : i32
    %add3A_8 = arith.constant 0 : i32
    %add3A_9 = arith.addi %mul3A_7, %add3A_8 : i32
    %run_scoped3A = arith.constant 0 : i32
    "tpu.region"() ({
      %run_scoped3A_41 = tpu.sem_alloc : memref<!tpu.dma_semaphore, #tpu.memory_space<semaphore_mem>>
      %dma_start3A = arith.constant 0 : i32
      %dma_start3A_42 = arith.constant 0 : i32
      %dma_start3A_43 = tpu.memref_slice %arg8[%run_scoped3A, %dma_start3A, %dma_start3A_42] : memref<1x128x128xf32, #tpu.memory_space<vmem>> -> memref<1x128x128xf32, #tpu.memory_space<vmem>>
      %dma_start3A_44 = tpu.memref_squeeze %dma_start3A_43 : memref<1x128x128xf32, #tpu.memory_space<vmem>> -> memref<128x128xf32, #tpu.memory_space<vmem>>
      %dma_start3A_45 = arith.constant 0 : i32
      %dma_start3A_46 = tpu.memref_slice %arg9[%add3A_9, %dma_start3A_45] : memref<10240x128xf32, #tpu.memory_space<vmem_shared>> -> memref<128x128xf32, #tpu.memory_space<vmem_shared>>
      %dma_start3A_47 = arith.constant 0 : i32
      %dma_start3A_48 = tpu.memref_slice %arg9[%add3A_9, %dma_start3A_47] : memref<10240x128xf32, #tpu.memory_space<vmem_shared>> -> memref<128x128xf32, #tpu.memory_space<vmem_shared>>
      %dma_start3A_49 = arith.constant 0 : i32
      %dma_start3A_50 = arith.constant 0 : i32
      %dma_start3A_51 = tpu.memref_slice %arg8[%run_scoped3A, %dma_start3A_49, %dma_start3A_50] : memref<1x128x128xf32, #tpu.memory_space<vmem>> -> memref<1x128x128xf32, #tpu.memory_space<vmem>>
      %dma_start3A_52 = tpu.memref_squeeze %dma_start3A_51 : memref<1x128x128xf32, #tpu.memory_space<vmem>> -> memref<128x128xf32, #tpu.memory_space<vmem>>
      tpu.enqueue_dma source(%dma_start3A_52 : memref<128x128xf32, #tpu.memory_space<vmem>>) target(%dma_start3A_48 : memref<128x128xf32, #tpu.memory_space<vmem_shared>>) target_semaphore(%run_scoped3A_41 : memref<!tpu.dma_semaphore, #tpu.memory_space<semaphore_mem>>)
      %dma_wait3A = arith.constant 0 : i32
      %dma_wait3A_53 = arith.constant 0 : i32
      %dma_wait3A_54 = tpu.memref_slice %arg8[%run_scoped3A, %dma_wait3A, %dma_wait3A_53] : memref<1x128x128xf32, #tpu.memory_space<vmem>> -> memref<1x128x128xf32, #tpu.memory_space<vmem>>
      %dma_wait3A_55 = tpu.memref_squeeze %dma_wait3A_54 : memref<1x128x128xf32, #tpu.memory_space<vmem>> -> memref<128x128xf32, #tpu.memory_space<vmem>>
      %dma_wait3A_56 = arith.constant 0 : i32
      %dma_wait3A_57 = tpu.memref_slice %arg9[%add3A_9, %dma_wait3A_56] : memref<10240x128xf32, #tpu.memory_space<vmem_shared>> -> memref<128x128xf32, #tpu.memory_space<vmem_shared>>
      %dma_wait3A_58 = arith.constant 0 : i32
      %dma_wait3A_59 = tpu.memref_slice %arg9[%add3A_9, %dma_wait3A_58] : memref<10240x128xf32, #tpu.memory_space<vmem_shared>> -> memref<128x128xf32, #tpu.memory_space<vmem_shared>>
      %dma_wait3A_60 = arith.constant 0 : i32
      %dma_wait3A_61 = arith.constant 0 : i32
      %dma_wait3A_62 = tpu.memref_slice %arg8[%run_scoped3A, %dma_wait3A_60, %dma_wait3A_61] : memref<1x128x128xf32, #tpu.memory_space<vmem>> -> memref<1x128x128xf32, #tpu.memory_space<vmem>>
      %dma_wait3A_63 = tpu.memref_squeeze %dma_wait3A_62 : memref<1x128x128xf32, #tpu.memory_space<vmem>> -> memref<128x128xf32, #tpu.memory_space<vmem>>
      tpu.wait_dma2 semaphore(%run_scoped3A_41 : memref<!tpu.dma_semaphore, #tpu.memory_space<semaphore_mem>>) src(%dma_wait3A_63 : memref<128x128xf32, #tpu.memory_space<vmem>>) dst(%dma_wait3A_59 : memref<128x128xf32, #tpu.memory_space<vmem_shared>>)
      tpu.yield
    }) : () -> ()
    %mul3A_10 = arith.constant 640 : i32
    %mul3A_11 = arith.muli %arg1, %mul3A_10 : i32
    %add3A_12 = arith.constant 128 : i32
    %add3A_13 = arith.addi %mul3A_11, %add3A_12 : i32
    %run_scoped3A_14 = arith.constant 0 : i32
    "tpu.region"() ({
      %run_scoped3A_41 = tpu.sem_alloc : memref<!tpu.dma_semaphore, #tpu.memory_space<semaphore_mem>>
      %dma_start3A = arith.constant 0 : i32
      %dma_start3A_42 = arith.constant 0 : i32
      %dma_start3A_43 = tpu.memref_slice %arg8[%run_scoped3A_14, %dma_start3A, %dma_start3A_42] : memref<1x128x128xf32, #tpu.memory_space<vmem>> -> memref<1x128x128xf32, #tpu.memory_space<vmem>>
      %dma_start3A_44 = tpu.memref_squeeze %dma_start3A_43 : memref<1x128x128xf32, #tpu.memory_space<vmem>> -> memref<128x128xf32, #tpu.memory_space<vmem>>
      %dma_start3A_45 = arith.constant 0 : i32
      %dma_start3A_46 = tpu.memref_slice %arg9[%add3A_13, %dma_start3A_45] : memref<10240x128xf32, #tpu.memory_space<vmem_shared>> -> memref<128x128xf32, #tpu.memory_space<vmem_shared>>
      %dma_start3A_47 = arith.constant 0 : i32
      %dma_start3A_48 = tpu.memref_slice %arg9[%add3A_13, %dma_start3A_47] : memref<10240x128xf32, #tpu.memory_space<vmem_shared>> -> memref<128x128xf32, #tpu.memory_space<vmem_shared>>
      %dma_start3A_49 = arith.constant 0 : i32
      %dma_start3A_50 = arith.constant 0 : i32
      %dma_start3A_51 = tpu.memref_slice %arg8[%run_scoped3A_14, %dma_start3A_49, %dma_start3A_50] : memref<1x128x128xf32, #tpu.memory_space<vmem>> -> memref<1x128x128xf32, #tpu.memory_space<vmem>>
      %dma_start3A_52 = tpu.memref_squeeze %dma_start3A_51 : memref<1x128x128xf32, #tpu.memory_space<vmem>> -> memref<128x128xf32, #tpu.memory_space<vmem>>
      tpu.enqueue_dma source(%dma_start3A_52 : memref<128x128xf32, #tpu.memory_space<vmem>>) target(%dma_start3A_48 : memref<128x128xf32, #tpu.memory_space<vmem_shared>>) target_semaphore(%run_scoped3A_41 : memref<!tpu.dma_semaphore, #tpu.memory_space<semaphore_mem>>)
      %dma_wait3A = arith.constant 0 : i32
      %dma_wait3A_53 = arith.constant 0 : i32
      %dma_wait3A_54 = tpu.memref_slice %arg8[%run_scoped3A_14, %dma_wait3A, %dma_wait3A_53] : memref<1x128x128xf32, #tpu.memory_space<vmem>> -> memref<1x128x128xf32, #tpu.memory_space<vmem>>
      %dma_wait3A_55 = tpu.memref_squeeze %dma_wait3A_54 : memref<1x128x128xf32, #tpu.memory_space<vmem>> -> memref<128x128xf32, #tpu.memory_space<vmem>>
      %dma_wait3A_56 = arith.constant 0 : i32
      %dma_wait3A_57 = tpu.memref_slice %arg9[%add3A_13, %dma_wait3A_56] : memref<10240x128xf32, #tpu.memory_space<vmem_shared>> -> memref<128x128xf32, #tpu.memory_space<vmem_shared>>
      %dma_wait3A_58 = arith.constant 0 : i32
      %dma_wait3A_59 = tpu.memref_slice %arg9[%add3A_13, %dma_wait3A_58] : memref<10240x128xf32, #tpu.memory_space<vmem_shared>> -> memref<128x128xf32, #tpu.memory_space<vmem_shared>>
      %dma_wait3A_60 = arith.constant 0 : i32
      %dma_wait3A_61 = arith.constant 0 : i32
      %dma_wait3A_62 = tpu.memref_slice %arg8[%run_scoped3A_14, %dma_wait3A_60, %dma_wait3A_61] : memref<1x128x128xf32, #tpu.memory_space<vmem>> -> memref<1x128x128xf32, #tpu.memory_space<vmem>>
      %dma_wait3A_63 = tpu.memref_squeeze %dma_wait3A_62 : memref<1x128x128xf32, #tpu.memory_space<vmem>> -> memref<128x128xf32, #tpu.memory_space<vmem>>
      tpu.wait_dma2 semaphore(%run_scoped3A_41 : memref<!tpu.dma_semaphore, #tpu.memory_space<semaphore_mem>>) src(%dma_wait3A_63 : memref<128x128xf32, #tpu.memory_space<vmem>>) dst(%dma_wait3A_59 : memref<128x128xf32, #tpu.memory_space<vmem_shared>>)
      tpu.yield
    }) : () -> ()
    %mul3A_15 = arith.constant 640 : i32
    %mul3A_16 = arith.muli %arg1, %mul3A_15 : i32
    %add3A_17 = arith.constant 256 : i32
    %add3A_18 = arith.addi %mul3A_16, %add3A_17 : i32
    %run_scoped3A_19 = arith.constant 0 : i32
    "tpu.region"() ({
      %run_scoped3A_41 = tpu.sem_alloc : memref<!tpu.dma_semaphore, #tpu.memory_space<semaphore_mem>>
      %dma_start3A = arith.constant 0 : i32
      %dma_start3A_42 = arith.constant 0 : i32
      %dma_start3A_43 = tpu.memref_slice %arg8[%run_scoped3A_19, %dma_start3A, %dma_start3A_42] : memref<1x128x128xf32, #tpu.memory_space<vmem>> -> memref<1x128x128xf32, #tpu.memory_space<vmem>>
      %dma_start3A_44 = tpu.memref_squeeze %dma_start3A_43 : memref<1x128x128xf32, #tpu.memory_space<vmem>> -> memref<128x128xf32, #tpu.memory_space<vmem>>
      %dma_start3A_45 = arith.constant 0 : i32
      %dma_start3A_46 = tpu.memref_slice %arg9[%add3A_18, %dma_start3A_45] : memref<10240x128xf32, #tpu.memory_space<vmem_shared>> -> memref<128x128xf32, #tpu.memory_space<vmem_shared>>
      %dma_start3A_47 = arith.constant 0 : i32
      %dma_start3A_48 = tpu.memref_slice %arg9[%add3A_18, %dma_start3A_47] : memref<10240x128xf32, #tpu.memory_space<vmem_shared>> -> memref<128x128xf32, #tpu.memory_space<vmem_shared>>
      %dma_start3A_49 = arith.constant 0 : i32
      %dma_start3A_50 = arith.constant 0 : i32
      %dma_start3A_51 = tpu.memref_slice %arg8[%run_scoped3A_19, %dma_start3A_49, %dma_start3A_50] : memref<1x128x128xf32, #tpu.memory_space<vmem>> -> memref<1x128x128xf32, #tpu.memory_space<vmem>>
      %dma_start3A_52 = tpu.memref_squeeze %dma_start3A_51 : memref<1x128x128xf32, #tpu.memory_space<vmem>> -> memref<128x128xf32, #tpu.memory_space<vmem>>
      tpu.enqueue_dma source(%dma_start3A_52 : memref<128x128xf32, #tpu.memory_space<vmem>>) target(%dma_start3A_48 : memref<128x128xf32, #tpu.memory_space<vmem_shared>>) target_semaphore(%run_scoped3A_41 : memref<!tpu.dma_semaphore, #tpu.memory_space<semaphore_mem>>)
      %dma_wait3A = arith.constant 0 : i32
      %dma_wait3A_53 = arith.constant 0 : i32
      %dma_wait3A_54 = tpu.memref_slice %arg8[%run_scoped3A_19, %dma_wait3A, %dma_wait3A_53] : memref<1x128x128xf32, #tpu.memory_space<vmem>> -> memref<1x128x128xf32, #tpu.memory_space<vmem>>
      %dma_wait3A_55 = tpu.memref_squeeze %dma_wait3A_54 : memref<1x128x128xf32, #tpu.memory_space<vmem>> -> memref<128x128xf32, #tpu.memory_space<vmem>>
      %dma_wait3A_56 = arith.constant 0 : i32
      %dma_wait3A_57 = tpu.memref_slice %arg9[%add3A_18, %dma_wait3A_56] : memref<10240x128xf32, #tpu.memory_space<vmem_shared>> -> memref<128x128xf32, #tpu.memory_space<vmem_shared>>
      %dma_wait3A_58 = arith.constant 0 : i32
      %dma_wait3A_59 = tpu.memref_slice %arg9[%add3A_18, %dma_wait3A_58] : memref<10240x128xf32, #tpu.memory_space<vmem_shared>> -> memref<128x128xf32, #tpu.memory_space<vmem_shared>>
      %dma_wait3A_60 = arith.constant 0 : i32
      %dma_wait3A_61 = arith.constant 0 : i32
      %dma_wait3A_62 = tpu.memref_slice %arg8[%run_scoped3A_19, %dma_wait3A_60, %dma_wait3A_61] : memref<1x128x128xf32, #tpu.memory_space<vmem>> -> memref<1x128x128xf32, #tpu.memory_space<vmem>>
      %dma_wait3A_63 = tpu.memref_squeeze %dma_wait3A_62 : memref<1x128x128xf32, #tpu.memory_space<vmem>> -> memref<128x128xf32, #tpu.memory_space<vmem>>
      tpu.wait_dma2 semaphore(%run_scoped3A_41 : memref<!tpu.dma_semaphore, #tpu.memory_space<semaphore_mem>>) src(%dma_wait3A_63 : memref<128x128xf32, #tpu.memory_space<vmem>>) dst(%dma_wait3A_59 : memref<128x128xf32, #tpu.memory_space<vmem_shared>>)
      tpu.yield
    }) : () -> ()
    %mul3A_20 = arith.constant 640 : i32
    %mul3A_21 = arith.muli %arg1, %mul3A_20 : i32
    %add3A_22 = arith.constant 384 : i32
    %add3A_23 = arith.addi %mul3A_21, %add3A_22 : i32
    %run_scoped3A_24 = arith.constant 0 : i32
    "tpu.region"() ({
      %run_scoped3A_41 = tpu.sem_alloc : memref<!tpu.dma_semaphore, #tpu.memory_space<semaphore_mem>>
      %dma_start3A = arith.constant 0 : i32
      %dma_start3A_42 = arith.constant 0 : i32
      %dma_start3A_43 = tpu.memref_slice %arg8[%run_scoped3A_24, %dma_start3A, %dma_start3A_42] : memref<1x128x128xf32, #tpu.memory_space<vmem>> -> memref<1x128x128xf32, #tpu.memory_space<vmem>>
      %dma_start3A_44 = tpu.memref_squeeze %dma_start3A_43 : memref<1x128x128xf32, #tpu.memory_space<vmem>> -> memref<128x128xf32, #tpu.memory_space<vmem>>
      %dma_start3A_45 = arith.constant 0 : i32
      %dma_start3A_46 = tpu.memref_slice %arg9[%add3A_23, %dma_start3A_45] : memref<10240x128xf32, #tpu.memory_space<vmem_shared>> -> memref<128x128xf32, #tpu.memory_space<vmem_shared>>
      %dma_start3A_47 = arith.constant 0 : i32
      %dma_start3A_48 = tpu.memref_slice %arg9[%add3A_23, %dma_start3A_47] : memref<10240x128xf32, #tpu.memory_space<vmem_shared>> -> memref<128x128xf32, #tpu.memory_space<vmem_shared>>
      %dma_start3A_49 = arith.constant 0 : i32
      %dma_start3A_50 = arith.constant 0 : i32
      %dma_start3A_51 = tpu.memref_slice %arg8[%run_scoped3A_24, %dma_start3A_49, %dma_start3A_50] : memref<1x128x128xf32, #tpu.memory_space<vmem>> -> memref<1x128x128xf32, #tpu.memory_space<vmem>>
      %dma_start3A_52 = tpu.memref_squeeze %dma_start3A_51 : memref<1x128x128xf32, #tpu.memory_space<vmem>> -> memref<128x128xf32, #tpu.memory_space<vmem>>
      tpu.enqueue_dma source(%dma_start3A_52 : memref<128x128xf32, #tpu.memory_space<vmem>>) target(%dma_start3A_48 : memref<128x128xf32, #tpu.memory_space<vmem_shared>>) target_semaphore(%run_scoped3A_41 : memref<!tpu.dma_semaphore, #tpu.memory_space<semaphore_mem>>)
      %dma_wait3A = arith.constant 0 : i32
      %dma_wait3A_53 = arith.constant 0 : i32
      %dma_wait3A_54 = tpu.memref_slice %arg8[%run_scoped3A_24, %dma_wait3A, %dma_wait3A_53] : memref<1x128x128xf32, #tpu.memory_space<vmem>> -> memref<1x128x128xf32, #tpu.memory_space<vmem>>
      %dma_wait3A_55 = tpu.memref_squeeze %dma_wait3A_54 : memref<1x128x128xf32, #tpu.memory_space<vmem>> -> memref<128x128xf32, #tpu.memory_space<vmem>>
      %dma_wait3A_56 = arith.constant 0 : i32
      %dma_wait3A_57 = tpu.memref_slice %arg9[%add3A_23, %dma_wait3A_56] : memref<10240x128xf32, #tpu.memory_space<vmem_shared>> -> memref<128x128xf32, #tpu.memory_space<vmem_shared>>
      %dma_wait3A_58 = arith.constant 0 : i32
      %dma_wait3A_59 = tpu.memref_slice %arg9[%add3A_23, %dma_wait3A_58] : memref<10240x128xf32, #tpu.memory_space<vmem_shared>> -> memref<128x128xf32, #tpu.memory_space<vmem_shared>>
      %dma_wait3A_60 = arith.constant 0 : i32
      %dma_wait3A_61 = arith.constant 0 : i32
      %dma_wait3A_62 = tpu.memref_slice %arg8[%run_scoped3A_24, %dma_wait3A_60, %dma_wait3A_61] : memref<1x128x128xf32, #tpu.memory_space<vmem>> -> memref<1x128x128xf32, #tpu.memory_space<vmem>>
      %dma_wait3A_63 = tpu.memref_squeeze %dma_wait3A_62 : memref<1x128x128xf32, #tpu.memory_space<vmem>> -> memref<128x128xf32, #tpu.memory_space<vmem>>
      tpu.wait_dma2 semaphore(%run_scoped3A_41 : memref<!tpu.dma_semaphore, #tpu.memory_space<semaphore_mem>>) src(%dma_wait3A_63 : memref<128x128xf32, #tpu.memory_space<vmem>>) dst(%dma_wait3A_59 : memref<128x128xf32, #tpu.memory_space<vmem_shared>>)
      tpu.yield
    }) : () -> ()
    %mul3A_25 = arith.constant 640 : i32
    %mul3A_26 = arith.muli %arg1, %mul3A_25 : i32
    %add3A_27 = arith.constant 512 : i32
    %add3A_28 = arith.addi %mul3A_26, %add3A_27 : i32
    %run_scoped3A_29 = arith.constant 0 : i32
    "tpu.region"() ({
      %run_scoped3A_41 = tpu.sem_alloc : memref<!tpu.dma_semaphore, #tpu.memory_space<semaphore_mem>>
      %dma_start3A = arith.constant 0 : i32
      %dma_start3A_42 = arith.constant 0 : i32
      %dma_start3A_43 = tpu.memref_slice %arg8[%run_scoped3A_29, %dma_start3A, %dma_start3A_42] : memref<1x128x128xf32, #tpu.memory_space<vmem>> -> memref<1x128x128xf32, #tpu.memory_space<vmem>>
      %dma_start3A_44 = tpu.memref_squeeze %dma_start3A_43 : memref<1x128x128xf32, #tpu.memory_space<vmem>> -> memref<128x128xf32, #tpu.memory_space<vmem>>
      %dma_start3A_45 = arith.constant 0 : i32
      %dma_start3A_46 = tpu.memref_slice %arg9[%add3A_28, %dma_start3A_45] : memref<10240x128xf32, #tpu.memory_space<vmem_shared>> -> memref<128x128xf32, #tpu.memory_space<vmem_shared>>
      %dma_start3A_47 = arith.constant 0 : i32
      %dma_start3A_48 = tpu.memref_slice %arg9[%add3A_28, %dma_start3A_47] : memref<10240x128xf32, #tpu.memory_space<vmem_shared>> -> memref<128x128xf32, #tpu.memory_space<vmem_shared>>
      %dma_start3A_49 = arith.constant 0 : i32
      %dma_start3A_50 = arith.constant 0 : i32
      %dma_start3A_51 = tpu.memref_slice %arg8[%run_scoped3A_29, %dma_start3A_49, %dma_start3A_50] : memref<1x128x128xf32, #tpu.memory_space<vmem>> -> memref<1x128x128xf32, #tpu.memory_space<vmem>>
      %dma_start3A_52 = tpu.memref_squeeze %dma_start3A_51 : memref<1x128x128xf32, #tpu.memory_space<vmem>> -> memref<128x128xf32, #tpu.memory_space<vmem>>
      tpu.enqueue_dma source(%dma_start3A_52 : memref<128x128xf32, #tpu.memory_space<vmem>>) target(%dma_start3A_48 : memref<128x128xf32, #tpu.memory_space<vmem_shared>>) target_semaphore(%run_scoped3A_41 : memref<!tpu.dma_semaphore, #tpu.memory_space<semaphore_mem>>)
      %dma_wait3A = arith.constant 0 : i32
      %dma_wait3A_53 = arith.constant 0 : i32
      %dma_wait3A_54 = tpu.memref_slice %arg8[%run_scoped3A_29, %dma_wait3A, %dma_wait3A_53] : memref<1x128x128xf32, #tpu.memory_space<vmem>> -> memref<1x128x128xf32, #tpu.memory_space<vmem>>
      %dma_wait3A_55 = tpu.memref_squeeze %dma_wait3A_54 : memref<1x128x128xf32, #tpu.memory_space<vmem>> -> memref<128x128xf32, #tpu.memory_space<vmem>>
      %dma_wait3A_56 = arith.constant 0 : i32
      %dma_wait3A_57 = tpu.memref_slice %arg9[%add3A_28, %dma_wait3A_56] : memref<10240x128xf32, #tpu.memory_space<vmem_shared>> -> memref<128x128xf32, #tpu.memory_space<vmem_shared>>
      %dma_wait3A_58 = arith.constant 0 : i32
      %dma_wait3A_59 = tpu.memref_slice %arg9[%add3A_28, %dma_wait3A_58] : memref<10240x128xf32, #tpu.memory_space<vmem_shared>> -> memref<128x128xf32, #tpu.memory_space<vmem_shared>>
      %dma_wait3A_60 = arith.constant 0 : i32
      %dma_wait3A_61 = arith.constant 0 : i32
      %dma_wait3A_62 = tpu.memref_slice %arg8[%run_scoped3A_29, %dma_wait3A_60, %dma_wait3A_61] : memref<1x128x128xf32, #tpu.memory_space<vmem>> -> memref<1x128x128xf32, #tpu.memory_space<vmem>>
      %dma_wait3A_63 = tpu.memref_squeeze %dma_wait3A_62 : memref<1x128x128xf32, #tpu.memory_space<vmem>> -> memref<128x128xf32, #tpu.memory_space<vmem>>
      tpu.wait_dma2 semaphore(%run_scoped3A_41 : memref<!tpu.dma_semaphore, #tpu.memory_space<semaphore_mem>>) src(%dma_wait3A_63 : memref<128x128xf32, #tpu.memory_space<vmem>>) dst(%dma_wait3A_59 : memref<128x128xf32, #tpu.memory_space<vmem_shared>>)
      tpu.yield
    }) : () -> ()
    %barrier3A = arith.constant 0 : index
    tpu.barrier barrier_id(%barrier3A)
    %scan3A_30 = arith.constant 0 : i32
    %scan3A_31 = arith.constant 0 : i32
    %scan3A_32 = arith.constant 160 : i32
    %scan3A_33 = arith.addi %scan3A_31, %scan3A_32 : i32
    %scan3A_34 = arith.constant 1 : i32
    scf.for %scan3A_41 = %scan3A_31 to %scan3A_33 step %scan3A_34  : i32 {
      %mul3A_42 = arith.constant 20480 : i32
      %mul3A_43 = arith.muli %add3A, %mul3A_42 : i32
      %mul3A_44 = arith.constant 128 : i32
      %mul3A_45 = arith.muli %scan3A_41, %mul3A_44 : i32
      %add3A_46 = arith.addi %mul3A_43, %mul3A_45 : i32
      "tpu.region"() ({
        %run_scoped3A_62 = tpu.sem_alloc : memref<!tpu.dma_semaphore, #tpu.memory_space<semaphore_mem>>
        %dma_start3A_63 = tpu.memref_slice %arg3[%add3A_46] : memref<655360xi32, #tpu.memory_space<hbm>> -> memref<128xi32, #tpu.memory_space<hbm>>
        %dma_start3A_64 = tpu.memref_slice %arg3[%add3A_46] : memref<655360xi32, #tpu.memory_space<hbm>> -> memref<128xi32, #tpu.memory_space<hbm>>
        tpu.enqueue_dma source(%dma_start3A_64 : memref<128xi32, #tpu.memory_space<hbm>>) target(%arg6 : memref<128xi32, #tpu.memory_space<vmem>>) target_semaphore(%run_scoped3A_62 : memref<!tpu.dma_semaphore, #tpu.memory_space<semaphore_mem>>)
        %dma_wait3A_65 = tpu.memref_slice %arg3[%add3A_46] : memref<655360xi32, #tpu.memory_space<hbm>> -> memref<128xi32, #tpu.memory_space<hbm>>
        %dma_wait3A_66 = tpu.memref_slice %arg3[%add3A_46] : memref<655360xi32, #tpu.memory_space<hbm>> -> memref<128xi32, #tpu.memory_space<hbm>>
        tpu.wait_dma2 semaphore(%run_scoped3A_62 : memref<!tpu.dma_semaphore, #tpu.memory_space<semaphore_mem>>) src(%dma_wait3A_66 : memref<128xi32, #tpu.memory_space<hbm>>) dst(%arg6 : memref<128xi32, #tpu.memory_space<vmem>>)
        tpu.yield
      }) : () -> ()
      "tpu.region"() ({
        %run_scoped3A_62 = tpu.sem_alloc : memref<!tpu.dma_semaphore, #tpu.memory_space<semaphore_mem>>
        %dma_start3A_63 = tpu.memref_slice %arg4[%add3A_46] : memref<655360xi32, #tpu.memory_space<hbm>> -> memref<128xi32, #tpu.memory_space<hbm>>
        %dma_start3A_64 = tpu.memref_slice %arg4[%add3A_46] : memref<655360xi32, #tpu.memory_space<hbm>> -> memref<128xi32, #tpu.memory_space<hbm>>
        tpu.enqueue_dma source(%dma_start3A_64 : memref<128xi32, #tpu.memory_space<hbm>>) target(%arg7 : memref<128xi32, #tpu.memory_space<vmem>>) target_semaphore(%run_scoped3A_62 : memref<!tpu.dma_semaphore, #tpu.memory_space<semaphore_mem>>)
        %dma_wait3A_65 = tpu.memref_slice %arg4[%add3A_46] : memref<655360xi32, #tpu.memory_space<hbm>> -> memref<128xi32, #tpu.memory_space<hbm>>
        %dma_wait3A_66 = tpu.memref_slice %arg4[%add3A_46] : memref<655360xi32, #tpu.memory_space<hbm>> -> memref<128xi32, #tpu.memory_space<hbm>>
        tpu.wait_dma2 semaphore(%run_scoped3A_62 : memref<!tpu.dma_semaphore, #tpu.memory_space<semaphore_mem>>) src(%dma_wait3A_66 : memref<128xi32, #tpu.memory_space<hbm>>) dst(%arg7 : memref<128xi32, #tpu.memory_space<vmem>>)
        tpu.yield
      }) : () -> ()
      %dma_start3A = arith.constant 0 : i32
      %dma_start3A_47 = arith.constant 0 : i32
      %dma_start3A_48 = arith.constant 0 : i32
      %dma_start3A_49 = tpu.memref_slice %arg8[%dma_start3A, %dma_start3A_47, %dma_start3A_48] : memref<1x128x128xf32, #tpu.memory_space<vmem>> -> memref<1x128x128xf32, #tpu.memory_space<vmem>>
      %dma_start3A_50 = tpu.memref_squeeze %dma_start3A_49 : memref<1x128x128xf32, #tpu.memory_space<vmem>> -> memref<128x128xf32, #tpu.memory_space<vmem>>
      %dma_start3A_51 = arith.constant 0 : i32
      %dma_start3A_52 = arith.constant 0 : i32
      %dma_start3A_53 = tpu.memref_slice %arg2[%dma_start3A_51, %dma_start3A_52] : memref<10000x128xf32, #tpu.memory_space<hbm>> -> memref<10000x128xf32, #tpu.memory_space<hbm>>
      tpu.enqueue_indirect_dma source(%dma_start3A_53 : memref<10000x128xf32, #tpu.memory_space<hbm>>) target(%dma_start3A_50 : memref<128x128xf32, #tpu.memory_space<vmem>>) offsets(%arg6 : memref<128xi32, #tpu.memory_space<vmem>>) semaphore(%arg10 : memref<!tpu.dma_semaphore, #tpu.memory_space<semaphore_mem>>)
      %dma_wait3A = arith.constant 0 : i32
      %dma_wait3A_54 = arith.constant 0 : i32
      %dma_wait3A_55 = arith.constant 0 : i32
      %dma_wait3A_56 = tpu.memref_slice %arg8[%dma_wait3A, %dma_wait3A_54, %dma_wait3A_55] : memref<1x128x128xf32, #tpu.memory_space<vmem>> -> memref<1x128x128xf32, #tpu.memory_space<vmem>>
      %dma_wait3A_57 = tpu.memref_squeeze %dma_wait3A_56 : memref<1x128x128xf32, #tpu.memory_space<vmem>> -> memref<128x128xf32, #tpu.memory_space<vmem>>
      %dma_wait3A_58 = arith.constant 0 : i32
      %dma_wait3A_59 = arith.constant 0 : i32
      %dma_wait3A_60 = tpu.memref_slice %arg2[%dma_wait3A_58, %dma_wait3A_59] : memref<10000x128xf32, #tpu.memory_space<hbm>> -> memref<10000x128xf32, #tpu.memory_space<hbm>>
      tpu.wait_indirect_dma semaphore(%arg10 : memref<!tpu.dma_semaphore, #tpu.memory_space<semaphore_mem>>) src(%dma_wait3A_60 : memref<10000x128xf32, #tpu.memory_space<hbm>>) dst(%dma_wait3A_57 : memref<128x128xf32, #tpu.memory_space<vmem>>)
      %run_scoped3A_61 = arith.constant 0 : i32
      "tpu.region"() ({
        %run_scoped3A_62 = tpu.sem_alloc : memref<!tpu.dma_semaphore, #tpu.memory_space<semaphore_mem>>
        %dma_start3A_63 = arith.constant 0 : i32
        %dma_start3A_64 = arith.constant 0 : i32
        %dma_start3A_65 = tpu.memref_slice %arg8[%run_scoped3A_61, %dma_start3A_63, %dma_start3A_64] : memref<1x128x128xf32, #tpu.memory_space<vmem>> -> memref<1x128x128xf32, #tpu.memory_space<vmem>>
        %dma_start3A_66 = tpu.memref_squeeze %dma_start3A_65 : memref<1x128x128xf32, #tpu.memory_space<vmem>> -> memref<128x128xf32, #tpu.memory_space<vmem>>
        %dma_start3A_67 = arith.constant 0 : i32
        %dma_start3A_68 = arith.constant 0 : i32
        %dma_start3A_69 = tpu.memref_slice %arg9[%dma_start3A_67, %dma_start3A_68] : memref<10240x128xf32, #tpu.memory_space<vmem_shared>> -> memref<10240x128xf32, #tpu.memory_space<vmem_shared>>
        tpu.enqueue_indirect_dma source(%dma_start3A_66 : memref<128x128xf32, #tpu.memory_space<vmem>>) target(%dma_start3A_69 : memref<10240x128xf32, #tpu.memory_space<vmem_shared>>) offsets(%arg7 : memref<128xi32, #tpu.memory_space<vmem>>) semaphore(%run_scoped3A_62 : memref<!tpu.dma_semaphore, #tpu.memory_space<semaphore_mem>>) {add = true}
        %dma_wait3A_70 = arith.constant 0 : i32
        %dma_wait3A_71 = arith.constant 0 : i32
        %dma_wait3A_72 = tpu.memref_slice %arg8[%run_scoped3A_61, %dma_wait3A_70, %dma_wait3A_71] : memref<1x128x128xf32, #tpu.memory_space<vmem>> -> memref<1x128x128xf32, #tpu.memory_space<vmem>>
        %dma_wait3A_73 = tpu.memref_squeeze %dma_wait3A_72 : memref<1x128x128xf32, #tpu.memory_space<vmem>> -> memref<128x128xf32, #tpu.memory_space<vmem>>
        %dma_wait3A_74 = arith.constant 0 : i32
        %dma_wait3A_75 = arith.constant 0 : i32
        %dma_wait3A_76 = tpu.memref_slice %arg9[%dma_wait3A_74, %dma_wait3A_75] : memref<10240x128xf32, #tpu.memory_space<vmem_shared>> -> memref<10240x128xf32, #tpu.memory_space<vmem_shared>>
        tpu.wait_indirect_dma semaphore(%run_scoped3A_62 : memref<!tpu.dma_semaphore, #tpu.memory_space<semaphore_mem>>) src(%dma_wait3A_73 : memref<128x128xf32, #tpu.memory_space<vmem>>) dst(%dma_wait3A_76 : memref<10240x128xf32, #tpu.memory_space<vmem_shared>>)
        tpu.yield
      }) : () -> ()
    }
    %scan3A_35 = arith.constant 160 : i32
    %barrier3A_36 = arith.constant 0 : index
    tpu.barrier barrier_id(%barrier3A_36)
    %mul3A_37 = arith.constant 640 : i32
    %mul3A_38 = arith.muli %arg1, %mul3A_37 : i32
    %mul3A_39 = arith.constant 640 : i32
    %mul3A_40 = arith.muli %arg1, %mul3A_39 : i32
    "tpu.region"() ({
      %run_scoped3A_41 = tpu.sem_alloc : memref<!tpu.dma_semaphore, #tpu.memory_space<semaphore_mem>>
      %dma_start3A = arith.constant 0 : i32
      %dma_start3A_42 = tpu.memref_slice %arg5[%arg0, %mul3A_40, %dma_start3A] : memref<2x10240x128xf32, #tpu.memory_space<hbm>> -> memref<1x640x128xf32, #tpu.memory_space<hbm>>
      %dma_start3A_43 = tpu.memref_squeeze %dma_start3A_42 : memref<1x640x128xf32, #tpu.memory_space<hbm>> -> memref<640x128xf32, #tpu.memory_space<hbm>>
      %dma_start3A_44 = arith.constant 0 : i32
      %dma_start3A_45 = tpu.memref_slice %arg9[%mul3A_38, %dma_start3A_44] : memref<10240x128xf32, #tpu.memory_space<vmem_shared>> -> memref<640x128xf32, #tpu.memory_space<vmem_shared>>
      tpu.enqueue_dma source(%dma_start3A_45 : memref<640x128xf32, #tpu.memory_space<vmem_shared>>) target(%dma_start3A_43 : memref<640x128xf32, #tpu.memory_space<hbm>>) target_semaphore(%run_scoped3A_41 : memref<!tpu.dma_semaphore, #tpu.memory_space<semaphore_mem>>)
      %dma_wait3A = arith.constant 0 : i32
      %dma_wait3A_46 = tpu.memref_slice %arg5[%arg0, %mul3A_40, %dma_wait3A] : memref<2x10240x128xf32, #tpu.memory_space<hbm>> -> memref<1x640x128xf32, #tpu.memory_space<hbm>>
      %dma_wait3A_47 = tpu.memref_squeeze %dma_wait3A_46 : memref<1x640x128xf32, #tpu.memory_space<hbm>> -> memref<640x128xf32, #tpu.memory_space<hbm>>
      %dma_wait3A_48 = arith.constant 0 : i32
      %dma_wait3A_49 = tpu.memref_slice %arg9[%mul3A_38, %dma_wait3A_48] : memref<10240x128xf32, #tpu.memory_space<vmem_shared>> -> memref<640x128xf32, #tpu.memory_space<vmem_shared>>
      tpu.wait_dma2 semaphore(%run_scoped3A_41 : memref<!tpu.dma_semaphore, #tpu.memory_space<semaphore_mem>>) src(%dma_wait3A_49 : memref<640x128xf32, #tpu.memory_space<vmem_shared>>) dst(%dma_wait3A_47 : memref<640x128xf32, #tpu.memory_space<hbm>>)
      tpu.yield
    }) : () -> ()
    return
  }
}

#map = affine_map<(d0, d1) -> (0, 0)>
#map1 = affine_map<(d0, d1) -> (0)>
#map2 = affine_map<(d0, d1) -> (0, 0, 0)>
module attributes {stable_mosaic.version = 14 : i64} {
  func.func @_sc_segsum_body(%arg0: i32, %arg1: i32, %arg2: memref<10000x128xf32, #tpu.memory_space<hbm>>, %arg3: memref<655360xi32, #tpu.memory_space<hbm>>, %arg4: memref<655360xi32, #tpu.memory_space<hbm>>, %arg5: memref<2x10240x128xf32, #tpu.memory_space<hbm>>, %arg6: memref<128xi32, #tpu.memory_space<vmem>>, %arg7: memref<128xi32, #tpu.memory_space<vmem>>, %arg8: memref<1x128x128xf32, #tpu.memory_space<vmem>>, %arg9: memref<10240x128xf32, #tpu.memory_space<vmem_shared>>, %arg10: memref<!tpu.dma_semaphore, #tpu.memory_space<semaphore_mem>>) attributes {dimension_semantics = [#tpu.dimension_semantics<core_parallel>, #tpu.dimension_semantics<subcore_parallel>], iteration_bounds = array<i64: 2, 16>, scalar_prefetch = 0 : i64, scratch_operands = 5 : i64, tpu.core_type = #tpu.core_type<sc_vector_subcore>, window_params = [{transform_indices = #map}, {transform_indices = #map1}, {transform_indices = #map1}, {transform_indices = #map2}]} {
    %mul3A = arith.constant 16 : i32
    %mul3A_0 = arith.muli %arg0, %mul3A : i32
    %add3A = arith.addi %mul3A_0, %arg1 : i32
    %scan3A = arith.constant 0 : i32
    %scan3A_1 = arith.constant 0 : i32
    %scan3A_2 = arith.constant 128 : i32
    %scan3A_3 = arith.addi %scan3A_1, %scan3A_2 : i32
    %scan3A_4 = arith.constant 1 : i32
    scf.for %scan3A_41 = %scan3A_1 to %scan3A_3 step %scan3A_4  : i32 {
      %broadcast_in_dim3A = arith.constant 0.000000e+00 : f32
      %broadcast_in_dim3A_42 = vector.broadcast %broadcast_in_dim3A : f32 to vector<16xf32>
      %swap3A = arith.constant 0 : i32
      %swap3A_43 = arith.index_cast %swap3A : i32 to index
      %swap3A_44 = arith.index_cast %scan3A_41 : i32 to index
      %swap3A_45 = arith.constant 0 : index
      %swap3A_46 = tpu.vector_load %arg8[%swap3A_43, %swap3A_44, %swap3A_45] {strides = array<i32>} : memref<1x128x128xf32, #tpu.memory_space<vmem>>, vector<1x1x16xf32>,
      %swap3A_47 = vector.shape_cast %swap3A_46 : vector<1x1x16xf32> to vector<16xf32>
      %swap3A_48 = vector.shape_cast %broadcast_in_dim3A_42 : vector<16xf32> to vector<1x1x16xf32>
      tpu.vector_store %arg8[%swap3A_43, %swap3A_44, %swap3A_45], %swap3A_48 {strides = array<i32>} : memref<1x128x128xf32, #tpu.memory_space<vmem>>, vector<1x1x16xf32>,
      %broadcast_in_dim3A_49 = arith.constant 0.000000e+00 : f32
      %broadcast_in_dim3A_50 = vector.broadcast %broadcast_in_dim3A_49 : f32 to vector<16xf32>
      %swap3A_51 = arith.constant 0 : i32
      %swap3A_52 = arith.index_cast %swap3A_51 : i32 to index
      %swap3A_53 = arith.index_cast %scan3A_41 : i32 to index
      %swap3A_54 = arith.constant 16 : index
      %swap3A_55 = tpu.vector_load %arg8[%swap3A_52, %swap3A_53, %swap3A_54] {strides = array<i32>} : memref<1x128x128xf32, #tpu.memory_space<vmem>>, vector<1x1x16xf32>,
      %swap3A_56 = vector.shape_cast %swap3A_55 : vector<1x1x16xf32> to vector<16xf32>
      %swap3A_57 = vector.shape_cast %broadcast_in_dim3A_50 : vector<16xf32> to vector<1x1x16xf32>
      tpu.vector_store %arg8[%swap3A_52, %swap3A_53, %swap3A_54], %swap3A_57 {strides = array<i32>} : memref<1x128x128xf32, #tpu.memory_space<vmem>>, vector<1x1x16xf32>,
      %broadcast_in_dim3A_58 = arith.constant 0.000000e+00 : f32
      %broadcast_in_dim3A_59 = vector.broadcast %broadcast_in_dim3A_58 : f32 to vector<16xf32>
      %swap3A_60 = arith.constant 0 : i32
      %swap3A_61 = arith.index_cast %swap3A_60 : i32 to index
      %swap3A_62 = arith.index_cast %scan3A_41 : i32 to index
      %swap3A_63 = arith.constant 32 : index
      %swap3A_64 = tpu.vector_load %arg8[%swap3A_61, %swap3A_62, %swap3A_63] {strides = array<i32>} : memref<1x128x128xf32, #tpu.memory_space<vmem>>, vector<1x1x16xf32>,
      %swap3A_65 = vector.shape_cast %swap3A_64 : vector<1x1x16xf32> to vector<16xf32>
      %swap3A_66 = vector.shape_cast %broadcast_in_dim3A_59 : vector<16xf32> to vector<1x1x16xf32>
      tpu.vector_store %arg8[%swap3A_61, %swap3A_62, %swap3A_63], %swap3A_66 {strides = array<i32>} : memref<1x128x128xf32, #tpu.memory_space<vmem>>, vector<1x1x16xf32>,
      %broadcast_in_dim3A_67 = arith.constant 0.000000e+00 : f32
      %broadcast_in_dim3A_68 = vector.broadcast %broadcast_in_dim3A_67 : f32 to vector<16xf32>
      %swap3A_69 = arith.constant 0 : i32
      %swap3A_70 = arith.index_cast %swap3A_69 : i32 to index
      %swap3A_71 = arith.index_cast %scan3A_41 : i32 to index
      %swap3A_72 = arith.constant 48 : index
      %swap3A_73 = tpu.vector_load %arg8[%swap3A_70, %swap3A_71, %swap3A_72] {strides = array<i32>} : memref<1x128x128xf32, #tpu.memory_space<vmem>>, vector<1x1x16xf32>,
      %swap3A_74 = vector.shape_cast %swap3A_73 : vector<1x1x16xf32> to vector<16xf32>
      %swap3A_75 = vector.shape_cast %broadcast_in_dim3A_68 : vector<16xf32> to vector<1x1x16xf32>
      tpu.vector_store %arg8[%swap3A_70, %swap3A_71, %swap3A_72], %swap3A_75 {strides = array<i32>} : memref<1x128x128xf32, #tpu.memory_space<vmem>>, vector<1x1x16xf32>,
      %broadcast_in_dim3A_76 = arith.constant 0.000000e+00 : f32
      %broadcast_in_dim3A_77 = vector.broadcast %broadcast_in_dim3A_76 : f32 to vector<16xf32>
      %swap3A_78 = arith.constant 0 : i32
      %swap3A_79 = arith.index_cast %swap3A_78 : i32 to index
      %swap3A_80 = arith.index_cast %scan3A_41 : i32 to index
      %swap3A_81 = arith.constant 64 : index
      %swap3A_82 = tpu.vector_load %arg8[%swap3A_79, %swap3A_80, %swap3A_81] {strides = array<i32>} : memref<1x128x128xf32, #tpu.memory_space<vmem>>, vector<1x1x16xf32>,
      %swap3A_83 = vector.shape_cast %swap3A_82 : vector<1x1x16xf32> to vector<16xf32>
      %swap3A_84 = vector.shape_cast %broadcast_in_dim3A_77 : vector<16xf32> to vector<1x1x16xf32>
      tpu.vector_store %arg8[%swap3A_79, %swap3A_80, %swap3A_81], %swap3A_84 {strides = array<i32>} : memref<1x128x128xf32, #tpu.memory_space<vmem>>, vector<1x1x16xf32>,
      %broadcast_in_dim3A_85 = arith.constant 0.000000e+00 : f32
      %broadcast_in_dim3A_86 = vector.broadcast %broadcast_in_dim3A_85 : f32 to vector<16xf32>
      %swap3A_87 = arith.constant 0 : i32
      %swap3A_88 = arith.index_cast %swap3A_87 : i32 to index
      %swap3A_89 = arith.index_cast %scan3A_41 : i32 to index
      %swap3A_90 = arith.constant 80 : index
      %swap3A_91 = tpu.vector_load %arg8[%swap3A_88, %swap3A_89, %swap3A_90] {strides = array<i32>} : memref<1x128x128xf32, #tpu.memory_space<vmem>>, vector<1x1x16xf32>,
      %swap3A_92 = vector.shape_cast %swap3A_91 : vector<1x1x16xf32> to vector<16xf32>
      %swap3A_93 = vector.shape_cast %broadcast_in_dim3A_86 : vector<16xf32> to vector<1x1x16xf32>
      tpu.vector_store %arg8[%swap3A_88, %swap3A_89, %swap3A_90], %swap3A_93 {strides = array<i32>} : memref<1x128x128xf32, #tpu.memory_space<vmem>>, vector<1x1x16xf32>,
      %broadcast_in_dim3A_94 = arith.constant 0.000000e+00 : f32
      %broadcast_in_dim3A_95 = vector.broadcast %broadcast_in_dim3A_94 : f32 to vector<16xf32>
      %swap3A_96 = arith.constant 0 : i32
      %swap3A_97 = arith.index_cast %swap3A_96 : i32 to index
      %swap3A_98 = arith.index_cast %scan3A_41 : i32 to index
      %swap3A_99 = arith.constant 96 : index
      %swap3A_100 = tpu.vector_load %arg8[%swap3A_97, %swap3A_98, %swap3A_99] {strides = array<i32>} : memref<1x128x128xf32, #tpu.memory_space<vmem>>, vector<1x1x16xf32>,
      %swap3A_101 = vector.shape_cast %swap3A_100 : vector<1x1x16xf32> to vector<16xf32>
      %swap3A_102 = vector.shape_cast %broadcast_in_dim3A_95 : vector<16xf32> to vector<1x1x16xf32>
      tpu.vector_store %arg8[%swap3A_97, %swap3A_98, %swap3A_99], %swap3A_102 {strides = array<i32>} : memref<1x128x128xf32, #tpu.memory_space<vmem>>, vector<1x1x16xf32>,
      %broadcast_in_dim3A_103 = arith.constant 0.000000e+00 : f32
      %broadcast_in_dim3A_104 = vector.broadcast %broadcast_in_dim3A_103 : f32 to vector<16xf32>
      %swap3A_105 = arith.constant 0 : i32
      %swap3A_106 = arith.index_cast %swap3A_105 : i32 to index
      %swap3A_107 = arith.index_cast %scan3A_41 : i32 to index
      %swap3A_108 = arith.constant 112 : index
      %swap3A_109 = tpu.vector_load %arg8[%swap3A_106, %swap3A_107, %swap3A_108] {strides = array<i32>} : memref<1x128x128xf32, #tpu.memory_space<vmem>>, vector<1x1x16xf32>,
      %swap3A_110 = vector.shape_cast %swap3A_109 : vector<1x1x16xf32> to vector<16xf32>
      %swap3A_111 = vector.shape_cast %broadcast_in_dim3A_104 : vector<16xf32> to vector<1x1x16xf32>
      tpu.vector_store %arg8[%swap3A_106, %swap3A_107, %swap3A_108], %swap3A_111 {strides = array<i32>} : memref<1x128x128xf32, #tpu.memory_space<vmem>>, vector<1x1x16xf32>,
    }
    %scan3A_5 = arith.constant 128 : i32
    %mul3A_6 = arith.constant 640 : i32
    %mul3A_7 = arith.muli %arg1, %mul3A_6 : i32
    %add3A_8 = arith.constant 0 : i32
    %add3A_9 = arith.addi %mul3A_7, %add3A_8 : i32
    %run_scoped3A = arith.constant 0 : i32
    "tpu.region"() ({
      %run_scoped3A_41 = tpu.sem_alloc : memref<!tpu.dma_semaphore, #tpu.memory_space<semaphore_mem>>
      %dma_start3A = arith.constant 0 : i32
      %dma_start3A_42 = arith.constant 0 : i32
      %dma_start3A_43 = tpu.memref_slice %arg8[%run_scoped3A, %dma_start3A, %dma_start3A_42] : memref<1x128x128xf32, #tpu.memory_space<vmem>> -> memref<1x128x128xf32, #tpu.memory_space<vmem>>
      %dma_start3A_44 = tpu.memref_squeeze %dma_start3A_43 : memref<1x128x128xf32, #tpu.memory_space<vmem>> -> memref<128x128xf32, #tpu.memory_space<vmem>>
      %dma_start3A_45 = arith.constant 0 : i32
      %dma_start3A_46 = tpu.memref_slice %arg9[%add3A_9, %dma_start3A_45] : memref<10240x128xf32, #tpu.memory_space<vmem_shared>> -> memref<128x128xf32, #tpu.memory_space<vmem_shared>>
      %dma_start3A_47 = arith.constant 0 : i32
      %dma_start3A_48 = tpu.memref_slice %arg9[%add3A_9, %dma_start3A_47] : memref<10240x128xf32, #tpu.memory_space<vmem_shared>> -> memref<128x128xf32, #tpu.memory_space<vmem_shared>>
      %dma_start3A_49 = arith.constant 0 : i32
      %dma_start3A_50 = arith.constant 0 : i32
      %dma_start3A_51 = tpu.memref_slice %arg8[%run_scoped3A, %dma_start3A_49, %dma_start3A_50] : memref<1x128x128xf32, #tpu.memory_space<vmem>> -> memref<1x128x128xf32, #tpu.memory_space<vmem>>
      %dma_start3A_52 = tpu.memref_squeeze %dma_start3A_51 : memref<1x128x128xf32, #tpu.memory_space<vmem>> -> memref<128x128xf32, #tpu.memory_space<vmem>>
      tpu.enqueue_dma source(%dma_start3A_52 : memref<128x128xf32, #tpu.memory_space<vmem>>) target(%dma_start3A_48 : memref<128x128xf32, #tpu.memory_space<vmem_shared>>) target_semaphore(%run_scoped3A_41 : memref<!tpu.dma_semaphore, #tpu.memory_space<semaphore_mem>>)
      %dma_wait3A = arith.constant 0 : i32
      %dma_wait3A_53 = arith.constant 0 : i32
      %dma_wait3A_54 = tpu.memref_slice %arg8[%run_scoped3A, %dma_wait3A, %dma_wait3A_53] : memref<1x128x128xf32, #tpu.memory_space<vmem>> -> memref<1x128x128xf32, #tpu.memory_space<vmem>>
      %dma_wait3A_55 = tpu.memref_squeeze %dma_wait3A_54 : memref<1x128x128xf32, #tpu.memory_space<vmem>> -> memref<128x128xf32, #tpu.memory_space<vmem>>
      %dma_wait3A_56 = arith.constant 0 : i32
      %dma_wait3A_57 = tpu.memref_slice %arg9[%add3A_9, %dma_wait3A_56] : memref<10240x128xf32, #tpu.memory_space<vmem_shared>> -> memref<128x128xf32, #tpu.memory_space<vmem_shared>>
      %dma_wait3A_58 = arith.constant 0 : i32
      %dma_wait3A_59 = tpu.memref_slice %arg9[%add3A_9, %dma_wait3A_58] : memref<10240x128xf32, #tpu.memory_space<vmem_shared>> -> memref<128x128xf32, #tpu.memory_space<vmem_shared>>
      %dma_wait3A_60 = arith.constant 0 : i32
      %dma_wait3A_61 = arith.constant 0 : i32
      %dma_wait3A_62 = tpu.memref_slice %arg8[%run_scoped3A, %dma_wait3A_60, %dma_wait3A_61] : memref<1x128x128xf32, #tpu.memory_space<vmem>> -> memref<1x128x128xf32, #tpu.memory_space<vmem>>
      %dma_wait3A_63 = tpu.memref_squeeze %dma_wait3A_62 : memref<1x128x128xf32, #tpu.memory_space<vmem>> -> memref<128x128xf32, #tpu.memory_space<vmem>>
      tpu.wait_dma2 semaphore(%run_scoped3A_41 : memref<!tpu.dma_semaphore, #tpu.memory_space<semaphore_mem>>) src(%dma_wait3A_63 : memref<128x128xf32, #tpu.memory_space<vmem>>) dst(%dma_wait3A_59 : memref<128x128xf32, #tpu.memory_space<vmem_shared>>)
      tpu.yield
    }) : () -> ()
    %mul3A_10 = arith.constant 640 : i32
    %mul3A_11 = arith.muli %arg1, %mul3A_10 : i32
    %add3A_12 = arith.constant 128 : i32
    %add3A_13 = arith.addi %mul3A_11, %add3A_12 : i32
    %run_scoped3A_14 = arith.constant 0 : i32
    "tpu.region"() ({
      %run_scoped3A_41 = tpu.sem_alloc : memref<!tpu.dma_semaphore, #tpu.memory_space<semaphore_mem>>
      %dma_start3A = arith.constant 0 : i32
      %dma_start3A_42 = arith.constant 0 : i32
      %dma_start3A_43 = tpu.memref_slice %arg8[%run_scoped3A_14, %dma_start3A, %dma_start3A_42] : memref<1x128x128xf32, #tpu.memory_space<vmem>> -> memref<1x128x128xf32, #tpu.memory_space<vmem>>
      %dma_start3A_44 = tpu.memref_squeeze %dma_start3A_43 : memref<1x128x128xf32, #tpu.memory_space<vmem>> -> memref<128x128xf32, #tpu.memory_space<vmem>>
      %dma_start3A_45 = arith.constant 0 : i32
      %dma_start3A_46 = tpu.memref_slice %arg9[%add3A_13, %dma_start3A_45] : memref<10240x128xf32, #tpu.memory_space<vmem_shared>> -> memref<128x128xf32, #tpu.memory_space<vmem_shared>>
      %dma_start3A_47 = arith.constant 0 : i32
      %dma_start3A_48 = tpu.memref_slice %arg9[%add3A_13, %dma_start3A_47] : memref<10240x128xf32, #tpu.memory_space<vmem_shared>> -> memref<128x128xf32, #tpu.memory_space<vmem_shared>>
      %dma_start3A_49 = arith.constant 0 : i32
      %dma_start3A_50 = arith.constant 0 : i32
      %dma_start3A_51 = tpu.memref_slice %arg8[%run_scoped3A_14, %dma_start3A_49, %dma_start3A_50] : memref<1x128x128xf32, #tpu.memory_space<vmem>> -> memref<1x128x128xf32, #tpu.memory_space<vmem>>
      %dma_start3A_52 = tpu.memref_squeeze %dma_start3A_51 : memref<1x128x128xf32, #tpu.memory_space<vmem>> -> memref<128x128xf32, #tpu.memory_space<vmem>>
      tpu.enqueue_dma source(%dma_start3A_52 : memref<128x128xf32, #tpu.memory_space<vmem>>) target(%dma_start3A_48 : memref<128x128xf32, #tpu.memory_space<vmem_shared>>) target_semaphore(%run_scoped3A_41 : memref<!tpu.dma_semaphore, #tpu.memory_space<semaphore_mem>>)
      %dma_wait3A = arith.constant 0 : i32
      %dma_wait3A_53 = arith.constant 0 : i32
      %dma_wait3A_54 = tpu.memref_slice %arg8[%run_scoped3A_14, %dma_wait3A, %dma_wait3A_53] : memref<1x128x128xf32, #tpu.memory_space<vmem>> -> memref<1x128x128xf32, #tpu.memory_space<vmem>>
      %dma_wait3A_55 = tpu.memref_squeeze %dma_wait3A_54 : memref<1x128x128xf32, #tpu.memory_space<vmem>> -> memref<128x128xf32, #tpu.memory_space<vmem>>
      %dma_wait3A_56 = arith.constant 0 : i32
      %dma_wait3A_57 = tpu.memref_slice %arg9[%add3A_13, %dma_wait3A_56] : memref<10240x128xf32, #tpu.memory_space<vmem_shared>> -> memref<128x128xf32, #tpu.memory_space<vmem_shared>>
      %dma_wait3A_58 = arith.constant 0 : i32
      %dma_wait3A_59 = tpu.memref_slice %arg9[%add3A_13, %dma_wait3A_58] : memref<10240x128xf32, #tpu.memory_space<vmem_shared>> -> memref<128x128xf32, #tpu.memory_space<vmem_shared>>
      %dma_wait3A_60 = arith.constant 0 : i32
      %dma_wait3A_61 = arith.constant 0 : i32
      %dma_wait3A_62 = tpu.memref_slice %arg8[%run_scoped3A_14, %dma_wait3A_60, %dma_wait3A_61] : memref<1x128x128xf32, #tpu.memory_space<vmem>> -> memref<1x128x128xf32, #tpu.memory_space<vmem>>
      %dma_wait3A_63 = tpu.memref_squeeze %dma_wait3A_62 : memref<1x128x128xf32, #tpu.memory_space<vmem>> -> memref<128x128xf32, #tpu.memory_space<vmem>>
      tpu.wait_dma2 semaphore(%run_scoped3A_41 : memref<!tpu.dma_semaphore, #tpu.memory_space<semaphore_mem>>) src(%dma_wait3A_63 : memref<128x128xf32, #tpu.memory_space<vmem>>) dst(%dma_wait3A_59 : memref<128x128xf32, #tpu.memory_space<vmem_shared>>)
      tpu.yield
    }) : () -> ()
    %mul3A_15 = arith.constant 640 : i32
    %mul3A_16 = arith.muli %arg1, %mul3A_15 : i32
    %add3A_17 = arith.constant 256 : i32
    %add3A_18 = arith.addi %mul3A_16, %add3A_17 : i32
    %run_scoped3A_19 = arith.constant 0 : i32
    "tpu.region"() ({
      %run_scoped3A_41 = tpu.sem_alloc : memref<!tpu.dma_semaphore, #tpu.memory_space<semaphore_mem>>
      %dma_start3A = arith.constant 0 : i32
      %dma_start3A_42 = arith.constant 0 : i32
      %dma_start3A_43 = tpu.memref_slice %arg8[%run_scoped3A_19, %dma_start3A, %dma_start3A_42] : memref<1x128x128xf32, #tpu.memory_space<vmem>> -> memref<1x128x128xf32, #tpu.memory_space<vmem>>
      %dma_start3A_44 = tpu.memref_squeeze %dma_start3A_43 : memref<1x128x128xf32, #tpu.memory_space<vmem>> -> memref<128x128xf32, #tpu.memory_space<vmem>>
      %dma_start3A_45 = arith.constant 0 : i32
      %dma_start3A_46 = tpu.memref_slice %arg9[%add3A_18, %dma_start3A_45] : memref<10240x128xf32, #tpu.memory_space<vmem_shared>> -> memref<128x128xf32, #tpu.memory_space<vmem_shared>>
      %dma_start3A_47 = arith.constant 0 : i32
      %dma_start3A_48 = tpu.memref_slice %arg9[%add3A_18, %dma_start3A_47] : memref<10240x128xf32, #tpu.memory_space<vmem_shared>> -> memref<128x128xf32, #tpu.memory_space<vmem_shared>>
      %dma_start3A_49 = arith.constant 0 : i32
      %dma_start3A_50 = arith.constant 0 : i32
      %dma_start3A_51 = tpu.memref_slice %arg8[%run_scoped3A_19, %dma_start3A_49, %dma_start3A_50] : memref<1x128x128xf32, #tpu.memory_space<vmem>> -> memref<1x128x128xf32, #tpu.memory_space<vmem>>
      %dma_start3A_52 = tpu.memref_squeeze %dma_start3A_51 : memref<1x128x128xf32, #tpu.memory_space<vmem>> -> memref<128x128xf32, #tpu.memory_space<vmem>>
      tpu.enqueue_dma source(%dma_start3A_52 : memref<128x128xf32, #tpu.memory_space<vmem>>) target(%dma_start3A_48 : memref<128x128xf32, #tpu.memory_space<vmem_shared>>) target_semaphore(%run_scoped3A_41 : memref<!tpu.dma_semaphore, #tpu.memory_space<semaphore_mem>>)
      %dma_wait3A = arith.constant 0 : i32
      %dma_wait3A_53 = arith.constant 0 : i32
      %dma_wait3A_54 = tpu.memref_slice %arg8[%run_scoped3A_19, %dma_wait3A, %dma_wait3A_53] : memref<1x128x128xf32, #tpu.memory_space<vmem>> -> memref<1x128x128xf32, #tpu.memory_space<vmem>>
      %dma_wait3A_55 = tpu.memref_squeeze %dma_wait3A_54 : memref<1x128x128xf32, #tpu.memory_space<vmem>> -> memref<128x128xf32, #tpu.memory_space<vmem>>
      %dma_wait3A_56 = arith.constant 0 : i32
      %dma_wait3A_57 = tpu.memref_slice %arg9[%add3A_18, %dma_wait3A_56] : memref<10240x128xf32, #tpu.memory_space<vmem_shared>> -> memref<128x128xf32, #tpu.memory_space<vmem_shared>>
      %dma_wait3A_58 = arith.constant 0 : i32
      %dma_wait3A_59 = tpu.memref_slice %arg9[%add3A_18, %dma_wait3A_58] : memref<10240x128xf32, #tpu.memory_space<vmem_shared>> -> memref<128x128xf32, #tpu.memory_space<vmem_shared>>
      %dma_wait3A_60 = arith.constant 0 : i32
      %dma_wait3A_61 = arith.constant 0 : i32
      %dma_wait3A_62 = tpu.memref_slice %arg8[%run_scoped3A_19, %dma_wait3A_60, %dma_wait3A_61] : memref<1x128x128xf32, #tpu.memory_space<vmem>> -> memref<1x128x128xf32, #tpu.memory_space<vmem>>
      %dma_wait3A_63 = tpu.memref_squeeze %dma_wait3A_62 : memref<1x128x128xf32, #tpu.memory_space<vmem>> -> memref<128x128xf32, #tpu.memory_space<vmem>>
      tpu.wait_dma2 semaphore(%run_scoped3A_41 : memref<!tpu.dma_semaphore, #tpu.memory_space<semaphore_mem>>) src(%dma_wait3A_63 : memref<128x128xf32, #tpu.memory_space<vmem>>) dst(%dma_wait3A_59 : memref<128x128xf32, #tpu.memory_space<vmem_shared>>)
      tpu.yield
    }) : () -> ()
    %mul3A_20 = arith.constant 640 : i32
    %mul3A_21 = arith.muli %arg1, %mul3A_20 : i32
    %add3A_22 = arith.constant 384 : i32
    %add3A_23 = arith.addi %mul3A_21, %add3A_22 : i32
    %run_scoped3A_24 = arith.constant 0 : i32
    "tpu.region"() ({
      %run_scoped3A_41 = tpu.sem_alloc : memref<!tpu.dma_semaphore, #tpu.memory_space<semaphore_mem>>
      %dma_start3A = arith.constant 0 : i32
      %dma_start3A_42 = arith.constant 0 : i32
      %dma_start3A_43 = tpu.memref_slice %arg8[%run_scoped3A_24, %dma_start3A, %dma_start3A_42] : memref<1x128x128xf32, #tpu.memory_space<vmem>> -> memref<1x128x128xf32, #tpu.memory_space<vmem>>
      %dma_start3A_44 = tpu.memref_squeeze %dma_start3A_43 : memref<1x128x128xf32, #tpu.memory_space<vmem>> -> memref<128x128xf32, #tpu.memory_space<vmem>>
      %dma_start3A_45 = arith.constant 0 : i32
      %dma_start3A_46 = tpu.memref_slice %arg9[%add3A_23, %dma_start3A_45] : memref<10240x128xf32, #tpu.memory_space<vmem_shared>> -> memref<128x128xf32, #tpu.memory_space<vmem_shared>>
      %dma_start3A_47 = arith.constant 0 : i32
      %dma_start3A_48 = tpu.memref_slice %arg9[%add3A_23, %dma_start3A_47] : memref<10240x128xf32, #tpu.memory_space<vmem_shared>> -> memref<128x128xf32, #tpu.memory_space<vmem_shared>>
      %dma_start3A_49 = arith.constant 0 : i32
      %dma_start3A_50 = arith.constant 0 : i32
      %dma_start3A_51 = tpu.memref_slice %arg8[%run_scoped3A_24, %dma_start3A_49, %dma_start3A_50] : memref<1x128x128xf32, #tpu.memory_space<vmem>> -> memref<1x128x128xf32, #tpu.memory_space<vmem>>
      %dma_start3A_52 = tpu.memref_squeeze %dma_start3A_51 : memref<1x128x128xf32, #tpu.memory_space<vmem>> -> memref<128x128xf32, #tpu.memory_space<vmem>>
      tpu.enqueue_dma source(%dma_start3A_52 : memref<128x128xf32, #tpu.memory_space<vmem>>) target(%dma_start3A_48 : memref<128x128xf32, #tpu.memory_space<vmem_shared>>) target_semaphore(%run_scoped3A_41 : memref<!tpu.dma_semaphore, #tpu.memory_space<semaphore_mem>>)
      %dma_wait3A = arith.constant 0 : i32
      %dma_wait3A_53 = arith.constant 0 : i32
      %dma_wait3A_54 = tpu.memref_slice %arg8[%run_scoped3A_24, %dma_wait3A, %dma_wait3A_53] : memref<1x128x128xf32, #tpu.memory_space<vmem>> -> memref<1x128x128xf32, #tpu.memory_space<vmem>>
      %dma_wait3A_55 = tpu.memref_squeeze %dma_wait3A_54 : memref<1x128x128xf32, #tpu.memory_space<vmem>> -> memref<128x128xf32, #tpu.memory_space<vmem>>
      %dma_wait3A_56 = arith.constant 0 : i32
      %dma_wait3A_57 = tpu.memref_slice %arg9[%add3A_23, %dma_wait3A_56] : memref<10240x128xf32, #tpu.memory_space<vmem_shared>> -> memref<128x128xf32, #tpu.memory_space<vmem_shared>>
      %dma_wait3A_58 = arith.constant 0 : i32
      %dma_wait3A_59 = tpu.memref_slice %arg9[%add3A_23, %dma_wait3A_58] : memref<10240x128xf32, #tpu.memory_space<vmem_shared>> -> memref<128x128xf32, #tpu.memory_space<vmem_shared>>
      %dma_wait3A_60 = arith.constant 0 : i32
      %dma_wait3A_61 = arith.constant 0 : i32
      %dma_wait3A_62 = tpu.memref_slice %arg8[%run_scoped3A_24, %dma_wait3A_60, %dma_wait3A_61] : memref<1x128x128xf32, #tpu.memory_space<vmem>> -> memref<1x128x128xf32, #tpu.memory_space<vmem>>
      %dma_wait3A_63 = tpu.memref_squeeze %dma_wait3A_62 : memref<1x128x128xf32, #tpu.memory_space<vmem>> -> memref<128x128xf32, #tpu.memory_space<vmem>>
      tpu.wait_dma2 semaphore(%run_scoped3A_41 : memref<!tpu.dma_semaphore, #tpu.memory_space<semaphore_mem>>) src(%dma_wait3A_63 : memref<128x128xf32, #tpu.memory_space<vmem>>) dst(%dma_wait3A_59 : memref<128x128xf32, #tpu.memory_space<vmem_shared>>)
      tpu.yield
    }) : () -> ()
    %mul3A_25 = arith.constant 640 : i32
    %mul3A_26 = arith.muli %arg1, %mul3A_25 : i32
    %add3A_27 = arith.constant 512 : i32
    %add3A_28 = arith.addi %mul3A_26, %add3A_27 : i32
    %run_scoped3A_29 = arith.constant 0 : i32
    "tpu.region"() ({
      %run_scoped3A_41 = tpu.sem_alloc : memref<!tpu.dma_semaphore, #tpu.memory_space<semaphore_mem>>
      %dma_start3A = arith.constant 0 : i32
      %dma_start3A_42 = arith.constant 0 : i32
      %dma_start3A_43 = tpu.memref_slice %arg8[%run_scoped3A_29, %dma_start3A, %dma_start3A_42] : memref<1x128x128xf32, #tpu.memory_space<vmem>> -> memref<1x128x128xf32, #tpu.memory_space<vmem>>
      %dma_start3A_44 = tpu.memref_squeeze %dma_start3A_43 : memref<1x128x128xf32, #tpu.memory_space<vmem>> -> memref<128x128xf32, #tpu.memory_space<vmem>>
      %dma_start3A_45 = arith.constant 0 : i32
      %dma_start3A_46 = tpu.memref_slice %arg9[%add3A_28, %dma_start3A_45] : memref<10240x128xf32, #tpu.memory_space<vmem_shared>> -> memref<128x128xf32, #tpu.memory_space<vmem_shared>>
      %dma_start3A_47 = arith.constant 0 : i32
      %dma_start3A_48 = tpu.memref_slice %arg9[%add3A_28, %dma_start3A_47] : memref<10240x128xf32, #tpu.memory_space<vmem_shared>> -> memref<128x128xf32, #tpu.memory_space<vmem_shared>>
      %dma_start3A_49 = arith.constant 0 : i32
      %dma_start3A_50 = arith.constant 0 : i32
      %dma_start3A_51 = tpu.memref_slice %arg8[%run_scoped3A_29, %dma_start3A_49, %dma_start3A_50] : memref<1x128x128xf32, #tpu.memory_space<vmem>> -> memref<1x128x128xf32, #tpu.memory_space<vmem>>
      %dma_start3A_52 = tpu.memref_squeeze %dma_start3A_51 : memref<1x128x128xf32, #tpu.memory_space<vmem>> -> memref<128x128xf32, #tpu.memory_space<vmem>>
      tpu.enqueue_dma source(%dma_start3A_52 : memref<128x128xf32, #tpu.memory_space<vmem>>) target(%dma_start3A_48 : memref<128x128xf32, #tpu.memory_space<vmem_shared>>) target_semaphore(%run_scoped3A_41 : memref<!tpu.dma_semaphore, #tpu.memory_space<semaphore_mem>>)
      %dma_wait3A = arith.constant 0 : i32
      %dma_wait3A_53 = arith.constant 0 : i32
      %dma_wait3A_54 = tpu.memref_slice %arg8[%run_scoped3A_29, %dma_wait3A, %dma_wait3A_53] : memref<1x128x128xf32, #tpu.memory_space<vmem>> -> memref<1x128x128xf32, #tpu.memory_space<vmem>>
      %dma_wait3A_55 = tpu.memref_squeeze %dma_wait3A_54 : memref<1x128x128xf32, #tpu.memory_space<vmem>> -> memref<128x128xf32, #tpu.memory_space<vmem>>
      %dma_wait3A_56 = arith.constant 0 : i32
      %dma_wait3A_57 = tpu.memref_slice %arg9[%add3A_28, %dma_wait3A_56] : memref<10240x128xf32, #tpu.memory_space<vmem_shared>> -> memref<128x128xf32, #tpu.memory_space<vmem_shared>>
      %dma_wait3A_58 = arith.constant 0 : i32
      %dma_wait3A_59 = tpu.memref_slice %arg9[%add3A_28, %dma_wait3A_58] : memref<10240x128xf32, #tpu.memory_space<vmem_shared>> -> memref<128x128xf32, #tpu.memory_space<vmem_shared>>
      %dma_wait3A_60 = arith.constant 0 : i32
      %dma_wait3A_61 = arith.constant 0 : i32
      %dma_wait3A_62 = tpu.memref_slice %arg8[%run_scoped3A_29, %dma_wait3A_60, %dma_wait3A_61] : memref<1x128x128xf32, #tpu.memory_space<vmem>> -> memref<1x128x128xf32, #tpu.memory_space<vmem>>
      %dma_wait3A_63 = tpu.memref_squeeze %dma_wait3A_62 : memref<1x128x128xf32, #tpu.memory_space<vmem>> -> memref<128x128xf32, #tpu.memory_space<vmem>>
      tpu.wait_dma2 semaphore(%run_scoped3A_41 : memref<!tpu.dma_semaphore, #tpu.memory_space<semaphore_mem>>) src(%dma_wait3A_63 : memref<128x128xf32, #tpu.memory_space<vmem>>) dst(%dma_wait3A_59 : memref<128x128xf32, #tpu.memory_space<vmem_shared>>)
      tpu.yield
    }) : () -> ()
    %barrier3A = arith.constant 0 : index
    tpu.barrier barrier_id(%barrier3A)
    %scan3A_30 = arith.constant 0 : i32
    %scan3A_31 = arith.constant 0 : i32
    %scan3A_32 = arith.constant 160 : i32
    %scan3A_33 = arith.addi %scan3A_31, %scan3A_32 : i32
    %scan3A_34 = arith.constant 1 : i32
    scf.for %scan3A_41 = %scan3A_31 to %scan3A_33 step %scan3A_34  : i32 {
      %mul3A_42 = arith.constant 20480 : i32
      %mul3A_43 = arith.muli %add3A, %mul3A_42 : i32
      %mul3A_44 = arith.constant 128 : i32
      %mul3A_45 = arith.muli %scan3A_41, %mul3A_44 : i32
      %add3A_46 = arith.addi %mul3A_43, %mul3A_45 : i32
      "tpu.region"() ({
        %run_scoped3A_62 = tpu.sem_alloc : memref<!tpu.dma_semaphore, #tpu.memory_space<semaphore_mem>>
        %dma_start3A_63 = tpu.memref_slice %arg3[%add3A_46] : memref<655360xi32, #tpu.memory_space<hbm>> -> memref<128xi32, #tpu.memory_space<hbm>>
        %dma_start3A_64 = tpu.memref_slice %arg3[%add3A_46] : memref<655360xi32, #tpu.memory_space<hbm>> -> memref<128xi32, #tpu.memory_space<hbm>>
        tpu.enqueue_dma source(%dma_start3A_64 : memref<128xi32, #tpu.memory_space<hbm>>) target(%arg6 : memref<128xi32, #tpu.memory_space<vmem>>) target_semaphore(%run_scoped3A_62 : memref<!tpu.dma_semaphore, #tpu.memory_space<semaphore_mem>>)
        %dma_wait3A_65 = tpu.memref_slice %arg3[%add3A_46] : memref<655360xi32, #tpu.memory_space<hbm>> -> memref<128xi32, #tpu.memory_space<hbm>>
        %dma_wait3A_66 = tpu.memref_slice %arg3[%add3A_46] : memref<655360xi32, #tpu.memory_space<hbm>> -> memref<128xi32, #tpu.memory_space<hbm>>
        tpu.wait_dma2 semaphore(%run_scoped3A_62 : memref<!tpu.dma_semaphore, #tpu.memory_space<semaphore_mem>>) src(%dma_wait3A_66 : memref<128xi32, #tpu.memory_space<hbm>>) dst(%arg6 : memref<128xi32, #tpu.memory_space<vmem>>)
        tpu.yield
      }) : () -> ()
      "tpu.region"() ({
        %run_scoped3A_62 = tpu.sem_alloc : memref<!tpu.dma_semaphore, #tpu.memory_space<semaphore_mem>>
        %dma_start3A_63 = tpu.memref_slice %arg4[%add3A_46] : memref<655360xi32, #tpu.memory_space<hbm>> -> memref<128xi32, #tpu.memory_space<hbm>>
        %dma_start3A_64 = tpu.memref_slice %arg4[%add3A_46] : memref<655360xi32, #tpu.memory_space<hbm>> -> memref<128xi32, #tpu.memory_space<hbm>>
        tpu.enqueue_dma source(%dma_start3A_64 : memref<128xi32, #tpu.memory_space<hbm>>) target(%arg7 : memref<128xi32, #tpu.memory_space<vmem>>) target_semaphore(%run_scoped3A_62 : memref<!tpu.dma_semaphore, #tpu.memory_space<semaphore_mem>>)
        %dma_wait3A_65 = tpu.memref_slice %arg4[%add3A_46] : memref<655360xi32, #tpu.memory_space<hbm>> -> memref<128xi32, #tpu.memory_space<hbm>>
        %dma_wait3A_66 = tpu.memref_slice %arg4[%add3A_46] : memref<655360xi32, #tpu.memory_space<hbm>> -> memref<128xi32, #tpu.memory_space<hbm>>
        tpu.wait_dma2 semaphore(%run_scoped3A_62 : memref<!tpu.dma_semaphore, #tpu.memory_space<semaphore_mem>>) src(%dma_wait3A_66 : memref<128xi32, #tpu.memory_space<hbm>>) dst(%arg7 : memref<128xi32, #tpu.memory_space<vmem>>)
        tpu.yield
      }) : () -> ()
      %dma_start3A = arith.constant 0 : i32
      %dma_start3A_47 = arith.constant 0 : i32
      %dma_start3A_48 = arith.constant 0 : i32
      %dma_start3A_49 = tpu.memref_slice %arg8[%dma_start3A, %dma_start3A_47, %dma_start3A_48] : memref<1x128x128xf32, #tpu.memory_space<vmem>> -> memref<1x128x128xf32, #tpu.memory_space<vmem>>
      %dma_start3A_50 = tpu.memref_squeeze %dma_start3A_49 : memref<1x128x128xf32, #tpu.memory_space<vmem>> -> memref<128x128xf32, #tpu.memory_space<vmem>>
      %dma_start3A_51 = arith.constant 0 : i32
      %dma_start3A_52 = arith.constant 0 : i32
      %dma_start3A_53 = tpu.memref_slice %arg2[%dma_start3A_51, %dma_start3A_52] : memref<10000x128xf32, #tpu.memory_space<hbm>> -> memref<10000x128xf32, #tpu.memory_space<hbm>>
      tpu.enqueue_indirect_dma source(%dma_start3A_53 : memref<10000x128xf32, #tpu.memory_space<hbm>>) target(%dma_start3A_50 : memref<128x128xf32, #tpu.memory_space<vmem>>) offsets(%arg6 : memref<128xi32, #tpu.memory_space<vmem>>) semaphore(%arg10 : memref<!tpu.dma_semaphore, #tpu.memory_space<semaphore_mem>>)
      %dma_wait3A = arith.constant 0 : i32
      %dma_wait3A_54 = arith.constant 0 : i32
      %dma_wait3A_55 = arith.constant 0 : i32
      %dma_wait3A_56 = tpu.memref_slice %arg8[%dma_wait3A, %dma_wait3A_54, %dma_wait3A_55] : memref<1x128x128xf32, #tpu.memory_space<vmem>> -> memref<1x128x128xf32, #tpu.memory_space<vmem>>
      %dma_wait3A_57 = tpu.memref_squeeze %dma_wait3A_56 : memref<1x128x128xf32, #tpu.memory_space<vmem>> -> memref<128x128xf32, #tpu.memory_space<vmem>>
      %dma_wait3A_58 = arith.constant 0 : i32
      %dma_wait3A_59 = arith.constant 0 : i32
      %dma_wait3A_60 = tpu.memref_slice %arg2[%dma_wait3A_58, %dma_wait3A_59] : memref<10000x128xf32, #tpu.memory_space<hbm>> -> memref<10000x128xf32, #tpu.memory_space<hbm>>
      tpu.wait_indirect_dma semaphore(%arg10 : memref<!tpu.dma_semaphore, #tpu.memory_space<semaphore_mem>>) src(%dma_wait3A_60 : memref<10000x128xf32, #tpu.memory_space<hbm>>) dst(%dma_wait3A_57 : memref<128x128xf32, #tpu.memory_space<vmem>>)
      %run_scoped3A_61 = arith.constant 0 : i32
      "tpu.region"() ({
        %run_scoped3A_62 = tpu.sem_alloc : memref<!tpu.dma_semaphore, #tpu.memory_space<semaphore_mem>>
        %dma_start3A_63 = arith.constant 0 : i32
        %dma_start3A_64 = arith.constant 0 : i32
        %dma_start3A_65 = tpu.memref_slice %arg8[%run_scoped3A_61, %dma_start3A_63, %dma_start3A_64] : memref<1x128x128xf32, #tpu.memory_space<vmem>> -> memref<1x128x128xf32, #tpu.memory_space<vmem>>
        %dma_start3A_66 = tpu.memref_squeeze %dma_start3A_65 : memref<1x128x128xf32, #tpu.memory_space<vmem>> -> memref<128x128xf32, #tpu.memory_space<vmem>>
        %dma_start3A_67 = arith.constant 0 : i32
        %dma_start3A_68 = arith.constant 0 : i32
        %dma_start3A_69 = tpu.memref_slice %arg9[%dma_start3A_67, %dma_start3A_68] : memref<10240x128xf32, #tpu.memory_space<vmem_shared>> -> memref<10240x128xf32, #tpu.memory_space<vmem_shared>>
        tpu.enqueue_indirect_dma source(%dma_start3A_66 : memref<128x128xf32, #tpu.memory_space<vmem>>) target(%dma_start3A_69 : memref<10240x128xf32, #tpu.memory_space<vmem_shared>>) offsets(%arg7 : memref<128xi32, #tpu.memory_space<vmem>>) semaphore(%run_scoped3A_62 : memref<!tpu.dma_semaphore, #tpu.memory_space<semaphore_mem>>) {add = true}
        %dma_wait3A_70 = arith.constant 0 : i32
        %dma_wait3A_71 = arith.constant 0 : i32
        %dma_wait3A_72 = tpu.memref_slice %arg8[%run_scoped3A_61, %dma_wait3A_70, %dma_wait3A_71] : memref<1x128x128xf32, #tpu.memory_space<vmem>> -> memref<1x128x128xf32, #tpu.memory_space<vmem>>
        %dma_wait3A_73 = tpu.memref_squeeze %dma_wait3A_72 : memref<1x128x128xf32, #tpu.memory_space<vmem>> -> memref<128x128xf32, #tpu.memory_space<vmem>>
        %dma_wait3A_74 = arith.constant 0 : i32
        %dma_wait3A_75 = arith.constant 0 : i32
        %dma_wait3A_76 = tpu.memref_slice %arg9[%dma_wait3A_74, %dma_wait3A_75] : memref<10240x128xf32, #tpu.memory_space<vmem_shared>> -> memref<10240x128xf32, #tpu.memory_space<vmem_shared>>
        tpu.wait_indirect_dma semaphore(%run_scoped3A_62 : memref<!tpu.dma_semaphore, #tpu.memory_space<semaphore_mem>>) src(%dma_wait3A_73 : memref<128x128xf32, #tpu.memory_space<vmem>>) dst(%dma_wait3A_76 : memref<10240x128xf32, #tpu.memory_space<vmem_shared>>)
        tpu.yield
      }) : () -> ()
    }
    %scan3A_35 = arith.constant 160 : i32
    %barrier3A_36 = arith.constant 0 : index
    tpu.barrier barrier_id(%barrier3A_36)
    %mul3A_37 = arith.constant 640 : i32
    %mul3A_38 = arith.muli %arg1, %mul3A_37 : i32
    %mul3A_39 = arith.constant 640 : i32
    %mul3A_40 = arith.muli %arg1, %mul3A_39 : i32
    "tpu.region"() ({
      %run_scoped3A_41 = tpu.sem_alloc : memref<!tpu.dma_semaphore, #tpu.memory_space<semaphore_mem>>
      %dma_start3A = arith.constant 0 : i32
      %dma_start3A_42 = tpu.memref_slice %arg5[%arg0, %mul3A_40, %dma_start3A] : memref<2x10240x128xf32, #tpu.memory_space<hbm>> -> memref<1x640x128xf32, #tpu.memory_space<hbm>>
      %dma_start3A_43 = tpu.memref_squeeze %dma_start3A_42 : memref<1x640x128xf32, #tpu.memory_space<hbm>> -> memref<640x128xf32, #tpu.memory_space<hbm>>
      %dma_start3A_44 = arith.constant 0 : i32
      %dma_start3A_45 = tpu.memref_slice %arg9[%mul3A_38, %dma_start3A_44] : memref<10240x128xf32, #tpu.memory_space<vmem_shared>> -> memref<640x128xf32, #tpu.memory_space<vmem_shared>>
      tpu.enqueue_dma source(%dma_start3A_45 : memref<640x128xf32, #tpu.memory_space<vmem_shared>>) target(%dma_start3A_43 : memref<640x128xf32, #tpu.memory_space<hbm>>) target_semaphore(%run_scoped3A_41 : memref<!tpu.dma_semaphore, #tpu.memory_space<semaphore_mem>>)
      %dma_wait3A = arith.constant 0 : i32
      %dma_wait3A_46 = tpu.memref_slice %arg5[%arg0, %mul3A_40, %dma_wait3A] : memref<2x10240x128xf32, #tpu.memory_space<hbm>> -> memref<1x640x128xf32, #tpu.memory_space<hbm>>
      %dma_wait3A_47 = tpu.memref_squeeze %dma_wait3A_46 : memref<1x640x128xf32, #tpu.memory_space<hbm>> -> memref<640x128xf32, #tpu.memory_space<hbm>>
      %dma_wait3A_48 = arith.constant 0 : i32
      %dma_wait3A_49 = tpu.memref_slice %arg9[%mul3A_38, %dma_wait3A_48] : memref<10240x128xf32, #tpu.memory_space<vmem_shared>> -> memref<640x128xf32, #tpu.memory_space<vmem_shared>>
      tpu.wait_dma2 semaphore(%run_scoped3A_41 : memref<!tpu.dma_semaphore, #tpu.memory_space<semaphore_mem>>) src(%dma_wait3A_49 : memref<640x128xf32, #tpu.memory_space<vmem_shared>>) dst(%dma_wait3A_47 : memref<640x128xf32, #tpu.memory_space<hbm>>)
      tpu.yield
    }) : () -> ()
    return
  }
}

module attributes {stable_mosaic.version = 14 : i64} {
  func.func @_tc_mm_body(%arg0: i32, %arg1: memref<2x2000x128xf32, #tpu.memory_space<vmem>>, %arg2: memref<128x128xf32, #tpu.memory_space<vmem>>, %arg3: memref<1x128xf32, #tpu.memory_space<vmem>>, %arg4: memref<128x128xf32, #tpu.memory_space<vmem>>, %arg5: memref<2000x128xf32, #tpu.memory_space<vmem>>) attributes {dimension_semantics = [#tpu.dimension_semantics<arbitrary>], iteration_bounds = array<i64: 5>, scalar_prefetch = 0 : i64, scratch_operands = 0 : i64, tpu.core_type = #tpu.core_type<tc>, window_params = [{transform_indices = @transform_0, window_bounds = array<i64: 2, 2000, 128>}, {pipeline_mode = #tpu.pipeline_mode<synchronous>, transform_indices = @transform_1, window_bounds = array<i64: 128, 128>}, {pipeline_mode = #tpu.pipeline_mode<synchronous>, transform_indices = @transform_2, window_bounds = array<i64: 1, 128>}, {pipeline_mode = #tpu.pipeline_mode<synchronous>, transform_indices = @transform_3, window_bounds = array<i64: 128, 128>}, {transform_indices = @transform_4, window_bounds = array<i64: 2000, 128>}]} {
    %get3A = arith.constant 0 : index
    %get3A_0 = arith.constant 0 : index
    %get3A_1 = arith.constant 0 : index
    %get3A_2 = vector.load %arg1[%get3A, %get3A_0, %get3A_1] : memref<2x2000x128xf32, #tpu.memory_space<vmem>>, vector<1x2000x128xf32>
    %get3A_3 = vector.shape_cast %get3A_2 : vector<1x2000x128xf32> to vector<2000x128xf32>
    %get3A_4 = arith.constant 1 : index
    %get3A_5 = arith.constant 0 : index
    %get3A_6 = arith.constant 0 : index
    %get3A_7 = vector.load %arg1[%get3A_4, %get3A_5, %get3A_6] : memref<2x2000x128xf32, #tpu.memory_space<vmem>>, vector<1x2000x128xf32>
    %get3A_8 = vector.shape_cast %get3A_7 : vector<1x2000x128xf32> to vector<2000x128xf32>
    %add3A = arith.addf %get3A_3, %get3A_8 : vector<2000x128xf32>
    %get3A_9 = arith.constant 0 : index
    %get3A_10 = arith.constant 0 : index
    %get3A_11 = vector.load %arg2[%get3A_9, %get3A_10] : memref<128x128xf32, #tpu.memory_space<vmem>>, vector<128x128xf32>
    %dot_general3A = arith.constant dense<0.000000e+00> : vector<2000x128xf32>
    %dot_general3A_12 = tpu.matmul %add3A, %get3A_11, %dot_general3A {dimension_numbers = #tpu.dot_dimension_numbers<[1], [0], [0], [1], [0, 0, 1, 1], [], []>, transpose_lhs_hint = false} : vector<2000x128xf32>, vector<128x128xf32>, vector<2000x128xf32> -> vector<2000x128xf32>
    %get3A_13 = arith.constant 0 : index
    %get3A_14 = arith.constant 0 : index
    %get3A_15 = vector.load %arg3[%get3A_13, %get3A_14] : memref<1x128xf32, #tpu.memory_space<vmem>>, vector<1x128xf32>
    %add3A_16 = vector.broadcast %get3A_15 : vector<1x128xf32> to vector<2000x128xf32>
    %add3A_17 = arith.addf %dot_general3A_12, %add3A_16 : vector<2000x128xf32>
    %max3A = arith.constant 0.000000e+00 : f32
    %max3A_18 = vector.broadcast %max3A : f32 to vector<2000x128xf32>
    %max3A_19 = arith.maximumf %add3A_17, %max3A_18 : vector<2000x128xf32>
    %get3A_20 = arith.constant 0 : index
    %get3A_21 = arith.constant 0 : index
    %get3A_22 = vector.load %arg4[%get3A_20, %get3A_21] : memref<128x128xf32, #tpu.memory_space<vmem>>, vector<128x128xf32>
    %dot_general3A_23 = arith.constant dense<0.000000e+00> : vector<2000x128xf32>
    %dot_general3A_24 = tpu.matmul %max3A_19, %get3A_22, %dot_general3A_23 {dimension_numbers = #tpu.dot_dimension_numbers<[1], [0], [0], [1], [0, 0, 1, 1], [], []>, transpose_lhs_hint = false} : vector<2000x128xf32>, vector<128x128xf32>, vector<2000x128xf32> -> vector<2000x128xf32>
    %swap3A = arith.constant 0 : index
    %swap3A_25 = arith.constant 0 : index
    %swap3A_26 = vector.load %arg5[%swap3A, %swap3A_25] : memref<2000x128xf32, #tpu.memory_space<vmem>>, vector<2000x128xf32>
    tpu.vector_store %arg5[%swap3A, %swap3A_25], %dot_general3A_24 {strides = array<i32>} : memref<2000x128xf32, #tpu.memory_space<vmem>>, vector<2000x128xf32>,
    return
  }
  func.func @transform_0(%arg0: i32) -> (i32, i32, i32) {
    %c0_i32 = arith.constant 0 : i32
    %c0_i32_0 = arith.constant 0 : i32
    %c0_i32_1 = arith.constant 0 : i32
    return %c0_i32, %arg0, %c0_i32_0 : i32, i32, i32
  }
  func.func @transform_1(%arg0: i32) -> (i32, i32) {
    %c0_i32 = arith.constant 0 : i32
    %c0_i32_0 = arith.constant 0 : i32
    %c0_i32_1 = arith.constant 0 : i32
    return %c0_i32, %c0_i32_0 : i32, i32
  }
  func.func @transform_2(%arg0: i32) -> (i32, i32) {
    %c0_i32 = arith.constant 0 : i32
    %c0_i32_0 = arith.constant 0 : i32
    %c0_i32_1 = arith.constant 0 : i32
    return %c0_i32, %c0_i32_0 : i32, i32
  }
  func.func @transform_3(%arg0: i32) -> (i32, i32) {
    %c0_i32 = arith.constant 0 : i32
    %c0_i32_0 = arith.constant 0 : i32
    %c0_i32_1 = arith.constant 0 : i32
    return %c0_i32, %c0_i32_0 : i32, i32
  }
  func.func @transform_4(%arg0: i32) -> (i32, i32) {
    %c0_i32 = arith.constant 0 : i32
    %c0_i32_0 = arith.constant 0 : i32
    return %arg0, %c0_i32 : i32, i32
  }
}

module attributes {stable_mosaic.version = 14 : i64} {
  func.func @_tc_bias_relu_body(%arg0: i32, %arg1: memref<2x2000x128xf32, #tpu.memory_space<vmem>>, %arg2: memref<1x128xf32, #tpu.memory_space<vmem>>, %arg3: memref<2000x128xf32, #tpu.memory_space<vmem>>) attributes {dimension_semantics = [#tpu.dimension_semantics<arbitrary>], iteration_bounds = array<i64: 5>, scalar_prefetch = 0 : i64, scratch_operands = 0 : i64, tpu.core_type = #tpu.core_type<tc>, window_params = [{transform_indices = @transform_0, window_bounds = array<i64: 2, 2000, 128>}, {pipeline_mode = #tpu.pipeline_mode<synchronous>, transform_indices = @transform_1, window_bounds = array<i64: 1, 128>}, {transform_indices = @transform_2, window_bounds = array<i64: 2000, 128>}]} {
    %get3A = arith.constant 0 : index
    %get3A_0 = arith.constant 0 : index
    %get3A_1 = arith.constant 0 : index
    %get3A_2 = vector.load %arg1[%get3A, %get3A_0, %get3A_1] : memref<2x2000x128xf32, #tpu.memory_space<vmem>>, vector<1x2000x128xf32>
    %get3A_3 = vector.shape_cast %get3A_2 : vector<1x2000x128xf32> to vector<2000x128xf32>
    %get3A_4 = arith.constant 1 : index
    %get3A_5 = arith.constant 0 : index
    %get3A_6 = arith.constant 0 : index
    %get3A_7 = vector.load %arg1[%get3A_4, %get3A_5, %get3A_6] : memref<2x2000x128xf32, #tpu.memory_space<vmem>>, vector<1x2000x128xf32>
    %get3A_8 = vector.shape_cast %get3A_7 : vector<1x2000x128xf32> to vector<2000x128xf32>
    %add3A = arith.addf %get3A_3, %get3A_8 : vector<2000x128xf32>
    %get3A_9 = arith.constant 0 : index
    %get3A_10 = arith.constant 0 : index
    %get3A_11 = vector.load %arg2[%get3A_9, %get3A_10] : memref<1x128xf32, #tpu.memory_space<vmem>>, vector<1x128xf32>
    %add3A_12 = vector.broadcast %get3A_11 : vector<1x128xf32> to vector<2000x128xf32>
    %add3A_13 = arith.addf %add3A, %add3A_12 : vector<2000x128xf32>
    %max3A = arith.constant 0.000000e+00 : f32
    %max3A_14 = vector.broadcast %max3A : f32 to vector<2000x128xf32>
    %max3A_15 = arith.maximumf %add3A_13, %max3A_14 : vector<2000x128xf32>
    %swap3A = arith.constant 0 : index
    %swap3A_16 = arith.constant 0 : index
    %swap3A_17 = vector.load %arg3[%swap3A, %swap3A_16] : memref<2000x128xf32, #tpu.memory_space<vmem>>, vector<2000x128xf32>
    tpu.vector_store %arg3[%swap3A, %swap3A_16], %max3A_15 {strides = array<i32>} : memref<2000x128xf32, #tpu.memory_space<vmem>>, vector<2000x128xf32>,
    return
  }
  func.func @transform_0(%arg0: i32) -> (i32, i32, i32) {
    %c0_i32 = arith.constant 0 : i32
    %c0_i32_0 = arith.constant 0 : i32
    %c0_i32_1 = arith.constant 0 : i32
    return %c0_i32, %arg0, %c0_i32_0 : i32, i32, i32
  }
  func.func @transform_1(%arg0: i32) -> (i32, i32) {
    %c0_i32 = arith.constant 0 : i32
    %c0_i32_0 = arith.constant 0 : i32
    %c0_i32_1 = arith.constant 0 : i32
    return %c0_i32, %c0_i32_0 : i32, i32
  }
  func.func @transform_2(%arg0: i32) -> (i32, i32) {
    %c0_i32 = arith.constant 0 : i32
    %c0_i32_0 = arith.constant 0 : i32
    return %arg0, %c0_i32 : i32, i32
  }
}

module attributes {stable_mosaic.version = 14 : i64} {
  func.func @_tc_routes_body(%arg0: memref<5000x2xf32, #tpu.memory_space<vmem>>, %arg1: memref<2000x2xf32, #tpu.memory_space<vmem>>, %arg2: memref<1x128xf32, #tpu.memory_space<vmem>>, %arg3: memref<128x128xf32, #tpu.memory_space<vmem>>, %arg4: memref<1x128xf32, #tpu.memory_space<vmem>>, %arg5: memref<1x128xf32, #tpu.memory_space<vmem>>, %arg6: memref<128x128xf32, #tpu.memory_space<vmem>>, %arg7: memref<1x128xf32, #tpu.memory_space<vmem>>, %arg8: memref<5000x128xf32, #tpu.memory_space<vmem>>, %arg9: memref<2000x128xf32, #tpu.memory_space<vmem>>) attributes {dimension_semantics = [], scalar_prefetch = 0 : i64, scratch_operands = 0 : i64, tpu.core_type = #tpu.core_type<tc>} {
    %get3A = arith.constant 0 : index
    %get3A_0 = arith.constant 0 : index
    %get3A_1 = vector.load %arg2[%get3A, %get3A_0] : memref<1x128xf32, #tpu.memory_space<vmem>>, vector<1x128xf32>
    %max3A = arith.constant 0.000000e+00 : f32
    %max3A_2 = vector.broadcast %max3A : f32 to vector<1x128xf32>
    %max3A_3 = arith.maximumf %get3A_1, %max3A_2 : vector<1x128xf32>
    %get3A_4 = arith.constant 0 : index
    %get3A_5 = arith.constant 0 : index
    %get3A_6 = vector.load %arg3[%get3A_4, %get3A_5] : memref<128x128xf32, #tpu.memory_space<vmem>>, vector<128x128xf32>
    %dot_general3A = arith.constant dense<0.000000e+00> : vector<1x128xf32>
    %dot_general3A_7 = tpu.matmul %max3A_3, %get3A_6, %dot_general3A {dimension_numbers = #tpu.dot_dimension_numbers<[1], [0], [0], [1], [0, 0, 1, 1], [], []>, transpose_lhs_hint = false} : vector<1x128xf32>, vector<128x128xf32>, vector<1x128xf32> -> vector<1x128xf32>
    %get3A_8 = arith.constant 0 : index
    %get3A_9 = arith.constant 0 : index
    %get3A_10 = vector.load %arg0[%get3A_8, %get3A_9] : memref<5000x2xf32, #tpu.memory_space<vmem>>, vector<5000x1xf32>
    %get3A_11 = arith.constant 0 : index
    %get3A_12 = arith.constant 1 : index
    %get3A_13 = vector.load %arg0[%get3A_11, %get3A_12] : memref<5000x2xf32, #tpu.memory_space<vmem>>, vector<5000x1xf32>
    %add3A = arith.addf %get3A_10, %get3A_13 : vector<5000x1xf32>
    %mul3A = vector.broadcast %add3A : vector<5000x1xf32> to vector<5000x128xf32>
    %mul3A_14 = vector.broadcast %dot_general3A_7 : vector<1x128xf32> to vector<5000x128xf32>
    %mul3A_15 = arith.mulf %mul3A, %mul3A_14 : vector<5000x128xf32>
    %get3A_16 = arith.constant 0 : index
    %get3A_17 = arith.constant 0 : index
    %get3A_18 = vector.load %arg4[%get3A_16, %get3A_17] : memref<1x128xf32, #tpu.memory_space<vmem>>, vector<1x128xf32>
    %add3A_19 = vector.broadcast %get3A_18 : vector<1x128xf32> to vector<5000x128xf32>
    %add3A_20 = arith.addf %mul3A_15, %add3A_19 : vector<5000x128xf32>
    %max3A_21 = arith.constant 0.000000e+00 : f32
    %max3A_22 = vector.broadcast %max3A_21 : f32 to vector<5000x128xf32>
    %max3A_23 = arith.maximumf %add3A_20, %max3A_22 : vector<5000x128xf32>
    %swap3A = arith.constant 0 : index
    %swap3A_24 = arith.constant 0 : index
    %swap3A_25 = vector.load %arg8[%swap3A, %swap3A_24] : memref<5000x128xf32, #tpu.memory_space<vmem>>, vector<5000x128xf32>
    tpu.vector_store %arg8[%swap3A, %swap3A_24], %max3A_23 {strides = array<i32>} : memref<5000x128xf32, #tpu.memory_space<vmem>>, vector<5000x128xf32>,
    %get3A_26 = arith.constant 0 : index
    %get3A_27 = arith.constant 0 : index
    %get3A_28 = vector.load %arg5[%get3A_26, %get3A_27] : memref<1x128xf32, #tpu.memory_space<vmem>>, vector<1x128xf32>
    %max3A_29 = arith.constant 0.000000e+00 : f32
    %max3A_30 = vector.broadcast %max3A_29 : f32 to vector<1x128xf32>
    %max3A_31 = arith.maximumf %get3A_28, %max3A_30 : vector<1x128xf32>
    %get3A_32 = arith.constant 0 : index
    %get3A_33 = arith.constant 0 : index
    %get3A_34 = vector.load %arg6[%get3A_32, %get3A_33] : memref<128x128xf32, #tpu.memory_space<vmem>>, vector<128x128xf32>
    %dot_general3A_35 = arith.constant dense<0.000000e+00> : vector<1x128xf32>
    %dot_general3A_36 = tpu.matmul %max3A_31, %get3A_34, %dot_general3A_35 {dimension_numbers = #tpu.dot_dimension_numbers<[1], [0], [0], [1], [0, 0, 1, 1], [], []>, transpose_lhs_hint = false} : vector<1x128xf32>, vector<128x128xf32>, vector<1x128xf32> -> vector<1x128xf32>
    %get3A_37 = arith.constant 0 : index
    %get3A_38 = arith.constant 0 : index
    %get3A_39 = vector.load %arg1[%get3A_37, %get3A_38] : memref<2000x2xf32, #tpu.memory_space<vmem>>, vector<2000x1xf32>
    %get3A_40 = arith.constant 0 : index
    %get3A_41 = arith.constant 1 : index
    %get3A_42 = vector.load %arg1[%get3A_40, %get3A_41] : memref<2000x2xf32, #tpu.memory_space<vmem>>, vector<2000x1xf32>
    %add3A_43 = arith.addf %get3A_39, %get3A_42 : vector<2000x1xf32>
    %mul3A_44 = vector.broadcast %add3A_43 : vector<2000x1xf32> to vector<2000x128xf32>
    %mul3A_45 = vector.broadcast %dot_general3A_36 : vector<1x128xf32> to vector<2000x128xf32>
    %mul3A_46 = arith.mulf %mul3A_44, %mul3A_45 : vector<2000x128xf32>
    %get3A_47 = arith.constant 0 : index
    %get3A_48 = arith.constant 0 : index
    %get3A_49 = vector.load %arg7[%get3A_47, %get3A_48] : memref<1x128xf32, #tpu.memory_space<vmem>>, vector<1x128xf32>
    %add3A_50 = vector.broadcast %get3A_49 : vector<1x128xf32> to vector<2000x128xf32>
    %add3A_51 = arith.addf %mul3A_46, %add3A_50 : vector<2000x128xf32>
    %max3A_52 = arith.constant 0.000000e+00 : f32
    %max3A_53 = vector.broadcast %max3A_52 : f32 to vector<2000x128xf32>
    %max3A_54 = arith.maximumf %add3A_51, %max3A_53 : vector<2000x128xf32>
    %swap3A_55 = arith.constant 0 : index
    %swap3A_56 = arith.constant 0 : index
    %swap3A_57 = vector.load %arg9[%swap3A_55, %swap3A_56] : memref<2000x128xf32, #tpu.memory_space<vmem>>, vector<2000x128xf32>
    tpu.vector_store %arg9[%swap3A_55, %swap3A_56], %max3A_54 {strides = array<i32>} : memref<2000x128xf32, #tpu.memory_space<vmem>>, vector<2000x128xf32>,
    return
  }
}

module attributes {stable_mosaic.version = 14 : i64} {
  func.func @_tc_bias_relu_body(%arg0: i32, %arg1: memref<2x2000x128xf32, #tpu.memory_space<vmem>>, %arg2: memref<1x128xf32, #tpu.memory_space<vmem>>, %arg3: memref<2000x128xf32, #tpu.memory_space<vmem>>) attributes {dimension_semantics = [#tpu.dimension_semantics<arbitrary>], iteration_bounds = array<i64: 5>, scalar_prefetch = 0 : i64, scratch_operands = 0 : i64, tpu.core_type = #tpu.core_type<tc>, window_params = [{transform_indices = @transform_0, window_bounds = array<i64: 2, 2000, 128>}, {pipeline_mode = #tpu.pipeline_mode<synchronous>, transform_indices = @transform_1, window_bounds = array<i64: 1, 128>}, {transform_indices = @transform_2, window_bounds = array<i64: 2000, 128>}]} {
    %get3A = arith.constant 0 : index
    %get3A_0 = arith.constant 0 : index
    %get3A_1 = arith.constant 0 : index
    %get3A_2 = vector.load %arg1[%get3A, %get3A_0, %get3A_1] : memref<2x2000x128xf32, #tpu.memory_space<vmem>>, vector<1x2000x128xf32>
    %get3A_3 = vector.shape_cast %get3A_2 : vector<1x2000x128xf32> to vector<2000x128xf32>
    %get3A_4 = arith.constant 1 : index
    %get3A_5 = arith.constant 0 : index
    %get3A_6 = arith.constant 0 : index
    %get3A_7 = vector.load %arg1[%get3A_4, %get3A_5, %get3A_6] : memref<2x2000x128xf32, #tpu.memory_space<vmem>>, vector<1x2000x128xf32>
    %get3A_8 = vector.shape_cast %get3A_7 : vector<1x2000x128xf32> to vector<2000x128xf32>
    %add3A = arith.addf %get3A_3, %get3A_8 : vector<2000x128xf32>
    %get3A_9 = arith.constant 0 : index
    %get3A_10 = arith.constant 0 : index
    %get3A_11 = vector.load %arg2[%get3A_9, %get3A_10] : memref<1x128xf32, #tpu.memory_space<vmem>>, vector<1x128xf32>
    %add3A_12 = vector.broadcast %get3A_11 : vector<1x128xf32> to vector<2000x128xf32>
    %add3A_13 = arith.addf %add3A, %add3A_12 : vector<2000x128xf32>
    %max3A = arith.constant 0.000000e+00 : f32
    %max3A_14 = vector.broadcast %max3A : f32 to vector<2000x128xf32>
    %max3A_15 = arith.maximumf %add3A_13, %max3A_14 : vector<2000x128xf32>
    %swap3A = arith.constant 0 : index
    %swap3A_16 = arith.constant 0 : index
    %swap3A_17 = vector.load %arg3[%swap3A, %swap3A_16] : memref<2000x128xf32, #tpu.memory_space<vmem>>, vector<2000x128xf32>
    tpu.vector_store %arg3[%swap3A, %swap3A_16], %max3A_15 {strides = array<i32>} : memref<2000x128xf32, #tpu.memory_space<vmem>>, vector<2000x128xf32>,
    return
  }
  func.func @transform_0(%arg0: i32) -> (i32, i32, i32) {
    %c0_i32 = arith.constant 0 : i32
    %c0_i32_0 = arith.constant 0 : i32
    %c0_i32_1 = arith.constant 0 : i32
    return %c0_i32, %arg0, %c0_i32_0 : i32, i32, i32
  }
  func.func @transform_1(%arg0: i32) -> (i32, i32) {
    %c0_i32 = arith.constant 0 : i32
    %c0_i32_0 = arith.constant 0 : i32
    %c0_i32_1 = arith.constant 0 : i32
    return %c0_i32, %c0_i32_0 : i32, i32
  }
  func.func @transform_2(%arg0: i32) -> (i32, i32) {
    %c0_i32 = arith.constant 0 : i32
    %c0_i32_0 = arith.constant 0 : i32
    return %arg0, %c0_i32 : i32, i32
  }
}

</mosaic_0001>

<sc_bundles>
// kernel: kernel.12.cloned.1.call-start
scs
__scs_entry_jumppad:
0x0: {  	(pc) =	sbr.rel $0x88, $3  }
0x1: {  	(tag) =	ssettag $0x0;
	lr =	simm.s32 $0x1  }
0x2: {  	[smem:$0x3F99] =	sst lr;
	_ =	strace $0xD0000000  }
0x3: {  	_ = 	snop  }
0x4: {  	_ = 	snop  }
0x5: {  	_ = 	snop  }
0x6: {  	_ = 	snop  }
0x7: {  	_ = 	snop  }
__scs_overlays_trampoline_lowered:
0x8: {  	[smem:$0x3FA8] =	sst s0  }
0x9: {  	[smem:$0x3FA9] =	sst s1  }
0xa: {  	[smem:$0x3FAA] =	sst s2  }
0xb: {  	[smem:$0x3FAB] =	sst s3  }
0xc: {  	[smem:$0x3FAC] =	sst s4  }
0xd: {  	[smem:$0x3FAD] =	sst s5  }
0xe: {  	[smem:$0x3FAE] =	sst s6  }
0xf: {  	[smem:$0x3FAF] =	sst s7  }
0x10: {  	[smem:$0x3FB0] =	sst s8  }
0x11: {  	[smem:$0x3FB1] =	sst s9;
	s0 =	simm.s32 @!p0 $0x0  }
0x12: {  	s1 =	sld [smem:$0x3F97];
	s0 =	simm.s32 @p0 $0x1  }
0x13: {  	[smem:$0x3FB2] =	sst s0;
	s0 =	simm.s32 @!p1 $0x0  }
0x14: {  	s2 =	sld [smem:$0x3F96];
	s0 =	simm.s32 @p1 $0x1  }
0x15: {  	[smem:$0x3FB3] =	sst s0;
	s0 =	simm.s32 @!p2 $0x0  }
0x16: {  	s3 =	sld [smem:$0x3FDB];
	s0 =	simm.s32 @p2 $0x1  }
0x17: {  	s4 =	simm.s32 $0x1BF5;
	[smem:$0x3FB5] =	sst s0  }
0x18: {  	s0 =	sld [smem:$0x3F98];
	_ =	swait.ge [sflag:s4], $0x0  }
0x19: {  	s7 =	sld [smem:$0x3F99]  }
0x1a: {  	s8 =	sadd.s32 $0xFFFFE003, lr  }
0x1b: {  	s9 =	sadd.s32 $0xFFFFFEF7, lr;
	s5 =	simm.s32 $0xFFFFFFFF;
	p2 =	slt.u32 s8, $0xFFFFF086  }
0x1c: {  	p1 =	slt.u32 s9, $0xF7A;
	s5 =	simm.s32 @!p2 $0x0  }
0x1d: {  	s5 =	simm.s32 @p1 $0x1;
	p0 =	seq.s32 s7, s2  }
0x1e: {  	s7 =	smul.u32 @!p0 $0xF7A, s2;
	p2 =	seq.s32 @!p0 s5, $0x0  }
0x1f: {  	s9 =	smul.u32 $0xF7A, s1;
	s8 =	simm.s32 @!p0 $0x1BF5;
	p2 =	por !p2, p0  }
0x20: {  	[sflag:s8] =	ssyncset.s32 @!p0 $0xFFFFF086;
	s6 =	sadd.s32 @!p0 s3, s7;
	s7 =	simm.s32 @!p0 $0x108  }
0x21: {  	s3 =	sadd.s32 s3, s9;
	s6 =	sadd.s32 @!p0 $0x88, s6;
	s7 =	simm.s32 @p2 $0x1082  }
0x22: {  	[simem:s7], [sflag:s8] =	dma.local @!p0 [hbm:s6], $0xF7A  }
0x23: {  	s9 =	sor.u32 $0xD0000000, s2;
	s6 =	simm.s32 $0x108;
	_ =	swait.ge @!p0 [sflag:s8], $0x0  }
0x24: {  	s3 =	sadd.s32 $0x88, s3;
	s6 =	simm.s32 @!p1 $0x1082;
	[sflag:s4] =	ssyncset.s32 $0xFFFFF086  }
0x25: {  	[simem:s6], [sflag:s4] =	dma.local [hbm:s3], $0xF7A  }
0x26: {  	[smem:$0x3F99] =	sst s1;
	(tag) =	ssettag s2;
	_ =	strace s9  }
0x27: {  	s1 =	sld [smem:$0x3FA9]  }
0x28: {  	s2 =	sld [smem:$0x3FAA]  }
0x29: {  	s4 =	sld [smem:$0x3FAC]  }
0x2a: {  	p0 =	seq.s32 s5, $0x0;
	s5 =	sld [smem:$0x3FAD]  }
0x2b: {  	s6 =	sld [smem:$0x3FAE]  }
0x2c: {  	s7 =	sld [smem:$0x3FAF]  }
0x2d: {  	s3 =	simm.s32 $0x108;
	s8 =	sld [smem:$0x3FB0]  }
0x2e: {  	s3 =	simm.s32 @!p0 $0x1082;
	s9 =	sld [smem:$0x3FB1]  }
0x2f: {  	lr =	sadd.s32 s0, s3;
	s0 =	sld [smem:$0x3FA8]  }
0x30: {  	s3 =	sld [smem:$0x3FAB]  }
0x31: {  	[smem:$0x3FB4] =	sst s10  }
0x32: {  	s10 =	sld [smem:$0x3FB2];
	_ =	sdelay $0x3  }
0x33: {  	p0 =	seq.s32 s10, $0x1;
	s10 =	sld [smem:$0x3FB4];
	_ =	sdelay $0x3  }
0x34: {  	[smem:$0x3FB4] =	sst s10  }
0x35: {  	s10 =	sld [smem:$0x3FB3];
	_ =	sdelay $0x3  }
0x36: {  	p1 =	seq.s32 s10, $0x1;
	s10 =	sld [smem:$0x3FB4];
	_ =	sdelay $0x3  }
0x37: {  	[smem:$0x3FB4] =	sst s10  }
0x38: {  	s10 =	sld [smem:$0x3FB5]  }
0x39: {  	_ = 	snop;
	(pc) =	sbr.ind lr, $3  }
0x3a: {  	_ = 	snop  }
0x3b: {  	_ = 	snop  }
0x3c: {  	p2 =	seq.s32 s10, $0x1;
	s10 =	sld [smem:$0x3FB4]  }
0x3d: {  	_ =	shalt  }
0x3e: {  	_ =	shalt  }
0x3f: {  	_ =	shalt  }
0x40: {  	_ =	shalt  }
0x41: {  	_ =	shalt  }
0x42: {  	_ =	shalt  }
0x43: {  	_ =	shalt  }
0x44: {  	_ =	shalt  }
0x45: {  	_ =	shalt  }
0x46: {  	_ =	shalt  }
0x47: {  	_ =	shalt  }
0x48: {  	_ =	shalt  }
0x49: {  	_ =	shalt  }
0x4a: {  	_ =	shalt  }
0x4b: {  	_ =	shalt  }
0x4c: {  	_ =	shalt  }
0x4d: {  	_ =	shalt  }
0x4e: {  	_ =	shalt  }
0x4f: {  	_ =	shalt  }
0x50: {  	_ =	shalt  }
0x51: {  	_ =	shalt  }
0x52: {  	_ =	shalt  }
0x53: {  	_ =	shalt  }
0x54: {  	_ =	shalt  }
0x55: {  	_ =	shalt  }
0x56: {  	_ =	shalt  }
0x57: {  	_ =	shalt  }
0x58: {  	_ =	shalt  }
0x59: {  	_ =	shalt  }
0x5a: {  	_ =	shalt  }
0x5b: {  	_ =	shalt  }
0x5c: {  	_ =	shalt  }
0x5d: {  	_ =	shalt  }
0x5e: {  	_ =	shalt  }
0x5f: {  	_ =	shalt  }
0x60: {  	_ =	shalt  }
0x61: {  	_ =	shalt  }
0x62: {  	_ =	shalt  }
0x63: {  	_ =	shalt  }
0x64: {  	_ =	shalt  }
0x65: {  	_ =	shalt  }
0x66: {  	_ =	shalt  }
0x67: {  	_ =	shalt  }
0x68: {  	_ =	shalt  }
0x69: {  	_ =	shalt  }
0x6a: {  	_ =	shalt  }
0x6b: {  	_ =	shalt  }
0x6c: {  	_ =	shalt  }
0x6d: {  	_ =	shalt  }
0x6e: {  	_ =	shalt  }
0x6f: {  	_ =	shalt  }
0x70: {  	_ =	shalt  }
0x71: {  	_ =	shalt  }
0x72: {  	_ =	shalt  }
0x73: {  	_ =	shalt  }
0x74: {  	_ =	shalt  }
0x75: {  	_ =	shalt  }
0x76: {  	_ =	shalt  }
0x77: {  	_ =	shalt  }
0x78: {  	_ =	shalt  }
0x79: {  	_ =	shalt  }
0x7a: {  	_ =	shalt  }
0x7b: {  	_ =	shalt  }
0x7c: {  	_ =	shalt  }
0x7d: {  	_ =	shalt  }
0x7e: {  	_ =	shalt  }
0x7f: {  	_ =	shalt  }
0x80: {  	_ =	shalt  }
0x81: {  	_ =	shalt  }
0x82: {  	_ =	shalt  }
0x83: {  	_ =	shalt  }
0x84: {  	_ =	shalt  }
0x85: {  	_ =	shalt  }
0x86: {  	_ =	shalt  }
0x87: {  	_ =	shalt  }
.Lfunc_end0:
.L_simem_size_0:
called_computation_lowered:
.L_overlay_start_0:
0x88: {  	s2 =	sld [smem:$0x3FD9]  }
0x89: {  	s3 =	sld [smem:$0x3FFE];
	_ =	sdelay $0x1  }
0x8a: {  	s1 =	srdreg.scid  }
0x8b: {  	s0 =	sand.u32 $0x1, s1  }
0x8c: {  	s17 =	sshll.u32 s0, $0xA;
	s2 =	sadd.s32 s3, s2  }
0x8d: {  	s2 =	sadd.s32 s2, s17  }
0x8e: {  	[smem:$0x3FC0] =	sst s2  }
0x8f: {  	_ = 	snop  }
0x90: {  	s2 =	sld [smem:$0x3FC9];
	(tm) =	ssettm $0x1  }
0x91: {  	s18 =	sld [smem:$0x3FFB];
	_ =	sdelay $0x3  }
0x92: {  	_ =	strace s18  }
0x93: {  	s3 =	sld [smem:$0x3FFC];
	_ =	sdelay $0x3  }
0x94: {  	_ =	strace s3  }
0x95: {  	s3 =	sld [smem:$0x3FFD];
	_ =	sdelay $0x3  }
0x96: {  	_ =	strace s3  }
0x97: {  	_ =	strace $0x8FFFFFFF  }
0x98: {  	s19 =	sld [smem:$0x3FDB];
	_ =	sdelay $0x1  }
0x99: {  	s4 =	simm.s32 $_scs_section_size  }
0x9a: {  	s5 =	simm.s32 $_size__tile_overlayer_lowered;
	s6 =	simm.s32 $_tile_overlayer_lowered  }
0x9b: {  	s22 =	simm.s32 $0x1BFF;
	s21 =	sshll.u32 s6, $0x1;
	s3 =	sadd.s32 s4, s19  }
0x9c: {  	s7 =	simm.s32 $0x0;
	s20 =	sshll.u32 s5, $0x1;
	s5 =	sadd.s32 s21, s3  }
0x9d: {  	[timem:s7], [sflag:s22] =	dma.local [hbm:s5], s20  }
0x9e: {  	_ =	swait.ge [sflag:s22], s20  }
0x9f: {  	s4 =	ssub.s32 $0x0, s20;
	[sflag:s22] =	ssyncset.done $0x0  }
0xa0: {  	[sflag:s22] =	ssyncadd.s32 s4;
	_ =	sdelay $0x1  }
0xa1: {  	s23 =	simm.s32 $0x1B8B  }
0xa2: {  	_ =	swait.ge [sflag:s23], $0x1  }
0xa3: {  	[sflag:s23] =	ssyncset.done $0x0  }
0xa4: {  	s25 =	simm.s32 $0x1B8E;
	s24 =	sld [smem:$0x3FFE];
	[sflag:s23] =	ssyncadd.s32 $0xFFFFFFFF  }
0xa5: {  	s26 =	simm.s32 $execute0_lowered;
	[smem:$0x3FD2] =	sst s25  }
0xa6: {  	s5 =	sshll.u32 s26, $0x1;
	_ =	strace $0x80000046;
	[dreg:$0x1] =	wrdreg $0xFFFFFFFF  }
0xa7: {  	s28 =	simm.s32 $_size_execute0_lowered;
	s3 =	sadd.s32 s3, s5;
	[dreg:$0x0] =	wrdreg $0x0  }
0xa8: {  	s5 =	sshll.u32 s28, $0x1;
	[dreg:$0x2] =	wrdreg s3  }
0xa9: {  	[dreg:$0x3] =	wrdreg s5  }
0xaa: {  	[dreg:$0x4] =	wrdreg $0xC0  }
0xab: {  	_ =	task [dreg:s7], $0x5FFFF  }
0xac: {  	[dreg:$0x1] =	wrdreg $0xFFFFFFFF  }
0xad: {  	[dreg:$0x0] =	wrdreg $0x60  }
0xae: {  	[dreg:$0x2] =	wrdreg s2  }
0xaf: {  	[dreg:$0x3] =	wrdreg s24  }
0xb0: {  	[dreg:$0x4] =	wrdreg $0x41000  }
0xb1: {  	[dreg:$0x5] =	wrdreg $0x9  }
0xb2: {  	_ =	task.clear_ibuf [dreg:s7], $0x6FFFF;
	_ =	strace $0x90000046  }
0xb3: {  	s29 =	simm.s32 $0x9;
	_ =	strace $0x80000048  }
0xb4: {  	_ =	swait.ge [sflag:s29], $0x1  }
0xb5: {  	[sflag:s29] =	ssyncadd.s32 $0xFFFFFFFF  }
0xb6: {  	_ =	strace $0x90000048  }
0xb7: {  	_ =	sfence  }
0xb8: {  	s30 =	sld [smem:$0x0];
	_ =	sdelay $0x2  }
0xb9: {  	s31 =	sshll.u32 s1, $0xD;
	s1 =	sshrl.u32 s1, $0x2  }
0xba: {  	s3 =	sand.u32 $0x4000, s31;
	s1 =	sadd.s32 s1, s30  }
0xbb: {  	s0 =	sor.u32 s3, s0;
	s1 =	sshll.u32 s1, $0x11  }
0xbc: {  	s0 =	sor.u32 s1, s0  }
0xbd: {  	s0 =	sadd.s32 $0x8F2B, s0  }
0xbe: {  	[sflag:s0] =	ssyncadd.remote.s32 $0x1  }
0xbf: {  	_ =	sfence.sel $0xFFFF  }
0xc0: {  	[dreg:$0x0] =	wrdreg $0xFFFFFFFF;
	(pc) =	sbr.abs _section_cstart, $3  }
0xc1: {  	[dreg:$0x1] =	wrdreg $0xFFFFFFFF  }
0xc2: {  	_ =	task.clear_ibuf [dreg:s7], $0x2FFFF;
	_ =	strace $0x9FFFFFFF  }
0xc3: {  	(tm) =	ssettm $0x7FFFFFFF  }
tec
execute0_lowered:
.L_overlay_start_1:
0x0: {  	(tag) =	ssettag $0x1  }
0x1: {  	s1 =	rddreg [dreg:$0x0]  }
0x2: {  	s5 =	rddreg [dreg:$0x1]  }
0x3: {  	s0 =	srdreg.scid;
	s3 =	rddreg [dreg:$0x2]  }
0x4: {  	s2 =	rddreg [dreg:$0x3];
	s6 =	sand.u32 $0x1, s0  }
0x5: {  	s0 =	stileid.u32;
	s7 =	smul.u32 $0x140000, s6  }
0x6: {  	s4 =	simm.s32 $0x0;
	s15 =	simm.s32 $0x2;
	s8 =	smul.u32 $0x14000, s0  }
0x7: {  	s16 =	simm.s32 $0x80;
	s17 =	simm.s32 $0x1;
	s9 =	smul.u32 $0xA000, s6  }
0x8: {  	s20 =	simm.s32 $0x0;
	[smem:$0x7FF] =	sst s4;
	s29 =	smul.u32 $0x50000, s0  }
0x9: {  	_ =	strace $0x80000047;
	s6 =	ssub.s32 $0x2, s6;
	s18 =	sshll.u32 s0, $0x6  }
0xa: {  	s12 =	smul.u32 $0xA00, s0;
	s31 =	sshrl.u32 s6, $0x1;
	s18 =	sor.u32 $0x1C02, s18  }
0xb: {  	s7 =	sadd.s32 s8, s7;
	s10 =	sadd.s32 s9, s5;
	s30 =	sshrl.u32 s29, $0x2  }
0xc: {  	s13 =	ssub.s32 s6, s31;
	s7 =	sshrl.u32 s7, $0x3;
	s14 =	sadd.s32 s12, s10  }
0xd: {  	s11 =	sadd.s32 s7, s5;
	s5 =	sadd.s32 s30, s3;
	s12 =	sadd.s32 $0x16C00, s14  }
0xe: {  	s6 =	sadd.s32 $0x4000, s5;
	s7 =	sadd.s32 $0x8000, s5;
	s8 =	sadd.s32 $0xC000, s5  }
0xf: {  	s9 =	sadd.s32 $0x10000, s5;
	s10 =	sadd.s32 $0x52C00, s11;
	s11 =	smax.u32 s13, $0x1  }
0x10: {  	v0 =	vimm.f32 $0.0e+00;
	s13 =	sadd.s32 $0x2C00, s14;
	s14 =	simm.s32 $0x100;
	s19 =	sshrl.u32 s5, $0x3  }
.LBB2_1:
0x11: {  	s21 =	simm.s32 $0x0;
	s22 =	simm.s32 $0x200  }
.LBB2_2:
0x12: {  	p0 =	sne.s32 s22, $0xFE00;
	[tilespmem:s21+$0x170] =	vst v0  }
0x13: {  	[tilespmem:s21+$0x100] =	vst v0  }
0x14: {  	[tilespmem:s21+$0x110] =	vst v0  }
.Ltmp0:
0x15: {  	[tilespmem:s21+$0x120] =	vst v0;
	(pc) =	sbr.rel @p0 .LBB2_2-.Ltmp0, $4  }
0x16: {  	[tilespmem:s21+$0x130] =	vst v0  }
0x17: {  	[tilespmem:s21+$0x140] =	vst v0  }
0x18: {  	[tilespmem:s21+$0x150] =	vst v0  }
0x19: {  	[tilespmem:s21+$0x160] =	vst v0;
	s21 =	sshra.s32 s22, $0x2;
	s22 =	sadd.s32 $0x200, s22  }
0x1a: {  	[tilespmem:s21+$0x170] =	vst v0  }
0x1b: {  	[tilespmem:s21+$0x100] =	vst v0  }
0x1c: {  	[tilespmem:s21+$0x110] =	vst v0  }
0x1d: {  	[tilespmem:s21+$0x120] =	vst v0  }
0x1e: {  	[tilespmem:s21+$0x130] =	vst v0  }
0x1f: {  	[tilespmem:s21+$0x140] =	vst v0  }
0x20: {  	[tilespmem:s21+$0x150] =	vst v0  }
0x21: {  	[tilespmem:s21+$0x160] =	vst v0  }
0x22: {  	[spmem:s5] =	stream.linear.scatter [tilespmem:s14], [sflag:$0x2], $0x4000, $0x38;
	[tilespmem:$0x18100] =	vst v63  }
0x23: {  	_ =	swait.ge [sflag:s15], $0x4000  }
0x24: {  	[sflag:s15] =	ssyncset.done $0x0  }
0x25: {  	[sflag:s15] =	ssyncadd.s32 $0xFFFFC000  }
0x26: {  	[spmem:s6] =	stream.linear.scatter [tilespmem:s14], [sflag:$0x2], $0x4000, $0x38;
	[tilespmem:$0x18100] =	vst v63  }
0x27: {  	_ =	swait.ge [sflag:s15], $0x4000  }
0x28: {  	[sflag:s15] =	ssyncset.done $0x0  }
0x29: {  	[sflag:s15] =	ssyncadd.s32 $0xFFFFC000  }
0x2a: {  	[spmem:s7] =	stream.linear.scatter [tilespmem:s14], [sflag:$0x2], $0x4000, $0x38;
	[tilespmem:$0x18100] =	vst v63  }
0x2b: {  	_ =	swait.ge [sflag:s15], $0x4000  }
0x2c: {  	[sflag:s15] =	ssyncset.done $0x0  }
0x2d: {  	[sflag:s15] =	ssyncadd.s32 $0xFFFFC000  }
0x2e: {  	[spmem:s8] =	stream.linear.scatter [tilespmem:s14], [sflag:$0x2], $0x4000, $0x38;
	[tilespmem:$0x18100] =	vst v63  }
0x2f: {  	_ =	swait.ge [sflag:s15], $0x4000  }
0x30: {  	[sflag:s15] =	ssyncset.done $0x0  }
0x31: {  	[sflag:s15] =	ssyncadd.s32 $0xFFFFC000  }
0x32: {  	[spmem:s9] =	stream.linear.scatter [tilespmem:s14], [sflag:$0x2], $0x4000, $0x38;
	[tilespmem:$0x18100] =	vst v63  }
0x33: {  	_ =	swait.ge [sflag:s15], $0x4000  }
0x34: {  	[sflag:s15] =	ssyncset.done $0x0  }
0x35: {  	[sflag:s15] =	ssyncadd.s32 $0xFFFFC000  }
0x36: {  	s30 =	sadd.s32 $0x0, s13;
	[bflag:$0x0] =	sbarrier.arrive $0xFFFF  }
0x37: {  	[tilespmem:s4], [sflag:$0x2] =	stream.linear.gather [hbm4b:s30+s4], $0x80, $0x38;
	[tilespmem:$0x18100] =	vst v63  }
0x38: {  	_ =	swait.ge [sflag:s15], $0x80  }
0x39: {  	[sflag:s15] =	ssyncset.done $0x0  }
0x3a: {  	s31 =	sadd.s32 $0x0, s12;
	[sflag:s15] =	ssyncadd.s32 $0xFFFFFF80  }
0x3b: {  	[tilespmem:s16], [sflag:$0x2] =	stream.linear.gather [hbm4b:s31+s4], $0x80, $0x38;
	[tilespmem:$0x18100] =	vst v63  }
0x3c: {  	_ =	swait.ge [sflag:s15], $0x80  }
0x3d: {  	[sflag:s15] =	ssyncset.done $0x0  }
0x3e: {  	[sflag:s15] =	ssyncadd.s32 $0xFFFFFF80  }
0x3f: {  	[tilespmem:s14], [sflag:$0x1] =	stream.indirect.gather [hbm4b:s1+s16], $0x80, s4, s16, $0xb8;
	[tilespmem:$0x18100] =	vst v63  }
0x40: {  	_ =	swait.ge [sflag:s17], $0x4000  }
0x41: {  	[sflag:s17] =	ssyncset.done $0x0  }
0x42: {  	[sflag:s17] =	ssyncadd.s32 $0xFFFFC000  }
0x43: {  	[spmem:s3] =	stream.indirect.scatter.add.f32 [tilespmem:s14], [sflag:$0x2], $0x80, s16, s16, $0xb8;
	[tilespmem:$0x18100] =	vst v63  }
0x44: {  	_ =	swait.ge [sflag:s15], $0x4000  }
0x45: {  	s21 =	simm.s32 $0x10;
	s22 =	simm.s32 $0x20;
	[sflag:s15] =	ssyncset.done $0x0  }
.LBB2_4:
0x46: {  	s23 =	sadd.s32 s21, s13  }
0x47: {  	[sflag:s15] =	ssyncadd.s32 $0xFFFFC000;
	s24 =	smov.u32 s22;
	s25 =	sadd.s32 $0x10, s22  }
0x48: {  	[tilespmem:s4], [sflag:$0x2] =	stream.linear.gather [hbm4b:s23+s4], $0x80, $0x38;
	[tilespmem:$0x18100] =	vst v63  }
0x49: {  	p0 =	sne.s32 s22, $0x9F0;
	_ =	swait.ge [sflag:s15], $0x80  }
0x4a: {  	[sflag:s15] =	ssyncset.done $0x0  }
0x4b: {  	s22 =	sadd.s32 s21, s12;
	s21 =	smov.u32 s24;
	[sflag:s15] =	ssyncadd.s32 $0xFFFFFF80  }
0x4c: {  	[tilespmem:s16], [sflag:$0x2] =	stream.linear.gather [hbm4b:s22+s4], $0x80, $0x38;
	[tilespmem:$0x18100] =	vst v63  }
0x4d: {  	_ =	swait.ge [sflag:s15], $0x80  }
0x4e: {  	[sflag:s15] =	ssyncset.done $0x0  }
0x4f: {  	[sflag:s15] =	ssyncadd.s32 $0xFFFFFF80  }
0x50: {  	[tilespmem:s14], [sflag:$0x1] =	stream.indirect.gather [hbm4b:s1+s16], $0x80, s4, s16, $0xb8;
	[tilespmem:$0x18100] =	vst v63  }
0x51: {  	_ =	swait.ge [sflag:s17], $0x4000  }
.Ltmp1:
0x52: {  	[sflag:s17] =	ssyncset.done $0x0;
	(pc) =	sbr.rel @p0 .LBB2_4-.Ltmp1, $4  }
0x53: {  	[sflag:s17] =	ssyncadd.s32 $0xFFFFC000  }
0x54: {  	[spmem:s3] =	stream.indirect.scatter.add.f32 [tilespmem:s14], [sflag:$0x2], $0x80, s16, s16, $0xb8;
	[tilespmem:$0x18100] =	vst v63  }
0x55: {  	_ =	swait.ge [sflag:s15], $0x4000  }
0x56: {  	s22 =	smov.u32 s25;
	[sflag:s15] =	ssyncset.done $0x0  }
0x57: {  	s22 =	sadd.s32 s21, s13;
	[sflag:s15] =	ssyncadd.s32 $0xFFFFC000  }
0x58: {  	[tilespmem:s4], [sflag:$0x2] =	stream.linear.gather [hbm4b:s22+s4], $0x80, $0x38;
	[tilespmem:$0x18100] =	vst v63  }
0x59: {  	_ =	swait.ge [sflag:s15], $0x80  }
0x5a: {  	[sflag:s15] =	ssyncset.done $0x0  }
0x5b: {  	s31 =	sadd.s32 s21, s12;
	[sflag:s15] =	ssyncadd.s32 $0xFFFFFF80  }
0x5c: {  	[tilespmem:s16], [sflag:$0x2] =	stream.linear.gather [hbm4b:s31+s4], $0x80, $0x38;
	[tilespmem:$0x18100] =	vst v63  }
0x5d: {  	_ =	swait.ge [sflag:s15], $0x80  }
0x5e: {  	[sflag:s15] =	ssyncset.done $0x0  }
0x5f: {  	[sflag:s15] =	ssyncadd.s32 $0xFFFFFF80  }
0x60: {  	[tilespmem:s14], [sflag:$0x1] =	stream.indirect.gather [hbm4b:s1+s16], $0x80, s4, s16, $0xb8;
	[tilespmem:$0x18100] =	vst v63  }
0x61: {  	_ =	swait.ge [sflag:s17], $0x4000  }
0x62: {  	[sflag:s17] =	ssyncset.done $0x0  }
0x63: {  	[sflag:s17] =	ssyncadd.s32 $0xFFFFC000  }
0x64: {  	[spmem:s3] =	stream.indirect.scatter.add.f32 [tilespmem:s14], [sflag:$0x2], $0x80, s16, s16, $0xb8;
	[tilespmem:$0x18100] =	vst v63  }
0x65: {  	_ =	swait.ge [sflag:s15], $0x4000  }
0x66: {  	s20 =	sadd.s32 $0x1, s20;
	[sflag:s15] =	ssyncset.done $0x0  }
0x67: {  	p0 =	sne.s32 s20, s11;
	[sflag:s15] =	ssyncadd.s32 $0xFFFFC000  }
.Ltmp2:
0x68: {  	[bflag:$0x0] =	sbarrier.arrive $0xFFFF;
	(pc) =	sbr.rel @p0 .LBB2_1-.Ltmp2, $4  }
0x69: {  	[hbm:s10], [sflag:s18] =	dma.local [spmem:s19], $0x2800  }
0x6a: {  	_ =	swait.ge [sflag:s15], $0x2800  }
0x6b: {  	[sflag:s15] =	ssyncset.done $0x0  }
0x6c: {  	[sflag:s15] =	ssyncadd.s32 $0xFFFFD800  }
0x6d: {  	_ =	sfence.sel $0x180000  }
0x6e: {  	[bflag:$0x0] =	sbarrier.arrive $0xFFFF  }
0x6f: {  	p0 =	sne.s32 s0, $0x0;
	_ =	strace $0x90000047  }
0x70: {  	s0 =	sadd.s32 @!p0 $0x100000, s2;
	[bflag:$0x2] =	sbarrier.arrive $0xFFFF  }
0x71: {  	[sflag:s0] =	ssyncadd.tile.s32 @!p0 $0x1;
	_ =	shalt  }
.Lfunc_end2:
_tile_overlayer_lowered:
.L_overlay_start_2:
0x72: {  	(tag) =	ssettag $0x2  }
0x73: {  	s0 =	rddreg [dreg:$0x0];
	s2 =	stileid.u32  }
0x74: {  	s1 =	rddreg [dreg:$0x1];
	p0 =	sne.s32 s2, $0x0  }
0x75: {  	s3 =	rddreg [dreg:$0x2];
	[bflag:$0x3] =	sbarrier.arrive $0xFFFF;
	s2 =	simm.s32 @!p0 $0x1C02  }
0x76: {  	[timem:s3], [sflag:s2] =	dma.local @!p0 [hbm:s0], s1  }
0x77: {  	s0 =	simm.s32 @!p0 $0x2  }
0x78: {  	_ =	swait.ge @!p0 [sflag:s0], s1  }
0x79: {  	s1 =	ssub.s32 @!p0 $0x0, s1;
	[sflag:s0] =	ssyncset.done @!p0 $0x0  }
0x7a: {  	[sflag:s0] =	ssyncadd.s32 @!p0 s1  }
0x7b: {  	[bflag:$0x3] =	sbarrier.arrive $0xFFFF  }
0x7c: {  	_ =	shalt  }

// kernel: kernel.15.cloned.1.call-start
scs
__scs_entry_jumppad:
0x0: {  	(pc) =	sbr.rel $0x88, $3  }
0x1: {  	(tag) =	ssettag $0x0;
	lr =	simm.s32 $0x1  }
0x2: {  	[smem:$0x3F99] =	sst lr;
	_ =	strace $0xD0000000  }
0x3: {  	_ = 	snop  }
0x4: {  	_ = 	snop  }
0x5: {  	_ = 	snop  }
0x6: {  	_ = 	snop  }
0x7: {  	_ = 	snop  }
__scs_overlays_trampoline_lowered:
0x8: {  	[smem:$0x3FA8] =	sst s0  }
0x9: {  	[smem:$0x3FA9] =	sst s1  }
0xa: {  	[smem:$0x3FAA] =	sst s2  }
0xb: {  	[smem:$0x3FAB] =	sst s3  }
0xc: {  	[smem:$0x3FAC] =	sst s4  }
0xd: {  	[smem:$0x3FAD] =	sst s5  }
0xe: {  	[smem:$0x3FAE] =	sst s6  }
0xf: {  	[smem:$0x3FAF] =	sst s7  }
0x10: {  	[smem:$0x3FB0] =	sst s8  }
0x11: {  	[smem:$0x3FB1] =	sst s9;
	s0 =	simm.s32 @!p0 $0x0  }
0x12: {  	s1 =	sld [smem:$0x3F97];
	s0 =	simm.s32 @p0 $0x1  }
0x13: {  	[smem:$0x3FB2] =	sst s0;
	s0 =	simm.s32 @!p1 $0x0  }
0x14: {  	s2 =	sld [smem:$0x3F96];
	s0 =	simm.s32 @p1 $0x1  }
0x15: {  	[smem:$0x3FB3] =	sst s0;
	s0 =	simm.s32 @!p2 $0x0  }
0x16: {  	s3 =	sld [smem:$0x3FDB];
	s0 =	simm.s32 @p2 $0x1  }
0x17: {  	s4 =	simm.s32 $0x1BF5;
	[smem:$0x3FB5] =	sst s0  }
0x18: {  	s0 =	sld [smem:$0x3F98];
	_ =	swait.ge [sflag:s4], $0x0  }
0x19: {  	s7 =	sld [smem:$0x3F99]  }
0x1a: {  	s8 =	sadd.s32 $0xFFFFE003, lr  }
0x1b: {  	s9 =	sadd.s32 $0xFFFFFEF7, lr;
	s5 =	simm.s32 $0xFFFFFFFF;
	p2 =	slt.u32 s8, $0xFFFFF086  }
0x1c: {  	p1 =	slt.u32 s9, $0xF7A;
	s5 =	simm.s32 @!p2 $0x0  }
0x1d: {  	s5 =	simm.s32 @p1 $0x1;
	p0 =	seq.s32 s7, s2  }
0x1e: {  	s7 =	smul.u32 @!p0 $0xF7A, s2;
	p2 =	seq.s32 @!p0 s5, $0x0  }
0x1f: {  	s9 =	smul.u32 $0xF7A, s1;
	s8 =	simm.s32 @!p0 $0x1BF5;
	p2 =	por !p2, p0  }
0x20: {  	[sflag:s8] =	ssyncset.s32 @!p0 $0xFFFFF086;
	s6 =	sadd.s32 @!p0 s3, s7;
	s7 =	simm.s32 @!p0 $0x108  }
0x21: {  	s3 =	sadd.s32 s3, s9;
	s6 =	sadd.s32 @!p0 $0x88, s6;
	s7 =	simm.s32 @p2 $0x1082  }
0x22: {  	[simem:s7], [sflag:s8] =	dma.local @!p0 [hbm:s6], $0xF7A  }
0x23: {  	s9 =	sor.u32 $0xD0000000, s2;
	s6 =	simm.s32 $0x108;
	_ =	swait.ge @!p0 [sflag:s8], $0x0  }
0x24: {  	s3 =	sadd.s32 $0x88, s3;
	s6 =	simm.s32 @!p1 $0x1082;
	[sflag:s4] =	ssyncset.s32 $0xFFFFF086  }
0x25: {  	[simem:s6], [sflag:s4] =	dma.local [hbm:s3], $0xF7A  }
0x26: {  	[smem:$0x3F99] =	sst s1;
	(tag) =	ssettag s2;
	_ =	strace s9  }
0x27: {  	s1 =	sld [smem:$0x3FA9]  }
0x28: {  	s2 =	sld [smem:$0x3FAA]  }
0x29: {  	s4 =	sld [smem:$0x3FAC]  }
0x2a: {  	p0 =	seq.s32 s5, $0x0;
	s5 =	sld [smem:$0x3FAD]  }
0x2b: {  	s6 =	sld [smem:$0x3FAE]  }
0x2c: {  	s7 =	sld [smem:$0x3FAF]  }
0x2d: {  	s3 =	simm.s32 $0x108;
	s8 =	sld [smem:$0x3FB0]  }
0x2e: {  	s3 =	simm.s32 @!p0 $0x1082;
	s9 =	sld [smem:$0x3FB1]  }
0x2f: {  	lr =	sadd.s32 s0, s3;
	s0 =	sld [smem:$0x3FA8]  }
0x30: {  	s3 =	sld [smem:$0x3FAB]  }
0x31: {  	[smem:$0x3FB4] =	sst s10  }
0x32: {  	s10 =	sld [smem:$0x3FB2];
	_ =	sdelay $0x3  }
0x33: {  	p0 =	seq.s32 s10, $0x1;
	s10 =	sld [smem:$0x3FB4];
	_ =	sdelay $0x3  }
0x34: {  	[smem:$0x3FB4] =	sst s10  }
0x35: {  	s10 =	sld [smem:$0x3FB3];
	_ =	sdelay $0x3  }
0x36: {  	p1 =	seq.s32 s10, $0x1;
	s10 =	sld [smem:$0x3FB4];
	_ =	sdelay $0x3  }
0x37: {  	[smem:$0x3FB4] =	sst s10  }
0x38: {  	s10 =	sld [smem:$0x3FB5]  }
0x39: {  	_ = 	snop;
	(pc) =	sbr.ind lr, $3  }
0x3a: {  	_ = 	snop  }
0x3b: {  	_ = 	snop  }
0x3c: {  	p2 =	seq.s32 s10, $0x1;
	s10 =	sld [smem:$0x3FB4]  }
0x3d: {  	_ =	shalt  }
0x3e: {  	_ =	shalt  }
0x3f: {  	_ =	shalt  }
0x40: {  	_ =	shalt  }
0x41: {  	_ =	shalt  }
0x42: {  	_ =	shalt  }
0x43: {  	_ =	shalt  }
0x44: {  	_ =	shalt  }
0x45: {  	_ =	shalt  }
0x46: {  	_ =	shalt  }
0x47: {  	_ =	shalt  }
0x48: {  	_ =	shalt  }
0x49: {  	_ =	shalt  }
0x4a: {  	_ =	shalt  }
0x4b: {  	_ =	shalt  }
0x4c: {  	_ =	shalt  }
0x4d: {  	_ =	shalt  }
0x4e: {  	_ =	shalt  }
0x4f: {  	_ =	shalt  }
0x50: {  	_ =	shalt  }
0x51: {  	_ =	shalt  }
0x52: {  	_ =	shalt  }
0x53: {  	_ =	shalt  }
0x54: {  	_ =	shalt  }
0x55: {  	_ =	shalt  }
0x56: {  	_ =	shalt  }
0x57: {  	_ =	shalt  }
0x58: {  	_ =	shalt  }
0x59: {  	_ =	shalt  }
0x5a: {  	_ =	shalt  }
0x5b: {  	_ =	shalt  }
0x5c: {  	_ =	shalt  }
0x5d: {  	_ =	shalt  }
0x5e: {  	_ =	shalt  }
0x5f: {  	_ =	shalt  }
0x60: {  	_ =	shalt  }
0x61: {  	_ =	shalt  }
0x62: {  	_ =	shalt  }
0x63: {  	_ =	shalt  }
0x64: {  	_ =	shalt  }
0x65: {  	_ =	shalt  }
0x66: {  	_ =	shalt  }
0x67: {  	_ =	shalt  }
0x68: {  	_ =	shalt  }
0x69: {  	_ =	shalt  }
0x6a: {  	_ =	shalt  }
0x6b: {  	_ =	shalt  }
0x6c: {  	_ =	shalt  }
0x6d: {  	_ =	shalt  }
0x6e: {  	_ =	shalt  }
0x6f: {  	_ =	shalt  }
0x70: {  	_ =	shalt  }
0x71: {  	_ =	shalt  }
0x72: {  	_ =	shalt  }
0x73: {  	_ =	shalt  }
0x74: {  	_ =	shalt  }
0x75: {  	_ =	shalt  }
0x76: {  	_ =	shalt  }
0x77: {  	_ =	shalt  }
0x78: {  	_ =	shalt  }
0x79: {  	_ =	shalt  }
0x7a: {  	_ =	shalt  }
0x7b: {  	_ =	shalt  }
0x7c: {  	_ =	shalt  }
0x7d: {  	_ =	shalt  }
0x7e: {  	_ =	shalt  }
0x7f: {  	_ =	shalt  }
0x80: {  	_ =	shalt  }
0x81: {  	_ =	shalt  }
0x82: {  	_ =	shalt  }
0x83: {  	_ =	shalt  }
0x84: {  	_ =	shalt  }
0x85: {  	_ =	shalt  }
0x86: {  	_ =	shalt  }
0x87: {  	_ =	shalt  }
.Lfunc_end0:
.L_simem_size_0:
called_computation.1_lowered:
.L_overlay_start_0:
0x88: {  	s2 =	sld [smem:$0x3FD9]  }
0x89: {  	s3 =	sld [smem:$0x3FFE];
	_ =	sdelay $0x1  }
0x8a: {  	s1 =	srdreg.scid  }
0x8b: {  	s0 =	sand.u32 $0x1, s1  }
0x8c: {  	s14 =	sshll.u32 s0, $0xA;
	s2 =	sadd.s32 s3, s2  }
0x8d: {  	s2 =	sadd.s32 s2, s14  }
0x8e: {  	[smem:$0x3FC0] =	sst s2  }
0x8f: {  	_ = 	snop  }
0x90: {  	s2 =	sld [smem:$0x3FD0];
	_ =	sdelay $0x2  }
0x91: {  	s15 =	simm.s32 $0xB;
	s4 =	simm.s32 $0x10  }
0x92: {  	[smem:s4], [sflag:s15] =	dma.local [hbm:s2], $0x1  }
0x93: {  	_ =	swait.eq [sflag:s15], $0x1  }
0x94: {  	[sflag:s15] =	ssyncset.done $0x0  }
0x95: {  	[sflag:s15] =	ssyncadd.s32 $0xFFFFFFFF  }
0x96: {  	s16 =	sld [smem:$0x10];
	(tm) =	ssettm $0x1  }
0x97: {  	s17 =	sld [smem:$0x3FFB];
	_ =	sdelay $0x3  }
0x98: {  	_ =	strace s17  }
0x99: {  	s3 =	sld [smem:$0x3FFC];
	_ =	sdelay $0x3  }
0x9a: {  	_ =	strace s3  }
0x9b: {  	s3 =	sld [smem:$0x3FFD];
	_ =	sdelay $0x3  }
0x9c: {  	_ =	strace s3  }
0x9d: {  	_ =	strace $0x8FFFFFFF  }
0x9e: {  	s18 =	sld [smem:$0x3FDB];
	_ =	sdelay $0x1  }
0x9f: {  	s19 =	simm.s32 $_scs_section_size  }
0xa0: {  	s5 =	simm.s32 $_size__tile_overlayer_lowered;
	s6 =	simm.s32 $_tile_overlayer_lowered  }
0xa1: {  	s22 =	simm.s32 $0x1BFF;
	s21 =	sshll.u32 s6, $0x1;
	s3 =	sadd.s32 s19, s18  }
0xa2: {  	s7 =	simm.s32 $0x0;
	s20 =	sshll.u32 s5, $0x1;
	s5 =	sadd.s32 s21, s3  }
0xa3: {  	[timem:s7], [sflag:s22] =	dma.local [hbm:s5], s20  }
0xa4: {  	_ =	swait.ge [sflag:s22], s20  }
0xa5: {  	s4 =	ssub.s32 $0x0, s20;
	[sflag:s22] =	ssyncset.done $0x0  }
0xa6: {  	[sflag:s22] =	ssyncadd.s32 s4;
	_ =	sdelay $0x1  }
0xa7: {  	s23 =	simm.s32 $0x1B8B  }
0xa8: {  	_ =	swait.ge [sflag:s23], $0x1  }
0xa9: {  	[sflag:s23] =	ssyncset.done $0x0  }
0xaa: {  	s25 =	simm.s32 $0x1B8E;
	s24 =	sld [smem:$0x3FFE];
	[sflag:s23] =	ssyncadd.s32 $0xFFFFFFFF  }
0xab: {  	s26 =	simm.s32 $execute0_lowered;
	[smem:$0x3FD2] =	sst s25  }
0xac: {  	s5 =	sshll.u32 s26, $0x1;
	_ =	strace $0x80000049;
	[dreg:$0x1] =	wrdreg $0xFFFFFFFF  }
0xad: {  	s28 =	simm.s32 $_size_execute0_lowered;
	s3 =	sadd.s32 s3, s5;
	[dreg:$0x0] =	wrdreg $0x0  }
0xae: {  	s5 =	sshll.u32 s28, $0x1;
	[dreg:$0x2] =	wrdreg s3  }
0xaf: {  	[dreg:$0x3] =	wrdreg s5  }
0xb0: {  	[dreg:$0x4] =	wrdreg $0xC0  }
0xb1: {  	_ =	task [dreg:s7], $0x5FFFF  }
0xb2: {  	[dreg:$0x1] =	wrdreg $0xFFFFFFFF  }
0xb3: {  	[dreg:$0x0] =	wrdreg $0x60  }
0xb4: {  	[dreg:$0x2] =	wrdreg s16  }
0xb5: {  	[dreg:$0x3] =	wrdreg s24  }
0xb6: {  	[dreg:$0x4] =	wrdreg $0x41000  }
0xb7: {  	[dreg:$0x5] =	wrdreg $0x9  }
0xb8: {  	_ =	task.clear_ibuf [dreg:s7], $0x6FFFF;
	_ =	strace $0x90000049  }
0xb9: {  	s29 =	simm.s32 $0x9;
	_ =	strace $0x8000004B  }
0xba: {  	_ =	swait.ge [sflag:s29], $0x1  }
0xbb: {  	[sflag:s29] =	ssyncadd.s32 $0xFFFFFFFF  }
0xbc: {  	_ =	strace $0x9000004B  }
0xbd: {  	_ =	sfence  }
0xbe: {  	s30 =	sld [smem:$0x0];
	_ =	sdelay $0x2  }
0xbf: {  	s31 =	sshll.u32 s1, $0xD;
	s1 =	sshrl.u32 s1, $0x2  }
0xc0: {  	s3 =	sand.u32 $0x4000, s31;
	s1 =	sadd.s32 s1, s30  }
0xc1: {  	s0 =	sor.u32 s3, s0;
	s1 =	sshll.u32 s1, $0x11  }
0xc2: {  	s0 =	sor.u32 s1, s0  }
0xc3: {  	s0 =	sadd.s32 $0x8F2B, s0  }
0xc4: {  	[sflag:s0] =	ssyncadd.remote.s32 $0x1  }
0xc5: {  	_ =	sfence.sel $0xFFFF  }
0xc6: {  	[dreg:$0x0] =	wrdreg $0xFFFFFFFF;
	(pc) =	sbr.abs _section_cstart, $3  }
0xc7: {  	[dreg:$0x1] =	wrdreg $0xFFFFFFFF  }
0xc8: {  	_ =	task.clear_ibuf [dreg:s7], $0x2FFFF;
	_ =	strace $0x9FFFFFFF  }
0xc9: {  	(tm) =	ssettm $0x7FFFFFFF  }
tec
execute0_lowered:
.L_overlay_start_1:
0x0: {  	(tag) =	ssettag $0x1  }
0x1: {  	s1 =	rddreg [dreg:$0x0]  }
0x2: {  	s5 =	rddreg [dreg:$0x1]  }
0x3: {  	s0 =	srdreg.scid;
	s3 =	rddreg [dreg:$0x2]  }
0x4: {  	s2 =	rddreg [dreg:$0x3];
	s6 =	sand.u32 $0x1, s0  }
0x5: {  	s0 =	stileid.u32;
	s7 =	smul.u32 $0x140000, s6  }
0x6: {  	s4 =	simm.s32 $0x0;
	s15 =	simm.s32 $0x2;
	s8 =	smul.u32 $0x14000, s0  }
0x7: {  	s16 =	simm.s32 $0x80;
	s17 =	simm.s32 $0x1;
	s9 =	smul.u32 $0xA000, s6  }
0x8: {  	s20 =	simm.s32 $0x0;
	[smem:$0x7FF] =	sst s4;
	s29 =	smul.u32 $0x50000, s0  }
0x9: {  	_ =	strace $0x8000004A;
	s6 =	ssub.s32 $0x2, s6;
	s18 =	sshll.u32 s0, $0x6  }
0xa: {  	s12 =	smul.u32 $0xA00, s0;
	s31 =	sshrl.u32 s6, $0x1;
	s18 =	sor.u32 $0x1C02, s18  }
0xb: {  	s7 =	sadd.s32 s8, s7;
	s10 =	sadd.s32 s9, s5;
	s30 =	sshrl.u32 s29, $0x2  }
0xc: {  	s13 =	ssub.s32 s6, s31;
	s7 =	sshrl.u32 s7, $0x3;
	s14 =	sadd.s32 s12, s10  }
0xd: {  	s11 =	sadd.s32 s7, s5;
	s5 =	sadd.s32 s30, s3;
	s12 =	sadd.s32 $0x2AC00, s14  }
0xe: {  	s6 =	sadd.s32 $0x4000, s5;
	s7 =	sadd.s32 $0x8000, s5;
	s8 =	sadd.s32 $0xC000, s5  }
0xf: {  	s9 =	sadd.s32 $0x10000, s5;
	s10 =	sadd.s32 $0x52C00, s11;
	s11 =	smax.u32 s13, $0x1  }
0x10: {  	v0 =	vimm.f32 $0.0e+00;
	s13 =	sadd.s32 $0x3EC00, s14;
	s14 =	simm.s32 $0x100;
	s19 =	sshrl.u32 s5, $0x3  }
.LBB2_1:
0x11: {  	s21 =	simm.s32 $0x0;
	s22 =	simm.s32 $0x200  }
.LBB2_2:
0x12: {  	p0 =	sne.s32 s22, $0xFE00;
	[tilespmem:s21+$0x170] =	vst v0  }
0x13: {  	[tilespmem:s21+$0x100] =	vst v0  }
0x14: {  	[tilespmem:s21+$0x110] =	vst v0  }
.Ltmp0:
0x15: {  	[tilespmem:s21+$0x120] =	vst v0;
	(pc) =	sbr.rel @p0 .LBB2_2-.Ltmp0, $4  }
0x16: {  	[tilespmem:s21+$0x130] =	vst v0  }
0x17: {  	[tilespmem:s21+$0x140] =	vst v0  }
0x18: {  	[tilespmem:s21+$0x150] =	vst v0  }
0x19: {  	[tilespmem:s21+$0x160] =	vst v0;
	s21 =	sshra.s32 s22, $0x2;
	s22 =	sadd.s32 $0x200, s22  }
0x1a: {  	[tilespmem:s21+$0x170] =	vst v0  }
0x1b: {  	[tilespmem:s21+$0x100] =	vst v0  }
0x1c: {  	[tilespmem:s21+$0x110] =	vst v0  }
0x1d: {  	[tilespmem:s21+$0x120] =	vst v0  }
0x1e: {  	[tilespmem:s21+$0x130] =	vst v0  }
0x1f: {  	[tilespmem:s21+$0x140] =	vst v0  }
0x20: {  	[tilespmem:s21+$0x150] =	vst v0  }
0x21: {  	[tilespmem:s21+$0x160] =	vst v0  }
0x22: {  	[spmem:s5] =	stream.linear.scatter [tilespmem:s14], [sflag:$0x2], $0x4000, $0x38;
	[tilespmem:$0x18100] =	vst v63  }
0x23: {  	_ =	swait.ge [sflag:s15], $0x4000  }
0x24: {  	[sflag:s15] =	ssyncset.done $0x0  }
0x25: {  	[sflag:s15] =	ssyncadd.s32 $0xFFFFC000  }
0x26: {  	[spmem:s6] =	stream.linear.scatter [tilespmem:s14], [sflag:$0x2], $0x4000, $0x38;
	[tilespmem:$0x18100] =	vst v63  }
0x27: {  	_ =	swait.ge [sflag:s15], $0x4000  }
0x28: {  	[sflag:s15] =	ssyncset.done $0x0  }
0x29: {  	[sflag:s15] =	ssyncadd.s32 $0xFFFFC000  }
0x2a: {  	[spmem:s7] =	stream.linear.scatter [tilespmem:s14], [sflag:$0x2], $0x4000, $0x38;
	[tilespmem:$0x18100] =	vst v63  }
0x2b: {  	_ =	swait.ge [sflag:s15], $0x4000  }
0x2c: {  	[sflag:s15] =	ssyncset.done $0x0  }
0x2d: {  	[sflag:s15] =	ssyncadd.s32 $0xFFFFC000  }
0x2e: {  	[spmem:s8] =	stream.linear.scatter [tilespmem:s14], [sflag:$0x2], $0x4000, $0x38;
	[tilespmem:$0x18100] =	vst v63  }
0x2f: {  	_ =	swait.ge [sflag:s15], $0x4000  }
0x30: {  	[sflag:s15] =	ssyncset.done $0x0  }
0x31: {  	[sflag:s15] =	ssyncadd.s32 $0xFFFFC000  }
0x32: {  	[spmem:s9] =	stream.linear.scatter [tilespmem:s14], [sflag:$0x2], $0x4000, $0x38;
	[tilespmem:$0x18100] =	vst v63  }
0x33: {  	_ =	swait.ge [sflag:s15], $0x4000  }
0x34: {  	[sflag:s15] =	ssyncset.done $0x0  }
0x35: {  	[sflag:s15] =	ssyncadd.s32 $0xFFFFC000  }
0x36: {  	s30 =	sadd.s32 $0x0, s13;
	[bflag:$0x0] =	sbarrier.arrive $0xFFFF  }
0x37: {  	[tilespmem:s4], [sflag:$0x2] =	stream.linear.gather [hbm4b:s30+s4], $0x80, $0x38;
	[tilespmem:$0x18100] =	vst v63  }
0x38: {  	_ =	swait.ge [sflag:s15], $0x80  }
0x39: {  	[sflag:s15] =	ssyncset.done $0x0  }
0x3a: {  	s31 =	sadd.s32 $0x0, s12;
	[sflag:s15] =	ssyncadd.s32 $0xFFFFFF80  }
0x3b: {  	[tilespmem:s16], [sflag:$0x2] =	stream.linear.gather [hbm4b:s31+s4], $0x80, $0x38;
	[tilespmem:$0x18100] =	vst v63  }
0x3c: {  	_ =	swait.ge [sflag:s15], $0x80  }
0x3d: {  	[sflag:s15] =	ssyncset.done $0x0  }
0x3e: {  	[sflag:s15] =	ssyncadd.s32 $0xFFFFFF80  }
0x3f: {  	[tilespmem:s14], [sflag:$0x1] =	stream.indirect.gather [hbm4b:s1+s16], $0x80, s4, s16, $0xb8;
	[tilespmem:$0x18100] =	vst v63  }
0x40: {  	_ =	swait.ge [sflag:s17], $0x4000  }
0x41: {  	[sflag:s17] =	ssyncset.done $0x0  }
0x42: {  	[sflag:s17] =	ssyncadd.s32 $0xFFFFC000  }
0x43: {  	[spmem:s3] =	stream.indirect.scatter.add.f32 [tilespmem:s14], [sflag:$0x2], $0x80, s16, s16, $0xb8;
	[tilespmem:$0x18100] =	vst v63  }
0x44: {  	_ =	swait.ge [sflag:s15], $0x4000  }
0x45: {  	s21 =	simm.s32 $0x10;
	s22 =	simm.s32 $0x20;
	[sflag:s15] =	ssyncset.done $0x0  }
.LBB2_4:
0x46: {  	s23 =	sadd.s32 s21, s13  }
0x47: {  	[sflag:s15] =	ssyncadd.s32 $0xFFFFC000;
	s24 =	smov.u32 s22;
	s25 =	sadd.s32 $0x10, s22  }
0x48: {  	[tilespmem:s4], [sflag:$0x2] =	stream.linear.gather [hbm4b:s23+s4], $0x80, $0x38;
	[tilespmem:$0x18100] =	vst v63  }
0x49: {  	p0 =	sne.s32 s22, $0x9F0;
	_ =	swait.ge [sflag:s15], $0x80  }
0x4a: {  	[sflag:s15] =	ssyncset.done $0x0  }
0x4b: {  	s22 =	sadd.s32 s21, s12;
	s21 =	smov.u32 s24;
	[sflag:s15] =	ssyncadd.s32 $0xFFFFFF80  }
0x4c: {  	[tilespmem:s16], [sflag:$0x2] =	stream.linear.gather [hbm4b:s22+s4], $0x80, $0x38;
	[tilespmem:$0x18100] =	vst v63  }
0x4d: {  	_ =	swait.ge [sflag:s15], $0x80  }
0x4e: {  	[sflag:s15] =	ssyncset.done $0x0  }
0x4f: {  	[sflag:s15] =	ssyncadd.s32 $0xFFFFFF80  }
0x50: {  	[tilespmem:s14], [sflag:$0x1] =	stream.indirect.gather [hbm4b:s1+s16], $0x80, s4, s16, $0xb8;
	[tilespmem:$0x18100] =	vst v63  }
0x51: {  	_ =	swait.ge [sflag:s17], $0x4000  }
.Ltmp1:
0x52: {  	[sflag:s17] =	ssyncset.done $0x0;
	(pc) =	sbr.rel @p0 .LBB2_4-.Ltmp1, $4  }
0x53: {  	[sflag:s17] =	ssyncadd.s32 $0xFFFFC000  }
0x54: {  	[spmem:s3] =	stream.indirect.scatter.add.f32 [tilespmem:s14], [sflag:$0x2], $0x80, s16, s16, $0xb8;
	[tilespmem:$0x18100] =	vst v63  }
0x55: {  	_ =	swait.ge [sflag:s15], $0x4000  }
0x56: {  	s22 =	smov.u32 s25;
	[sflag:s15] =	ssyncset.done $0x0  }
0x57: {  	s22 =	sadd.s32 s21, s13;
	[sflag:s15] =	ssyncadd.s32 $0xFFFFC000  }
0x58: {  	[tilespmem:s4], [sflag:$0x2] =	stream.linear.gather [hbm4b:s22+s4], $0x80, $0x38;
	[tilespmem:$0x18100] =	vst v63  }
0x59: {  	_ =	swait.ge [sflag:s15], $0x80  }
0x5a: {  	[sflag:s15] =	ssyncset.done $0x0  }
0x5b: {  	s31 =	sadd.s32 s21, s12;
	[sflag:s15] =	ssyncadd.s32 $0xFFFFFF80  }
0x5c: {  	[tilespmem:s16], [sflag:$0x2] =	stream.linear.gather [hbm4b:s31+s4], $0x80, $0x38;
	[tilespmem:$0x18100] =	vst v63  }
0x5d: {  	_ =	swait.ge [sflag:s15], $0x80  }
0x5e: {  	[sflag:s15] =	ssyncset.done $0x0  }
0x5f: {  	[sflag:s15] =	ssyncadd.s32 $0xFFFFFF80  }
0x60: {  	[tilespmem:s14], [sflag:$0x1] =	stream.indirect.gather [hbm4b:s1+s16], $0x80, s4, s16, $0xb8;
	[tilespmem:$0x18100] =	vst v63  }
0x61: {  	_ =	swait.ge [sflag:s17], $0x4000  }
0x62: {  	[sflag:s17] =	ssyncset.done $0x0  }
0x63: {  	[sflag:s17] =	ssyncadd.s32 $0xFFFFC000  }
0x64: {  	[spmem:s3] =	stream.indirect.scatter.add.f32 [tilespmem:s14], [sflag:$0x2], $0x80, s16, s16, $0xb8;
	[tilespmem:$0x18100] =	vst v63  }
0x65: {  	_ =	swait.ge [sflag:s15], $0x4000  }
0x66: {  	s20 =	sadd.s32 $0x1, s20;
	[sflag:s15] =	ssyncset.done $0x0  }
0x67: {  	p0 =	sne.s32 s20, s11;
	[sflag:s15] =	ssyncadd.s32 $0xFFFFC000  }
.Ltmp2:
0x68: {  	[bflag:$0x0] =	sbarrier.arrive $0xFFFF;
	(pc) =	sbr.rel @p0 .LBB2_1-.Ltmp2, $4  }
0x69: {  	[hbm:s10], [sflag:s18] =	dma.local [spmem:s19], $0x2800  }
0x6a: {  	_ =	swait.ge [sflag:s15], $0x2800  }
0x6b: {  	[sflag:s15] =	ssyncset.done $0x0  }
0x6c: {  	[sflag:s15] =	ssyncadd.s32 $0xFFFFD800  }
0x6d: {  	_ =	sfence.sel $0x180000  }
0x6e: {  	[bflag:$0x0] =	sbarrier.arrive $0xFFFF  }
0x6f: {  	p0 =	sne.s32 s0, $0x0;
	_ =	strace $0x9000004A  }
0x70: {  	s0 =	sadd.s32 @!p0 $0x100000, s2;
	[bflag:$0x2] =	sbarrier.arrive $0xFFFF  }
0x71: {  	[sflag:s0] =	ssyncadd.tile.s32 @!p0 $0x1;
	_ =	shalt  }
.Lfunc_end2:
_tile_overlayer_lowered:
.L_overlay_start_2:
0x72: {  	(tag) =	ssettag $0x2  }
0x73: {  	s0 =	rddreg [dreg:$0x0];
	s2 =	stileid.u32  }
0x74: {  	s1 =	rddreg [dreg:$0x1];
	p0 =	sne.s32 s2, $0x0  }
0x75: {  	s3 =	rddreg [dreg:$0x2];
	[bflag:$0x3] =	sbarrier.arrive $0xFFFF;
	s2 =	simm.s32 @!p0 $0x1C02  }
0x76: {  	[timem:s3], [sflag:s2] =	dma.local @!p0 [hbm:s0], s1  }
0x77: {  	s0 =	simm.s32 @!p0 $0x2  }
0x78: {  	_ =	swait.ge @!p0 [sflag:s0], s1  }
0x79: {  	s1 =	ssub.s32 @!p0 $0x0, s1;
	[sflag:s0] =	ssyncset.done @!p0 $0x0  }
0x7a: {  	[sflag:s0] =	ssyncadd.s32 @!p0 s1  }
0x7b: {  	[bflag:$0x3] =	sbarrier.arrive $0xFFFF  }
0x7c: {  	_ =	shalt  }

// kernel: kernel.18.cloned.1.call-start
scs
__scs_entry_jumppad:
0x0: {  	(pc) =	sbr.rel $0x88, $3  }
0x1: {  	(tag) =	ssettag $0x0;
	lr =	simm.s32 $0x1  }
0x2: {  	[smem:$0x3F99] =	sst lr;
	_ =	strace $0xD0000000  }
0x3: {  	_ = 	snop  }
0x4: {  	_ = 	snop  }
0x5: {  	_ = 	snop  }
0x6: {  	_ = 	snop  }
0x7: {  	_ = 	snop  }
__scs_overlays_trampoline_lowered:
0x8: {  	[smem:$0x3FA8] =	sst s0  }
0x9: {  	[smem:$0x3FA9] =	sst s1  }
0xa: {  	[smem:$0x3FAA] =	sst s2  }
0xb: {  	[smem:$0x3FAB] =	sst s3  }
0xc: {  	[smem:$0x3FAC] =	sst s4  }
0xd: {  	[smem:$0x3FAD] =	sst s5  }
0xe: {  	[smem:$0x3FAE] =	sst s6  }
0xf: {  	[smem:$0x3FAF] =	sst s7  }
0x10: {  	[smem:$0x3FB0] =	sst s8  }
0x11: {  	[smem:$0x3FB1] =	sst s9;
	s0 =	simm.s32 @!p0 $0x0  }
0x12: {  	s1 =	sld [smem:$0x3F97];
	s0 =	simm.s32 @p0 $0x1  }
0x13: {  	[smem:$0x3FB2] =	sst s0;
	s0 =	simm.s32 @!p1 $0x0  }
0x14: {  	s2 =	sld [smem:$0x3F96];
	s0 =	simm.s32 @p1 $0x1  }
0x15: {  	[smem:$0x3FB3] =	sst s0;
	s0 =	simm.s32 @!p2 $0x0  }
0x16: {  	s3 =	sld [smem:$0x3FDB];
	s0 =	simm.s32 @p2 $0x1  }
0x17: {  	s4 =	simm.s32 $0x1BF5;
	[smem:$0x3FB5] =	sst s0  }
0x18: {  	s0 =	sld [smem:$0x3F98];
	_ =	swait.ge [sflag:s4], $0x0  }
0x19: {  	s7 =	sld [smem:$0x3F99]  }
0x1a: {  	s8 =	sadd.s32 $0xFFFFE003, lr  }
0x1b: {  	s9 =	sadd.s32 $0xFFFFFEF7, lr;
	s5 =	simm.s32 $0xFFFFFFFF;
	p2 =	slt.u32 s8, $0xFFFFF086  }
0x1c: {  	p1 =	slt.u32 s9, $0xF7A;
	s5 =	simm.s32 @!p2 $0x0  }
0x1d: {  	s5 =	simm.s32 @p1 $0x1;
	p0 =	seq.s32 s7, s2  }
0x1e: {  	s7 =	smul.u32 @!p0 $0xF7A, s2;
	p2 =	seq.s32 @!p0 s5, $0x0  }
0x1f: {  	s9 =	smul.u32 $0xF7A, s1;
	s8 =	simm.s32 @!p0 $0x1BF5;
	p2 =	por !p2, p0  }
0x20: {  	[sflag:s8] =	ssyncset.s32 @!p0 $0xFFFFF086;
	s6 =	sadd.s32 @!p0 s3, s7;
	s7 =	simm.s32 @!p0 $0x108  }
0x21: {  	s3 =	sadd.s32 s3, s9;
	s6 =	sadd.s32 @!p0 $0x88, s6;
	s7 =	simm.s32 @p2 $0x1082  }
0x22: {  	[simem:s7], [sflag:s8] =	dma.local @!p0 [hbm:s6], $0xF7A  }
0x23: {  	s9 =	sor.u32 $0xD0000000, s2;
	s6 =	simm.s32 $0x108;
	_ =	swait.ge @!p0 [sflag:s8], $0x0  }
0x24: {  	s3 =	sadd.s32 $0x88, s3;
	s6 =	simm.s32 @!p1 $0x1082;
	[sflag:s4] =	ssyncset.s32 $0xFFFFF086  }
0x25: {  	[simem:s6], [sflag:s4] =	dma.local [hbm:s3], $0xF7A  }
0x26: {  	[smem:$0x3F99] =	sst s1;
	(tag) =	ssettag s2;
	_ =	strace s9  }
0x27: {  	s1 =	sld [smem:$0x3FA9]  }
0x28: {  	s2 =	sld [smem:$0x3FAA]  }
0x29: {  	s4 =	sld [smem:$0x3FAC]  }
0x2a: {  	p0 =	seq.s32 s5, $0x0;
	s5 =	sld [smem:$0x3FAD]  }
0x2b: {  	s6 =	sld [smem:$0x3FAE]  }
0x2c: {  	s7 =	sld [smem:$0x3FAF]  }
0x2d: {  	s3 =	simm.s32 $0x108;
	s8 =	sld [smem:$0x3FB0]  }
0x2e: {  	s3 =	simm.s32 @!p0 $0x1082;
	s9 =	sld [smem:$0x3FB1]  }
0x2f: {  	lr =	sadd.s32 s0, s3;
	s0 =	sld [smem:$0x3FA8]  }
0x30: {  	s3 =	sld [smem:$0x3FAB]  }
0x31: {  	[smem:$0x3FB4] =	sst s10  }
0x32: {  	s10 =	sld [smem:$0x3FB2];
	_ =	sdelay $0x3  }
0x33: {  	p0 =	seq.s32 s10, $0x1;
	s10 =	sld [smem:$0x3FB4];
	_ =	sdelay $0x3  }
0x34: {  	[smem:$0x3FB4] =	sst s10  }
0x35: {  	s10 =	sld [smem:$0x3FB3];
	_ =	sdelay $0x3  }
0x36: {  	p1 =	seq.s32 s10, $0x1;
	s10 =	sld [smem:$0x3FB4];
	_ =	sdelay $0x3  }
0x37: {  	[smem:$0x3FB4] =	sst s10  }
0x38: {  	s10 =	sld [smem:$0x3FB5]  }
0x39: {  	_ = 	snop;
	(pc) =	sbr.ind lr, $3  }
0x3a: {  	_ = 	snop  }
0x3b: {  	_ = 	snop  }
0x3c: {  	p2 =	seq.s32 s10, $0x1;
	s10 =	sld [smem:$0x3FB4]  }
0x3d: {  	_ =	shalt  }
0x3e: {  	_ =	shalt  }
0x3f: {  	_ =	shalt  }
0x40: {  	_ =	shalt  }
0x41: {  	_ =	shalt  }
0x42: {  	_ =	shalt  }
0x43: {  	_ =	shalt  }
0x44: {  	_ =	shalt  }
0x45: {  	_ =	shalt  }
0x46: {  	_ =	shalt  }
0x47: {  	_ =	shalt  }
0x48: {  	_ =	shalt  }
0x49: {  	_ =	shalt  }
0x4a: {  	_ =	shalt  }
0x4b: {  	_ =	shalt  }
0x4c: {  	_ =	shalt  }
0x4d: {  	_ =	shalt  }
0x4e: {  	_ =	shalt  }
0x4f: {  	_ =	shalt  }
0x50: {  	_ =	shalt  }
0x51: {  	_ =	shalt  }
0x52: {  	_ =	shalt  }
0x53: {  	_ =	shalt  }
0x54: {  	_ =	shalt  }
0x55: {  	_ =	shalt  }
0x56: {  	_ =	shalt  }
0x57: {  	_ =	shalt  }
0x58: {  	_ =	shalt  }
0x59: {  	_ =	shalt  }
0x5a: {  	_ =	shalt  }
0x5b: {  	_ =	shalt  }
0x5c: {  	_ =	shalt  }
0x5d: {  	_ =	shalt  }
0x5e: {  	_ =	shalt  }
0x5f: {  	_ =	shalt  }
0x60: {  	_ =	shalt  }
0x61: {  	_ =	shalt  }
0x62: {  	_ =	shalt  }
0x63: {  	_ =	shalt  }
0x64: {  	_ =	shalt  }
0x65: {  	_ =	shalt  }
0x66: {  	_ =	shalt  }
0x67: {  	_ =	shalt  }
0x68: {  	_ =	shalt  }
0x69: {  	_ =	shalt  }
0x6a: {  	_ =	shalt  }
0x6b: {  	_ =	shalt  }
0x6c: {  	_ =	shalt  }
0x6d: {  	_ =	shalt  }
0x6e: {  	_ =	shalt  }
0x6f: {  	_ =	shalt  }
0x70: {  	_ =	shalt  }
0x71: {  	_ =	shalt  }
0x72: {  	_ =	shalt  }
0x73: {  	_ =	shalt  }
0x74: {  	_ =	shalt  }
0x75: {  	_ =	shalt  }
0x76: {  	_ =	shalt  }
0x77: {  	_ =	shalt  }
0x78: {  	_ =	shalt  }
0x79: {  	_ =	shalt  }
0x7a: {  	_ =	shalt  }
0x7b: {  	_ =	shalt  }
0x7c: {  	_ =	shalt  }
0x7d: {  	_ =	shalt  }
0x7e: {  	_ =	shalt  }
0x7f: {  	_ =	shalt  }
0x80: {  	_ =	shalt  }
0x81: {  	_ =	shalt  }
0x82: {  	_ =	shalt  }
0x83: {  	_ =	shalt  }
0x84: {  	_ =	shalt  }
0x85: {  	_ =	shalt  }
0x86: {  	_ =	shalt  }
0x87: {  	_ =	shalt  }
.Lfunc_end0:
.L_simem_size_0:
called_computation.2_lowered:
.L_overlay_start_0:
0x88: {  	s2 =	sld [smem:$0x3FD9]  }
0x89: {  	s3 =	sld [smem:$0x3FFE];
	_ =	sdelay $0x1  }
0x8a: {  	s1 =	srdreg.scid  }
0x8b: {  	s0 =	sand.u32 $0x1, s1  }
0x8c: {  	s14 =	sshll.u32 s0, $0xA;
	s2 =	sadd.s32 s3, s2  }
0x8d: {  	s2 =	sadd.s32 s2, s14  }
0x8e: {  	[smem:$0x3FC0] =	sst s2  }
0x8f: {  	_ = 	snop  }
0x90: {  	s2 =	sld [smem:$0x3FD0];
	_ =	sdelay $0x2  }
0x91: {  	s15 =	simm.s32 $0xB;
	s4 =	simm.s32 $0x10  }
0x92: {  	[smem:s4], [sflag:s15] =	dma.local [hbm:s2], $0x1  }
0x93: {  	_ =	swait.eq [sflag:s15], $0x1  }
0x94: {  	[sflag:s15] =	ssyncset.done $0x0  }
0x95: {  	[sflag:s15] =	ssyncadd.s32 $0xFFFFFFFF  }
0x96: {  	s16 =	sld [smem:$0x10];
	(tm) =	ssettm $0x1  }
0x97: {  	s17 =	sld [smem:$0x3FFB];
	_ =	sdelay $0x3  }
0x98: {  	_ =	strace s17  }
0x99: {  	s3 =	sld [smem:$0x3FFC];
	_ =	sdelay $0x3  }
0x9a: {  	_ =	strace s3  }
0x9b: {  	s3 =	sld [smem:$0x3FFD];
	_ =	sdelay $0x3  }
0x9c: {  	_ =	strace s3  }
0x9d: {  	_ =	strace $0x8FFFFFFF  }
0x9e: {  	s18 =	sld [smem:$0x3FDB];
	_ =	sdelay $0x1  }
0x9f: {  	s19 =	simm.s32 $_scs_section_size  }
0xa0: {  	s5 =	simm.s32 $_size__tile_overlayer_lowered;
	s6 =	simm.s32 $_tile_overlayer_lowered  }
0xa1: {  	s22 =	simm.s32 $0x1BFF;
	s21 =	sshll.u32 s6, $0x1;
	s3 =	sadd.s32 s19, s18  }
0xa2: {  	s7 =	simm.s32 $0x0;
	s20 =	sshll.u32 s5, $0x1;
	s5 =	sadd.s32 s21, s3  }
0xa3: {  	[timem:s7], [sflag:s22] =	dma.local [hbm:s5], s20  }
0xa4: {  	_ =	swait.ge [sflag:s22], s20  }
0xa5: {  	s4 =	ssub.s32 $0x0, s20;
	[sflag:s22] =	ssyncset.done $0x0  }
0xa6: {  	[sflag:s22] =	ssyncadd.s32 s4;
	_ =	sdelay $0x1  }
0xa7: {  	s23 =	simm.s32 $0x1B8B  }
0xa8: {  	_ =	swait.ge [sflag:s23], $0x1  }
0xa9: {  	[sflag:s23] =	ssyncset.done $0x0  }
0xaa: {  	s25 =	simm.s32 $0x1B8E;
	s24 =	sld [smem:$0x3FFE];
	[sflag:s23] =	ssyncadd.s32 $0xFFFFFFFF  }
0xab: {  	s26 =	simm.s32 $execute0_lowered;
	[smem:$0x3FD2] =	sst s25  }
0xac: {  	s5 =	sshll.u32 s26, $0x1;
	_ =	strace $0x8000004C;
	[dreg:$0x1] =	wrdreg $0xFFFFFFFF  }
0xad: {  	s28 =	simm.s32 $_size_execute0_lowered;
	s3 =	sadd.s32 s3, s5;
	[dreg:$0x0] =	wrdreg $0x0  }
0xae: {  	s5 =	sshll.u32 s28, $0x1;
	[dreg:$0x2] =	wrdreg s3  }
0xaf: {  	[dreg:$0x3] =	wrdreg s5  }
0xb0: {  	[dreg:$0x4] =	wrdreg $0xC0  }
0xb1: {  	_ =	task [dreg:s7], $0x5FFFF  }
0xb2: {  	[dreg:$0x1] =	wrdreg $0xFFFFFFFF  }
0xb3: {  	[dreg:$0x0] =	wrdreg $0x60  }
0xb4: {  	[dreg:$0x2] =	wrdreg s16  }
0xb5: {  	[dreg:$0x3] =	wrdreg s24  }
0xb6: {  	[dreg:$0x4] =	wrdreg $0x41000  }
0xb7: {  	[dreg:$0x5] =	wrdreg $0xA  }
0xb8: {  	_ =	task.clear_ibuf [dreg:s7], $0x6FFFF;
	_ =	strace $0x9000004C  }
0xb9: {  	s29 =	simm.s32 $0xA;
	_ =	strace $0x8000004E  }
0xba: {  	_ =	swait.ge [sflag:s29], $0x1  }
0xbb: {  	[sflag:s29] =	ssyncadd.s32 $0xFFFFFFFF  }
0xbc: {  	_ =	strace $0x9000004E  }
0xbd: {  	_ =	sfence  }
0xbe: {  	s30 =	sld [smem:$0x0];
	_ =	sdelay $0x2  }
0xbf: {  	s31 =	sshll.u32 s1, $0xD;
	s1 =	sshrl.u32 s1, $0x2  }
0xc0: {  	s3 =	sand.u32 $0x4000, s31;
	s1 =	sadd.s32 s1, s30  }
0xc1: {  	s0 =	sor.u32 s3, s0;
	s1 =	sshll.u32 s1, $0x11  }
0xc2: {  	s0 =	sor.u32 s1, s0  }
0xc3: {  	s0 =	sadd.s32 $0x8F2B, s0  }
0xc4: {  	[sflag:s0] =	ssyncadd.remote.s32 $0x1  }
0xc5: {  	_ =	sfence.sel $0xFFFF  }
0xc6: {  	[dreg:$0x0] =	wrdreg $0xFFFFFFFF;
	(pc) =	sbr.abs _section_cstart, $3  }
0xc7: {  	[dreg:$0x1] =	wrdreg $0xFFFFFFFF  }
0xc8: {  	_ =	task.clear_ibuf [dreg:s7], $0x2FFFF;
	_ =	strace $0x9FFFFFFF  }
0xc9: {  	(tm) =	ssettm $0x7FFFFFFF  }
tec
execute0_lowered:
.L_overlay_start_1:
0x0: {  	(tag) =	ssettag $0x1  }
0x1: {  	s1 =	rddreg [dreg:$0x0]  }
0x2: {  	s5 =	rddreg [dreg:$0x1]  }
0x3: {  	s0 =	srdreg.scid;
	s3 =	rddreg [dreg:$0x2]  }
0x4: {  	s2 =	rddreg [dreg:$0x3];
	s6 =	sand.u32 $0x1, s0  }
0x5: {  	s0 =	stileid.u32;
	s7 =	smul.u32 $0x140000, s6  }
0x6: {  	s4 =	simm.s32 $0x0;
	s15 =	simm.s32 $0x2;
	s8 =	smul.u32 $0x14000, s0  }
0x7: {  	s16 =	simm.s32 $0x80;
	s17 =	simm.s32 $0x1;
	s9 =	smul.u32 $0xA000, s6  }
0x8: {  	s20 =	simm.s32 $0x0;
	[smem:$0x7FF] =	sst s4;
	s29 =	smul.u32 $0x50000, s0  }
0x9: {  	_ =	strace $0x8000004D;
	s6 =	ssub.s32 $0x2, s6;
	s18 =	sshll.u32 s0, $0x6  }
0xa: {  	s12 =	smul.u32 $0xA00, s0;
	s31 =	sshrl.u32 s6, $0x1;
	s18 =	sor.u32 $0x1C02, s18  }
0xb: {  	s7 =	sadd.s32 s8, s7;
	s10 =	sadd.s32 s9, s5;
	s30 =	sshrl.u32 s29, $0x2  }
0xc: {  	s13 =	ssub.s32 s6, s31;
	s7 =	sshrl.u32 s7, $0x3;
	s14 =	sadd.s32 s12, s10  }
0xd: {  	s11 =	sadd.s32 s7, s5;
	s5 =	sadd.s32 s30, s3;
	s12 =	sadd.s32 $0x16C00, s14  }
0xe: {  	s6 =	sadd.s32 $0x4000, s5;
	s7 =	sadd.s32 $0x8000, s5;
	s8 =	sadd.s32 $0xC000, s5  }
0xf: {  	s9 =	sadd.s32 $0x10000, s5;
	s10 =	sadd.s32 $0x52C00, s11;
	s11 =	smax.u32 s13, $0x1  }
0x10: {  	v0 =	vimm.f32 $0.0e+00;
	s13 =	sadd.s32 $0x2C00, s14;
	s14 =	simm.s32 $0x100;
	s19 =	sshrl.u32 s5, $0x3  }
.LBB2_1:
0x11: {  	s21 =	simm.s32 $0x0;
	s22 =	simm.s32 $0x200  }
.LBB2_2:
0x12: {  	p0 =	sne.s32 s22, $0xFE00;
	[tilespmem:s21+$0x170] =	vst v0  }
0x13: {  	[tilespmem:s21+$0x100] =	vst v0  }
0x14: {  	[tilespmem:s21+$0x110] =	vst v0  }
.Ltmp0:
0x15: {  	[tilespmem:s21+$0x120] =	vst v0;
	(pc) =	sbr.rel @p0 .LBB2_2-.Ltmp0, $4  }
0x16: {  	[tilespmem:s21+$0x130] =	vst v0  }
0x17: {  	[tilespmem:s21+$0x140] =	vst v0  }
0x18: {  	[tilespmem:s21+$0x150] =	vst v0  }
0x19: {  	[tilespmem:s21+$0x160] =	vst v0;
	s21 =	sshra.s32 s22, $0x2;
	s22 =	sadd.s32 $0x200, s22  }
0x1a: {  	[tilespmem:s21+$0x170] =	vst v0  }
0x1b: {  	[tilespmem:s21+$0x100] =	vst v0  }
0x1c: {  	[tilespmem:s21+$0x110] =	vst v0  }
0x1d: {  	[tilespmem:s21+$0x120] =	vst v0  }
0x1e: {  	[tilespmem:s21+$0x130] =	vst v0  }
0x1f: {  	[tilespmem:s21+$0x140] =	vst v0  }
0x20: {  	[tilespmem:s21+$0x150] =	vst v0  }
0x21: {  	[tilespmem:s21+$0x160] =	vst v0  }
0x22: {  	[spmem:s5] =	stream.linear.scatter [tilespmem:s14], [sflag:$0x2], $0x4000, $0x38;
	[tilespmem:$0x18100] =	vst v63  }
0x23: {  	_ =	swait.ge [sflag:s15], $0x4000  }
0x24: {  	[sflag:s15] =	ssyncset.done $0x0  }
0x25: {  	[sflag:s15] =	ssyncadd.s32 $0xFFFFC000  }
0x26: {  	[spmem:s6] =	stream.linear.scatter [tilespmem:s14], [sflag:$0x2], $0x4000, $0x38;
	[tilespmem:$0x18100] =	vst v63  }
0x27: {  	_ =	swait.ge [sflag:s15], $0x4000  }
0x28: {  	[sflag:s15] =	ssyncset.done $0x0  }
0x29: {  	[sflag:s15] =	ssyncadd.s32 $0xFFFFC000  }
0x2a: {  	[spmem:s7] =	stream.linear.scatter [tilespmem:s14], [sflag:$0x2], $0x4000, $0x38;
	[tilespmem:$0x18100] =	vst v63  }
0x2b: {  	_ =	swait.ge [sflag:s15], $0x4000  }
0x2c: {  	[sflag:s15] =	ssyncset.done $0x0  }
0x2d: {  	[sflag:s15] =	ssyncadd.s32 $0xFFFFC000  }
0x2e: {  	[spmem:s8] =	stream.linear.scatter [tilespmem:s14], [sflag:$0x2], $0x4000, $0x38;
	[tilespmem:$0x18100] =	vst v63  }
0x2f: {  	_ =	swait.ge [sflag:s15], $0x4000  }
0x30: {  	[sflag:s15] =	ssyncset.done $0x0  }
0x31: {  	[sflag:s15] =	ssyncadd.s32 $0xFFFFC000  }
0x32: {  	[spmem:s9] =	stream.linear.scatter [tilespmem:s14], [sflag:$0x2], $0x4000, $0x38;
	[tilespmem:$0x18100] =	vst v63  }
0x33: {  	_ =	swait.ge [sflag:s15], $0x4000  }
0x34: {  	[sflag:s15] =	ssyncset.done $0x0  }
0x35: {  	[sflag:s15] =	ssyncadd.s32 $0xFFFFC000  }
0x36: {  	s30 =	sadd.s32 $0x0, s13;
	[bflag:$0x0] =	sbarrier.arrive $0xFFFF  }
0x37: {  	[tilespmem:s4], [sflag:$0x2] =	stream.linear.gather [hbm4b:s30+s4], $0x80, $0x38;
	[tilespmem:$0x18100] =	vst v63  }
0x38: {  	_ =	swait.ge [sflag:s15], $0x80  }
0x39: {  	[sflag:s15] =	ssyncset.done $0x0  }
0x3a: {  	s31 =	sadd.s32 $0x0, s12;
	[sflag:s15] =	ssyncadd.s32 $0xFFFFFF80  }
0x3b: {  	[tilespmem:s16], [sflag:$0x2] =	stream.linear.gather [hbm4b:s31+s4], $0x80, $0x38;
	[tilespmem:$0x18100] =	vst v63  }
0x3c: {  	_ =	swait.ge [sflag:s15], $0x80  }
0x3d: {  	[sflag:s15] =	ssyncset.done $0x0  }
0x3e: {  	[sflag:s15] =	ssyncadd.s32 $0xFFFFFF80  }
0x3f: {  	[tilespmem:s14], [sflag:$0x1] =	stream.indirect.gather [hbm4b:s1+s16], $0x80, s4, s16, $0xb8;
	[tilespmem:$0x18100] =	vst v63  }
0x40: {  	_ =	swait.ge [sflag:s17], $0x4000  }
0x41: {  	[sflag:s17] =	ssyncset.done $0x0  }
0x42: {  	[sflag:s17] =	ssyncadd.s32 $0xFFFFC000  }
0x43: {  	[spmem:s3] =	stream.indirect.scatter.add.f32 [tilespmem:s14], [sflag:$0x2], $0x80, s16, s16, $0xb8;
	[tilespmem:$0x18100] =	vst v63  }
0x44: {  	_ =	swait.ge [sflag:s15], $0x4000  }
0x45: {  	s21 =	simm.s32 $0x10;
	s22 =	simm.s32 $0x20;
	[sflag:s15] =	ssyncset.done $0x0  }
.LBB2_4:
0x46: {  	s23 =	sadd.s32 s21, s13  }
0x47: {  	[sflag:s15] =	ssyncadd.s32 $0xFFFFC000;
	s24 =	smov.u32 s22;
	s25 =	sadd.s32 $0x10, s22  }
0x48: {  	[tilespmem:s4], [sflag:$0x2] =	stream.linear.gather [hbm4b:s23+s4], $0x80, $0x38;
	[tilespmem:$0x18100] =	vst v63  }
0x49: {  	p0 =	sne.s32 s22, $0x9F0;
	_ =	swait.ge [sflag:s15], $0x80  }
0x4a: {  	[sflag:s15] =	ssyncset.done $0x0  }
0x4b: {  	s22 =	sadd.s32 s21, s12;
	s21 =	smov.u32 s24;
	[sflag:s15] =	ssyncadd.s32 $0xFFFFFF80  }
0x4c: {  	[tilespmem:s16], [sflag:$0x2] =	stream.linear.gather [hbm4b:s22+s4], $0x80, $0x38;
	[tilespmem:$0x18100] =	vst v63  }
0x4d: {  	_ =	swait.ge [sflag:s15], $0x80  }
0x4e: {  	[sflag:s15] =	ssyncset.done $0x0  }
0x4f: {  	[sflag:s15] =	ssyncadd.s32 $0xFFFFFF80  }
0x50: {  	[tilespmem:s14], [sflag:$0x1] =	stream.indirect.gather [hbm4b:s1+s16], $0x80, s4, s16, $0xb8;
	[tilespmem:$0x18100] =	vst v63  }
0x51: {  	_ =	swait.ge [sflag:s17], $0x4000  }
.Ltmp1:
0x52: {  	[sflag:s17] =	ssyncset.done $0x0;
	(pc) =	sbr.rel @p0 .LBB2_4-.Ltmp1, $4  }
0x53: {  	[sflag:s17] =	ssyncadd.s32 $0xFFFFC000  }
0x54: {  	[spmem:s3] =	stream.indirect.scatter.add.f32 [tilespmem:s14], [sflag:$0x2], $0x80, s16, s16, $0xb8;
	[tilespmem:$0x18100] =	vst v63  }
0x55: {  	_ =	swait.ge [sflag:s15], $0x4000  }
0x56: {  	s22 =	smov.u32 s25;
	[sflag:s15] =	ssyncset.done $0x0  }
0x57: {  	s22 =	sadd.s32 s21, s13;
	[sflag:s15] =	ssyncadd.s32 $0xFFFFC000  }
0x58: {  	[tilespmem:s4], [sflag:$0x2] =	stream.linear.gather [hbm4b:s22+s4], $0x80, $0x38;
	[tilespmem:$0x18100] =	vst v63  }
0x59: {  	_ =	swait.ge [sflag:s15], $0x80  }
0x5a: {  	[sflag:s15] =	ssyncset.done $0x0  }
0x5b: {  	s31 =	sadd.s32 s21, s12;
	[sflag:s15] =	ssyncadd.s32 $0xFFFFFF80  }
0x5c: {  	[tilespmem:s16], [sflag:$0x2] =	stream.linear.gather [hbm4b:s31+s4], $0x80, $0x38;
	[tilespmem:$0x18100] =	vst v63  }
0x5d: {  	_ =	swait.ge [sflag:s15], $0x80  }
0x5e: {  	[sflag:s15] =	ssyncset.done $0x0  }
0x5f: {  	[sflag:s15] =	ssyncadd.s32 $0xFFFFFF80  }
0x60: {  	[tilespmem:s14], [sflag:$0x1] =	stream.indirect.gather [hbm4b:s1+s16], $0x80, s4, s16, $0xb8;
	[tilespmem:$0x18100] =	vst v63  }
0x61: {  	_ =	swait.ge [sflag:s17], $0x4000  }
0x62: {  	[sflag:s17] =	ssyncset.done $0x0  }
0x63: {  	[sflag:s17] =	ssyncadd.s32 $0xFFFFC000  }
0x64: {  	[spmem:s3] =	stream.indirect.scatter.add.f32 [tilespmem:s14], [sflag:$0x2], $0x80, s16, s16, $0xb8;
	[tilespmem:$0x18100] =	vst v63  }
0x65: {  	_ =	swait.ge [sflag:s15], $0x4000  }
0x66: {  	s20 =	sadd.s32 $0x1, s20;
	[sflag:s15] =	ssyncset.done $0x0  }
0x67: {  	p0 =	sne.s32 s20, s11;
	[sflag:s15] =	ssyncadd.s32 $0xFFFFC000  }
.Ltmp2:
0x68: {  	[bflag:$0x0] =	sbarrier.arrive $0xFFFF;
	(pc) =	sbr.rel @p0 .LBB2_1-.Ltmp2, $4  }
0x69: {  	[hbm:s10], [sflag:s18] =	dma.local [spmem:s19], $0x2800  }
0x6a: {  	_ =	swait.ge [sflag:s15], $0x2800  }
0x6b: {  	[sflag:s15] =	ssyncset.done $0x0  }
0x6c: {  	[sflag:s15] =	ssyncadd.s32 $0xFFFFD800  }
0x6d: {  	_ =	sfence.sel $0x180000  }
0x6e: {  	[bflag:$0x0] =	sbarrier.arrive $0xFFFF  }
0x6f: {  	p0 =	sne.s32 s0, $0x0;
	_ =	strace $0x9000004D  }
0x70: {  	s0 =	sadd.s32 @!p0 $0x100000, s2;
	[bflag:$0x2] =	sbarrier.arrive $0xFFFF  }
0x71: {  	[sflag:s0] =	ssyncadd.tile.s32 @!p0 $0x1;
	_ =	shalt  }
.Lfunc_end2:
_tile_overlayer_lowered:
.L_overlay_start_2:
0x72: {  	(tag) =	ssettag $0x2  }
0x73: {  	s0 =	rddreg [dreg:$0x0];
	s2 =	stileid.u32  }
0x74: {  	s1 =	rddreg [dreg:$0x1];
	p0 =	sne.s32 s2, $0x0  }
0x75: {  	s3 =	rddreg [dreg:$0x2];
	[bflag:$0x3] =	sbarrier.arrive $0xFFFF;
	s2 =	simm.s32 @!p0 $0x1C02  }
0x76: {  	[timem:s3], [sflag:s2] =	dma.local @!p0 [hbm:s0], s1  }
0x77: {  	s0 =	simm.s32 @!p0 $0x2  }
0x78: {  	_ =	swait.ge @!p0 [sflag:s0], s1  }
0x79: {  	s1 =	ssub.s32 @!p0 $0x0, s1;
	[sflag:s0] =	ssyncset.done @!p0 $0x0  }
0x7a: {  	[sflag:s0] =	ssyncadd.s32 @!p0 s1  }
0x7b: {  	[bflag:$0x3] =	sbarrier.arrive $0xFFFF  }
0x7c: {  	_ =	shalt  }

// kernel: kernel.21.cloned.1.call-start
scs
__scs_entry_jumppad:
0x0: {  	(pc) =	sbr.rel $0x88, $3  }
0x1: {  	(tag) =	ssettag $0x0;
	lr =	simm.s32 $0x1  }
0x2: {  	[smem:$0x3F99] =	sst lr;
	_ =	strace $0xD0000000  }
0x3: {  	_ = 	snop  }
0x4: {  	_ = 	snop  }
0x5: {  	_ = 	snop  }
0x6: {  	_ = 	snop  }
0x7: {  	_ = 	snop  }
__scs_overlays_trampoline_lowered:
0x8: {  	[smem:$0x3FA8] =	sst s0  }
0x9: {  	[smem:$0x3FA9] =	sst s1  }
0xa: {  	[smem:$0x3FAA] =	sst s2  }
0xb: {  	[smem:$0x3FAB] =	sst s3  }
0xc: {  	[smem:$0x3FAC] =	sst s4  }
0xd: {  	[smem:$0x3FAD] =	sst s5  }
0xe: {  	[smem:$0x3FAE] =	sst s6  }
0xf: {  	[smem:$0x3FAF] =	sst s7  }
0x10: {  	[smem:$0x3FB0] =	sst s8  }
0x11: {  	[smem:$0x3FB1] =	sst s9;
	s0 =	simm.s32 @!p0 $0x0  }
0x12: {  	s1 =	sld [smem:$0x3F97];
	s0 =	simm.s32 @p0 $0x1  }
0x13: {  	[smem:$0x3FB2] =	sst s0;
	s0 =	simm.s32 @!p1 $0x0  }
0x14: {  	s2 =	sld [smem:$0x3F96];
	s0 =	simm.s32 @p1 $0x1  }
0x15: {  	[smem:$0x3FB3] =	sst s0;
	s0 =	simm.s32 @!p2 $0x0  }
0x16: {  	s3 =	sld [smem:$0x3FDB];
	s0 =	simm.s32 @p2 $0x1  }
0x17: {  	s4 =	simm.s32 $0x1BF5;
	[smem:$0x3FB5] =	sst s0  }
0x18: {  	s0 =	sld [smem:$0x3F98];
	_ =	swait.ge [sflag:s4], $0x0  }
0x19: {  	s7 =	sld [smem:$0x3F99]  }
0x1a: {  	s8 =	sadd.s32 $0xFFFFE003, lr  }
0x1b: {  	s9 =	sadd.s32 $0xFFFFFEF7, lr;
	s5 =	simm.s32 $0xFFFFFFFF;
	p2 =	slt.u32 s8, $0xFFFFF086  }
0x1c: {  	p1 =	slt.u32 s9, $0xF7A;
	s5 =	simm.s32 @!p2 $0x0  }
0x1d: {  	s5 =	simm.s32 @p1 $0x1;
	p0 =	seq.s32 s7, s2  }
0x1e: {  	s7 =	smul.u32 @!p0 $0xF7A, s2;
	p2 =	seq.s32 @!p0 s5, $0x0  }
0x1f: {  	s9 =	smul.u32 $0xF7A, s1;
	s8 =	simm.s32 @!p0 $0x1BF5;
	p2 =	por !p2, p0  }
0x20: {  	[sflag:s8] =	ssyncset.s32 @!p0 $0xFFFFF086;
	s6 =	sadd.s32 @!p0 s3, s7;
	s7 =	simm.s32 @!p0 $0x108  }
0x21: {  	s3 =	sadd.s32 s3, s9;
	s6 =	sadd.s32 @!p0 $0x88, s6;
	s7 =	simm.s32 @p2 $0x1082  }
0x22: {  	[simem:s7], [sflag:s8] =	dma.local @!p0 [hbm:s6], $0xF7A  }
0x23: {  	s9 =	sor.u32 $0xD0000000, s2;
	s6 =	simm.s32 $0x108;
	_ =	swait.ge @!p0 [sflag:s8], $0x0  }
0x24: {  	s3 =	sadd.s32 $0x88, s3;
	s6 =	simm.s32 @!p1 $0x1082;
	[sflag:s4] =	ssyncset.s32 $0xFFFFF086  }
0x25: {  	[simem:s6], [sflag:s4] =	dma.local [hbm:s3], $0xF7A  }
0x26: {  	[smem:$0x3F99] =	sst s1;
	(tag) =	ssettag s2;
	_ =	strace s9  }
0x27: {  	s1 =	sld [smem:$0x3FA9]  }
0x28: {  	s2 =	sld [smem:$0x3FAA]  }
0x29: {  	s4 =	sld [smem:$0x3FAC]  }
0x2a: {  	p0 =	seq.s32 s5, $0x0;
	s5 =	sld [smem:$0x3FAD]  }
0x2b: {  	s6 =	sld [smem:$0x3FAE]  }
0x2c: {  	s7 =	sld [smem:$0x3FAF]  }
0x2d: {  	s3 =	simm.s32 $0x108;
	s8 =	sld [smem:$0x3FB0]  }
0x2e: {  	s3 =	simm.s32 @!p0 $0x1082;
	s9 =	sld [smem:$0x3FB1]  }
0x2f: {  	lr =	sadd.s32 s0, s3;
	s0 =	sld [smem:$0x3FA8]  }
0x30: {  	s3 =	sld [smem:$0x3FAB]  }
0x31: {  	[smem:$0x3FB4] =	sst s10  }
0x32: {  	s10 =	sld [smem:$0x3FB2];
	_ =	sdelay $0x3  }
0x33: {  	p0 =	seq.s32 s10, $0x1;
	s10 =	sld [smem:$0x3FB4];
	_ =	sdelay $0x3  }
0x34: {  	[smem:$0x3FB4] =	sst s10  }
0x35: {  	s10 =	sld [smem:$0x3FB3];
	_ =	sdelay $0x3  }
0x36: {  	p1 =	seq.s32 s10, $0x1;
	s10 =	sld [smem:$0x3FB4];
	_ =	sdelay $0x3  }
0x37: {  	[smem:$0x3FB4] =	sst s10  }
0x38: {  	s10 =	sld [smem:$0x3FB5]  }
0x39: {  	_ = 	snop;
	(pc) =	sbr.ind lr, $3  }
0x3a: {  	_ = 	snop  }
0x3b: {  	_ = 	snop  }
0x3c: {  	p2 =	seq.s32 s10, $0x1;
	s10 =	sld [smem:$0x3FB4]  }
0x3d: {  	_ =	shalt  }
0x3e: {  	_ =	shalt  }
0x3f: {  	_ =	shalt  }
0x40: {  	_ =	shalt  }
0x41: {  	_ =	shalt  }
0x42: {  	_ =	shalt  }
0x43: {  	_ =	shalt  }
0x44: {  	_ =	shalt  }
0x45: {  	_ =	shalt  }
0x46: {  	_ =	shalt  }
0x47: {  	_ =	shalt  }
0x48: {  	_ =	shalt  }
0x49: {  	_ =	shalt  }
0x4a: {  	_ =	shalt  }
0x4b: {  	_ =	shalt  }
0x4c: {  	_ =	shalt  }
0x4d: {  	_ =	shalt  }
0x4e: {  	_ =	shalt  }
0x4f: {  	_ =	shalt  }
0x50: {  	_ =	shalt  }
0x51: {  	_ =	shalt  }
0x52: {  	_ =	shalt  }
0x53: {  	_ =	shalt  }
0x54: {  	_ =	shalt  }
0x55: {  	_ =	shalt  }
0x56: {  	_ =	shalt  }
0x57: {  	_ =	shalt  }
0x58: {  	_ =	shalt  }
0x59: {  	_ =	shalt  }
0x5a: {  	_ =	shalt  }
0x5b: {  	_ =	shalt  }
0x5c: {  	_ =	shalt  }
0x5d: {  	_ =	shalt  }
0x5e: {  	_ =	shalt  }
0x5f: {  	_ =	shalt  }
0x60: {  	_ =	shalt  }
0x61: {  	_ =	shalt  }
0x62: {  	_ =	shalt  }
0x63: {  	_ =	shalt  }
0x64: {  	_ =	shalt  }
0x65: {  	_ =	shalt  }
0x66: {  	_ =	shalt  }
0x67: {  	_ =	shalt  }
0x68: {  	_ =	shalt  }
0x69: {  	_ =	shalt  }
0x6a: {  	_ =	shalt  }
0x6b: {  	_ =	shalt  }
0x6c: {  	_ =	shalt  }
0x6d: {  	_ =	shalt  }
0x6e: {  	_ =	shalt  }
0x6f: {  	_ =	shalt  }
0x70: {  	_ =	shalt  }
0x71: {  	_ =	shalt  }
0x72: {  	_ =	shalt  }
0x73: {  	_ =	shalt  }
0x74: {  	_ =	shalt  }
0x75: {  	_ =	shalt  }
0x76: {  	_ =	shalt  }
0x77: {  	_ =	shalt  }
0x78: {  	_ =	shalt  }
0x79: {  	_ =	shalt  }
0x7a: {  	_ =	shalt  }
0x7b: {  	_ =	shalt  }
0x7c: {  	_ =	shalt  }
0x7d: {  	_ =	shalt  }
0x7e: {  	_ =	shalt  }
0x7f: {  	_ =	shalt  }
0x80: {  	_ =	shalt  }
0x81: {  	_ =	shalt  }
0x82: {  	_ =	shalt  }
0x83: {  	_ =	shalt  }
0x84: {  	_ =	shalt  }
0x85: {  	_ =	shalt  }
0x86: {  	_ =	shalt  }
0x87: {  	_ =	shalt  }
.Lfunc_end0:
.L_simem_size_0:
called_computation.3_lowered:
.L_overlay_start_0:
0x88: {  	s2 =	sld [smem:$0x3FD9]  }
0x89: {  	s3 =	sld [smem:$0x3FFE];
	_ =	sdelay $0x1  }
0x8a: {  	s1 =	srdreg.scid  }
0x8b: {  	s0 =	sand.u32 $0x1, s1  }
0x8c: {  	s15 =	sshll.u32 s0, $0xA;
	s2 =	sadd.s32 s3, s2  }
0x8d: {  	s2 =	sadd.s32 s2, s15  }
0x8e: {  	[smem:$0x3FC0] =	sst s2  }
0x8f: {  	_ = 	snop  }
0x90: {  	s2 =	sld [smem:$0x3FD0];
	_ =	sdelay $0x2  }
0x91: {  	s16 =	simm.s32 $0xB;
	s4 =	simm.s32 $0x10  }
0x92: {  	[smem:s4], [sflag:s16] =	dma.local [hbm:s2], $0x1  }
0x93: {  	_ =	swait.eq [sflag:s16], $0x1  }
0x94: {  	[sflag:s16] =	ssyncset.done $0x0  }
0x95: {  	[sflag:s16] =	ssyncadd.s32 $0xFFFFFFFF  }
0x96: {  	s17 =	sld [smem:$0x10];
	(tm) =	ssettm $0x1  }
0x97: {  	s18 =	sld [smem:$0x3FFB];
	_ =	sdelay $0x3  }
0x98: {  	_ =	strace s18  }
0x99: {  	s2 =	sld [smem:$0x3FFC];
	_ =	sdelay $0x3  }
0x9a: {  	_ =	strace s2  }
0x9b: {  	s2 =	sld [smem:$0x3FFD];
	_ =	sdelay $0x3  }
0x9c: {  	_ =	strace s2  }
0x9d: {  	_ =	strace $0x8FFFFFFF  }
0x9e: {  	s19 =	sld [smem:$0x3FDB];
	_ =	sdelay $0x1  }
0x9f: {  	s20 =	simm.s32 $_scs_section_size  }
0xa0: {  	s5 =	simm.s32 $_size__tile_overlayer_lowered;
	s6 =	simm.s32 $_tile_overlayer_lowered  }
0xa1: {  	s7 =	simm.s32 $0x1BFF;
	s21 =	sshll.u32 s6, $0x1;
	s4 =	sadd.s32 s20, s19  }
0xa2: {  	s22 =	simm.s32 $0x0;
	s5 =	sshll.u32 s5, $0x1;
	s6 =	sadd.s32 s21, s4  }
0xa3: {  	[timem:s22], [sflag:s7] =	dma.local [hbm:s6], s5  }
0xa4: {  	_ =	swait.ge [sflag:s7], s5  }
0xa5: {  	s5 =	ssub.s32 $0x0, s5;
	[sflag:s7] =	ssyncset.done $0x0  }
0xa6: {  	[sflag:s7] =	ssyncadd.s32 s5;
	_ =	sdelay $0x1  }
0xa7: {  	s23 =	simm.s32 $0x1B8B  }
0xa8: {  	_ =	swait.ge [sflag:s23], $0x1  }
0xa9: {  	[sflag:s23] =	ssyncset.done $0x0  }
0xaa: {  	[sflag:s23] =	ssyncadd.s32 $0xFFFFFFFF  }
0xab: {  	s5 =	sld [smem:$0x0]  }
0xac: {  	s6 =	sand.u32 $0xFFFFFFFE, s1  }
0xad: {  	p0 =	sne.s32 s1, s6  }
0xae: {  	s6 =	sshll.u32 @p0 s6, $0xE  }
0xaf: {  	s6 =	sadd.s32 @p0 $0x11B8D, s6;
	s7 =	sshll.u32 @p0 s5, $0x11  }
0xb0: {  	s6 =	sor.u32 @p0 s7, s6  }
0xb1: {  	[sflag:s6] =	ssyncadd.remote.s32 @p0 $0x1;
	_ =	sdelay $0x1  }
0xb2: {  	s6 =	simm.s32 @p0 $0x1B8D  }
0xb3: {  	_ =	swait.eq @p0 [sflag:s6], $0x1  }
0xb4: {  	[sflag:s6] =	ssyncadd.s32 @p0 $0xFFFFFFFF  }
0xb5: {  	s7 =	sshll.u32 @!p0 s1, $0xE  }
0xb6: {  	s7 =	sor.u32 @!p0 $0x4000, s7;
	s6 =	simm.s32 @!p0 $0x1B8D  }
0xb7: {  	s5 =	sshll.u32 @!p0 s5, $0x11;
	s7 =	sadd.s32 @!p0 $0x11B8D, s7;
	_ =	swait.eq @!p0 [sflag:s6], $0x1  }
0xb8: {  	s5 =	sor.u32 @!p0 s5, s7;
	[sflag:s6] =	ssyncadd.s32 @!p0 $0xFFFFFFFF  }
0xb9: {  	s25 =	simm.s32 $0x1B8E;
	s24 =	sld [smem:$0x3FFE];
	[sflag:s5] =	ssyncadd.remote.s32 @!p0 $0x1  }
0xba: {  	s26 =	simm.s32 $execute0_lowered;
	[smem:$0x3FD2] =	sst s25  }
0xbb: {  	s6 =	sshll.u32 s26, $0x1;
	_ =	strace $0x80000052;
	[dreg:$0x1] =	wrdreg $0xFFFFFFFF  }
0xbc: {  	s28 =	simm.s32 $_size_execute0_lowered;
	s4 =	sadd.s32 s4, s6;
	[dreg:$0x0] =	wrdreg $0x0  }
0xbd: {  	s6 =	sshll.u32 s28, $0x1;
	[dreg:$0x2] =	wrdreg s4  }
0xbe: {  	[dreg:$0x3] =	wrdreg s6  }
0xbf: {  	[dreg:$0x4] =	wrdreg $0xC0  }
0xc0: {  	_ =	task [dreg:s22], $0x5FFFF  }
0xc1: {  	[dreg:$0x1] =	wrdreg $0xFFFFFFFF  }
0xc2: {  	[dreg:$0x0] =	wrdreg $0x60  }
0xc3: {  	[dreg:$0x2] =	wrdreg s17  }
0xc4: {  	[dreg:$0x3] =	wrdreg s24  }
0xc5: {  	[dreg:$0x4] =	wrdreg $0x41000  }
0xc6: {  	[dreg:$0x5] =	wrdreg $0xA  }
0xc7: {  	_ =	task.clear_ibuf [dreg:s22], $0x6FFFF;
	_ =	strace $0x90000052  }
0xc8: {  	s29 =	simm.s32 $0xA;
	_ =	strace $0x80000054  }
0xc9: {  	_ =	swait.ge [sflag:s29], $0x1  }
0xca: {  	[sflag:s29] =	ssyncadd.s32 $0xFFFFFFFF  }
0xcb: {  	_ =	strace $0x90000054  }
0xcc: {  	_ =	sfence  }
0xcd: {  	s30 =	sld [smem:$0x0];
	_ =	sdelay $0x2  }
0xce: {  	s31 =	sshll.u32 s1, $0xD;
	s1 =	sshrl.u32 s1, $0x2  }
0xcf: {  	s4 =	sand.u32 $0x4000, s31;
	s1 =	sadd.s32 s1, s30  }
0xd0: {  	s0 =	sor.u32 s4, s0;
	s1 =	sshll.u32 s1, $0x11  }
0xd1: {  	s0 =	sor.u32 s1, s0  }
0xd2: {  	s0 =	sadd.s32 $0x8F2B, s0  }
0xd3: {  	[sflag:s0] =	ssyncadd.remote.s32 $0x1  }
0xd4: {  	_ =	sfence.sel $0xFFFF  }
0xd5: {  	[dreg:$0x0] =	wrdreg $0xFFFFFFFF;
	(pc) =	sbr.abs _section_cstart, $3  }
0xd6: {  	[dreg:$0x1] =	wrdreg $0xFFFFFFFF  }
0xd7: {  	_ =	task.clear_ibuf [dreg:s22], $0x2FFFF;
	_ =	strace $0x9FFFFFFF  }
0xd8: {  	(tm) =	ssettm $0x7FFFFFFF  }
0xd9: {  	_ =	shalt  }
tec
execute0_lowered:
.L_overlay_start_1:
0x0: {  	(tag) =	ssettag $0x1  }
0x1: {  	s1 =	rddreg [dreg:$0x0]  }
0x2: {  	s5 =	rddreg [dreg:$0x1]  }
0x3: {  	s0 =	srdreg.scid;
	s3 =	rddreg [dreg:$0x2]  }
0x4: {  	s2 =	rddreg [dreg:$0x3];
	s6 =	sand.u32 $0x1, s0  }
0x5: {  	s0 =	stileid.u32;
	s7 =	smul.u32 $0x140000, s6  }
0x6: {  	s4 =	simm.s32 $0x0;
	s15 =	simm.s32 $0x2;
	s8 =	smul.u32 $0x14000, s0  }
0x7: {  	s16 =	simm.s32 $0x80;
	s17 =	simm.s32 $0x1;
	s9 =	smul.u32 $0xA000, s6  }
0x8: {  	s20 =	simm.s32 $0x0;
	[smem:$0x7FF] =	sst s4;
	s29 =	smul.u32 $0x50000, s0  }
0x9: {  	_ =	strace $0x80000053;
	s6 =	ssub.s32 $0x2, s6;
	s18 =	sshll.u32 s0, $0x6  }
0xa: {  	s12 =	smul.u32 $0xA00, s0;
	s31 =	sshrl.u32 s6, $0x1;
	s18 =	sor.u32 $0x1C02, s18  }
0xb: {  	s7 =	sadd.s32 s8, s7;
	s10 =	sadd.s32 s9, s5;
	s30 =	sshrl.u32 s29, $0x2  }
0xc: {  	s13 =	ssub.s32 s6, s31;
	s7 =	sshrl.u32 s7, $0x3;
	s14 =	sadd.s32 s12, s10  }
0xd: {  	s11 =	sadd.s32 s7, s5;
	s5 =	sadd.s32 s30, s3;
	s12 =	sadd.s32 $0x2AC00, s14  }
0xe: {  	s6 =	sadd.s32 $0x4000, s5;
	s7 =	sadd.s32 $0x8000, s5;
	s8 =	sadd.s32 $0xC000, s5  }
0xf: {  	s9 =	sadd.s32 $0x10000, s5;
	s10 =	sadd.s32 $0x52C00, s11;
	s11 =	smax.u32 s13, $0x1  }
0x10: {  	v0 =	vimm.f32 $0.0e+00;
	s13 =	sadd.s32 $0x3EC00, s14;
	s14 =	simm.s32 $0x100;
	s19 =	sshrl.u32 s5, $0x3  }
.LBB2_1:
0x11: {  	s21 =	simm.s32 $0x0;
	s22 =	simm.s32 $0x200  }
.LBB2_2:
0x12: {  	p0 =	sne.s32 s22, $0xFE00;
	[tilespmem:s21+$0x170] =	vst v0  }
0x13: {  	[tilespmem:s21+$0x100] =	vst v0  }
0x14: {  	[tilespmem:s21+$0x110] =	vst v0  }
.Ltmp0:
0x15: {  	[tilespmem:s21+$0x120] =	vst v0;
	(pc) =	sbr.rel @p0 .LBB2_2-.Ltmp0, $4  }
0x16: {  	[tilespmem:s21+$0x130] =	vst v0  }
0x17: {  	[tilespmem:s21+$0x140] =	vst v0  }
0x18: {  	[tilespmem:s21+$0x150] =	vst v0  }
0x19: {  	[tilespmem:s21+$0x160] =	vst v0;
	s21 =	sshra.s32 s22, $0x2;
	s22 =	sadd.s32 $0x200, s22  }
0x1a: {  	[tilespmem:s21+$0x170] =	vst v0  }
0x1b: {  	[tilespmem:s21+$0x100] =	vst v0  }
0x1c: {  	[tilespmem:s21+$0x110] =	vst v0  }
0x1d: {  	[tilespmem:s21+$0x120] =	vst v0  }
0x1e: {  	[tilespmem:s21+$0x130] =	vst v0  }
0x1f: {  	[tilespmem:s21+$0x140] =	vst v0  }
0x20: {  	[tilespmem:s21+$0x150] =	vst v0  }
0x21: {  	[tilespmem:s21+$0x160] =	vst v0  }
0x22: {  	[spmem:s5] =	stream.linear.scatter [tilespmem:s14], [sflag:$0x2], $0x4000, $0x38;
	[tilespmem:$0x18100] =	vst v63  }
0x23: {  	_ =	swait.ge [sflag:s15], $0x4000  }
0x24: {  	[sflag:s15] =	ssyncset.done $0x0  }
0x25: {  	[sflag:s15] =	ssyncadd.s32 $0xFFFFC000  }
0x26: {  	[spmem:s6] =	stream.linear.scatter [tilespmem:s14], [sflag:$0x2], $0x4000, $0x38;
	[tilespmem:$0x18100] =	vst v63  }
0x27: {  	_ =	swait.ge [sflag:s15], $0x4000  }
0x28: {  	[sflag:s15] =	ssyncset.done $0x0  }
0x29: {  	[sflag:s15] =	ssyncadd.s32 $0xFFFFC000  }
0x2a: {  	[spmem:s7] =	stream.linear.scatter [tilespmem:s14], [sflag:$0x2], $0x4000, $0x38;
	[tilespmem:$0x18100] =	vst v63  }
0x2b: {  	_ =	swait.ge [sflag:s15], $0x4000  }
0x2c: {  	[sflag:s15] =	ssyncset.done $0x0  }
0x2d: {  	[sflag:s15] =	ssyncadd.s32 $0xFFFFC000  }
0x2e: {  	[spmem:s8] =	stream.linear.scatter [tilespmem:s14], [sflag:$0x2], $0x4000, $0x38;
	[tilespmem:$0x18100] =	vst v63  }
0x2f: {  	_ =	swait.ge [sflag:s15], $0x4000  }
0x30: {  	[sflag:s15] =	ssyncset.done $0x0  }
0x31: {  	[sflag:s15] =	ssyncadd.s32 $0xFFFFC000  }
0x32: {  	[spmem:s9] =	stream.linear.scatter [tilespmem:s14], [sflag:$0x2], $0x4000, $0x38;
	[tilespmem:$0x18100] =	vst v63  }
0x33: {  	_ =	swait.ge [sflag:s15], $0x4000  }
0x34: {  	[sflag:s15] =	ssyncset.done $0x0  }
0x35: {  	[sflag:s15] =	ssyncadd.s32 $0xFFFFC000  }
0x36: {  	s30 =	sadd.s32 $0x0, s13;
	[bflag:$0x0] =	sbarrier.arrive $0xFFFF  }
0x37: {  	[tilespmem:s4], [sflag:$0x2] =	stream.linear.gather [hbm4b:s30+s4], $0x80, $0x38;
	[tilespmem:$0x18100] =	vst v63  }
0x38: {  	_ =	swait.ge [sflag:s15], $0x80  }
0x39: {  	[sflag:s15] =	ssyncset.done $0x0  }
0x3a: {  	s31 =	sadd.s32 $0x0, s12;
	[sflag:s15] =	ssyncadd.s32 $0xFFFFFF80  }
0x3b: {  	[tilespmem:s16], [sflag:$0x2] =	stream.linear.gather [hbm4b:s31+s4], $0x80, $0x38;
	[tilespmem:$0x18100] =	vst v63  }
0x3c: {  	_ =	swait.ge [sflag:s15], $0x80  }
0x3d: {  	[sflag:s15] =	ssyncset.done $0x0  }
0x3e: {  	[sflag:s15] =	ssyncadd.s32 $0xFFFFFF80  }
0x3f: {  	[tilespmem:s14], [sflag:$0x1] =	stream.indirect.gather [hbm4b:s1+s16], $0x80, s4, s16, $0xb8;
	[tilespmem:$0x18100] =	vst v63  }
0x40: {  	_ =	swait.ge [sflag:s17], $0x4000  }
0x41: {  	[sflag:s17] =	ssyncset.done $0x0  }
0x42: {  	[sflag:s17] =	ssyncadd.s32 $0xFFFFC000  }
0x43: {  	[spmem:s3] =	stream.indirect.scatter.add.f32 [tilespmem:s14], [sflag:$0x2], $0x80, s16, s16, $0xb8;
	[tilespmem:$0x18100] =	vst v63  }
0x44: {  	_ =	swait.ge [sflag:s15], $0x4000  }
0x45: {  	s21 =	simm.s32 $0x10;
	s22 =	simm.s32 $0x20;
	[sflag:s15] =	ssyncset.done $0x0  }
.LBB2_4:
0x46: {  	s23 =	sadd.s32 s21, s13  }
0x47: {  	[sflag:s15] =	ssyncadd.s32 $0xFFFFC000;
	s24 =	smov.u32 s22;
	s25 =	sadd.s32 $0x10, s22  }
0x48: {  	[tilespmem:s4], [sflag:$0x2] =	stream.linear.gather [hbm4b:s23+s4], $0x80, $0x38;
	[tilespmem:$0x18100] =	vst v63  }
0x49: {  	p0 =	sne.s32 s22, $0x9F0;
	_ =	swait.ge [sflag:s15], $0x80  }
0x4a: {  	[sflag:s15] =	ssyncset.done $0x0  }
0x4b: {  	s22 =	sadd.s32 s21, s12;
	s21 =	smov.u32 s24;
	[sflag:s15] =	ssyncadd.s32 $0xFFFFFF80  }
0x4c: {  	[tilespmem:s16], [sflag:$0x2] =	stream.linear.gather [hbm4b:s22+s4], $0x80, $0x38;
	[tilespmem:$0x18100] =	vst v63  }
0x4d: {  	_ =	swait.ge [sflag:s15], $0x80  }
0x4e: {  	[sflag:s15] =	ssyncset.done $0x0  }
0x4f: {  	[sflag:s15] =	ssyncadd.s32 $0xFFFFFF80  }
0x50: {  	[tilespmem:s14], [sflag:$0x1] =	stream.indirect.gather [hbm4b:s1+s16], $0x80, s4, s16, $0xb8;
	[tilespmem:$0x18100] =	vst v63  }
0x51: {  	_ =	swait.ge [sflag:s17], $0x4000  }
.Ltmp1:
0x52: {  	[sflag:s17] =	ssyncset.done $0x0;
	(pc) =	sbr.rel @p0 .LBB2_4-.Ltmp1, $4  }
0x53: {  	[sflag:s17] =	ssyncadd.s32 $0xFFFFC000  }
0x54: {  	[spmem:s3] =	stream.indirect.scatter.add.f32 [tilespmem:s14], [sflag:$0x2], $0x80, s16, s16, $0xb8;
	[tilespmem:$0x18100] =	vst v63  }
0x55: {  	_ =	swait.ge [sflag:s15], $0x4000  }
0x56: {  	s22 =	smov.u32 s25;
	[sflag:s15] =	ssyncset.done $0x0  }
0x57: {  	s22 =	sadd.s32 s21, s13;
	[sflag:s15] =	ssyncadd.s32 $0xFFFFC000  }
0x58: {  	[tilespmem:s4], [sflag:$0x2] =	stream.linear.gather [hbm4b:s22+s4], $0x80, $0x38;
	[tilespmem:$0x18100] =	vst v63  }
0x59: {  	_ =	swait.ge [sflag:s15], $0x80  }
0x5a: {  	[sflag:s15] =	ssyncset.done $0x0  }
0x5b: {  	s31 =	sadd.s32 s21, s12;
	[sflag:s15] =	ssyncadd.s32 $0xFFFFFF80  }
0x5c: {  	[tilespmem:s16], [sflag:$0x2] =	stream.linear.gather [hbm4b:s31+s4], $0x80, $0x38;
	[tilespmem:$0x18100] =	vst v63  }
0x5d: {  	_ =	swait.ge [sflag:s15], $0x80  }
0x5e: {  	[sflag:s15] =	ssyncset.done $0x0  }
0x5f: {  	[sflag:s15] =	ssyncadd.s32 $0xFFFFFF80  }
0x60: {  	[tilespmem:s14], [sflag:$0x1] =	stream.indirect.gather [hbm4b:s1+s16], $0x80, s4, s16, $0xb8;
	[tilespmem:$0x18100] =	vst v63  }
0x61: {  	_ =	swait.ge [sflag:s17], $0x4000  }
0x62: {  	[sflag:s17] =	ssyncset.done $0x0  }
0x63: {  	[sflag:s17] =	ssyncadd.s32 $0xFFFFC000  }
0x64: {  	[spmem:s3] =	stream.indirect.scatter.add.f32 [tilespmem:s14], [sflag:$0x2], $0x80, s16, s16, $0xb8;
	[tilespmem:$0x18100] =	vst v63  }
0x65: {  	_ =	swait.ge [sflag:s15], $0x4000  }
0x66: {  	s20 =	sadd.s32 $0x1, s20;
	[sflag:s15] =	ssyncset.done $0x0  }
0x67: {  	p0 =	sne.s32 s20, s11;
	[sflag:s15] =	ssyncadd.s32 $0xFFFFC000  }
.Ltmp2:
0x68: {  	[bflag:$0x0] =	sbarrier.arrive $0xFFFF;
	(pc) =	sbr.rel @p0 .LBB2_1-.Ltmp2, $4  }
0x69: {  	[hbm:s10], [sflag:s18] =	dma.local [spmem:s19], $0x2800  }
0x6a: {  	_ =	swait.ge [sflag:s15], $0x2800  }
0x6b: {  	[sflag:s15] =	ssyncset.done $0x0  }
0x6c: {  	[sflag:s15] =	ssyncadd.s32 $0xFFFFD800  }
0x6d: {  	_ =	sfence.sel $0x180000  }
0x6e: {  	[bflag:$0x0] =	sbarrier.arrive $0xFFFF  }
0x6f: {  	p0 =	sne.s32 s0, $0x0;
	_ =	strace $0x90000053  }
0x70: {  	s0 =	sadd.s32 @!p0 $0x100000, s2;
	[bflag:$0x2] =	sbarrier.arrive $0xFFFF  }
0x71: {  	[sflag:s0] =	ssyncadd.tile.s32 @!p0 $0x1;
	_ =	shalt  }
.Lfunc_end2:
_tile_overlayer_lowered:
.L_overlay_start_2:
0x72: {  	(tag) =	ssettag $0x2  }
0x73: {  	s0 =	rddreg [dreg:$0x0];
	s2 =	stileid.u32  }
0x74: {  	s1 =	rddreg [dreg:$0x1];
	p0 =	sne.s32 s2, $0x0  }
0x75: {  	s3 =	rddreg [dreg:$0x2];
	[bflag:$0x3] =	sbarrier.arrive $0xFFFF;
	s2 =	simm.s32 @!p0 $0x1C02  }
0x76: {  	[timem:s3], [sflag:s2] =	dma.local @!p0 [hbm:s0], s1  }
0x77: {  	s0 =	simm.s32 @!p0 $0x2  }
0x78: {  	_ =	swait.ge @!p0 [sflag:s0], s1  }
0x79: {  	s1 =	ssub.s32 @!p0 $0x0, s1;
	[sflag:s0] =	ssyncset.done @!p0 $0x0  }
0x7a: {  	[sflag:s0] =	ssyncadd.s32 @!p0 s1  }
0x7b: {  	[bflag:$0x3] =	sbarrier.arrive $0xFFFF  }
0x7c: {  	_ =	shalt  }

// kernel: kernel.24.cloned.1.call-start
scs
__scs_entry_jumppad:
0x0: {  	(pc) =	sbr.rel $0x88, $3  }
0x1: {  	(tag) =	ssettag $0x0;
	lr =	simm.s32 $0x1  }
0x2: {  	[smem:$0x3F99] =	sst lr;
	_ =	strace $0xD0000000  }
0x3: {  	_ = 	snop  }
0x4: {  	_ = 	snop  }
0x5: {  	_ = 	snop  }
0x6: {  	_ = 	snop  }
0x7: {  	_ = 	snop  }
__scs_overlays_trampoline_lowered:
0x8: {  	[smem:$0x3FA8] =	sst s0  }
0x9: {  	[smem:$0x3FA9] =	sst s1  }
0xa: {  	[smem:$0x3FAA] =	sst s2  }
0xb: {  	[smem:$0x3FAB] =	sst s3  }
0xc: {  	[smem:$0x3FAC] =	sst s4  }
0xd: {  	[smem:$0x3FAD] =	sst s5  }
0xe: {  	[smem:$0x3FAE] =	sst s6  }
0xf: {  	[smem:$0x3FAF] =	sst s7  }
0x10: {  	[smem:$0x3FB0] =	sst s8  }
0x11: {  	[smem:$0x3FB1] =	sst s9;
	s0 =	simm.s32 @!p0 $0x0  }
0x12: {  	s1 =	sld [smem:$0x3F97];
	s0 =	simm.s32 @p0 $0x1  }
0x13: {  	[smem:$0x3FB2] =	sst s0;
	s0 =	simm.s32 @!p1 $0x0  }
0x14: {  	s2 =	sld [smem:$0x3F96];
	s0 =	simm.s32 @p1 $0x1  }
0x15: {  	[smem:$0x3FB3] =	sst s0;
	s0 =	simm.s32 @!p2 $0x0  }
0x16: {  	s3 =	sld [smem:$0x3FDB];
	s0 =	simm.s32 @p2 $0x1  }
0x17: {  	s4 =	simm.s32 $0x1BF5;
	[smem:$0x3FB5] =	sst s0  }
0x18: {  	s0 =	sld [smem:$0x3F98];
	_ =	swait.ge [sflag:s4], $0x0  }
0x19: {  	s7 =	sld [smem:$0x3F99]  }
0x1a: {  	s8 =	sadd.s32 $0xFFFFE003, lr  }
0x1b: {  	s9 =	sadd.s32 $0xFFFFFEF7, lr;
	s5 =	simm.s32 $0xFFFFFFFF;
	p2 =	slt.u32 s8, $0xFFFFF086  }
0x1c: {  	p1 =	slt.u32 s9, $0xF7A;
	s5 =	simm.s32 @!p2 $0x0  }
0x1d: {  	s5 =	simm.s32 @p1 $0x1;
	p0 =	seq.s32 s7, s2  }
0x1e: {  	s7 =	smul.u32 @!p0 $0xF7A, s2;
	p2 =	seq.s32 @!p0 s5, $0x0  }
0x1f: {  	s9 =	smul.u32 $0xF7A, s1;
	s8 =	simm.s32 @!p0 $0x1BF5;
	p2 =	por !p2, p0  }
0x20: {  	[sflag:s8] =	ssyncset.s32 @!p0 $0xFFFFF086;
	s6 =	sadd.s32 @!p0 s3, s7;
	s7 =	simm.s32 @!p0 $0x108  }
0x21: {  	s3 =	sadd.s32 s3, s9;
	s6 =	sadd.s32 @!p0 $0x88, s6;
	s7 =	simm.s32 @p2 $0x1082  }
0x22: {  	[simem:s7], [sflag:s8] =	dma.local @!p0 [hbm:s6], $0xF7A  }
0x23: {  	s9 =	sor.u32 $0xD0000000, s2;
	s6 =	simm.s32 $0x108;
	_ =	swait.ge @!p0 [sflag:s8], $0x0  }
0x24: {  	s3 =	sadd.s32 $0x88, s3;
	s6 =	simm.s32 @!p1 $0x1082;
	[sflag:s4] =	ssyncset.s32 $0xFFFFF086  }
0x25: {  	[simem:s6], [sflag:s4] =	dma.local [hbm:s3], $0xF7A  }
0x26: {  	[smem:$0x3F99] =	sst s1;
	(tag) =	ssettag s2;
	_ =	strace s9  }
0x27: {  	s1 =	sld [smem:$0x3FA9]  }
0x28: {  	s2 =	sld [smem:$0x3FAA]  }
0x29: {  	s4 =	sld [smem:$0x3FAC]  }
0x2a: {  	p0 =	seq.s32 s5, $0x0;
	s5 =	sld [smem:$0x3FAD]  }
0x2b: {  	s6 =	sld [smem:$0x3FAE]  }
0x2c: {  	s7 =	sld [smem:$0x3FAF]  }
0x2d: {  	s3 =	simm.s32 $0x108;
	s8 =	sld [smem:$0x3FB0]  }
0x2e: {  	s3 =	simm.s32 @!p0 $0x1082;
	s9 =	sld [smem:$0x3FB1]  }
0x2f: {  	lr =	sadd.s32 s0, s3;
	s0 =	sld [smem:$0x3FA8]  }
0x30: {  	s3 =	sld [smem:$0x3FAB]  }
0x31: {  	[smem:$0x3FB4] =	sst s10  }
0x32: {  	s10 =	sld [smem:$0x3FB2];
	_ =	sdelay $0x3  }
0x33: {  	p0 =	seq.s32 s10, $0x1;
	s10 =	sld [smem:$0x3FB4];
	_ =	sdelay $0x3  }
0x34: {  	[smem:$0x3FB4] =	sst s10  }
0x35: {  	s10 =	sld [smem:$0x3FB3];
	_ =	sdelay $0x3  }
0x36: {  	p1 =	seq.s32 s10, $0x1;
	s10 =	sld [smem:$0x3FB4];
	_ =	sdelay $0x3  }
0x37: {  	[smem:$0x3FB4] =	sst s10  }
0x38: {  	s10 =	sld [smem:$0x3FB5]  }
0x39: {  	_ = 	snop;
	(pc) =	sbr.ind lr, $3  }
0x3a: {  	_ = 	snop  }
0x3b: {  	_ = 	snop  }
0x3c: {  	p2 =	seq.s32 s10, $0x1;
	s10 =	sld [smem:$0x3FB4]  }
0x3d: {  	_ =	shalt  }
0x3e: {  	_ =	shalt  }
0x3f: {  	_ =	shalt  }
0x40: {  	_ =	shalt  }
0x41: {  	_ =	shalt  }
0x42: {  	_ =	shalt  }
0x43: {  	_ =	shalt  }
0x44: {  	_ =	shalt  }
0x45: {  	_ =	shalt  }
0x46: {  	_ =	shalt  }
0x47: {  	_ =	shalt  }
0x48: {  	_ =	shalt  }
0x49: {  	_ =	shalt  }
0x4a: {  	_ =	shalt  }
0x4b: {  	_ =	shalt  }
0x4c: {  	_ =	shalt  }
0x4d: {  	_ =	shalt  }
0x4e: {  	_ =	shalt  }
0x4f: {  	_ =	shalt  }
0x50: {  	_ =	shalt  }
0x51: {  	_ =	shalt  }
0x52: {  	_ =	shalt  }
0x53: {  	_ =	shalt  }
0x54: {  	_ =	shalt  }
0x55: {  	_ =	shalt  }
0x56: {  	_ =	shalt  }
0x57: {  	_ =	shalt  }
0x58: {  	_ =	shalt  }
0x59: {  	_ =	shalt  }
0x5a: {  	_ =	shalt  }
0x5b: {  	_ =	shalt  }
0x5c: {  	_ =	shalt  }
0x5d: {  	_ =	shalt  }
0x5e: {  	_ =	shalt  }
0x5f: {  	_ =	shalt  }
0x60: {  	_ =	shalt  }
0x61: {  	_ =	shalt  }
0x62: {  	_ =	shalt  }
0x63: {  	_ =	shalt  }
0x64: {  	_ =	shalt  }
0x65: {  	_ =	shalt  }
0x66: {  	_ =	shalt  }
0x67: {  	_ =	shalt  }
0x68: {  	_ =	shalt  }
0x69: {  	_ =	shalt  }
0x6a: {  	_ =	shalt  }
0x6b: {  	_ =	shalt  }
0x6c: {  	_ =	shalt  }
0x6d: {  	_ =	shalt  }
0x6e: {  	_ =	shalt  }
0x6f: {  	_ =	shalt  }
0x70: {  	_ =	shalt  }
0x71: {  	_ =	shalt  }
0x72: {  	_ =	shalt  }
0x73: {  	_ =	shalt  }
0x74: {  	_ =	shalt  }
0x75: {  	_ =	shalt  }
0x76: {  	_ =	shalt  }
0x77: {  	_ =	shalt  }
0x78: {  	_ =	shalt  }
0x79: {  	_ =	shalt  }
0x7a: {  	_ =	shalt  }
0x7b: {  	_ =	shalt  }
0x7c: {  	_ =	shalt  }
0x7d: {  	_ =	shalt  }
0x7e: {  	_ =	shalt  }
0x7f: {  	_ =	shalt  }
0x80: {  	_ =	shalt  }
0x81: {  	_ =	shalt  }
0x82: {  	_ =	shalt  }
0x83: {  	_ =	shalt  }
0x84: {  	_ =	shalt  }
0x85: {  	_ =	shalt  }
0x86: {  	_ =	shalt  }
0x87: {  	_ =	shalt  }
.Lfunc_end0:
.L_simem_size_0:
called_computation.4_lowered:
.L_overlay_start_0:
0x88: {  	s2 =	sld [smem:$0x3FD9]  }
0x89: {  	s3 =	sld [smem:$0x3FFE];
	_ =	sdelay $0x1  }
0x8a: {  	s1 =	srdreg.scid  }
0x8b: {  	s0 =	sand.u32 $0x1, s1  }
0x8c: {  	s15 =	sshll.u32 s0, $0xA;
	s2 =	sadd.s32 s3, s2  }
0x8d: {  	s2 =	sadd.s32 s2, s15  }
0x8e: {  	[smem:$0x3FC0] =	sst s2  }
0x8f: {  	_ = 	snop  }
0x90: {  	s2 =	sld [smem:$0x3FD0];
	_ =	sdelay $0x2  }
0x91: {  	s4 =	simm.s32 $0xB;
	s16 =	simm.s32 $0x10  }
0x92: {  	[smem:s16], [sflag:s4] =	dma.local [hbm:s2], $0x1  }
0x93: {  	_ =	swait.eq [sflag:s4], $0x1  }
0x94: {  	[sflag:s4] =	ssyncset.done $0x0  }
0x95: {  	s17 =	sld [smem:$0x11];
	[sflag:s4] =	ssyncadd.s32 $0xFFFFFFFF  }
0x96: {  	s18 =	sld [smem:$0x12];
	(tm) =	ssettm $0x1  }
0x97: {  	s19 =	sld [smem:$0x3FFB];
	_ =	sdelay $0x3  }
0x98: {  	_ =	strace s19  }
0x99: {  	s2 =	sld [smem:$0x3FFC];
	_ =	sdelay $0x3  }
0x9a: {  	_ =	strace s2  }
0x9b: {  	s2 =	sld [smem:$0x3FFD];
	_ =	sdelay $0x3  }
0x9c: {  	_ =	strace s2  }
0x9d: {  	_ =	strace $0x8FFFFFFF  }
0x9e: {  	s20 =	sld [smem:$0x3FDB];
	_ =	sdelay $0x1  }
0x9f: {  	s5 =	simm.s32 $_scs_section_size  }
0xa0: {  	s6 =	simm.s32 $_size__tile_overlayer_lowered;
	s7 =	simm.s32 $_tile_overlayer_lowered  }
0xa1: {  	s8 =	simm.s32 $0x1BFF;
	s21 =	sshll.u32 s7, $0x1;
	s5 =	sadd.s32 s5, s20  }
0xa2: {  	s22 =	simm.s32 $0x0;
	s6 =	sshll.u32 s6, $0x1;
	s7 =	sadd.s32 s21, s5  }
0xa3: {  	[timem:s22], [sflag:s8] =	dma.local [hbm:s7], s6  }
0xa4: {  	_ =	swait.ge [sflag:s8], s6  }
0xa5: {  	s6 =	ssub.s32 $0x0, s6;
	[sflag:s8] =	ssyncset.done $0x0  }
0xa6: {  	[sflag:s8] =	ssyncadd.s32 s6;
	_ =	sdelay $0x1  }
0xa7: {  	s23 =	simm.s32 $0x1B8B  }
0xa8: {  	_ =	swait.ge [sflag:s23], $0x1  }
0xa9: {  	[sflag:s23] =	ssyncset.done $0x0  }
0xaa: {  	[sflag:s23] =	ssyncadd.s32 $0xFFFFFFFF  }
0xab: {  	s6 =	sld [smem:$0x0]  }
0xac: {  	s7 =	sand.u32 $0xFFFFFFFE, s1  }
0xad: {  	p0 =	sne.s32 s1, s7  }
0xae: {  	s7 =	sshll.u32 @p0 s7, $0xE  }
0xaf: {  	s7 =	sadd.s32 @p0 $0x11B8D, s7;
	s8 =	sshll.u32 @p0 s6, $0x11  }
0xb0: {  	s7 =	sor.u32 @p0 s8, s7  }
0xb1: {  	[sflag:s7] =	ssyncadd.remote.s32 @p0 $0x1;
	_ =	sdelay $0x1  }
0xb2: {  	s7 =	simm.s32 @p0 $0x1B8D  }
0xb3: {  	_ =	swait.eq @p0 [sflag:s7], $0x1  }
0xb4: {  	[sflag:s7] =	ssyncadd.s32 @p0 $0xFFFFFFFF  }
0xb5: {  	s8 =	sshll.u32 @!p0 s1, $0xE  }
0xb6: {  	s8 =	sor.u32 @!p0 $0x4000, s8;
	s7 =	simm.s32 @!p0 $0x1B8D  }
0xb7: {  	s6 =	sshll.u32 @!p0 s6, $0x11;
	s8 =	sadd.s32 @!p0 $0x11B8D, s8;
	_ =	swait.eq @!p0 [sflag:s7], $0x1  }
0xb8: {  	s6 =	sor.u32 @!p0 s6, s8;
	[sflag:s7] =	ssyncadd.s32 @!p0 $0xFFFFFFFF  }
0xb9: {  	s25 =	simm.s32 $0x1B8E;
	s24 =	sld [smem:$0x3FFE];
	[sflag:s6] =	ssyncadd.remote.s32 @!p0 $0x1  }
0xba: {  	s26 =	simm.s32 $execute0_lowered;
	[smem:$0x3FD2] =	sst s25  }
0xbb: {  	s7 =	sshll.u32 s26, $0x1;
	_ =	strace $0x8000004F;
	[dreg:$0x1] =	wrdreg $0xFFFFFFFF  }
0xbc: {  	s28 =	simm.s32 $_size_execute0_lowered;
	s5 =	sadd.s32 s5, s7;
	[dreg:$0x0] =	wrdreg $0x0  }
0xbd: {  	s7 =	sshll.u32 s28, $0x1;
	[dreg:$0x2] =	wrdreg s5  }
0xbe: {  	[dreg:$0x3] =	wrdreg s7  }
0xbf: {  	[dreg:$0x4] =	wrdreg $0xC0  }
0xc0: {  	_ =	task [dreg:s22], $0x5FFFF  }
0xc1: {  	[dreg:$0x1] =	wrdreg $0xFFFFFFFF  }
0xc2: {  	[dreg:$0x0] =	wrdreg $0x60  }
0xc3: {  	[dreg:$0x2] =	wrdreg s18  }
0xc4: {  	[dreg:$0x3] =	wrdreg s17  }
0xc5: {  	[dreg:$0x4] =	wrdreg s24  }
0xc6: {  	[dreg:$0x5] =	wrdreg $0x17B800  }
0xc7: {  	[dreg:$0x6] =	wrdreg $0x9  }
0xc8: {  	_ =	task.clear_ibuf [dreg:s22], $0x7FFFF;
	_ =	strace $0x9000004F  }
0xc9: {  	s29 =	simm.s32 $0x9;
	_ =	strace $0x80000051  }
0xca: {  	_ =	swait.ge [sflag:s29], $0x1  }
0xcb: {  	[sflag:s29] =	ssyncadd.s32 $0xFFFFFFFF  }
0xcc: {  	_ =	strace $0x90000051  }
0xcd: {  	_ =	sfence  }
0xce: {  	s30 =	sld [smem:$0x0];
	_ =	sdelay $0x2  }
0xcf: {  	s31 =	sshll.u32 s1, $0xD;
	s1 =	sshrl.u32 s1, $0x2  }
0xd0: {  	s4 =	sand.u32 $0x4000, s31;
	s1 =	sadd.s32 s1, s30  }
0xd1: {  	s0 =	sor.u32 s4, s0;
	s1 =	sshll.u32 s1, $0x11  }
0xd2: {  	s0 =	sor.u32 s1, s0  }
0xd3: {  	s0 =	sadd.s32 $0x8F2B, s0  }
0xd4: {  	[sflag:s0] =	ssyncadd.remote.s32 $0x1  }
0xd5: {  	_ =	sfence.sel $0xFFFF  }
0xd6: {  	[dreg:$0x0] =	wrdreg $0xFFFFFFFF;
	(pc) =	sbr.abs _section_cstart, $3  }
0xd7: {  	[dreg:$0x1] =	wrdreg $0xFFFFFFFF  }
0xd8: {  	_ =	task.clear_ibuf [dreg:s22], $0x2FFFF;
	_ =	strace $0x9FFFFFFF  }
0xd9: {  	(tm) =	ssettm $0x7FFFFFFF  }
tec
execute0_lowered:
.L_overlay_start_1:
0x0: {  	(tag) =	ssettag $0x1  }
0x1: {  	s0 =	rddreg [dreg:$0x0]  }
0x2: {  	s1 =	rddreg [dreg:$0x1]  }
0x3: {  	s3 =	rddreg [dreg:$0x2]  }
0x4: {  	s4 =	rddreg [dreg:$0x3];
	s28 =	simm.s32 $0x0;
	s2 =	stileid.u32  }
0x5: {  	s5 =	srdreg.scid;
	s25 =	simm.s32 $0x80;
	[smem:$0x7FF] =	sst s28  }
0x6: {  	s6 =	sshll.u32 s2, $0x6;
	s18 =	sand.u32 $0x1, s5;
	s29 =	sshll.u32 s2, $0xD  }
0x7: {  	s7 =	sshll.u32 s2, $0x7;
	s8 =	sshll.u32 s2, $0xC;
	s23 =	smul.u32 $0x310, s2  }
0x8: {  	s24 =	smul.u32 $0x190, s2;
	_ =	strace $0x80000050;
	s19 =	sadd.s32 s6, s3  }
0x9: {  	s26 =	ssub.s32 $0x2, s18;
	s5 =	sand.u32 $0x10000, s29;
	s20 =	smul.u32 $0x3100, s18  }
0xa: {  	s7 =	sand.u32 $0x380, s7;
	s22 =	sshll.u32 s18, $0xA;
	s31 =	smul.u32 $0x1900, s18  }
0xb: {  	s30 =	sshrl.u32 s26, $0x1;
	s5 =	sadd.s32 s5, s4;
	s4 =	sadd.s32 s8, s4  }
0xc: {  	s22 =	sadd.s32 s22, s19;
	s21 =	ssub.s32 s26, s30;
	s3 =	sadd.s32 s7, s5  }
0xd: {  	s5 =	sadd.s32 $0x80, s4;
	s6 =	sadd.s32 $0x100, s4;
	s7 =	sadd.s32 $0x180, s4  }
0xe: {  	s8 =	sadd.s32 $0x200, s4;
	s9 =	sadd.s32 $0x280, s4;
	s10 =	sadd.s32 $0x300, s4  }
0xf: {  	s11 =	sadd.s32 $0x380, s4;
	s12 =	sadd.s32 $0x10000, s4;
	s13 =	sadd.s32 $0x10080, s4  }
0x10: {  	s14 =	sadd.s32 $0x10100, s4;
	s15 =	sadd.s32 $0x10180, s4;
	s16 =	sadd.s32 $0x10200, s4  }
0x11: {  	s17 =	sadd.s32 $0x10280, s4;
	s18 =	sadd.s32 $0x10300, s4;
	s0 =	sadd.s32 s20, s0  }
0x12: {  	s1 =	sadd.s32 s31, s1;
	s19 =	sadd.s32 $0x10380, s4;
	s20 =	sadd.s32 $0xA2C00, s22  }
0x13: {  	v1 =	vlaneseq.u32;
	s26 =	simm.s32 $0x400;
	s21 =	smax.u32 s21, $0x1;
	s22 =	sadd.s32 s23, s0  }
0x14: {  	v0 =	vimm.f32 $0.0e+00;
	v2 =	vimm.f32 $1.000000000e+00;
	v1 =	vmul.u32 $0x1390, v1;
	s23 =	sadd.s32 s24, s1;
	s24 =	simm.s32 $0x1;
	s1 =	simm.s32 $0x0  }
.LBB2_1:
0x15: {  	s0 =	simm.s32 $0x0  }
0x16: {  	[tilespmem:s0+$0x1410] =	vst v0  }
0x17: {  	[tilespmem:s0+$0x27A0] =	vst v0  }
0x18: {  	[tilespmem:s0+$0x3B30] =	vst v0  }
0x19: {  	[tilespmem:s0+$0x4EC0] =	vst v0  }
0x1a: {  	[tilespmem:s0+$0x6250] =	vst v0  }
0x1b: {  	[tilespmem:s0+$0x75E0] =	vst v0  }
0x1c: {  	[tilespmem:s0+$0x8970] =	vst v0  }
0x1d: {  	s30 =	sand.u32 $0x1FF0, s28;
	s28 =	simm.s32 $0x40;
	s29 =	simm.s32 $0x0;
	[tilespmem:s0+$0x80] =	vst v0  }
.LBB2_2:
0x1e: {  	p0 =	sne.s32 s28, $0x4E00;
	[tilespmem:s30+$0x9D00] =	vst v0  }
0x1f: {  	[tilespmem:s0+$0xB090] =	vst v0  }
0x20: {  	[tilespmem:s0+$0xC420] =	vst v0  }
0x21: {  	[tilespmem:s0+$0xD7B0] =	vst v0  }
0x22: {  	[tilespmem:s0+$0xEB40] =	vst v0  }
0x23: {  	[tilespmem:s0+$0xFED0] =	vst v0  }
0x24: {  	[tilespmem:s0+$0x11260] =	vst v0  }
0x25: {  	[tilespmem:s0+$0x125F0] =	vst v0;
	s0 =	sshra.s32 s28, $0x2  }
0x26: {  	[tilespmem:s0+$0x1410] =	vst v0  }
0x27: {  	[tilespmem:s0+$0x27A0] =	vst v0  }
0x28: {  	[tilespmem:s0+$0x3B30] =	vst v0  }
.Ltmp0:
0x29: {  	[tilespmem:s0+$0x4EC0] =	vst v0;
	(pc) =	sbr.rel @p0 .LBB2_2-.Ltmp0, $4  }
0x2a: {  	[tilespmem:s0+$0x6250] =	vst v0  }
0x2b: {  	[tilespmem:s0+$0x75E0] =	vst v0  }
0x2c: {  	s29 =	sadd.s32 $0x10, s29;
	[tilespmem:s0+$0x8970] =	vst v0  }
0x2d: {  	s30 =	sand.u32 $0x1FF0, s29;
	s28 =	sadd.s32 $0x40, s28;
	[tilespmem:s0+$0x80] =	vst v0  }
0x2e: {  	[tilespmem:s30+$0x9D00] =	vst v0  }
0x2f: {  	[tilespmem:s0+$0xB090] =	vst v0  }
0x30: {  	[tilespmem:s0+$0xC420] =	vst v0  }
0x31: {  	[tilespmem:s0+$0xD7B0] =	vst v0  }
0x32: {  	[tilespmem:s0+$0xEB40] =	vst v0  }
0x33: {  	[tilespmem:s0+$0xFED0] =	vst v0  }
0x34: {  	[tilespmem:s0+$0x11260] =	vst v0  }
0x35: {  	s28 =	simm.s32 $0x0;
	[tilespmem:s0+$0x125F0] =	vst v0;
	s0 =	simm.s32 $0x0  }
.LBB2_4:
0x36: {  	s29 =	sadd.s32 s0, s22  }
0x37: {  	[tilespmem:s28], [sflag:$0x1] =	stream.linear.gather [hbm4b:s29+s28], $0x80, $0x38;
	[tilespmem:$0x19B80] =	vst v63  }
0x38: {  	_ =	swait.ge [sflag:s24], $0x80  }
0x39: {  	[sflag:s24] =	ssyncset.done $0x0  }
0x3a: {  	[sflag:s24] =	ssyncadd.s32 $0xFFFFFF80  }
0x3b: {  	v3 =	vld [tilespmem:$0x0];
	_ =	sdelay $0x4  }
0x3c: {  	v3 =	vadd.s32 v1, v3;
	_ =	sdelay $0x4  }
0x3d: {  	[tilespmem:v3+s25+$0x0] =	vst.idx.add.f32.msk $0xffff, v2  }
0x3e: {  	v3 =	vld [tilespmem:$0x10];
	_ =	sdelay $0x4  }
0x3f: {  	v3 =	vadd.s32 v1, v3;
	_ =	sdelay $0x4  }
0x40: {  	[tilespmem:v3+s25+$0x0] =	vst.idx.add.f32.msk $0xffff, v2  }
0x41: {  	v3 =	vld [tilespmem:$0x20];
	_ =	sdelay $0x4  }
0x42: {  	v3 =	vadd.s32 v1, v3;
	_ =	sdelay $0x4  }
0x43: {  	[tilespmem:v3+s25+$0x0] =	vst.idx.add.f32.msk $0xffff, v2  }
0x44: {  	v3 =	vld [tilespmem:$0x30];
	_ =	sdelay $0x4  }
0x45: {  	v3 =	vadd.s32 v1, v3;
	_ =	sdelay $0x4  }
0x46: {  	[tilespmem:v3+s25+$0x0] =	vst.idx.add.f32.msk $0xffff, v2  }
0x47: {  	v3 =	vld [tilespmem:$0x40];
	_ =	sdelay $0x4  }
0x48: {  	v3 =	vadd.s32 v1, v3;
	_ =	sdelay $0x4  }
0x49: {  	[tilespmem:v3+s25+$0x0] =	vst.idx.add.f32.msk $0xffff, v2  }
0x4a: {  	v3 =	vld [tilespmem:$0x50];
	_ =	sdelay $0x4  }
0x4b: {  	v3 =	vadd.s32 v1, v3;
	_ =	sdelay $0x4  }
0x4c: {  	[tilespmem:v3+s25+$0x0] =	vst.idx.add.f32.msk $0xffff, v2  }
0x4d: {  	v3 =	vld [tilespmem:$0x60];
	_ =	sdelay $0x4  }
0x4e: {  	v3 =	vadd.s32 v1, v3;
	_ =	sdelay $0x4  }
0x4f: {  	[tilespmem:v3+s25+$0x0] =	vst.idx.add.f32.msk $0xffff, v2  }
0x50: {  	v3 =	vld [tilespmem:$0x70];
	_ =	sdelay $0x4  }
0x51: {  	p0 =	sne.s32 s0, $0x300;
	v3 =	vadd.s32 v1, v3  }
.Ltmp1:
0x52: {  	_ = 	snop;
	(pc) =	sbr.rel @p0 .LBB2_4-.Ltmp1, $2  }
0x53: {  	_ =	sdelay $0x2  }
0x54: {  	s0 =	sadd.s32 $0x10, s0;
	[tilespmem:v3+s25+$0x0] =	vst.idx.add.f32.msk $0xffff, v2  }
0x55: {  	s29 =	simm.s32 $0x0  }
0x56: {  	v3 =	vld [tilespmem:s29+$0x80]  }
0x57: {  	v4 =	vld [tilespmem:s29+$0x1410];
	_ =	sdelay $0x1  }
0x58: {  	v5 =	vld [tilespmem:s29+$0x27A0];
	_ =	sdelay $0x1  }
0x59: {  	v6 =	vld [tilespmem:s29+$0x3B30]  }
0x5a: {  	v3 =	vadd.f32 v4, v3  }
0x5b: {  	v4 =	vld [tilespmem:s29+$0x4EC0]  }
0x5c: {  	v3 =	vadd.f32 v5, v3  }
0x5d: {  	v5 =	vld [tilespmem:s29+$0x6250]  }
0x5e: {  	v3 =	vadd.f32 v6, v3  }
0x5f: {  	v6 =	vld [tilespmem:s29+$0x75E0]  }
0x60: {  	v3 =	vadd.f32 v4, v3  }
0x61: {  	v4 =	vld [tilespmem:s29+$0x8970]  }
0x62: {  	s0 =	sand.u32 $0x1FF0, s28;
	v3 =	vadd.f32 v5, v3  }
0x63: {  	v7 =	vld [tilespmem:s0+$0x9D00]  }
0x64: {  	v3 =	vadd.f32 v6, v3  }
0x65: {  	v8 =	vld [tilespmem:s29+$0xB090]  }
0x66: {  	v3 =	vadd.f32 v4, v3  }
0x67: {  	v5 =	vld [tilespmem:s29+$0xC420]  }
0x68: {  	s30 =	simm.s32 $0x10;
	v6 =	vld [tilespmem:s29+$0xD7B0];
	v7 =	vadd.f32 v7, v3  }
0x69: {  	v4 =	vld [tilespmem:s30+$0x80]  }
0x6a: {  	s31 =	simm.s32 $0x80;
	v3 =	vld [tilespmem:s29+$0xEB40];
	v7 =	vadd.f32 v8, v7  }
.LBB2_6:
0x6b: {  	p0 =	sne.s32 s31, $0x4E00;
	v8 =	vld [tilespmem:s30+$0x1410]  }
0x6c: {  	v5 =	vadd.f32 v5, v7;
	v7 =	vld [tilespmem:s29+$0xFED0]  }
0x6d: {  	v9 =	vld [tilespmem:s30+$0x27A0]  }
0x6e: {  	v5 =	vadd.f32 v6, v5;
	v6 =	vld [tilespmem:s29+$0x11260]  }
0x6f: {  	v10 =	vld [tilespmem:s30+$0x3B30]  }
0x70: {  	v4 =	vadd.f32 v8, v4;
	v3 =	vadd.f32 v3, v5;
	v5 =	vld [tilespmem:s29+$0x125F0]  }
0x71: {  	v8 =	vld [tilespmem:s30+$0x4EC0]  }
0x72: {  	v4 =	vadd.f32 v9, v4;
	v3 =	vadd.f32 v7, v3  }
0x73: {  	v7 =	vld [tilespmem:s30+$0x6250]  }
0x74: {  	v4 =	vadd.f32 v10, v4;
	v3 =	vadd.f32 v6, v3  }
0x75: {  	v6 =	vld [tilespmem:s30+$0x75E0]  }
0x76: {  	v4 =	vadd.f32 v8, v4;
	v3 =	vadd.f32 v5, v3  }
0x77: {  	s28 =	sadd.s32 $0x10, s28;
	v5 =	vld [tilespmem:s30+$0x8970]  }
0x78: {  	s0 =	sand.u32 $0x1FF0, s28;
	v4 =	vadd.f32 v7, v4;
	[tilespmem:s29+$0x13980] =	vst v3;
	s29 =	smov.u32 s30  }
0x79: {  	v3 =	vld [tilespmem:s0+$0x9D00]  }
0x7a: {  	v4 =	vadd.f32 v6, v4  }
0x7b: {  	v7 =	vld [tilespmem:s29+$0xB090]  }
.Ltmp2:
0x7c: {  	v4 =	vadd.f32 v5, v4;
	(pc) =	sbr.rel @p0 .LBB2_6-.Ltmp2, $4  }
0x7d: {  	v5 =	vld [tilespmem:s29+$0xC420]  }
0x7e: {  	v8 =	vadd.f32 v3, v4;
	v3 =	vld [tilespmem:s29+$0xEB40]  }
0x7f: {  	s30 =	sshra.s32 s31, $0x2;
	v6 =	vld [tilespmem:s29+$0xD7B0]  }
0x80: {  	s31 =	sadd.s32 $0x40, s31;
	v4 =	vld [tilespmem:s30+$0x80];
	v7 =	vadd.f32 v7, v8  }
0x81: {  	v8 =	vld [tilespmem:s30+$0x1410]  }
0x82: {  	v50 =	vld [tilespmem:s29+$0xFED0];
	v5 =	vadd.f32 v5, v7  }
0x83: {  	v9 =	vld [tilespmem:s30+$0x27A0]  }
0x84: {  	v51 =	vld [tilespmem:s29+$0x11260];
	v5 =	vadd.f32 v6, v5  }
0x85: {  	v10 =	vld [tilespmem:s30+$0x3B30]  }
0x86: {  	v52 =	vld [tilespmem:s29+$0x125F0];
	v4 =	vadd.f32 v8, v4;
	v3 =	vadd.f32 v3, v5  }
0x87: {  	v53 =	vld [tilespmem:s30+$0x4EC0]  }
0x88: {  	v4 =	vadd.f32 v9, v4;
	v3 =	vadd.f32 v50, v3  }
0x89: {  	v54 =	vld [tilespmem:s30+$0x6250]  }
0x8a: {  	v4 =	vadd.f32 v10, v4;
	v3 =	vadd.f32 v51, v3  }
0x8b: {  	v55 =	vld [tilespmem:s30+$0x75E0]  }
0x8c: {  	v4 =	vadd.f32 v53, v4;
	v3 =	vadd.f32 v52, v3  }
0x8d: {  	v56 =	vld [tilespmem:s30+$0x8970];
	s0 =	sadd.s32 $0x10, s28  }
0x8e: {  	s0 =	sand.u32 $0x1FF0, s0;
	v4 =	vadd.f32 v54, v4;
	[tilespmem:s29+$0x13980] =	vst v3  }
0x8f: {  	v3 =	vld [tilespmem:s0+$0x9D00]  }
0x90: {  	v4 =	vadd.f32 v55, v4  }
0x91: {  	v57 =	vld [tilespmem:s30+$0xB090]  }
0x92: {  	v4 =	vadd.f32 v56, v4  }
0x93: {  	v58 =	vld [tilespmem:s30+$0xC420]  }
0x94: {  	v3 =	vadd.f32 v3, v4  }
0x95: {  	v59 =	vld [tilespmem:s30+$0xD7B0]  }
0x96: {  	v3 =	vadd.f32 v57, v3  }
0x97: {  	v60 =	vld [tilespmem:s30+$0xEB40]  }
0x98: {  	v3 =	vadd.f32 v58, v3  }
0x99: {  	v61 =	vld [tilespmem:s30+$0xFED0]  }
0x9a: {  	v3 =	vadd.f32 v59, v3  }
0x9b: {  	v62 =	vld [tilespmem:s30+$0x11260]  }
0x9c: {  	v3 =	vadd.f32 v60, v3  }
0x9d: {  	v63 =	vld [tilespmem:s30+$0x125F0]  }
0x9e: {  	v3 =	vadd.f32 v61, v3;
	_ =	sdelay $0x1  }
0x9f: {  	v3 =	vadd.f32 v62, v3;
	_ =	sdelay $0x1  }
0xa0: {  	v3 =	vadd.f32 v63, v3;
	_ =	sdelay $0x1  }
0xa1: {  	s0 =	simm.s32 $0x0;
	[tilespmem:s30+$0x13980] =	vst v3  }
0xa2: {  	[tilespmem:s0+$0x1410] =	vst v0  }
0xa3: {  	[tilespmem:s0+$0x27A0] =	vst v0  }
0xa4: {  	[tilespmem:s0+$0x3B30] =	vst v0  }
0xa5: {  	[tilespmem:s0+$0x4EC0] =	vst v0  }
0xa6: {  	[tilespmem:s0+$0x6250] =	vst v0  }
0xa7: {  	[tilespmem:s0+$0x75E0] =	vst v0  }
0xa8: {  	s29 =	simm.s32 $0x0;
	[tilespmem:s0+$0x8970] =	vst v0  }
0xa9: {  	s28 =	simm.s32 $0x40;
	s31 =	sand.u32 $0x7F0, s29;
	s30 =	simm.s32 $0x0;
	[tilespmem:s0+$0x80] =	vst v0  }
.LBB2_8:
0xaa: {  	p0 =	sne.s32 s28, $0x1F40;
	[tilespmem:s31+$0x9D00] =	vst v0  }
0xab: {  	[tilespmem:s0+$0xB090] =	vst v0  }
0xac: {  	[tilespmem:s0+$0xC420] =	vst v0  }
0xad: {  	[tilespmem:s0+$0xD7B0] =	vst v0  }
0xae: {  	[tilespmem:s0+$0xEB40] =	vst v0  }
0xaf: {  	[tilespmem:s0+$0xFED0] =	vst v0  }
0xb0: {  	[tilespmem:s0+$0x11260] =	vst v0  }
0xb1: {  	[tilespmem:s0+$0x125F0] =	vst v0;
	s0 =	sshra.s32 s28, $0x2  }
0xb2: {  	[tilespmem:s0+$0x1410] =	vst v0  }
0xb3: {  	[tilespmem:s0+$0x27A0] =	vst v0  }
0xb4: {  	[tilespmem:s0+$0x3B30] =	vst v0  }
.Ltmp3:
0xb5: {  	[tilespmem:s0+$0x4EC0] =	vst v0;
	(pc) =	sbr.rel @p0 .LBB2_8-.Ltmp3, $4  }
0xb6: {  	[tilespmem:s0+$0x6250] =	vst v0  }
0xb7: {  	[tilespmem:s0+$0x75E0] =	vst v0  }
0xb8: {  	s30 =	sadd.s32 $0x10, s30;
	[tilespmem:s0+$0x8970] =	vst v0  }
0xb9: {  	s31 =	sand.u32 $0x7F0, s30;
	s28 =	sadd.s32 $0x40, s28;
	[tilespmem:s0+$0x80] =	vst v0  }
0xba: {  	[tilespmem:s31+$0x9D00] =	vst v0  }
0xbb: {  	[tilespmem:s0+$0xB090] =	vst v0  }
0xbc: {  	[tilespmem:s0+$0xC420] =	vst v0  }
0xbd: {  	[tilespmem:s0+$0xD7B0] =	vst v0  }
0xbe: {  	[tilespmem:s0+$0xEB40] =	vst v0  }
0xbf: {  	[tilespmem:s0+$0xFED0] =	vst v0  }
0xc0: {  	[tilespmem:s0+$0x11260] =	vst v0  }
0xc1: {  	[tilespmem:s0+$0x125F0] =	vst v0  }
.LBB2_10:
0xc2: {  	s0 =	sadd.s32 s29, s23;
	s28 =	simm.s32 $0x0  }
0xc3: {  	[tilespmem:s28], [sflag:$0x1] =	stream.linear.gather [hbm4b:s0+s28], $0x80, $0x38;
	[tilespmem:$0x19B80] =	vst v63  }
0xc4: {  	_ =	swait.ge [sflag:s24], $0x80  }
0xc5: {  	[sflag:s24] =	ssyncset.done $0x0  }
0xc6: {  	[sflag:s24] =	ssyncadd.s32 $0xFFFFFF80  }
0xc7: {  	v3 =	vld [tilespmem:$0x0];
	_ =	sdelay $0x4  }
0xc8: {  	v3 =	vadd.s32 v1, v3;
	_ =	sdelay $0x4  }
0xc9: {  	[tilespmem:v3+s25+$0x0] =	vst.idx.add.f32.msk $0xffff, v2  }
0xca: {  	v3 =	vld [tilespmem:$0x10];
	_ =	sdelay $0x4  }
0xcb: {  	v3 =	vadd.s32 v1, v3;
	_ =	sdelay $0x4  }
0xcc: {  	[tilespmem:v3+s25+$0x0] =	vst.idx.add.f32.msk $0xffff, v2  }
0xcd: {  	v3 =	vld [tilespmem:$0x20];
	_ =	sdelay $0x4  }
0xce: {  	v3 =	vadd.s32 v1, v3;
	_ =	sdelay $0x4  }
0xcf: {  	[tilespmem:v3+s25+$0x0] =	vst.idx.add.f32.msk $0xffff, v2  }
0xd0: {  	v3 =	vld [tilespmem:$0x30];
	_ =	sdelay $0x4  }
0xd1: {  	v3 =	vadd.s32 v1, v3;
	_ =	sdelay $0x4  }
0xd2: {  	[tilespmem:v3+s25+$0x0] =	vst.idx.add.f32.msk $0xffff, v2  }
0xd3: {  	v3 =	vld [tilespmem:$0x40];
	_ =	sdelay $0x4  }
0xd4: {  	v3 =	vadd.s32 v1, v3;
	_ =	sdelay $0x4  }
0xd5: {  	[tilespmem:v3+s25+$0x0] =	vst.idx.add.f32.msk $0xffff, v2  }
0xd6: {  	v3 =	vld [tilespmem:$0x50];
	_ =	sdelay $0x4  }
0xd7: {  	v3 =	vadd.s32 v1, v3;
	_ =	sdelay $0x4  }
0xd8: {  	[tilespmem:v3+s25+$0x0] =	vst.idx.add.f32.msk $0xffff, v2  }
0xd9: {  	v3 =	vld [tilespmem:$0x60];
	_ =	sdelay $0x4  }
0xda: {  	v3 =	vadd.s32 v1, v3;
	_ =	sdelay $0x4  }
0xdb: {  	[tilespmem:v3+s25+$0x0] =	vst.idx.add.f32.msk $0xffff, v2  }
0xdc: {  	v3 =	vld [tilespmem:$0x70];
	_ =	sdelay $0x4  }
0xdd: {  	p0 =	sne.s32 s29, $0x180;
	v3 =	vadd.s32 v1, v3  }
.Ltmp4:
0xde: {  	_ = 	snop;
	(pc) =	sbr.rel @p0 .LBB2_10-.Ltmp4, $2  }
0xdf: {  	_ =	sdelay $0x2  }
0xe0: {  	s29 =	sadd.s32 $0x10, s29;
	[tilespmem:v3+s25+$0x0] =	vst.idx.add.f32.msk $0xffff, v2  }
0xe1: {  	s30 =	simm.s32 $0x0  }
0xe2: {  	v3 =	vld [tilespmem:s30+$0x80]  }
0xe3: {  	v4 =	vld [tilespmem:s30+$0x1410];
	_ =	sdelay $0x1  }
0xe4: {  	v5 =	vld [tilespmem:s30+$0x27A0];
	_ =	sdelay $0x1  }
0xe5: {  	v6 =	vld [tilespmem:s30+$0x3B30]  }
0xe6: {  	v3 =	vadd.f32 v4, v3  }
0xe7: {  	v4 =	vld [tilespmem:s30+$0x4EC0]  }
0xe8: {  	v3 =	vadd.f32 v5, v3  }
0xe9: {  	v5 =	vld [tilespmem:s30+$0x6250]  }
0xea: {  	v3 =	vadd.f32 v6, v3  }
0xeb: {  	v6 =	vld [tilespmem:s30+$0x75E0]  }
0xec: {  	v3 =	vadd.f32 v4, v3  }
0xed: {  	v4 =	vld [tilespmem:s30+$0x8970]  }
0xee: {  	s0 =	sand.u32 $0x7F0, s28;
	v3 =	vadd.f32 v5, v3  }
0xef: {  	v7 =	vld [tilespmem:s0+$0x9D00]  }
0xf0: {  	v3 =	vadd.f32 v6, v3  }
0xf1: {  	v8 =	vld [tilespmem:s30+$0xB090]  }
0xf2: {  	v3 =	vadd.f32 v4, v3  }
0xf3: {  	v5 =	vld [tilespmem:s30+$0xC420]  }
0xf4: {  	s31 =	simm.s32 $0x10;
	v6 =	vld [tilespmem:s30+$0xD7B0];
	v7 =	vadd.f32 v7, v3  }
0xf5: {  	v4 =	vld [tilespmem:s31+$0x80]  }
0xf6: {  	s29 =	simm.s32 $0x40;
	s0 =	simm.s32 $0x80;
	v3 =	vld [tilespmem:s30+$0xEB40];
	v7 =	vadd.f32 v8, v7  }
.LBB2_12:
0xf7: {  	p0 =	sne.s32 s0, $0x1F40;
	v8 =	vld [tilespmem:s31+$0x1410]  }
0xf8: {  	v5 =	vadd.f32 v5, v7;
	v7 =	vld [tilespmem:s30+$0xFED0]  }
0xf9: {  	v9 =	vld [tilespmem:s31+$0x27A0]  }
0xfa: {  	v5 =	vadd.f32 v6, v5;
	v6 =	vld [tilespmem:s30+$0x11260]  }
0xfb: {  	v10 =	vld [tilespmem:s31+$0x3B30]  }
0xfc: {  	v4 =	vadd.f32 v8, v4;
	v3 =	vadd.f32 v3, v5;
	v5 =	vld [tilespmem:s30+$0x125F0]  }
0xfd: {  	v8 =	vld [tilespmem:s31+$0x4EC0]  }
0xfe: {  	v4 =	vadd.f32 v9, v4;
	v3 =	vadd.f32 v7, v3  }
0xff: {  	v7 =	vld [tilespmem:s31+$0x6250]  }
0x100: {  	v4 =	vadd.f32 v10, v4;
	v3 =	vadd.f32 v6, v3  }
0x101: {  	v6 =	vld [tilespmem:s31+$0x75E0]  }
0x102: {  	v4 =	vadd.f32 v8, v4;
	v3 =	vadd.f32 v5, v3  }
0x103: {  	s28 =	sadd.s32 $0x10, s28;
	v5 =	vld [tilespmem:s31+$0x8970]  }
0x104: {  	s2 =	sand.u32 $0x7F0, s28;
	v4 =	vadd.f32 v7, v4;
	[tilespmem:s30+$0x14D10] =	vst v3;
	s30 =	smov.u32 s31  }
0x105: {  	v3 =	vld [tilespmem:s2+$0x9D00]  }
0x106: {  	v4 =	vadd.f32 v6, v4  }
0x107: {  	v7 =	vld [tilespmem:s30+$0xB090]  }
.Ltmp5:
0x108: {  	v4 =	vadd.f32 v5, v4;
	(pc) =	sbr.rel @p0 .LBB2_12-.Ltmp5, $4  }
0x109: {  	v5 =	vld [tilespmem:s30+$0xC420]  }
0x10a: {  	v8 =	vadd.f32 v3, v4;
	v3 =	vld [tilespmem:s30+$0xEB40]  }
0x10b: {  	s31 =	sshra.s32 s0, $0x2;
	v6 =	vld [tilespmem:s30+$0xD7B0]  }
0x10c: {  	s0 =	sadd.s32 $0x40, s0;
	v4 =	vld [tilespmem:s31+$0x80];
	v7 =	vadd.f32 v7, v8  }
0x10d: {  	v8 =	vld [tilespmem:s31+$0x1410]  }
0x10e: {  	v50 =	vld [tilespmem:s30+$0xFED0];
	v5 =	vadd.f32 v5, v7  }
0x10f: {  	v9 =	vld [tilespmem:s31+$0x27A0]  }
0x110: {  	v51 =	vld [tilespmem:s30+$0x11260];
	v5 =	vadd.f32 v6, v5  }
0x111: {  	v10 =	vld [tilespmem:s31+$0x3B30]  }
0x112: {  	v52 =	vld [tilespmem:s30+$0x125F0];
	v4 =	vadd.f32 v8, v4;
	v3 =	vadd.f32 v3, v5  }
0x113: {  	v53 =	vld [tilespmem:s31+$0x4EC0]  }
0x114: {  	v4 =	vadd.f32 v9, v4;
	v3 =	vadd.f32 v50, v3  }
0x115: {  	v54 =	vld [tilespmem:s31+$0x6250]  }
0x116: {  	v4 =	vadd.f32 v10, v4;
	v3 =	vadd.f32 v51, v3  }
0x117: {  	v55 =	vld [tilespmem:s31+$0x75E0]  }
0x118: {  	v4 =	vadd.f32 v53, v4;
	v3 =	vadd.f32 v52, v3  }
0x119: {  	v56 =	vld [tilespmem:s31+$0x8970];
	s0 =	sadd.s32 $0x10, s28  }
0x11a: {  	s0 =	sand.u32 $0x7F0, s0;
	v4 =	vadd.f32 v54, v4;
	[tilespmem:s30+$0x14D10] =	vst v3  }
0x11b: {  	v3 =	vld [tilespmem:s0+$0x9D00]  }
0x11c: {  	v4 =	vadd.f32 v55, v4  }
0x11d: {  	v57 =	vld [tilespmem:s31+$0xB090]  }
0x11e: {  	v4 =	vadd.f32 v56, v4  }
0x11f: {  	v58 =	vld [tilespmem:s31+$0xC420]  }
0x120: {  	v3 =	vadd.f32 v3, v4  }
0x121: {  	v59 =	vld [tilespmem:s31+$0xD7B0]  }
0x122: {  	v3 =	vadd.f32 v57, v3  }
0x123: {  	v60 =	vld [tilespmem:s31+$0xEB40]  }
0x124: {  	v3 =	vadd.f32 v58, v3  }
0x125: {  	v61 =	vld [tilespmem:s31+$0xFED0]  }
0x126: {  	v3 =	vadd.f32 v59, v3  }
0x127: {  	v62 =	vld [tilespmem:s31+$0x11260]  }
0x128: {  	v3 =	vadd.f32 v60, v3  }
0x129: {  	v63 =	vld [tilespmem:s31+$0x125F0]  }
0x12a: {  	v3 =	vadd.f32 v61, v3;
	_ =	sdelay $0x1  }
0x12b: {  	v3 =	vadd.f32 v62, v3;
	_ =	sdelay $0x1  }
0x12c: {  	v3 =	vadd.f32 v63, v3;
	_ =	sdelay $0x1  }
0x12d: {  	s0 =	simm.s32 $0x0;
	[tilespmem:s31+$0x14D10] =	vst v3  }
.LBB2_14:
0x12e: {  	p0 =	sne.s32 s29, $0x1200;
	[tilespmem:s0+$0x154F0] =	vst v0;
	s0 =	smov.u32 s29;
	s29 =	sadd.s32 $0x40, s29  }
.Ltmp6:
0x12f: {  	(pc) =	sbr.rel @p0 .LBB2_14-.Ltmp6, $2  }
0x130: {  	_ =	sdelay $0x2  }
0x131: {  	s0 =	sshra.s32 s0, $0x2  }
0x132: {  	[tilespmem:s0+$0x154F0] =	vst v0;
	s2 =	simm.s32 $0x13980  }
0x133: {  	[spmem:s3] =	stream.strided.scatter [tilespmem:s2], [sflag:$0x1], $0x2000, s26, s25, $0x38;
	[tilespmem:$0x19B80] =	vst v63  }
0x134: {  	_ =	swait.ge [sflag:s24], $0x2000  }
0x135: {  	[sflag:s24] =	ssyncset.done $0x0  }
0x136: {  	[sflag:s24] =	ssyncadd.s32 $0xFFFFE000  }
0x137: {  	s28 =	simm.s32 $0x15980;
	[bflag:$0x0] =	sbarrier.arrive $0xFFFF  }
0x138: {  	[tilespmem:s28], [sflag:$0x1] =	stream.strided.gather [spmem:s4], $0x200, s26, s25, $0x38;
	[tilespmem:$0x19B80] =	vst v63  }
0x139: {  	_ =	swait.ge [sflag:s24], $0x200  }
0x13a: {  	[sflag:s24] =	ssyncset.done $0x0  }
0x13b: {  	s2 =	simm.s32 $0x15B80;
	[sflag:s24] =	ssyncadd.s32 $0xFFFFFE00  }
0x13c: {  	[tilespmem:s2], [sflag:$0x1] =	stream.strided.gather [spmem:s5], $0x200, s26, s25, $0x38;
	[tilespmem:$0x19B80] =	vst v63  }
0x13d: {  	_ =	swait.ge [sflag:s24], $0x200  }
0x13e: {  	[sflag:s24] =	ssyncset.done $0x0  }
0x13f: {  	s2 =	simm.s32 $0x15D80;
	[sflag:s24] =	ssyncadd.s32 $0xFFFFFE00  }
0x140: {  	[tilespmem:s2], [sflag:$0x1] =	stream.strided.gather [spmem:s6], $0x200, s26, s25, $0x38;
	[tilespmem:$0x19B80] =	vst v63  }
0x141: {  	_ =	swait.ge [sflag:s24], $0x200  }
0x142: {  	[sflag:s24] =	ssyncset.done $0x0  }
0x143: {  	s2 =	simm.s32 $0x15F80;
	[sflag:s24] =	ssyncadd.s32 $0xFFFFFE00  }
0x144: {  	[tilespmem:s2], [sflag:$0x1] =	stream.strided.gather [spmem:s7], $0x200, s26, s25, $0x38;
	[tilespmem:$0x19B80] =	vst v63  }
0x145: {  	_ =	swait.ge [sflag:s24], $0x200  }
0x146: {  	[sflag:s24] =	ssyncset.done $0x0  }
0x147: {  	s2 =	simm.s32 $0x16180;
	[sflag:s24] =	ssyncadd.s32 $0xFFFFFE00  }
0x148: {  	[tilespmem:s2], [sflag:$0x1] =	stream.strided.gather [spmem:s8], $0x200, s26, s25, $0x38;
	[tilespmem:$0x19B80] =	vst v63  }
0x149: {  	_ =	swait.ge [sflag:s24], $0x200  }
0x14a: {  	[sflag:s24] =	ssyncset.done $0x0  }
0x14b: {  	s2 =	simm.s32 $0x16380;
	[sflag:s24] =	ssyncadd.s32 $0xFFFFFE00  }
0x14c: {  	[tilespmem:s2], [sflag:$0x1] =	stream.strided.gather [spmem:s9], $0x200, s26, s25, $0x38;
	[tilespmem:$0x19B80] =	vst v63  }
0x14d: {  	_ =	swait.ge [sflag:s24], $0x200  }
0x14e: {  	[sflag:s24] =	ssyncset.done $0x0  }
0x14f: {  	s2 =	simm.s32 $0x16580;
	[sflag:s24] =	ssyncadd.s32 $0xFFFFFE00  }
0x150: {  	[tilespmem:s2], [sflag:$0x1] =	stream.strided.gather [spmem:s10], $0x200, s26, s25, $0x38;
	[tilespmem:$0x19B80] =	vst v63  }
0x151: {  	_ =	swait.ge [sflag:s24], $0x200  }
0x152: {  	[sflag:s24] =	ssyncset.done $0x0  }
0x153: {  	s2 =	simm.s32 $0x16780;
	[sflag:s24] =	ssyncadd.s32 $0xFFFFFE00  }
0x154: {  	[tilespmem:s2], [sflag:$0x1] =	stream.strided.gather [spmem:s11], $0x200, s26, s25, $0x38;
	[tilespmem:$0x19B80] =	vst v63  }
0x155: {  	_ =	swait.ge [sflag:s24], $0x200  }
0x156: {  	[sflag:s24] =	ssyncset.done $0x0  }
0x157: {  	s2 =	simm.s32 $0x16980;
	[sflag:s24] =	ssyncadd.s32 $0xFFFFFE00  }
0x158: {  	[tilespmem:s2], [sflag:$0x1] =	stream.strided.gather [spmem:s12], $0x200, s26, s25, $0x38;
	[tilespmem:$0x19B80] =	vst v63  }
0x159: {  	_ =	swait.ge [sflag:s24], $0x200  }
0x15a: {  	[sflag:s24] =	ssyncset.done $0x0  }
0x15b: {  	s2 =	simm.s32 $0x16B80;
	[sflag:s24] =	ssyncadd.s32 $0xFFFFFE00  }
0x15c: {  	[tilespmem:s2], [sflag:$0x1] =	stream.strided.gather [spmem:s13], $0x200, s26, s25, $0x38;
	[tilespmem:$0x19B80] =	vst v63  }
0x15d: {  	_ =	swait.ge [sflag:s24], $0x200  }
0x15e: {  	[sflag:s24] =	ssyncset.done $0x0  }
0x15f: {  	s2 =	simm.s32 $0x16D80;
	[sflag:s24] =	ssyncadd.s32 $0xFFFFFE00  }
0x160: {  	[tilespmem:s2], [sflag:$0x1] =	stream.strided.gather [spmem:s14], $0x200, s26, s25, $0x38;
	[tilespmem:$0x19B80] =	vst v63  }
0x161: {  	_ =	swait.ge [sflag:s24], $0x200  }
0x162: {  	[sflag:s24] =	ssyncset.done $0x0  }
0x163: {  	s2 =	simm.s32 $0x16F80;
	[sflag:s24] =	ssyncadd.s32 $0xFFFFFE00  }
0x164: {  	[tilespmem:s2], [sflag:$0x1] =	stream.strided.gather [spmem:s15], $0x200, s26, s25, $0x38;
	[tilespmem:$0x19B80] =	vst v63  }
0x165: {  	_ =	swait.ge [sflag:s24], $0x200  }
0x166: {  	[sflag:s24] =	ssyncset.done $0x0  }
0x167: {  	s2 =	simm.s32 $0x17180;
	[sflag:s24] =	ssyncadd.s32 $0xFFFFFE00  }
0x168: {  	[tilespmem:s2], [sflag:$0x1] =	stream.strided.gather [spmem:s16], $0x200, s26, s25, $0x38;
	[tilespmem:$0x19B80] =	vst v63  }
0x169: {  	_ =	swait.ge [sflag:s24], $0x200  }
0x16a: {  	[sflag:s24] =	ssyncset.done $0x0  }
0x16b: {  	s2 =	simm.s32 $0x17380;
	[sflag:s24] =	ssyncadd.s32 $0xFFFFFE00  }
0x16c: {  	[tilespmem:s2], [sflag:$0x1] =	stream.strided.gather [spmem:s17], $0x200, s26, s25, $0x38;
	[tilespmem:$0x19B80] =	vst v63  }
0x16d: {  	_ =	swait.ge [sflag:s24], $0x200  }
0x16e: {  	[sflag:s24] =	ssyncset.done $0x0  }
0x16f: {  	s2 =	simm.s32 $0x17580;
	[sflag:s24] =	ssyncadd.s32 $0xFFFFFE00  }
0x170: {  	[tilespmem:s2], [sflag:$0x1] =	stream.strided.gather [spmem:s18], $0x200, s26, s25, $0x38;
	[tilespmem:$0x19B80] =	vst v63  }
0x171: {  	_ =	swait.ge [sflag:s24], $0x200  }
0x172: {  	[sflag:s24] =	ssyncset.done $0x0  }
0x173: {  	s2 =	simm.s32 $0x17780;
	[sflag:s24] =	ssyncadd.s32 $0xFFFFFE00  }
0x174: {  	[tilespmem:s2], [sflag:$0x1] =	stream.strided.gather [spmem:s19], $0x200, s26, s25, $0x38;
	[tilespmem:$0x19B80] =	vst v63  }
0x175: {  	_ =	swait.ge [sflag:s24], $0x200  }
0x176: {  	s2 =	simm.s32 $0x0;
	[sflag:s24] =	ssyncset.done $0x0  }
0x177: {  	s0 =	sand.u32 $0x1F0, s2;
	[sflag:s24] =	ssyncadd.s32 $0xFFFFFE00  }
0x178: {  	v3 =	vld [tilespmem:s0+$0x15B80]  }
0x179: {  	v4 =	vld [tilespmem:s28+$0x0];
	_ =	sdelay $0x1  }
0x17a: {  	v5 =	vld [tilespmem:s0+$0x15D80];
	_ =	sdelay $0x1  }
0x17b: {  	v6 =	vld [tilespmem:s0+$0x15F80]  }
0x17c: {  	v3 =	vadd.f32 v3, v4  }
0x17d: {  	v4 =	vld [tilespmem:s0+$0x16180]  }
0x17e: {  	v3 =	vadd.f32 v5, v3  }
0x17f: {  	v5 =	vld [tilespmem:s0+$0x16380]  }
0x180: {  	v3 =	vadd.f32 v6, v3  }
0x181: {  	v60 =	vld [tilespmem:s0+$0x16580]  }
0x182: {  	v3 =	vadd.f32 v4, v3  }
0x183: {  	v4 =	vld [tilespmem:s0+$0x16780]  }
0x184: {  	v3 =	vadd.f32 v5, v3  }
0x185: {  	v5 =	vld [tilespmem:s0+$0x16980]  }
0x186: {  	v3 =	vadd.f32 v60, v3  }
0x187: {  	v61 =	vld [tilespmem:s0+$0x16B80]  }
0x188: {  	v3 =	vadd.f32 v4, v3  }
0x189: {  	v4 =	vld [tilespmem:s0+$0x16D80]  }
0x18a: {  	v3 =	vadd.f32 v5, v3  }
0x18b: {  	v5 =	vld [tilespmem:s0+$0x16F80]  }
0x18c: {  	v3 =	vadd.f32 v61, v3  }
0x18d: {  	v62 =	vld [tilespmem:s0+$0x17180]  }
0x18e: {  	v3 =	vadd.f32 v4, v3  }
0x18f: {  	v4 =	vld [tilespmem:s0+$0x17380]  }
0x190: {  	v3 =	vadd.f32 v5, v3  }
0x191: {  	v5 =	vld [tilespmem:s0+$0x17580]  }
0x192: {  	v3 =	vadd.f32 v62, v3  }
0x193: {  	v63 =	vld [tilespmem:s0+$0x17780]  }
0x194: {  	v3 =	vadd.f32 v4, v3;
	_ =	sdelay $0x1  }
0x195: {  	v3 =	vadd.f32 v5, v3;
	_ =	sdelay $0x1  }
0x196: {  	v3 =	vadd.f32 v63, v3  }
0x197: {  	s2 =	simm.s32 $0x10;
	s28 =	simm.s32 $0x17980  }
0x198: {  	s29 =	sand.u32 $0x1F0, s2;
	[tilespmem:s28+$0x0] =	vst v3  }
0x199: {  	s31 =	simm.s32 $0x20;
	s30 =	simm.s32 $0x15990;
	v3 =	vld [tilespmem:s29+$0x15B80]  }
.LBB2_16:
0x19a: {  	p0 =	sne.s32 s31, $0x1F0;
	v4 =	vld [tilespmem:s30+$0x0];
	_ =	sdelay $0x1  }
0x19b: {  	v5 =	vld [tilespmem:s29+$0x15D80];
	_ =	sdelay $0x1  }
0x19c: {  	v6 =	vld [tilespmem:s29+$0x15F80]  }
0x19d: {  	v3 =	vadd.f32 v3, v4  }
0x19e: {  	v4 =	vld [tilespmem:s29+$0x16180]  }
0x19f: {  	v3 =	vadd.f32 v5, v3  }
0x1a0: {  	v5 =	vld [tilespmem:s29+$0x16380]  }
0x1a1: {  	v3 =	vadd.f32 v6, v3  }
0x1a2: {  	v6 =	vld [tilespmem:s29+$0x16580]  }
0x1a3: {  	v3 =	vadd.f32 v4, v3  }
0x1a4: {  	v4 =	vld [tilespmem:s29+$0x16780]  }
0x1a5: {  	v3 =	vadd.f32 v5, v3  }
0x1a6: {  	v5 =	vld [tilespmem:s29+$0x16980]  }
0x1a7: {  	v3 =	vadd.f32 v6, v3  }
0x1a8: {  	v6 =	vld [tilespmem:s29+$0x16B80]  }
0x1a9: {  	v3 =	vadd.f32 v4, v3  }
0x1aa: {  	v4 =	vld [tilespmem:s29+$0x16D80]  }
0x1ab: {  	v3 =	vadd.f32 v5, v3  }
0x1ac: {  	v5 =	vld [tilespmem:s29+$0x16F80]  }
0x1ad: {  	v3 =	vadd.f32 v6, v3  }
0x1ae: {  	v6 =	vld [tilespmem:s29+$0x17180]  }
0x1af: {  	v3 =	vadd.f32 v4, v3  }
0x1b0: {  	v4 =	vld [tilespmem:s29+$0x17380]  }
0x1b1: {  	v3 =	vadd.f32 v5, v3  }
0x1b2: {  	v5 =	vld [tilespmem:s29+$0x17580]  }
0x1b3: {  	v3 =	vadd.f32 v6, v3  }
0x1b4: {  	v6 =	vld [tilespmem:s29+$0x17780]  }
0x1b5: {  	v3 =	vadd.f32 v4, v3;
	_ =	sdelay $0x1  }
0x1b6: {  	v3 =	vadd.f32 v5, v3  }
.Ltmp7:
0x1b7: {  	(pc) =	sbr.rel @p0 .LBB2_16-.Ltmp7, $4  }
0x1b8: {  	v3 =	vadd.f32 v6, v3  }
0x1b9: {  	s28 =	sadd.s32 $0x10, s28  }
0x1ba: {  	s29 =	sand.u32 $0x1F0, s31;
	[tilespmem:s28+$0x0] =	vst v3  }
0x1bb: {  	s30 =	sadd.s32 $0x10, s30;
	s31 =	sadd.s32 $0x10, s31;
	v3 =	vld [tilespmem:s29+$0x15B80]  }
0x1bc: {  	v4 =	vld [tilespmem:s30+$0x0];
	_ =	sdelay $0x1  }
0x1bd: {  	v5 =	vld [tilespmem:s29+$0x15D80];
	_ =	sdelay $0x1  }
0x1be: {  	v6 =	vld [tilespmem:s29+$0x15F80]  }
0x1bf: {  	v3 =	vadd.f32 v3, v4  }
0x1c0: {  	v52 =	vld [tilespmem:s29+$0x16180]  }
0x1c1: {  	v3 =	vadd.f32 v5, v3  }
0x1c2: {  	v53 =	vld [tilespmem:s29+$0x16380]  }
0x1c3: {  	v3 =	vadd.f32 v6, v3  }
0x1c4: {  	v54 =	vld [tilespmem:s29+$0x16580]  }
0x1c5: {  	v3 =	vadd.f32 v52, v3  }
0x1c6: {  	v55 =	vld [tilespmem:s29+$0x16780]  }
0x1c7: {  	v3 =	vadd.f32 v53, v3  }
0x1c8: {  	v56 =	vld [tilespmem:s29+$0x16980]  }
0x1c9: {  	v3 =	vadd.f32 v54, v3  }
0x1ca: {  	v57 =	vld [tilespmem:s29+$0x16B80]  }
0x1cb: {  	v3 =	vadd.f32 v55, v3  }
0x1cc: {  	v58 =	vld [tilespmem:s29+$0x16D80]  }
0x1cd: {  	v3 =	vadd.f32 v56, v3  }
0x1ce: {  	v59 =	vld [tilespmem:s29+$0x16F80]  }
0x1cf: {  	v3 =	vadd.f32 v57, v3  }
0x1d0: {  	v60 =	vld [tilespmem:s29+$0x17180]  }
0x1d1: {  	v3 =	vadd.f32 v58, v3  }
0x1d2: {  	v61 =	vld [tilespmem:s29+$0x17380]  }
0x1d3: {  	v3 =	vadd.f32 v59, v3  }
0x1d4: {  	v62 =	vld [tilespmem:s29+$0x17580]  }
0x1d5: {  	v3 =	vadd.f32 v60, v3  }
0x1d6: {  	v63 =	vld [tilespmem:s29+$0x17780]  }
0x1d7: {  	v3 =	vadd.f32 v61, v3;
	_ =	sdelay $0x1  }
0x1d8: {  	v3 =	vadd.f32 v62, v3;
	_ =	sdelay $0x1  }
0x1d9: {  	s1 =	sadd.s32 $0x1, s1;
	v3 =	vadd.f32 v63, v3  }
0x1da: {  	s0 =	sadd.s32 $0x10, s28;
	p0 =	sne.s32 s1, s21  }
.Ltmp8:
0x1db: {  	s28 =	simm.s32 $0x0;
	s31 =	simm.s32 $0x17980;
	[tilespmem:s0+$0x0] =	vst v3;
	(pc) =	sbr.rel @p0 .LBB2_1-.Ltmp8, $4  }
0x1dc: {  	[hbm4b:s20+s28] =	stream.linear.scatter [tilespmem:s31], [sflag:$0x1], $0x200, $0x38;
	[tilespmem:$0x19B80] =	vst v63  }
0x1dd: {  	_ =	swait.ge [sflag:s24], $0x200  }
0x1de: {  	[sflag:s24] =	ssyncset.done $0x0  }
0x1df: {  	[sflag:s24] =	ssyncadd.s32 $0xFFFFFE00  }
0x1e0: {  	_ =	sfence.sel $0x180000  }
0x1e1: {  	[bflag:$0x0] =	sbarrier.arrive $0xFFFF  }
0x1e2: {  	_ =	strace $0x90000050  }
0x1e3: {  	s0 =	stileid.u32;
	[bflag:$0x2] =	sbarrier.arrive $0xFFFF  }
0x1e4: {  	p0 =	sne.s32 s0, $0x0;
	s0 =	rddreg [dreg:$0x4]  }
0x1e5: {  	s0 =	sadd.s32 @!p0 $0x100000, s0  }
0x1e6: {  	[sflag:s0] =	ssyncadd.tile.s32 @!p0 $0x1;
	_ =	shalt  }
.Lfunc_end2:
_tile_overlayer_lowered:
.L_overlay_start_2:
0x1e7: {  	(tag) =	ssettag $0x2  }
0x1e8: {  	s0 =	rddreg [dreg:$0x0];
	s2 =	stileid.u32  }
0x1e9: {  	s1 =	rddreg [dreg:$0x1];
	p0 =	sne.s32 s2, $0x0  }
0x1ea: {  	s3 =	rddreg [dreg:$0x2];
	[bflag:$0x3] =	sbarrier.arrive $0xFFFF;
	s2 =	simm.s32 @!p0 $0x1C01  }
0x1eb: {  	[timem:s3], [sflag:s2] =	dma.local @!p0 [hbm:s0], s1  }
0x1ec: {  	s0 =	simm.s32 @!p0 $0x1  }
0x1ed: {  	_ =	swait.ge @!p0 [sflag:s0], s1  }
0x1ee: {  	s1 =	ssub.s32 @!p0 $0x0, s1;
	[sflag:s0] =	ssyncset.done @!p0 $0x0  }
0x1ef: {  	[sflag:s0] =	ssyncadd.s32 @!p0 s1  }
0x1f0: {  	[bflag:$0x3] =	sbarrier.arrive $0xFFFF  }
0x1f1: {  	_ =	shalt  }

</sc_bundles>
